<compile_context>
chip_gen: v7x
topology: tpu7x:2x2x1
jax: 0.10.2.dev20260603
libtpu: 0.0.44.dev20260713+nightly
codegen_flags: <defaults>
</compile_context>

<pallas_src>
import functools

import jax
import jax.numpy as jnp
from jax import lax
from jax.experimental import pallas as pl
from jax.experimental.pallas import tpu as pltpu
from jax.experimental.pallas import tpu_sc as plsc

_NC, _NS = 2, 16
_ROW = 80


def _exact_rows(oh_t, mat):
    hi = mat.astype(jnp.bfloat16).astype(jnp.float32)
    r1 = mat - hi
    mid = r1.astype(jnp.bfloat16).astype(jnp.float32)
    lo = r1 - mid
    dn = (((0,), (0,)), ((), ()))
    g = lax.dot_general(oh_t, hi, dn, preferred_element_type=jnp.float32)
    g = g + lax.dot_general(oh_t, mid, dn, preferred_element_type=jnp.float32)
    g = g + lax.dot_general(oh_t, lo, dn, preferred_element_type=jnp.float32)
    return g


def _sc_gather_stage(src, distribution):
    e = src.shape[0]
    nw = _NC * _NS
    ew = e // nw
    cw = ew // _ROW
    src3 = src.reshape(nw, cw, _ROW)
    mesh = plsc.VectorSubcoreMesh(core_axis_name="c", subcore_axis_name="s",
                                  num_cores=_NC, num_subcores=_NS)

    @functools.partial(
        pl.kernel,
        out_type=jax.ShapeDtypeStruct((nw, cw, _ROW), jnp.float32),
        mesh=mesh,
        scratch_types=[
            pltpu.VMEM((cw, _ROW), jnp.int32),
            pltpu.VMEM((cw, _ROW), jnp.float32),
            pltpu.SemaphoreType.DMA,
        ],
        compiler_params=pltpu.CompilerParams(needs_layout_passes=False),
    )
    def gather_kernel(src_hbm, dist_hbm, out_hbm, idx_v, val_v, sem):
        c = lax.axis_index("c")
        s = lax.axis_index("s")
        w = s * _NC + c
        pltpu.sync_copy(src_hbm.at[w], idx_v)

        def body(j, _):
            pltpu.async_copy(dist_hbm.at[idx_v.at[j]], val_v.at[j], sem).wait()
            return 0
        lax.fori_loop(0, cw, body, 0)
        pltpu.sync_copy(val_v, out_hbm.at[w])

    return gather_kernel(src3, distribution).reshape(e)


def _edge_body(eb_ref, d_ref, ea_ref, instr_ref, we_ref, out_ref):
    blk = ea_ref.shape[0]
    b = instr_ref.shape[0]
    ebrow = eb_ref[0]
    iot = lax.broadcasted_iota(jnp.int32, (b, blk), 0)
    oh_t = (iot == ebrow).astype(jnp.float32)
    g = _exact_rows(oh_t, instr_ref[...])
    z = lax.dot_general(g * ea_ref[...], we_ref[...], (((1,), (0,)), ((), ())),
                        preferred_element_type=jnp.float32)
    s = jnp.where(z > 0, z, jnp.exp(z) - 1.0)
    dcol = jnp.transpose(d_ref[0], (1, 0))
    out_ref[...] = dcol * s


def _edge_stage(edge_attrs, edge_batch_indices, dist_src, instruction_batch,
                w_edge):
    e, h = edge_attrs.shape
    b = instruction_batch.shape[0]
    blk = 512
    nb = e // blk
    eb3 = edge_batch_indices.reshape(nb, 1, blk)
    d3 = dist_src.reshape(nb, 1, blk)
    return pl.pallas_call(
        _edge_body,
        grid=(nb,),
        in_specs=[
            pl.BlockSpec((1, 1, blk), lambda i: (i, 0, 0)),
            pl.BlockSpec((1, 1, blk), lambda i: (i, 0, 0)),
            pl.BlockSpec((blk, h), lambda i: (i, 0)),
            pl.BlockSpec((b, h), lambda i: (0, 0)),
            pl.BlockSpec((h, h), lambda i: (0, 0)),
        ],
        out_specs=pl.BlockSpec((blk, h), lambda i: (i, 0)),
        out_shape=jax.ShapeDtypeStruct((e, h), jnp.float32),
    )(eb3, d3, edge_attrs, instruction_batch, w_edge)


def _node_body(ni_ref, na_ref, ps_ref, instr_ref, wp_ref, wn_ref, out_ref):
    blk = na_ref.shape[0]
    b, h = instr_ref.shape
    p = ps_ref.shape[1]
    nirow = ni_ref[0]
    iot = lax.broadcasted_iota(jnp.int32, (b, blk), 0)
    oh_t = (iot == nirow).astype(jnp.float32)
    ps_g = _exact_rows(oh_t, ps_ref[...])
    in_g = _exact_rows(oh_t, instr_ref[...])
    acc = jnp.zeros((blk, h), jnp.float32)
    for q in range(p):
        nap = na_ref[:, q * h:(q + 1) * h]
        xp = (ps_g[:, q:q + 1] * in_g) * nap
        acc = acc + lax.dot_general(xp, wp_ref[q * h:(q + 1) * h, :],
                                    (((1,), (0,)), ((), ())),
                                    preferred_element_type=jnp.float32)
    s = jnp.where(acc > 0, acc, jnp.exp(acc) - 1.0)
    out_ref[0] = lax.dot_general(wn_ref[...].astype(jnp.bfloat16),
                                 s.astype(jnp.bfloat16), (((1,), (1,)), ((), ())),
                                 preferred_element_type=jnp.float32)


def _node_stage(node_attrs, node_indices, node_prop_similarities,
                instruction_batch, w_props, w_node):
    n, p, h = node_attrs.shape
    b = instruction_batch.shape[0]
    blkn = 400
    nbn = n // blkn
    na2 = node_attrs.reshape(n, p * h)
    wp2 = w_props.reshape(p * h, h)
    ni3 = node_indices.reshape(nbn, 1, blkn)
    out = pl.pallas_call(
        _node_body,
        grid=(nbn,),
        in_specs=[
            pl.BlockSpec((1, 1, blkn), lambda i: (i, 0, 0)),
            pl.BlockSpec((blkn, p * h), lambda i: (i, 0)),
            pl.BlockSpec((b, p), lambda i: (0, 0)),
            pl.BlockSpec((b, h), lambda i: (0, 0)),
            pl.BlockSpec((p * h, h), lambda i: (0, 0)),
            pl.BlockSpec((1, h), lambda i: (0, 0)),
        ],
        out_specs=pl.BlockSpec((1, 1, blkn), lambda i: (i, 0, 0)),
        out_shape=jax.ShapeDtypeStruct((nbn, 1, blkn), jnp.float32),
    )(ni3, na2, node_prop_similarities, instruction_batch, wp2,
      w_node.reshape(1, h))
    return out.reshape(n)


def _sc_scatter_stage(msg, dst, npad):
    e, h = msg.shape
    nw = _NC * _NS
    ew = e // nw
    cw = ew // _ROW
    sl = npad // _NS
    dst3 = dst.reshape(nw, cw, _ROW)
    mesh = plsc.VectorSubcoreMesh(core_axis_name="c", subcore_axis_name="s",
                                  num_cores=_NC, num_subcores=_NS)

    @functools.partial(
        pl.kernel,
        out_type=jax.ShapeDtypeStruct((_NC, npad, h), jnp.float32),
        mesh=mesh,
        scratch_types=[
            pltpu.VMEM((cw, _ROW), jnp.int32),
            pltpu.VMEM((_ROW, h), jnp.float32),
            pltpu.VMEM((128, h), jnp.float32),
            pltpu.VMEM_SHARED((npad, h), jnp.float32),
        ],
        compiler_params=pltpu.CompilerParams(needs_layout_passes=False),
    )
    def scatter_kernel(msg_hbm, dst_hbm, out_hbm, dst_v, row_v, buf_v, acc_sh):
        c = lax.axis_index("c")
        s = lax.axis_index("s")
        w = s * _NC + c
        base = w * ew

        z16 = jnp.zeros((16,), jnp.float32)

        def zbody(i, _):
            buf_v[i // (h // 16), pl.ds((i % (h // 16)) * 16, 16)] = z16
            return 0
        lax.fori_loop(0, 128 * (h // 16), zbody, 0)
        for t in range(sl // 128):
            pltpu.sync_copy(buf_v, acc_sh.at[pl.ds(s * sl + t * 128, 128), :])

        pltpu.sync_copy(dst_hbm.at[w], dst_v)
        plsc.subcore_barrier()

        def body(j, _):
            pltpu.sync_copy(msg_hbm.at[pl.ds(base + j * _ROW, _ROW), :], row_v)
            pltpu.sync_copy(row_v, acc_sh.at[dst_v.at[j]], add=True)
            return 0
        lax.fori_loop(0, cw, body, 0)

        plsc.subcore_barrier()

        for t in range(sl // 128):
            pltpu.sync_copy(acc_sh.at[pl.ds(s * sl + t * 128, 128), :], buf_v)
            pltpu.sync_copy(buf_v, out_hbm.at[c, pl.ds(s * sl + t * 128, 128), :])

    return scatter_kernel(msg, dst3)


def _agg_body(a_ref, wr_ref, out_ref):
    g = a_ref[0] + a_ref[1]
    out_ref[0] = lax.dot_general(wr_ref[...].astype(jnp.bfloat16),
                                 g.astype(jnp.bfloat16), (((1,), (1,)), ((), ())),
                                 preferred_element_type=jnp.float32)


def _agg_stage(agg2, w_rel):
    nc, npad, h = agg2.shape
    blkd = 2048
    nbd = npad // blkd
    out = pl.pallas_call(
        _agg_body,
        grid=(nbd,),
        in_specs=[
            pl.BlockSpec((nc, blkd, h), lambda i: (0, i, 0)),
            pl.BlockSpec((1, h), lambda i: (0, 0)),
        ],
        out_specs=pl.BlockSpec((1, 1, blkd), lambda i: (i, 0, 0)),
        out_shape=jax.ShapeDtypeStruct((nbd, 1, blkd), jnp.float32),
    )(agg2, w_rel.reshape(1, h))
    return out.reshape(npad)


def _final_body(nb, s_ref, a_ref, ni_ref, rs_ref, out_ref):
    s2 = s_ref[...]
    a2 = a_ref[...]
    ni = ni_ref[...]
    neg = jnp.float32(-3.0e38)
    zero = jnp.zeros_like(s2)
    mt_s = zero
    mt_a = zero
    for b in range(nb):
        m = ni == b
        mb_s = jnp.max(jnp.where(m, s2, neg))
        mb_a = jnp.max(jnp.where(m, a2, neg))
        mt_s = jnp.where(m, mb_s, mt_s)
        mt_a = jnp.where(m, mb_a, mt_a)
    e_s = jnp.exp(s2 - mt_s)
    e_a = jnp.exp(a2 - mt_a)
    st_s = zero
    st_a = zero
    rmap = zero
    for b in range(nb):
        m = ni == b
        ss = jnp.sum(jnp.where(m, e_s, 0.0))
        sa = jnp.sum(jnp.where(m, e_a, 0.0))
        st_s = jnp.where(m, ss, st_s)
        st_a = jnp.where(m, sa, st_a)
        rmap = jnp.where(m, rs_ref[0, b], rmap)
    ns = e_s / st_s
    nr = e_a / st_a
    out_ref[...] = rmap * nr + (1.0 - rmap) * ns


def _final_stage(s_node, a, node_indices, relation_similarity, n, npad):
    rows, cols = npad // 128, 128
    s2 = jnp.pad(s_node, (0, npad - n)).reshape(rows, cols)
    a2 = a.reshape(rows, cols)
    ni2 = jnp.pad(node_indices, (0, npad - n),
                  constant_values=jnp.int32(1 << 20)).reshape(rows, cols)
    rs2 = jnp.pad(relation_similarity, (0, 128 - relation_similarity.shape[0])
                  ).reshape(1, 128)
    out = pl.pallas_call(
        functools.partial(_final_body, relation_similarity.shape[0]),
        in_specs=[
            pl.BlockSpec((rows, cols), lambda: (0, 0)),
            pl.BlockSpec((rows, cols), lambda: (0, 0)),
            pl.BlockSpec((rows, cols), lambda: (0, 0)),
            pl.BlockSpec((1, 128), lambda: (0, 0)),
        ],
        out_specs=pl.BlockSpec((rows, cols), lambda: (0, 0)),
        out_shape=jax.ShapeDtypeStruct((rows, cols), jnp.float32),
    )(s2, a2, ni2, rs2)
    return out.reshape(npad)[:n]


def kernel(node_attrs, edge_indices, edge_attrs, node_indices,
           edge_batch_indices, instruction_batch, distribution,
           node_prop_similarities, relation_similarity, W_props, W_edge,
           w_node_score, w_rel_score):
    n = node_attrs.shape[0]
    npad = ((n + 2047) // 2048) * 2048
    dist_src = _sc_gather_stage(edge_indices[0], distribution)
    msg = _edge_stage(edge_attrs, edge_batch_indices, dist_src,
                      instruction_batch, W_edge)
    s_node = _node_stage(node_attrs, node_indices, node_prop_similarities,
                         instruction_batch, W_props, w_node_score)
    agg2 = _sc_scatter_stage(msg, edge_indices[1], npad)
    a = _agg_stage(agg2, w_rel_score)
    return _final_stage(s_node, a, node_indices, relation_similarity, n, npad)

# --- scband reference (transcript-rebuilt; emitter-appended) ---
"""Pipeline reference for scband-nsm-71854802862763 (READ-ONLY COPY).

The authoritative reference and input builder live on the scoring server;
editing this copy changes nothing except your own understanding.
"""

import jax, jax.numpy as jnp
import numpy as np

N = 10000
E = 320000
H = 128
P = 8
B = 64

def _scatter_softmax(x, seg, num_segments):
    m = jax.ops.segment_max(x, seg, num_segments=num_segments)
    e = jnp.exp(x - m[seg])
    s = jax.ops.segment_sum(e, seg, num_segments=num_segments)
    return e / s[seg]

def setup_inputs(seed: int = 0):
    key = jax.random.key(seed)
    ks = jax.random.split(key, 13)
    return {
        'node_attrs': jax.random.normal(ks[0], (N, P, H), dtype=jnp.float32),
        'edge_indices': jax.random.randint(ks[1], (2, E), 0, N, dtype=jnp.int32),
        'edge_attrs': jax.random.normal(ks[2], (E, H), dtype=jnp.float32),
        'node_indices': jnp.sort(jax.random.randint(ks[3], (N,), 0, B, dtype=jnp.int32)),
        'edge_batch_indices': jnp.sort(jax.random.randint(ks[4], (E,), 0, B, dtype=jnp.int32)),
        'instruction_batch': jax.random.normal(ks[5], (B, H), dtype=jnp.float32),
        'distribution': jax.random.uniform(ks[6], (N,), dtype=jnp.float32),
        'node_prop_similarities': jax.random.uniform(ks[7], (B, P), dtype=jnp.float32),
        'relation_similarity': jax.random.uniform(ks[8], (B,), dtype=jnp.float32),
        'W_props': jax.random.uniform(ks[9], (P, H, H), dtype=jnp.float32),
        'W_edge': jax.random.uniform(ks[10], (H, H), dtype=jnp.float32),
        'w_node_score': jax.random.uniform(ks[11], (H,), dtype=jnp.float32),
        'w_rel_score': jax.random.uniform(ks[12], (H,), dtype=jnp.float32),
    }

def reference(node_attrs, edge_indices, edge_attrs, node_indices, edge_batch_indices,
              instruction_batch, distribution, node_prop_similarities, relation_similarity,
              W_props, W_edge, w_node_score, w_rel_score):
    elu = jax.nn.elu
    # node_prop_similarities.T[:, node_indices, None] -> P x N x 1
    prop_sim = jnp.transpose(node_prop_similarities)[:, node_indices, None]
    instr_nodes = instruction_batch[node_indices]  # N x H (gather)
    x = prop_sim * instr_nodes[None, :, :] * jnp.transpose(node_attrs, (1, 0, 2))  # P x N x H
    node_scores = elu(jnp.sum(jnp.einsum('pnh,phk->pnk', x, W_props), axis=0))  # N x H
    edge_scores = elu((instruction_batch[edge_batch_indices] * edge_attrs) @ W_edge)  # E x H
    next_states = _scatter_softmax(node_scores @ w_node_score, node_indices, B)  # N
    msg = distribution[edge_indices[0], None] * edge_scores  # E x H (gather by src)
    agg = jax.ops.segment_sum(msg, edge_indices[1], num_segments=N)  # N x H (scatter-add by dst)
    next_rel = _scatter_softmax(agg @ w_rel_score, node_indices, B)  # N
    r = relation_similarity[node_indices]
    return r * next_rel + (1.0 - r) * next_states

if __name__ == "__main__":
    import jax
    _d = setup_inputs()
    print(jax.jit(kernel)(*tuple(_d.values())))

</pallas_src>

<mosaic_0001>
#map = affine_map<(d0, d1) -> (0, 0, 0)>
#map1 = affine_map<(d0, d1) -> (0)>
module attributes {stable_mosaic.version = 14 : i64} {
  func.func @gather_kernel(%arg0: i32, %arg1: i32, %arg2: memref<32x125x80xi32, #tpu.memory_space<hbm>>, %arg3: memref<10000xf32, #tpu.memory_space<hbm>>, %arg4: memref<32x125x80xf32, #tpu.memory_space<hbm>>, %arg5: memref<125x80xi32, #tpu.memory_space<vmem>>, %arg6: memref<125x80xf32, #tpu.memory_space<vmem>>, %arg7: memref<!tpu.dma_semaphore, #tpu.memory_space<semaphore_mem>>) attributes {dimension_semantics = [#tpu.dimension_semantics<core_parallel>, #tpu.dimension_semantics<subcore_parallel>], iteration_bounds = array<i64: 2, 16>, scalar_prefetch = 0 : i64, scratch_operands = 3 : i64, tpu.core_type = #tpu.core_type<sc_vector_subcore>, window_params = [{transform_indices = #map}, {transform_indices = #map1}, {transform_indices = #map}]} {
    %mul3A = arith.constant 2 : i32
    %mul3A_0 = arith.muli %arg1, %mul3A : i32
    %add3A = arith.addi %mul3A_0, %arg0 : i32
    "tpu.region"() ({
      %run_scoped3A = tpu.sem_alloc : memref<!tpu.dma_semaphore, #tpu.memory_space<semaphore_mem>>
      %dma_start3A = arith.constant 0 : i32
      %dma_start3A_7 = arith.constant 0 : i32
      %dma_start3A_8 = tpu.memref_slice %arg2[%add3A, %dma_start3A, %dma_start3A_7] : memref<32x125x80xi32, #tpu.memory_space<hbm>> -> memref<1x125x80xi32, #tpu.memory_space<hbm>>
      %dma_start3A_9 = tpu.memref_squeeze %dma_start3A_8 : memref<1x125x80xi32, #tpu.memory_space<hbm>> -> memref<125x80xi32, #tpu.memory_space<hbm>>
      %dma_start3A_10 = arith.constant 0 : i32
      %dma_start3A_11 = arith.constant 0 : i32
      %dma_start3A_12 = tpu.memref_slice %arg2[%add3A, %dma_start3A_10, %dma_start3A_11] : memref<32x125x80xi32, #tpu.memory_space<hbm>> -> memref<1x125x80xi32, #tpu.memory_space<hbm>>
      %dma_start3A_13 = tpu.memref_squeeze %dma_start3A_12 : memref<1x125x80xi32, #tpu.memory_space<hbm>> -> memref<125x80xi32, #tpu.memory_space<hbm>>
      tpu.enqueue_dma source(%dma_start3A_13 : memref<125x80xi32, #tpu.memory_space<hbm>>) target(%arg5 : memref<125x80xi32, #tpu.memory_space<vmem>>) target_semaphore(%run_scoped3A : memref<!tpu.dma_semaphore, #tpu.memory_space<semaphore_mem>>)
      %dma_wait3A = arith.constant 0 : i32
      %dma_wait3A_14 = arith.constant 0 : i32
      %dma_wait3A_15 = tpu.memref_slice %arg2[%add3A, %dma_wait3A, %dma_wait3A_14] : memref<32x125x80xi32, #tpu.memory_space<hbm>> -> memref<1x125x80xi32, #tpu.memory_space<hbm>>
      %dma_wait3A_16 = tpu.memref_squeeze %dma_wait3A_15 : memref<1x125x80xi32, #tpu.memory_space<hbm>> -> memref<125x80xi32, #tpu.memory_space<hbm>>
      %dma_wait3A_17 = arith.constant 0 : i32
      %dma_wait3A_18 = arith.constant 0 : i32
      %dma_wait3A_19 = tpu.memref_slice %arg2[%add3A, %dma_wait3A_17, %dma_wait3A_18] : memref<32x125x80xi32, #tpu.memory_space<hbm>> -> memref<1x125x80xi32, #tpu.memory_space<hbm>>
      %dma_wait3A_20 = tpu.memref_squeeze %dma_wait3A_19 : memref<1x125x80xi32, #tpu.memory_space<hbm>> -> memref<125x80xi32, #tpu.memory_space<hbm>>
      tpu.wait_dma2 semaphore(%run_scoped3A : memref<!tpu.dma_semaphore, #tpu.memory_space<semaphore_mem>>) src(%dma_wait3A_20 : memref<125x80xi32, #tpu.memory_space<hbm>>) dst(%arg5 : memref<125x80xi32, #tpu.memory_space<vmem>>)
      tpu.yield
    }) : () -> ()
    %scan3A = arith.constant 0 : i32
    %scan3A_1 = arith.constant 0 : i32
    %scan3A_2 = arith.constant 125 : i32
    %scan3A_3 = arith.addi %scan3A_1, %scan3A_2 : i32
    %scan3A_4 = arith.constant 1 : i32
    %scan3A_5 = scf.for %scan3A_7 = %scan3A_1 to %scan3A_3 step %scan3A_4 iter_args(%scan3A_8 = %scan3A) -> (i32)  : i32 {
      %dma_start3A = arith.constant 0 : i32
      %dma_start3A_9 = tpu.memref_slice %arg6[%scan3A_7, %dma_start3A] : memref<125x80xf32, #tpu.memory_space<vmem>> -> memref<1x80xf32, #tpu.memory_space<vmem>>
      %dma_start3A_10 = tpu.memref_squeeze %dma_start3A_9 : memref<1x80xf32, #tpu.memory_space<vmem>> -> memref<80xf32, #tpu.memory_space<vmem>>
      %dma_start3A_11 = arith.constant 0 : i32
      %dma_start3A_12 = tpu.memref_slice %arg5[%scan3A_7, %dma_start3A_11] : memref<125x80xi32, #tpu.memory_space<vmem>> -> memref<1x80xi32, #tpu.memory_space<vmem>>
      %dma_start3A_13 = tpu.memref_squeeze %dma_start3A_12 : memref<1x80xi32, #tpu.memory_space<vmem>> -> memref<80xi32, #tpu.memory_space<vmem>>
      %dma_start3A_14 = arith.constant 0 : i32
      %dma_start3A_15 = tpu.memref_slice %arg3[%dma_start3A_14] : memref<10000xf32, #tpu.memory_space<hbm>> -> memref<10000xf32, #tpu.memory_space<hbm>>
      tpu.enqueue_indirect_dma source(%dma_start3A_15 : memref<10000xf32, #tpu.memory_space<hbm>>) target(%dma_start3A_10 : memref<80xf32, #tpu.memory_space<vmem>>) offsets(%dma_start3A_13 : memref<80xi32, #tpu.memory_space<vmem>>) semaphore(%arg7 : memref<!tpu.dma_semaphore, #tpu.memory_space<semaphore_mem>>)
      %dma_wait3A = arith.constant 0 : i32
      %dma_wait3A_16 = tpu.memref_slice %arg6[%scan3A_7, %dma_wait3A] : memref<125x80xf32, #tpu.memory_space<vmem>> -> memref<1x80xf32, #tpu.memory_space<vmem>>
      %dma_wait3A_17 = tpu.memref_squeeze %dma_wait3A_16 : memref<1x80xf32, #tpu.memory_space<vmem>> -> memref<80xf32, #tpu.memory_space<vmem>>
      %dma_wait3A_18 = arith.constant 0 : i32
      %dma_wait3A_19 = tpu.memref_slice %arg5[%scan3A_7, %dma_wait3A_18] : memref<125x80xi32, #tpu.memory_space<vmem>> -> memref<1x80xi32, #tpu.memory_space<vmem>>
      %dma_wait3A_20 = tpu.memref_squeeze %dma_wait3A_19 : memref<1x80xi32, #tpu.memory_space<vmem>> -> memref<80xi32, #tpu.memory_space<vmem>>
      %dma_wait3A_21 = arith.constant 0 : i32
      %dma_wait3A_22 = tpu.memref_slice %arg3[%dma_wait3A_21] : memref<10000xf32, #tpu.memory_space<hbm>> -> memref<10000xf32, #tpu.memory_space<hbm>>
      tpu.wait_indirect_dma semaphore(%arg7 : memref<!tpu.dma_semaphore, #tpu.memory_space<semaphore_mem>>) src(%dma_wait3A_22 : memref<10000xf32, #tpu.memory_space<hbm>>) dst(%dma_wait3A_17 : memref<80xf32, #tpu.memory_space<vmem>>)
      %scan3A_23 = arith.constant 0 : i32
      scf.yield %scan3A_23 : i32
    }
    %scan3A_6 = arith.constant 125 : i32
    "tpu.region"() ({
      %run_scoped3A = tpu.sem_alloc : memref<!tpu.dma_semaphore, #tpu.memory_space<semaphore_mem>>
      %dma_start3A = arith.constant 0 : i32
      %dma_start3A_7 = arith.constant 0 : i32
      %dma_start3A_8 = tpu.memref_slice %arg4[%add3A, %dma_start3A, %dma_start3A_7] : memref<32x125x80xf32, #tpu.memory_space<hbm>> -> memref<1x125x80xf32, #tpu.memory_space<hbm>>
      %dma_start3A_9 = tpu.memref_squeeze %dma_start3A_8 : memref<1x125x80xf32, #tpu.memory_space<hbm>> -> memref<125x80xf32, #tpu.memory_space<hbm>>
      %dma_start3A_10 = arith.constant 0 : i32
      %dma_start3A_11 = arith.constant 0 : i32
      %dma_start3A_12 = tpu.memref_slice %arg4[%add3A, %dma_start3A_10, %dma_start3A_11] : memref<32x125x80xf32, #tpu.memory_space<hbm>> -> memref<1x125x80xf32, #tpu.memory_space<hbm>>
      %dma_start3A_13 = tpu.memref_squeeze %dma_start3A_12 : memref<1x125x80xf32, #tpu.memory_space<hbm>> -> memref<125x80xf32, #tpu.memory_space<hbm>>
      tpu.enqueue_dma source(%arg6 : memref<125x80xf32, #tpu.memory_space<vmem>>) target(%dma_start3A_13 : memref<125x80xf32, #tpu.memory_space<hbm>>) target_semaphore(%run_scoped3A : memref<!tpu.dma_semaphore, #tpu.memory_space<semaphore_mem>>)
      %dma_wait3A = arith.constant 0 : i32
      %dma_wait3A_14 = arith.constant 0 : i32
      %dma_wait3A_15 = tpu.memref_slice %arg4[%add3A, %dma_wait3A, %dma_wait3A_14] : memref<32x125x80xf32, #tpu.memory_space<hbm>> -> memref<1x125x80xf32, #tpu.memory_space<hbm>>
      %dma_wait3A_16 = tpu.memref_squeeze %dma_wait3A_15 : memref<1x125x80xf32, #tpu.memory_space<hbm>> -> memref<125x80xf32, #tpu.memory_space<hbm>>
      %dma_wait3A_17 = arith.constant 0 : i32
      %dma_wait3A_18 = arith.constant 0 : i32
      %dma_wait3A_19 = tpu.memref_slice %arg4[%add3A, %dma_wait3A_17, %dma_wait3A_18] : memref<32x125x80xf32, #tpu.memory_space<hbm>> -> memref<1x125x80xf32, #tpu.memory_space<hbm>>
      %dma_wait3A_20 = tpu.memref_squeeze %dma_wait3A_19 : memref<1x125x80xf32, #tpu.memory_space<hbm>> -> memref<125x80xf32, #tpu.memory_space<hbm>>
      tpu.wait_dma2 semaphore(%run_scoped3A : memref<!tpu.dma_semaphore, #tpu.memory_space<semaphore_mem>>) src(%arg6 : memref<125x80xf32, #tpu.memory_space<vmem>>) dst(%dma_wait3A_20 : memref<125x80xf32, #tpu.memory_space<hbm>>)
      tpu.yield
    }) : () -> ()
    return
  }
}

#map = affine_map<(d0, d1) -> (0, 0)>
#map1 = affine_map<(d0, d1) -> (0, 0, 0)>
module attributes {stable_mosaic.version = 14 : i64} {
  func.func @scatter_kernel(%arg0: i32, %arg1: i32, %arg2: memref<320000x128xf32, #tpu.memory_space<hbm>>, %arg3: memref<32x125x80xi32, #tpu.memory_space<hbm>>, %arg4: memref<2x10240x128xf32, #tpu.memory_space<hbm>>, %arg5: memref<125x80xi32, #tpu.memory_space<vmem>>, %arg6: memref<80x128xf32, #tpu.memory_space<vmem>>, %arg7: memref<128x128xf32, #tpu.memory_space<vmem>>, %arg8: memref<10240x128xf32, #tpu.memory_space<vmem_shared>>) attributes {dimension_semantics = [#tpu.dimension_semantics<core_parallel>, #tpu.dimension_semantics<subcore_parallel>], iteration_bounds = array<i64: 2, 16>, scalar_prefetch = 0 : i64, scratch_operands = 4 : i64, tpu.core_type = #tpu.core_type<sc_vector_subcore>, window_params = [{transform_indices = #map}, {transform_indices = #map1}, {transform_indices = #map1}]} {
    %mul3A = arith.constant 2 : i32
    %mul3A_0 = arith.muli %arg1, %mul3A : i32
    %add3A = arith.addi %mul3A_0, %arg0 : i32
    %mul3A_1 = arith.constant 10000 : i32
    %mul3A_2 = arith.muli %add3A, %mul3A_1 : i32
    %broadcast_in_dim3A = arith.constant 0.000000e+00 : f32
    %broadcast_in_dim3A_3 = vector.broadcast %broadcast_in_dim3A : f32 to vector<16xf32>
    %scan3A = arith.constant 0 : i32
    %scan3A_4 = arith.constant 0 : i32
    %scan3A_5 = arith.constant 1024 : i32
    %scan3A_6 = arith.addi %scan3A_4, %scan3A_5 : i32
    %scan3A_7 = arith.constant 1 : i32
    %scan3A_8 = scf.for %scan3A_78 = %scan3A_4 to %scan3A_6 step %scan3A_7 iter_args(%scan3A_79 = %scan3A) -> (i32)  : i32 {
      %jit3A = arith.constant 8 : i32
      %div3A = arith.divsi %scan3A_78, %jit3A : i32
      %sign3A = arith.constant 0 : i32
      %sign3A_80 = arith.cmpi sgt, %scan3A_78, %sign3A : i32
      %sign3A_81 = arith.extui %sign3A_80 : i1 to i32
      %sign3A_82 = arith.constant 0 : i32
      %sign3A_83 = arith.cmpi slt, %scan3A_78, %sign3A_82 : i32
      %sign3A_84 = arith.extui %sign3A_83 : i1 to i32
      %sign3A_85 = arith.subi %sign3A_81, %sign3A_84 : i32
      %sign3A_86 = arith.constant 0 : i32
      %sign3A_87 = arith.cmpi sgt, %jit3A, %sign3A_86 : i32
      %sign3A_88 = arith.extui %sign3A_87 : i1 to i32
      %sign3A_89 = arith.constant 0 : i32
      %sign3A_90 = arith.cmpi slt, %jit3A, %sign3A_89 : i32
      %sign3A_91 = arith.extui %sign3A_90 : i1 to i32
      %sign3A_92 = arith.subi %sign3A_88, %sign3A_91 : i32
      %ne3A = arith.cmpi ne, %sign3A_85, %sign3A_92 : i32
      %rem3A = arith.remsi %scan3A_78, %jit3A : i32
      %ne3A_93 = arith.constant 0 : i32
      %ne3A_94 = arith.cmpi ne, %rem3A, %ne3A_93 : i32
      %and3A = arith.andi %ne3A, %ne3A_94 : i1
      %sub3A = arith.constant 1 : i32
      %sub3A_95 = arith.subi %div3A, %sub3A : i32
      %select_n3A = arith.select %and3A, %sub3A_95, %div3A : i32
      %jit3A_96 = arith.constant 8 : i32
      %eq3A = arith.constant 0 : i32
      %eq3A_97 = arith.cmpi eq, %jit3A_96, %eq3A : i32
      %jit3A_98 = arith.constant 1 : i32
      %select_n3A_99 = arith.select %eq3A_97, %jit3A_98, %jit3A_96 : i32
      %rem3A_100 = arith.remsi %scan3A_78, %select_n3A_99 : i32
      %ne3A_101 = arith.constant 0 : i32
      %ne3A_102 = arith.cmpi ne, %rem3A_100, %ne3A_101 : i32
      %lt3A = arith.constant 0 : i32
      %lt3A_103 = arith.cmpi slt, %rem3A_100, %lt3A : i32
      %lt3A_104 = arith.constant 0 : i32
      %lt3A_105 = arith.cmpi slt, %select_n3A_99, %lt3A_104 : i32
      %ne3A_106 = arith.xori %lt3A_103, %lt3A_105 : i1
      %and3A_107 = arith.andi %ne3A_106, %ne3A_102 : i1
      %add3A_108 = arith.addi %rem3A_100, %select_n3A_99 : i32
      %select_n3A_109 = arith.select %and3A_107, %add3A_108, %rem3A_100 : i32
      %mul3A_110 = arith.constant 16 : i32
      %mul3A_111 = arith.muli %select_n3A_109, %mul3A_110 : i32
      %swap3A = arith.index_cast %select_n3A : i32 to index
      %swap3A_112 = arith.index_cast %mul3A_111 : i32 to index
      %swap3A_113 = tpu.vector_load %arg7[%swap3A, %swap3A_112] {strides = array<i32>} : memref<128x128xf32, #tpu.memory_space<vmem>>, vector<16xf32>,
      tpu.vector_store %arg7[%swap3A, %swap3A_112], %broadcast_in_dim3A_3 {strides = array<i32>} : memref<128x128xf32, #tpu.memory_space<vmem>>, vector<16xf32>,
      %scan3A_114 = arith.constant 0 : i32
      scf.yield %scan3A_114 : i32
    }
    %scan3A_9 = arith.constant 1024 : i32
    %mul3A_10 = arith.constant 640 : i32
    %mul3A_11 = arith.muli %arg1, %mul3A_10 : i32
    %add3A_12 = arith.constant 0 : i32
    %add3A_13 = arith.addi %mul3A_11, %add3A_12 : i32
    "tpu.region"() ({
      %run_scoped3A = tpu.sem_alloc : memref<!tpu.dma_semaphore, #tpu.memory_space<semaphore_mem>>
      %dma_start3A = arith.constant 0 : i32
      %dma_start3A_78 = tpu.memref_slice %arg8[%add3A_13, %dma_start3A] : memref<10240x128xf32, #tpu.memory_space<vmem_shared>> -> memref<128x128xf32, #tpu.memory_space<vmem_shared>>
      %dma_start3A_79 = arith.constant 0 : i32
      %dma_start3A_80 = tpu.memref_slice %arg8[%add3A_13, %dma_start3A_79] : memref<10240x128xf32, #tpu.memory_space<vmem_shared>> -> memref<128x128xf32, #tpu.memory_space<vmem_shared>>
      tpu.enqueue_dma source(%arg7 : memref<128x128xf32, #tpu.memory_space<vmem>>) target(%dma_start3A_80 : memref<128x128xf32, #tpu.memory_space<vmem_shared>>) target_semaphore(%run_scoped3A : memref<!tpu.dma_semaphore, #tpu.memory_space<semaphore_mem>>)
      %dma_wait3A = arith.constant 0 : i32
      %dma_wait3A_81 = tpu.memref_slice %arg8[%add3A_13, %dma_wait3A] : memref<10240x128xf32, #tpu.memory_space<vmem_shared>> -> memref<128x128xf32, #tpu.memory_space<vmem_shared>>
      %dma_wait3A_82 = arith.constant 0 : i32
      %dma_wait3A_83 = tpu.memref_slice %arg8[%add3A_13, %dma_wait3A_82] : memref<10240x128xf32, #tpu.memory_space<vmem_shared>> -> memref<128x128xf32, #tpu.memory_space<vmem_shared>>
      tpu.wait_dma2 semaphore(%run_scoped3A : memref<!tpu.dma_semaphore, #tpu.memory_space<semaphore_mem>>) src(%arg7 : memref<128x128xf32, #tpu.memory_space<vmem>>) dst(%dma_wait3A_83 : memref<128x128xf32, #tpu.memory_space<vmem_shared>>)
      tpu.yield
    }) : () -> ()
    %mul3A_14 = arith.constant 640 : i32
    %mul3A_15 = arith.muli %arg1, %mul3A_14 : i32
    %add3A_16 = arith.constant 128 : i32
    %add3A_17 = arith.addi %mul3A_15, %add3A_16 : i32
    "tpu.region"() ({
      %run_scoped3A = tpu.sem_alloc : memref<!tpu.dma_semaphore, #tpu.memory_space<semaphore_mem>>
      %dma_start3A = arith.constant 0 : i32
      %dma_start3A_78 = tpu.memref_slice %arg8[%add3A_17, %dma_start3A] : memref<10240x128xf32, #tpu.memory_space<vmem_shared>> -> memref<128x128xf32, #tpu.memory_space<vmem_shared>>
      %dma_start3A_79 = arith.constant 0 : i32
      %dma_start3A_80 = tpu.memref_slice %arg8[%add3A_17, %dma_start3A_79] : memref<10240x128xf32, #tpu.memory_space<vmem_shared>> -> memref<128x128xf32, #tpu.memory_space<vmem_shared>>
      tpu.enqueue_dma source(%arg7 : memref<128x128xf32, #tpu.memory_space<vmem>>) target(%dma_start3A_80 : memref<128x128xf32, #tpu.memory_space<vmem_shared>>) target_semaphore(%run_scoped3A : memref<!tpu.dma_semaphore, #tpu.memory_space<semaphore_mem>>)
      %dma_wait3A = arith.constant 0 : i32
      %dma_wait3A_81 = tpu.memref_slice %arg8[%add3A_17, %dma_wait3A] : memref<10240x128xf32, #tpu.memory_space<vmem_shared>> -> memref<128x128xf32, #tpu.memory_space<vmem_shared>>
      %dma_wait3A_82 = arith.constant 0 : i32
      %dma_wait3A_83 = tpu.memref_slice %arg8[%add3A_17, %dma_wait3A_82] : memref<10240x128xf32, #tpu.memory_space<vmem_shared>> -> memref<128x128xf32, #tpu.memory_space<vmem_shared>>
      tpu.wait_dma2 semaphore(%run_scoped3A : memref<!tpu.dma_semaphore, #tpu.memory_space<semaphore_mem>>) src(%arg7 : memref<128x128xf32, #tpu.memory_space<vmem>>) dst(%dma_wait3A_83 : memref<128x128xf32, #tpu.memory_space<vmem_shared>>)
      tpu.yield
    }) : () -> ()
    %mul3A_18 = arith.constant 640 : i32
    %mul3A_19 = arith.muli %arg1, %mul3A_18 : i32
    %add3A_20 = arith.constant 256 : i32
    %add3A_21 = arith.addi %mul3A_19, %add3A_20 : i32
    "tpu.region"() ({
      %run_scoped3A = tpu.sem_alloc : memref<!tpu.dma_semaphore, #tpu.memory_space<semaphore_mem>>
      %dma_start3A = arith.constant 0 : i32
      %dma_start3A_78 = tpu.memref_slice %arg8[%add3A_21, %dma_start3A] : memref<10240x128xf32, #tpu.memory_space<vmem_shared>> -> memref<128x128xf32, #tpu.memory_space<vmem_shared>>
      %dma_start3A_79 = arith.constant 0 : i32
      %dma_start3A_80 = tpu.memref_slice %arg8[%add3A_21, %dma_start3A_79] : memref<10240x128xf32, #tpu.memory_space<vmem_shared>> -> memref<128x128xf32, #tpu.memory_space<vmem_shared>>
      tpu.enqueue_dma source(%arg7 : memref<128x128xf32, #tpu.memory_space<vmem>>) target(%dma_start3A_80 : memref<128x128xf32, #tpu.memory_space<vmem_shared>>) target_semaphore(%run_scoped3A : memref<!tpu.dma_semaphore, #tpu.memory_space<semaphore_mem>>)
      %dma_wait3A = arith.constant 0 : i32
      %dma_wait3A_81 = tpu.memref_slice %arg8[%add3A_21, %dma_wait3A] : memref<10240x128xf32, #tpu.memory_space<vmem_shared>> -> memref<128x128xf32, #tpu.memory_space<vmem_shared>>
      %dma_wait3A_82 = arith.constant 0 : i32
      %dma_wait3A_83 = tpu.memref_slice %arg8[%add3A_21, %dma_wait3A_82] : memref<10240x128xf32, #tpu.memory_space<vmem_shared>> -> memref<128x128xf32, #tpu.memory_space<vmem_shared>>
      tpu.wait_dma2 semaphore(%run_scoped3A : memref<!tpu.dma_semaphore, #tpu.memory_space<semaphore_mem>>) src(%arg7 : memref<128x128xf32, #tpu.memory_space<vmem>>) dst(%dma_wait3A_83 : memref<128x128xf32, #tpu.memory_space<vmem_shared>>)
      tpu.yield
    }) : () -> ()
    %mul3A_22 = arith.constant 640 : i32
    %mul3A_23 = arith.muli %arg1, %mul3A_22 : i32
    %add3A_24 = arith.constant 384 : i32
    %add3A_25 = arith.addi %mul3A_23, %add3A_24 : i32
    "tpu.region"() ({
      %run_scoped3A = tpu.sem_alloc : memref<!tpu.dma_semaphore, #tpu.memory_space<semaphore_mem>>
      %dma_start3A = arith.constant 0 : i32
      %dma_start3A_78 = tpu.memref_slice %arg8[%add3A_25, %dma_start3A] : memref<10240x128xf32, #tpu.memory_space<vmem_shared>> -> memref<128x128xf32, #tpu.memory_space<vmem_shared>>
      %dma_start3A_79 = arith.constant 0 : i32
      %dma_start3A_80 = tpu.memref_slice %arg8[%add3A_25, %dma_start3A_79] : memref<10240x128xf32, #tpu.memory_space<vmem_shared>> -> memref<128x128xf32, #tpu.memory_space<vmem_shared>>
      tpu.enqueue_dma source(%arg7 : memref<128x128xf32, #tpu.memory_space<vmem>>) target(%dma_start3A_80 : memref<128x128xf32, #tpu.memory_space<vmem_shared>>) target_semaphore(%run_scoped3A : memref<!tpu.dma_semaphore, #tpu.memory_space<semaphore_mem>>)
      %dma_wait3A = arith.constant 0 : i32
      %dma_wait3A_81 = tpu.memref_slice %arg8[%add3A_25, %dma_wait3A] : memref<10240x128xf32, #tpu.memory_space<vmem_shared>> -> memref<128x128xf32, #tpu.memory_space<vmem_shared>>
      %dma_wait3A_82 = arith.constant 0 : i32
      %dma_wait3A_83 = tpu.memref_slice %arg8[%add3A_25, %dma_wait3A_82] : memref<10240x128xf32, #tpu.memory_space<vmem_shared>> -> memref<128x128xf32, #tpu.memory_space<vmem_shared>>
      tpu.wait_dma2 semaphore(%run_scoped3A : memref<!tpu.dma_semaphore, #tpu.memory_space<semaphore_mem>>) src(%arg7 : memref<128x128xf32, #tpu.memory_space<vmem>>) dst(%dma_wait3A_83 : memref<128x128xf32, #tpu.memory_space<vmem_shared>>)
      tpu.yield
    }) : () -> ()
    %mul3A_26 = arith.constant 640 : i32
    %mul3A_27 = arith.muli %arg1, %mul3A_26 : i32
    %add3A_28 = arith.constant 512 : i32
    %add3A_29 = arith.addi %mul3A_27, %add3A_28 : i32
    "tpu.region"() ({
      %run_scoped3A = tpu.sem_alloc : memref<!tpu.dma_semaphore, #tpu.memory_space<semaphore_mem>>
      %dma_start3A = arith.constant 0 : i32
      %dma_start3A_78 = tpu.memref_slice %arg8[%add3A_29, %dma_start3A] : memref<10240x128xf32, #tpu.memory_space<vmem_shared>> -> memref<128x128xf32, #tpu.memory_space<vmem_shared>>
      %dma_start3A_79 = arith.constant 0 : i32
      %dma_start3A_80 = tpu.memref_slice %arg8[%add3A_29, %dma_start3A_79] : memref<10240x128xf32, #tpu.memory_space<vmem_shared>> -> memref<128x128xf32, #tpu.memory_space<vmem_shared>>
      tpu.enqueue_dma source(%arg7 : memref<128x128xf32, #tpu.memory_space<vmem>>) target(%dma_start3A_80 : memref<128x128xf32, #tpu.memory_space<vmem_shared>>) target_semaphore(%run_scoped3A : memref<!tpu.dma_semaphore, #tpu.memory_space<semaphore_mem>>)
      %dma_wait3A = arith.constant 0 : i32
      %dma_wait3A_81 = tpu.memref_slice %arg8[%add3A_29, %dma_wait3A] : memref<10240x128xf32, #tpu.memory_space<vmem_shared>> -> memref<128x128xf32, #tpu.memory_space<vmem_shared>>
      %dma_wait3A_82 = arith.constant 0 : i32
      %dma_wait3A_83 = tpu.memref_slice %arg8[%add3A_29, %dma_wait3A_82] : memref<10240x128xf32, #tpu.memory_space<vmem_shared>> -> memref<128x128xf32, #tpu.memory_space<vmem_shared>>
      tpu.wait_dma2 semaphore(%run_scoped3A : memref<!tpu.dma_semaphore, #tpu.memory_space<semaphore_mem>>) src(%arg7 : memref<128x128xf32, #tpu.memory_space<vmem>>) dst(%dma_wait3A_83 : memref<128x128xf32, #tpu.memory_space<vmem_shared>>)
      tpu.yield
    }) : () -> ()
    "tpu.region"() ({
      %run_scoped3A = tpu.sem_alloc : memref<!tpu.dma_semaphore, #tpu.memory_space<semaphore_mem>>
      %dma_start3A = arith.constant 0 : i32
      %dma_start3A_78 = arith.constant 0 : i32
      %dma_start3A_79 = tpu.memref_slice %arg3[%add3A, %dma_start3A, %dma_start3A_78] : memref<32x125x80xi32, #tpu.memory_space<hbm>> -> memref<1x125x80xi32, #tpu.memory_space<hbm>>
      %dma_start3A_80 = tpu.memref_squeeze %dma_start3A_79 : memref<1x125x80xi32, #tpu.memory_space<hbm>> -> memref<125x80xi32, #tpu.memory_space<hbm>>
      %dma_start3A_81 = arith.constant 0 : i32
      %dma_start3A_82 = arith.constant 0 : i32
      %dma_start3A_83 = tpu.memref_slice %arg3[%add3A, %dma_start3A_81, %dma_start3A_82] : memref<32x125x80xi32, #tpu.memory_space<hbm>> -> memref<1x125x80xi32, #tpu.memory_space<hbm>>
      %dma_start3A_84 = tpu.memref_squeeze %dma_start3A_83 : memref<1x125x80xi32, #tpu.memory_space<hbm>> -> memref<125x80xi32, #tpu.memory_space<hbm>>
      tpu.enqueue_dma source(%dma_start3A_84 : memref<125x80xi32, #tpu.memory_space<hbm>>) target(%arg5 : memref<125x80xi32, #tpu.memory_space<vmem>>) target_semaphore(%run_scoped3A : memref<!tpu.dma_semaphore, #tpu.memory_space<semaphore_mem>>)
      %dma_wait3A = arith.constant 0 : i32
      %dma_wait3A_85 = arith.constant 0 : i32
      %dma_wait3A_86 = tpu.memref_slice %arg3[%add3A, %dma_wait3A, %dma_wait3A_85] : memref<32x125x80xi32, #tpu.memory_space<hbm>> -> memref<1x125x80xi32, #tpu.memory_space<hbm>>
      %dma_wait3A_87 = tpu.memref_squeeze %dma_wait3A_86 : memref<1x125x80xi32, #tpu.memory_space<hbm>> -> memref<125x80xi32, #tpu.memory_space<hbm>>
      %dma_wait3A_88 = arith.constant 0 : i32
      %dma_wait3A_89 = arith.constant 0 : i32
      %dma_wait3A_90 = tpu.memref_slice %arg3[%add3A, %dma_wait3A_88, %dma_wait3A_89] : memref<32x125x80xi32, #tpu.memory_space<hbm>> -> memref<1x125x80xi32, #tpu.memory_space<hbm>>
      %dma_wait3A_91 = tpu.memref_squeeze %dma_wait3A_90 : memref<1x125x80xi32, #tpu.memory_space<hbm>> -> memref<125x80xi32, #tpu.memory_space<hbm>>
      tpu.wait_dma2 semaphore(%run_scoped3A : memref<!tpu.dma_semaphore, #tpu.memory_space<semaphore_mem>>) src(%dma_wait3A_91 : memref<125x80xi32, #tpu.memory_space<hbm>>) dst(%arg5 : memref<125x80xi32, #tpu.memory_space<vmem>>)
      tpu.yield
    }) : () -> ()
    %barrier3A = arith.constant 0 : index
    tpu.barrier barrier_id(%barrier3A)
    %scan3A_30 = arith.constant 0 : i32
    %scan3A_31 = arith.constant 0 : i32
    %scan3A_32 = arith.constant 125 : i32
    %scan3A_33 = arith.addi %scan3A_31, %scan3A_32 : i32
    %scan3A_34 = arith.constant 1 : i32
    %scan3A_35 = scf.for %scan3A_78 = %scan3A_31 to %scan3A_33 step %scan3A_34 iter_args(%scan3A_79 = %scan3A_30) -> (i32)  : i32 {
      %mul3A_80 = arith.constant 80 : i32
      %mul3A_81 = arith.muli %scan3A_78, %mul3A_80 : i32
      %add3A_82 = arith.addi %mul3A_2, %mul3A_81 : i32
      "tpu.region"() ({
        %run_scoped3A = tpu.sem_alloc : memref<!tpu.dma_semaphore, #tpu.memory_space<semaphore_mem>>
        %dma_start3A = arith.constant 0 : i32
        %dma_start3A_84 = tpu.memref_slice %arg2[%add3A_82, %dma_start3A] : memref<320000x128xf32, #tpu.memory_space<hbm>> -> memref<80x128xf32, #tpu.memory_space<hbm>>
        %dma_start3A_85 = arith.constant 0 : i32
        %dma_start3A_86 = tpu.memref_slice %arg2[%add3A_82, %dma_start3A_85] : memref<320000x128xf32, #tpu.memory_space<hbm>> -> memref<80x128xf32, #tpu.memory_space<hbm>>
        tpu.enqueue_dma source(%dma_start3A_86 : memref<80x128xf32, #tpu.memory_space<hbm>>) target(%arg6 : memref<80x128xf32, #tpu.memory_space<vmem>>) target_semaphore(%run_scoped3A : memref<!tpu.dma_semaphore, #tpu.memory_space<semaphore_mem>>)
        %dma_wait3A = arith.constant 0 : i32
        %dma_wait3A_87 = tpu.memref_slice %arg2[%add3A_82, %dma_wait3A] : memref<320000x128xf32, #tpu.memory_space<hbm>> -> memref<80x128xf32, #tpu.memory_space<hbm>>
        %dma_wait3A_88 = arith.constant 0 : i32
        %dma_wait3A_89 = tpu.memref_slice %arg2[%add3A_82, %dma_wait3A_88] : memref<320000x128xf32, #tpu.memory_space<hbm>> -> memref<80x128xf32, #tpu.memory_space<hbm>>
        tpu.wait_dma2 semaphore(%run_scoped3A : memref<!tpu.dma_semaphore, #tpu.memory_space<semaphore_mem>>) src(%dma_wait3A_89 : memref<80x128xf32, #tpu.memory_space<hbm>>) dst(%arg6 : memref<80x128xf32, #tpu.memory_space<vmem>>)
        tpu.yield
      }) : () -> ()
      "tpu.region"() ({
        %run_scoped3A = tpu.sem_alloc : memref<!tpu.dma_semaphore, #tpu.memory_space<semaphore_mem>>
        %dma_start3A = arith.constant 0 : i32
        %dma_start3A_84 = tpu.memref_slice %arg5[%scan3A_78, %dma_start3A] : memref<125x80xi32, #tpu.memory_space<vmem>> -> memref<1x80xi32, #tpu.memory_space<vmem>>
        %dma_start3A_85 = tpu.memref_squeeze %dma_start3A_84 : memref<1x80xi32, #tpu.memory_space<vmem>> -> memref<80xi32, #tpu.memory_space<vmem>>
        %dma_start3A_86 = arith.constant 0 : i32
        %dma_start3A_87 = arith.constant 0 : i32
        %dma_start3A_88 = tpu.memref_slice %arg8[%dma_start3A_86, %dma_start3A_87] : memref<10240x128xf32, #tpu.memory_space<vmem_shared>> -> memref<10240x128xf32, #tpu.memory_space<vmem_shared>>
        tpu.enqueue_indirect_dma source(%arg6 : memref<80x128xf32, #tpu.memory_space<vmem>>) target(%dma_start3A_88 : memref<10240x128xf32, #tpu.memory_space<vmem_shared>>) offsets(%dma_start3A_85 : memref<80xi32, #tpu.memory_space<vmem>>) semaphore(%run_scoped3A : memref<!tpu.dma_semaphore, #tpu.memory_space<semaphore_mem>>) {add = true}
        %dma_wait3A = arith.constant 0 : i32
        %dma_wait3A_89 = tpu.memref_slice %arg5[%scan3A_78, %dma_wait3A] : memref<125x80xi32, #tpu.memory_space<vmem>> -> memref<1x80xi32, #tpu.memory_space<vmem>>
        %dma_wait3A_90 = tpu.memref_squeeze %dma_wait3A_89 : memref<1x80xi32, #tpu.memory_space<vmem>> -> memref<80xi32, #tpu.memory_space<vmem>>
        %dma_wait3A_91 = arith.constant 0 : i32
        %dma_wait3A_92 = arith.constant 0 : i32
        %dma_wait3A_93 = tpu.memref_slice %arg8[%dma_wait3A_91, %dma_wait3A_92] : memref<10240x128xf32, #tpu.memory_space<vmem_shared>> -> memref<10240x128xf32, #tpu.memory_space<vmem_shared>>
        tpu.wait_indirect_dma semaphore(%run_scoped3A : memref<!tpu.dma_semaphore, #tpu.memory_space<semaphore_mem>>) src(%arg6 : memref<80x128xf32, #tpu.memory_space<vmem>>) dst(%dma_wait3A_93 : memref<10240x128xf32, #tpu.memory_space<vmem_shared>>)
        tpu.yield
      }) : () -> ()
      %scan3A_83 = arith.constant 0 : i32
      scf.yield %scan3A_83 : i32
    }
    %scan3A_36 = arith.constant 125 : i32
    %barrier3A_37 = arith.constant 0 : index
    tpu.barrier barrier_id(%barrier3A_37)
    %mul3A_38 = arith.constant 640 : i32
    %mul3A_39 = arith.muli %arg1, %mul3A_38 : i32
    %add3A_40 = arith.constant 0 : i32
    %add3A_41 = arith.addi %mul3A_39, %add3A_40 : i32
    "tpu.region"() ({
      %run_scoped3A = tpu.sem_alloc : memref<!tpu.dma_semaphore, #tpu.memory_space<semaphore_mem>>
      %dma_start3A = arith.constant 0 : i32
      %dma_start3A_78 = tpu.memref_slice %arg8[%add3A_41, %dma_start3A] : memref<10240x128xf32, #tpu.memory_space<vmem_shared>> -> memref<128x128xf32, #tpu.memory_space<vmem_shared>>
      %dma_start3A_79 = arith.constant 0 : i32
      %dma_start3A_80 = tpu.memref_slice %arg8[%add3A_41, %dma_start3A_79] : memref<10240x128xf32, #tpu.memory_space<vmem_shared>> -> memref<128x128xf32, #tpu.memory_space<vmem_shared>>
      tpu.enqueue_dma source(%dma_start3A_80 : memref<128x128xf32, #tpu.memory_space<vmem_shared>>) target(%arg7 : memref<128x128xf32, #tpu.memory_space<vmem>>) target_semaphore(%run_scoped3A : memref<!tpu.dma_semaphore, #tpu.memory_space<semaphore_mem>>)
      %dma_wait3A = arith.constant 0 : i32
      %dma_wait3A_81 = tpu.memref_slice %arg8[%add3A_41, %dma_wait3A] : memref<10240x128xf32, #tpu.memory_space<vmem_shared>> -> memref<128x128xf32, #tpu.memory_space<vmem_shared>>
      %dma_wait3A_82 = arith.constant 0 : i32
      %dma_wait3A_83 = tpu.memref_slice %arg8[%add3A_41, %dma_wait3A_82] : memref<10240x128xf32, #tpu.memory_space<vmem_shared>> -> memref<128x128xf32, #tpu.memory_space<vmem_shared>>
      tpu.wait_dma2 semaphore(%run_scoped3A : memref<!tpu.dma_semaphore, #tpu.memory_space<semaphore_mem>>) src(%dma_wait3A_83 : memref<128x128xf32, #tpu.memory_space<vmem_shared>>) dst(%arg7 : memref<128x128xf32, #tpu.memory_space<vmem>>)
      tpu.yield
    }) : () -> ()
    %mul3A_42 = arith.constant 640 : i32
    %mul3A_43 = arith.muli %arg1, %mul3A_42 : i32
    %add3A_44 = arith.constant 0 : i32
    %add3A_45 = arith.addi %mul3A_43, %add3A_44 : i32
    "tpu.region"() ({
      %run_scoped3A = tpu.sem_alloc : memref<!tpu.dma_semaphore, #tpu.memory_space<semaphore_mem>>
      %dma_start3A = arith.constant 0 : i32
      %dma_start3A_78 = tpu.memref_slice %arg4[%arg0, %add3A_45, %dma_start3A] : memref<2x10240x128xf32, #tpu.memory_space<hbm>> -> memref<1x128x128xf32, #tpu.memory_space<hbm>>
      %dma_start3A_79 = tpu.memref_squeeze %dma_start3A_78 : memref<1x128x128xf32, #tpu.memory_space<hbm>> -> memref<128x128xf32, #tpu.memory_space<hbm>>
      %dma_start3A_80 = arith.constant 0 : i32
      %dma_start3A_81 = tpu.memref_slice %arg4[%arg0, %add3A_45, %dma_start3A_80] : memref<2x10240x128xf32, #tpu.memory_space<hbm>> -> memref<1x128x128xf32, #tpu.memory_space<hbm>>
      %dma_start3A_82 = tpu.memref_squeeze %dma_start3A_81 : memref<1x128x128xf32, #tpu.memory_space<hbm>> -> memref<128x128xf32, #tpu.memory_space<hbm>>
      tpu.enqueue_dma source(%arg7 : memref<128x128xf32, #tpu.memory_space<vmem>>) target(%dma_start3A_82 : memref<128x128xf32, #tpu.memory_space<hbm>>) target_semaphore(%run_scoped3A : memref<!tpu.dma_semaphore, #tpu.memory_space<semaphore_mem>>)
      %dma_wait3A = arith.constant 0 : i32
      %dma_wait3A_83 = tpu.memref_slice %arg4[%arg0, %add3A_45, %dma_wait3A] : memref<2x10240x128xf32, #tpu.memory_space<hbm>> -> memref<1x128x128xf32, #tpu.memory_space<hbm>>
      %dma_wait3A_84 = tpu.memref_squeeze %dma_wait3A_83 : memref<1x128x128xf32, #tpu.memory_space<hbm>> -> memref<128x128xf32, #tpu.memory_space<hbm>>
      %dma_wait3A_85 = arith.constant 0 : i32
      %dma_wait3A_86 = tpu.memref_slice %arg4[%arg0, %add3A_45, %dma_wait3A_85] : memref<2x10240x128xf32, #tpu.memory_space<hbm>> -> memref<1x128x128xf32, #tpu.memory_space<hbm>>
      %dma_wait3A_87 = tpu.memref_squeeze %dma_wait3A_86 : memref<1x128x128xf32, #tpu.memory_space<hbm>> -> memref<128x128xf32, #tpu.memory_space<hbm>>
      tpu.wait_dma2 semaphore(%run_scoped3A : memref<!tpu.dma_semaphore, #tpu.memory_space<semaphore_mem>>) src(%arg7 : memref<128x128xf32, #tpu.memory_space<vmem>>) dst(%dma_wait3A_87 : memref<128x128xf32, #tpu.memory_space<hbm>>)
      tpu.yield
    }) : () -> ()
    %mul3A_46 = arith.constant 640 : i32
    %mul3A_47 = arith.muli %arg1, %mul3A_46 : i32
    %add3A_48 = arith.constant 128 : i32
    %add3A_49 = arith.addi %mul3A_47, %add3A_48 : i32
    "tpu.region"() ({
      %run_scoped3A = tpu.sem_alloc : memref<!tpu.dma_semaphore, #tpu.memory_space<semaphore_mem>>
      %dma_start3A = arith.constant 0 : i32
      %dma_start3A_78 = tpu.memref_slice %arg8[%add3A_49, %dma_start3A] : memref<10240x128xf32, #tpu.memory_space<vmem_shared>> -> memref<128x128xf32, #tpu.memory_space<vmem_shared>>
      %dma_start3A_79 = arith.constant 0 : i32
      %dma_start3A_80 = tpu.memref_slice %arg8[%add3A_49, %dma_start3A_79] : memref<10240x128xf32, #tpu.memory_space<vmem_shared>> -> memref<128x128xf32, #tpu.memory_space<vmem_shared>>
      tpu.enqueue_dma source(%dma_start3A_80 : memref<128x128xf32, #tpu.memory_space<vmem_shared>>) target(%arg7 : memref<128x128xf32, #tpu.memory_space<vmem>>) target_semaphore(%run_scoped3A : memref<!tpu.dma_semaphore, #tpu.memory_space<semaphore_mem>>)
      %dma_wait3A = arith.constant 0 : i32
      %dma_wait3A_81 = tpu.memref_slice %arg8[%add3A_49, %dma_wait3A] : memref<10240x128xf32, #tpu.memory_space<vmem_shared>> -> memref<128x128xf32, #tpu.memory_space<vmem_shared>>
      %dma_wait3A_82 = arith.constant 0 : i32
      %dma_wait3A_83 = tpu.memref_slice %arg8[%add3A_49, %dma_wait3A_82] : memref<10240x128xf32, #tpu.memory_space<vmem_shared>> -> memref<128x128xf32, #tpu.memory_space<vmem_shared>>
      tpu.wait_dma2 semaphore(%run_scoped3A : memref<!tpu.dma_semaphore, #tpu.memory_space<semaphore_mem>>) src(%dma_wait3A_83 : memref<128x128xf32, #tpu.memory_space<vmem_shared>>) dst(%arg7 : memref<128x128xf32, #tpu.memory_space<vmem>>)
      tpu.yield
    }) : () -> ()
    %mul3A_50 = arith.constant 640 : i32
    %mul3A_51 = arith.muli %arg1, %mul3A_50 : i32
    %add3A_52 = arith.constant 128 : i32
    %add3A_53 = arith.addi %mul3A_51, %add3A_52 : i32
    "tpu.region"() ({
      %run_scoped3A = tpu.sem_alloc : memref<!tpu.dma_semaphore, #tpu.memory_space<semaphore_mem>>
      %dma_start3A = arith.constant 0 : i32
      %dma_start3A_78 = tpu.memref_slice %arg4[%arg0, %add3A_53, %dma_start3A] : memref<2x10240x128xf32, #tpu.memory_space<hbm>> -> memref<1x128x128xf32, #tpu.memory_space<hbm>>
      %dma_start3A_79 = tpu.memref_squeeze %dma_start3A_78 : memref<1x128x128xf32, #tpu.memory_space<hbm>> -> memref<128x128xf32, #tpu.memory_space<hbm>>
      %dma_start3A_80 = arith.constant 0 : i32
      %dma_start3A_81 = tpu.memref_slice %arg4[%arg0, %add3A_53, %dma_start3A_80] : memref<2x10240x128xf32, #tpu.memory_space<hbm>> -> memref<1x128x128xf32, #tpu.memory_space<hbm>>
      %dma_start3A_82 = tpu.memref_squeeze %dma_start3A_81 : memref<1x128x128xf32, #tpu.memory_space<hbm>> -> memref<128x128xf32, #tpu.memory_space<hbm>>
      tpu.enqueue_dma source(%arg7 : memref<128x128xf32, #tpu.memory_space<vmem>>) target(%dma_start3A_82 : memref<128x128xf32, #tpu.memory_space<hbm>>) target_semaphore(%run_scoped3A : memref<!tpu.dma_semaphore, #tpu.memory_space<semaphore_mem>>)
      %dma_wait3A = arith.constant 0 : i32
      %dma_wait3A_83 = tpu.memref_slice %arg4[%arg0, %add3A_53, %dma_wait3A] : memref<2x10240x128xf32, #tpu.memory_space<hbm>> -> memref<1x128x128xf32, #tpu.memory_space<hbm>>
      %dma_wait3A_84 = tpu.memref_squeeze %dma_wait3A_83 : memref<1x128x128xf32, #tpu.memory_space<hbm>> -> memref<128x128xf32, #tpu.memory_space<hbm>>
      %dma_wait3A_85 = arith.constant 0 : i32
      %dma_wait3A_86 = tpu.memref_slice %arg4[%arg0, %add3A_53, %dma_wait3A_85] : memref<2x10240x128xf32, #tpu.memory_space<hbm>> -> memref<1x128x128xf32, #tpu.memory_space<hbm>>
      %dma_wait3A_87 = tpu.memref_squeeze %dma_wait3A_86 : memref<1x128x128xf32, #tpu.memory_space<hbm>> -> memref<128x128xf32, #tpu.memory_space<hbm>>
      tpu.wait_dma2 semaphore(%run_scoped3A : memref<!tpu.dma_semaphore, #tpu.memory_space<semaphore_mem>>) src(%arg7 : memref<128x128xf32, #tpu.memory_space<vmem>>) dst(%dma_wait3A_87 : memref<128x128xf32, #tpu.memory_space<hbm>>)
      tpu.yield
    }) : () -> ()
    %mul3A_54 = arith.constant 640 : i32
    %mul3A_55 = arith.muli %arg1, %mul3A_54 : i32
    %add3A_56 = arith.constant 256 : i32
    %add3A_57 = arith.addi %mul3A_55, %add3A_56 : i32
    "tpu.region"() ({
      %run_scoped3A = tpu.sem_alloc : memref<!tpu.dma_semaphore, #tpu.memory_space<semaphore_mem>>
      %dma_start3A = arith.constant 0 : i32
      %dma_start3A_78 = tpu.memref_slice %arg8[%add3A_57, %dma_start3A] : memref<10240x128xf32, #tpu.memory_space<vmem_shared>> -> memref<128x128xf32, #tpu.memory_space<vmem_shared>>
      %dma_start3A_79 = arith.constant 0 : i32
      %dma_start3A_80 = tpu.memref_slice %arg8[%add3A_57, %dma_start3A_79] : memref<10240x128xf32, #tpu.memory_space<vmem_shared>> -> memref<128x128xf32, #tpu.memory_space<vmem_shared>>
      tpu.enqueue_dma source(%dma_start3A_80 : memref<128x128xf32, #tpu.memory_space<vmem_shared>>) target(%arg7 : memref<128x128xf32, #tpu.memory_space<vmem>>) target_semaphore(%run_scoped3A : memref<!tpu.dma_semaphore, #tpu.memory_space<semaphore_mem>>)
      %dma_wait3A = arith.constant 0 : i32
      %dma_wait3A_81 = tpu.memref_slice %arg8[%add3A_57, %dma_wait3A] : memref<10240x128xf32, #tpu.memory_space<vmem_shared>> -> memref<128x128xf32, #tpu.memory_space<vmem_shared>>
      %dma_wait3A_82 = arith.constant 0 : i32
      %dma_wait3A_83 = tpu.memref_slice %arg8[%add3A_57, %dma_wait3A_82] : memref<10240x128xf32, #tpu.memory_space<vmem_shared>> -> memref<128x128xf32, #tpu.memory_space<vmem_shared>>
      tpu.wait_dma2 semaphore(%run_scoped3A : memref<!tpu.dma_semaphore, #tpu.memory_space<semaphore_mem>>) src(%dma_wait3A_83 : memref<128x128xf32, #tpu.memory_space<vmem_shared>>) dst(%arg7 : memref<128x128xf32, #tpu.memory_space<vmem>>)
      tpu.yield
    }) : () -> ()
    %mul3A_58 = arith.constant 640 : i32
    %mul3A_59 = arith.muli %arg1, %mul3A_58 : i32
    %add3A_60 = arith.constant 256 : i32
    %add3A_61 = arith.addi %mul3A_59, %add3A_60 : i32
    "tpu.region"() ({
      %run_scoped3A = tpu.sem_alloc : memref<!tpu.dma_semaphore, #tpu.memory_space<semaphore_mem>>
      %dma_start3A = arith.constant 0 : i32
      %dma_start3A_78 = tpu.memref_slice %arg4[%arg0, %add3A_61, %dma_start3A] : memref<2x10240x128xf32, #tpu.memory_space<hbm>> -> memref<1x128x128xf32, #tpu.memory_space<hbm>>
      %dma_start3A_79 = tpu.memref_squeeze %dma_start3A_78 : memref<1x128x128xf32, #tpu.memory_space<hbm>> -> memref<128x128xf32, #tpu.memory_space<hbm>>
      %dma_start3A_80 = arith.constant 0 : i32
      %dma_start3A_81 = tpu.memref_slice %arg4[%arg0, %add3A_61, %dma_start3A_80] : memref<2x10240x128xf32, #tpu.memory_space<hbm>> -> memref<1x128x128xf32, #tpu.memory_space<hbm>>
      %dma_start3A_82 = tpu.memref_squeeze %dma_start3A_81 : memref<1x128x128xf32, #tpu.memory_space<hbm>> -> memref<128x128xf32, #tpu.memory_space<hbm>>
      tpu.enqueue_dma source(%arg7 : memref<128x128xf32, #tpu.memory_space<vmem>>) target(%dma_start3A_82 : memref<128x128xf32, #tpu.memory_space<hbm>>) target_semaphore(%run_scoped3A : memref<!tpu.dma_semaphore, #tpu.memory_space<semaphore_mem>>)
      %dma_wait3A = arith.constant 0 : i32
      %dma_wait3A_83 = tpu.memref_slice %arg4[%arg0, %add3A_61, %dma_wait3A] : memref<2x10240x128xf32, #tpu.memory_space<hbm>> -> memref<1x128x128xf32, #tpu.memory_space<hbm>>
      %dma_wait3A_84 = tpu.memref_squeeze %dma_wait3A_83 : memref<1x128x128xf32, #tpu.memory_space<hbm>> -> memref<128x128xf32, #tpu.memory_space<hbm>>
      %dma_wait3A_85 = arith.constant 0 : i32
      %dma_wait3A_86 = tpu.memref_slice %arg4[%arg0, %add3A_61, %dma_wait3A_85] : memref<2x10240x128xf32, #tpu.memory_space<hbm>> -> memref<1x128x128xf32, #tpu.memory_space<hbm>>
      %dma_wait3A_87 = tpu.memref_squeeze %dma_wait3A_86 : memref<1x128x128xf32, #tpu.memory_space<hbm>> -> memref<128x128xf32, #tpu.memory_space<hbm>>
      tpu.wait_dma2 semaphore(%run_scoped3A : memref<!tpu.dma_semaphore, #tpu.memory_space<semaphore_mem>>) src(%arg7 : memref<128x128xf32, #tpu.memory_space<vmem>>) dst(%dma_wait3A_87 : memref<128x128xf32, #tpu.memory_space<hbm>>)
      tpu.yield
    }) : () -> ()
    %mul3A_62 = arith.constant 640 : i32
    %mul3A_63 = arith.muli %arg1, %mul3A_62 : i32
    %add3A_64 = arith.constant 384 : i32
    %add3A_65 = arith.addi %mul3A_63, %add3A_64 : i32
    "tpu.region"() ({
      %run_scoped3A = tpu.sem_alloc : memref<!tpu.dma_semaphore, #tpu.memory_space<semaphore_mem>>
      %dma_start3A = arith.constant 0 : i32
      %dma_start3A_78 = tpu.memref_slice %arg8[%add3A_65, %dma_start3A] : memref<10240x128xf32, #tpu.memory_space<vmem_shared>> -> memref<128x128xf32, #tpu.memory_space<vmem_shared>>
      %dma_start3A_79 = arith.constant 0 : i32
      %dma_start3A_80 = tpu.memref_slice %arg8[%add3A_65, %dma_start3A_79] : memref<10240x128xf32, #tpu.memory_space<vmem_shared>> -> memref<128x128xf32, #tpu.memory_space<vmem_shared>>
      tpu.enqueue_dma source(%dma_start3A_80 : memref<128x128xf32, #tpu.memory_space<vmem_shared>>) target(%arg7 : memref<128x128xf32, #tpu.memory_space<vmem>>) target_semaphore(%run_scoped3A : memref<!tpu.dma_semaphore, #tpu.memory_space<semaphore_mem>>)
      %dma_wait3A = arith.constant 0 : i32
      %dma_wait3A_81 = tpu.memref_slice %arg8[%add3A_65, %dma_wait3A] : memref<10240x128xf32, #tpu.memory_space<vmem_shared>> -> memref<128x128xf32, #tpu.memory_space<vmem_shared>>
      %dma_wait3A_82 = arith.constant 0 : i32
      %dma_wait3A_83 = tpu.memref_slice %arg8[%add3A_65, %dma_wait3A_82] : memref<10240x128xf32, #tpu.memory_space<vmem_shared>> -> memref<128x128xf32, #tpu.memory_space<vmem_shared>>
      tpu.wait_dma2 semaphore(%run_scoped3A : memref<!tpu.dma_semaphore, #tpu.memory_space<semaphore_mem>>) src(%dma_wait3A_83 : memref<128x128xf32, #tpu.memory_space<vmem_shared>>) dst(%arg7 : memref<128x128xf32, #tpu.memory_space<vmem>>)
      tpu.yield
    }) : () -> ()
    %mul3A_66 = arith.constant 640 : i32
    %mul3A_67 = arith.muli %arg1, %mul3A_66 : i32
    %add3A_68 = arith.constant 384 : i32
    %add3A_69 = arith.addi %mul3A_67, %add3A_68 : i32
    "tpu.region"() ({
      %run_scoped3A = tpu.sem_alloc : memref<!tpu.dma_semaphore, #tpu.memory_space<semaphore_mem>>
      %dma_start3A = arith.constant 0 : i32
      %dma_start3A_78 = tpu.memref_slice %arg4[%arg0, %add3A_69, %dma_start3A] : memref<2x10240x128xf32, #tpu.memory_space<hbm>> -> memref<1x128x128xf32, #tpu.memory_space<hbm>>
      %dma_start3A_79 = tpu.memref_squeeze %dma_start3A_78 : memref<1x128x128xf32, #tpu.memory_space<hbm>> -> memref<128x128xf32, #tpu.memory_space<hbm>>
      %dma_start3A_80 = arith.constant 0 : i32
      %dma_start3A_81 = tpu.memref_slice %arg4[%arg0, %add3A_69, %dma_start3A_80] : memref<2x10240x128xf32, #tpu.memory_space<hbm>> -> memref<1x128x128xf32, #tpu.memory_space<hbm>>
      %dma_start3A_82 = tpu.memref_squeeze %dma_start3A_81 : memref<1x128x128xf32, #tpu.memory_space<hbm>> -> memref<128x128xf32, #tpu.memory_space<hbm>>
      tpu.enqueue_dma source(%arg7 : memref<128x128xf32, #tpu.memory_space<vmem>>) target(%dma_start3A_82 : memref<128x128xf32, #tpu.memory_space<hbm>>) target_semaphore(%run_scoped3A : memref<!tpu.dma_semaphore, #tpu.memory_space<semaphore_mem>>)
      %dma_wait3A = arith.constant 0 : i32
      %dma_wait3A_83 = tpu.memref_slice %arg4[%arg0, %add3A_69, %dma_wait3A] : memref<2x10240x128xf32, #tpu.memory_space<hbm>> -> memref<1x128x128xf32, #tpu.memory_space<hbm>>
      %dma_wait3A_84 = tpu.memref_squeeze %dma_wait3A_83 : memref<1x128x128xf32, #tpu.memory_space<hbm>> -> memref<128x128xf32, #tpu.memory_space<hbm>>
      %dma_wait3A_85 = arith.constant 0 : i32
      %dma_wait3A_86 = tpu.memref_slice %arg4[%arg0, %add3A_69, %dma_wait3A_85] : memref<2x10240x128xf32, #tpu.memory_space<hbm>> -> memref<1x128x128xf32, #tpu.memory_space<hbm>>
      %dma_wait3A_87 = tpu.memref_squeeze %dma_wait3A_86 : memref<1x128x128xf32, #tpu.memory_space<hbm>> -> memref<128x128xf32, #tpu.memory_space<hbm>>
      tpu.wait_dma2 semaphore(%run_scoped3A : memref<!tpu.dma_semaphore, #tpu.memory_space<semaphore_mem>>) src(%arg7 : memref<128x128xf32, #tpu.memory_space<vmem>>) dst(%dma_wait3A_87 : memref<128x128xf32, #tpu.memory_space<hbm>>)
      tpu.yield
    }) : () -> ()
    %mul3A_70 = arith.constant 640 : i32
    %mul3A_71 = arith.muli %arg1, %mul3A_70 : i32
    %add3A_72 = arith.constant 512 : i32
    %add3A_73 = arith.addi %mul3A_71, %add3A_72 : i32
    "tpu.region"() ({
      %run_scoped3A = tpu.sem_alloc : memref<!tpu.dma_semaphore, #tpu.memory_space<semaphore_mem>>
      %dma_start3A = arith.constant 0 : i32
      %dma_start3A_78 = tpu.memref_slice %arg8[%add3A_73, %dma_start3A] : memref<10240x128xf32, #tpu.memory_space<vmem_shared>> -> memref<128x128xf32, #tpu.memory_space<vmem_shared>>
      %dma_start3A_79 = arith.constant 0 : i32
      %dma_start3A_80 = tpu.memref_slice %arg8[%add3A_73, %dma_start3A_79] : memref<10240x128xf32, #tpu.memory_space<vmem_shared>> -> memref<128x128xf32, #tpu.memory_space<vmem_shared>>
      tpu.enqueue_dma source(%dma_start3A_80 : memref<128x128xf32, #tpu.memory_space<vmem_shared>>) target(%arg7 : memref<128x128xf32, #tpu.memory_space<vmem>>) target_semaphore(%run_scoped3A : memref<!tpu.dma_semaphore, #tpu.memory_space<semaphore_mem>>)
      %dma_wait3A = arith.constant 0 : i32
      %dma_wait3A_81 = tpu.memref_slice %arg8[%add3A_73, %dma_wait3A] : memref<10240x128xf32, #tpu.memory_space<vmem_shared>> -> memref<128x128xf32, #tpu.memory_space<vmem_shared>>
      %dma_wait3A_82 = arith.constant 0 : i32
      %dma_wait3A_83 = tpu.memref_slice %arg8[%add3A_73, %dma_wait3A_82] : memref<10240x128xf32, #tpu.memory_space<vmem_shared>> -> memref<128x128xf32, #tpu.memory_space<vmem_shared>>
      tpu.wait_dma2 semaphore(%run_scoped3A : memref<!tpu.dma_semaphore, #tpu.memory_space<semaphore_mem>>) src(%dma_wait3A_83 : memref<128x128xf32, #tpu.memory_space<vmem_shared>>) dst(%arg7 : memref<128x128xf32, #tpu.memory_space<vmem>>)
      tpu.yield
    }) : () -> ()
    %mul3A_74 = arith.constant 640 : i32
    %mul3A_75 = arith.muli %arg1, %mul3A_74 : i32
    %add3A_76 = arith.constant 512 : i32
    %add3A_77 = arith.addi %mul3A_75, %add3A_76 : i32
    "tpu.region"() ({
      %run_scoped3A = tpu.sem_alloc : memref<!tpu.dma_semaphore, #tpu.memory_space<semaphore_mem>>
      %dma_start3A = arith.constant 0 : i32
      %dma_start3A_78 = tpu.memref_slice %arg4[%arg0, %add3A_77, %dma_start3A] : memref<2x10240x128xf32, #tpu.memory_space<hbm>> -> memref<1x128x128xf32, #tpu.memory_space<hbm>>
      %dma_start3A_79 = tpu.memref_squeeze %dma_start3A_78 : memref<1x128x128xf32, #tpu.memory_space<hbm>> -> memref<128x128xf32, #tpu.memory_space<hbm>>
      %dma_start3A_80 = arith.constant 0 : i32
      %dma_start3A_81 = tpu.memref_slice %arg4[%arg0, %add3A_77, %dma_start3A_80] : memref<2x10240x128xf32, #tpu.memory_space<hbm>> -> memref<1x128x128xf32, #tpu.memory_space<hbm>>
      %dma_start3A_82 = tpu.memref_squeeze %dma_start3A_81 : memref<1x128x128xf32, #tpu.memory_space<hbm>> -> memref<128x128xf32, #tpu.memory_space<hbm>>
      tpu.enqueue_dma source(%arg7 : memref<128x128xf32, #tpu.memory_space<vmem>>) target(%dma_start3A_82 : memref<128x128xf32, #tpu.memory_space<hbm>>) target_semaphore(%run_scoped3A : memref<!tpu.dma_semaphore, #tpu.memory_space<semaphore_mem>>)
      %dma_wait3A = arith.constant 0 : i32
      %dma_wait3A_83 = tpu.memref_slice %arg4[%arg0, %add3A_77, %dma_wait3A] : memref<2x10240x128xf32, #tpu.memory_space<hbm>> -> memref<1x128x128xf32, #tpu.memory_space<hbm>>
      %dma_wait3A_84 = tpu.memref_squeeze %dma_wait3A_83 : memref<1x128x128xf32, #tpu.memory_space<hbm>> -> memref<128x128xf32, #tpu.memory_space<hbm>>
      %dma_wait3A_85 = arith.constant 0 : i32
      %dma_wait3A_86 = tpu.memref_slice %arg4[%arg0, %add3A_77, %dma_wait3A_85] : memref<2x10240x128xf32, #tpu.memory_space<hbm>> -> memref<1x128x128xf32, #tpu.memory_space<hbm>>
      %dma_wait3A_87 = tpu.memref_squeeze %dma_wait3A_86 : memref<1x128x128xf32, #tpu.memory_space<hbm>> -> memref<128x128xf32, #tpu.memory_space<hbm>>
      tpu.wait_dma2 semaphore(%run_scoped3A : memref<!tpu.dma_semaphore, #tpu.memory_space<semaphore_mem>>) src(%arg7 : memref<128x128xf32, #tpu.memory_space<vmem>>) dst(%dma_wait3A_87 : memref<128x128xf32, #tpu.memory_space<hbm>>)
      tpu.yield
    }) : () -> ()
    return
  }
}

module attributes {stable_mosaic.version = 14 : i64} {
  func.func @_edge_body(%arg0: i32, %arg1: memref<1x1x512xi32, #tpu.memory_space<vmem>>, %arg2: memref<1x1x512xf32, #tpu.memory_space<vmem>>, %arg3: memref<512x128xf32, #tpu.memory_space<vmem>>, %arg4: memref<64x128xf32, #tpu.memory_space<vmem>>, %arg5: memref<128x128xf32, #tpu.memory_space<vmem>>, %arg6: memref<512x128xf32, #tpu.memory_space<vmem>>) attributes {dimension_semantics = [#tpu.dimension_semantics<arbitrary>], iteration_bounds = array<i64: 625>, scalar_prefetch = 0 : i64, scratch_operands = 0 : i64, tpu.core_type = #tpu.core_type<tc>, window_params = [{transform_indices = @transform_0, window_bounds = array<i64: 1, 1, 512>}, {transform_indices = @transform_1, window_bounds = array<i64: 1, 1, 512>}, {transform_indices = @transform_2, window_bounds = array<i64: 512, 128>}, {pipeline_mode = #tpu.pipeline_mode<synchronous>, transform_indices = @transform_3, window_bounds = array<i64: 64, 128>}, {pipeline_mode = #tpu.pipeline_mode<synchronous>, transform_indices = @transform_4, window_bounds = array<i64: 128, 128>}, {transform_indices = @transform_5, window_bounds = array<i64: 512, 128>}]} {
    %get3A = arith.constant 0 : index
    %get3A_0 = arith.constant 0 : index
    %get3A_1 = arith.constant 0 : index
    %get3A_2 = vector.load %arg1[%get3A, %get3A_0, %get3A_1] : memref<1x1x512xi32, #tpu.memory_space<vmem>>, vector<1x1x512xi32>
    %get3A_3 = vector.shape_cast %get3A_2 : vector<1x1x512xi32> to vector<1x512xi32>
    %iota3A = tpu.iota {dimensions = array<i32: 0>} : vector<64x512xi32>
    %eq3A = vector.broadcast %get3A_3 : vector<1x512xi32> to vector<64x512xi32>
    %eq3A_4 = arith.cmpi eq, %iota3A, %eq3A : vector<64x512xi32>
    %convert_element_type3A = arith.extui %eq3A_4 : vector<64x512xi1> to vector<64x512xi32>
    %convert_element_type3A_5 = arith.sitofp %convert_element_type3A : vector<64x512xi32> to vector<64x512xf32>
    %get3A_6 = arith.constant 0 : index
    %get3A_7 = arith.constant 0 : index
    %get3A_8 = vector.load %arg4[%get3A_6, %get3A_7] : memref<64x128xf32, #tpu.memory_space<vmem>>, vector<64x128xf32>
    %convert_element_type3A_9 = arith.truncf %get3A_8 : vector<64x128xf32> to vector<64x128xbf16>
    %convert_element_type3A_10 = arith.extf %convert_element_type3A_9 : vector<64x128xbf16> to vector<64x128xf32>
    %sub3A = arith.subf %get3A_8, %convert_element_type3A_10 : vector<64x128xf32>
    %convert_element_type3A_11 = arith.truncf %sub3A : vector<64x128xf32> to vector<64x128xbf16>
    %convert_element_type3A_12 = arith.extf %convert_element_type3A_11 : vector<64x128xbf16> to vector<64x128xf32>
    %sub3A_13 = arith.subf %sub3A, %convert_element_type3A_12 : vector<64x128xf32>
    %dot_general3A = arith.constant dense<0.000000e+00> : vector<512x128xf32>
    %dot_general3A_14 = tpu.matmul %convert_element_type3A_5, %convert_element_type3A_10, %dot_general3A {dimension_numbers = #tpu.dot_dimension_numbers<[0], [0], [1], [1], [0, 1, 1, 1], [], []>, transpose_lhs_hint = false} : vector<64x512xf32>, vector<64x128xf32>, vector<512x128xf32> -> vector<512x128xf32>
    %dot_general3A_15 = arith.constant dense<0.000000e+00> : vector<512x128xf32>
    %dot_general3A_16 = tpu.matmul %convert_element_type3A_5, %convert_element_type3A_12, %dot_general3A_15 {dimension_numbers = #tpu.dot_dimension_numbers<[0], [0], [1], [1], [0, 1, 1, 1], [], []>, transpose_lhs_hint = false} : vector<64x512xf32>, vector<64x128xf32>, vector<512x128xf32> -> vector<512x128xf32>
    %add3A = arith.addf %dot_general3A_14, %dot_general3A_16 : vector<512x128xf32>
    %dot_general3A_17 = arith.constant dense<0.000000e+00> : vector<512x128xf32>
    %dot_general3A_18 = tpu.matmul %convert_element_type3A_5, %sub3A_13, %dot_general3A_17 {dimension_numbers = #tpu.dot_dimension_numbers<[0], [0], [1], [1], [0, 1, 1, 1], [], []>, transpose_lhs_hint = false} : vector<64x512xf32>, vector<64x128xf32>, vector<512x128xf32> -> vector<512x128xf32>
    %add3A_19 = arith.addf %add3A, %dot_general3A_18 : vector<512x128xf32>
    %get3A_20 = arith.constant 0 : index
    %get3A_21 = arith.constant 0 : index
    %get3A_22 = vector.load %arg3[%get3A_20, %get3A_21] : memref<512x128xf32, #tpu.memory_space<vmem>>, vector<512x128xf32>
    %mul3A = arith.mulf %add3A_19, %get3A_22 : vector<512x128xf32>
    %get3A_23 = arith.constant 0 : index
    %get3A_24 = arith.constant 0 : index
    %get3A_25 = vector.load %arg5[%get3A_23, %get3A_24] : memref<128x128xf32, #tpu.memory_space<vmem>>, vector<128x128xf32>
    %dot_general3A_26 = arith.constant dense<0.000000e+00> : vector<512x128xf32>
    %dot_general3A_27 = tpu.matmul %mul3A, %get3A_25, %dot_general3A_26 {dimension_numbers = #tpu.dot_dimension_numbers<[1], [0], [0], [1], [0, 0, 1, 1], [], []>, transpose_lhs_hint = false} : vector<512x128xf32>, vector<128x128xf32>, vector<512x128xf32> -> vector<512x128xf32>
    %gt3A = arith.constant 0.000000e+00 : f32
    %gt3A_28 = vector.broadcast %gt3A : f32 to vector<512x128xf32>
    %gt3A_29 = arith.cmpf ogt, %dot_general3A_27, %gt3A_28 : vector<512x128xf32>
    %exp3A = math.exp %dot_general3A_27 : vector<512x128xf32>
    %sub3A_30 = arith.constant 1.000000e+00 : f32
    %sub3A_31 = vector.broadcast %sub3A_30 : f32 to vector<512x128xf32>
    %sub3A_32 = arith.subf %exp3A, %sub3A_31 : vector<512x128xf32>
    %select_n3A = arith.select %gt3A_29, %dot_general3A_27, %sub3A_32 : vector<512x128xi1>, vector<512x128xf32>
    %get3A_33 = arith.constant 0 : index
    %get3A_34 = arith.constant 0 : index
    %get3A_35 = arith.constant 0 : index
    %get3A_36 = vector.load %arg2[%get3A_33, %get3A_34, %get3A_35] : memref<1x1x512xf32, #tpu.memory_space<vmem>>, vector<1x1x512xf32>
    %get3A_37 = vector.shape_cast %get3A_36 : vector<1x1x512xf32> to vector<1x512xf32>
    %transpose3A = tpu.transpose %get3A_37, [1, 0] : vector<1x512xf32> -> vector<512x1xf32>
    %mul3A_38 = vector.broadcast %transpose3A : vector<512x1xf32> to vector<512x128xf32>
    %mul3A_39 = arith.mulf %mul3A_38, %select_n3A : vector<512x128xf32>
    %swap3A = arith.constant 0 : index
    %swap3A_40 = arith.constant 0 : index
    %swap3A_41 = vector.load %arg6[%swap3A, %swap3A_40] : memref<512x128xf32, #tpu.memory_space<vmem>>, vector<512x128xf32>
    tpu.vector_store %arg6[%swap3A, %swap3A_40], %mul3A_39 {strides = array<i32>} : memref<512x128xf32, #tpu.memory_space<vmem>>, vector<512x128xf32>,
    return
  }
  func.func @transform_0(%arg0: i32) -> (i32, i32, i32) {
    %c0_i32 = arith.constant 0 : i32
    %c0_i32_0 = arith.constant 0 : i32
    %c0_i32_1 = arith.constant 0 : i32
    return %arg0, %c0_i32, %c0_i32_0 : i32, i32, i32
  }
  func.func @transform_1(%arg0: i32) -> (i32, i32, i32) {
    %c0_i32 = arith.constant 0 : i32
    %c0_i32_0 = arith.constant 0 : i32
    %c0_i32_1 = arith.constant 0 : i32
    return %arg0, %c0_i32, %c0_i32_0 : i32, i32, i32
  }
  func.func @transform_2(%arg0: i32) -> (i32, i32) {
    %c0_i32 = arith.constant 0 : i32
    %c0_i32_0 = arith.constant 0 : i32
    return %arg0, %c0_i32 : i32, i32
  }
  func.func @transform_3(%arg0: i32) -> (i32, i32) {
    %c0_i32 = arith.constant 0 : i32
    %c0_i32_0 = arith.constant 0 : i32
    %c0_i32_1 = arith.constant 0 : i32
    return %c0_i32, %c0_i32_0 : i32, i32
  }
  func.func @transform_4(%arg0: i32) -> (i32, i32) {
    %c0_i32 = arith.constant 0 : i32
    %c0_i32_0 = arith.constant 0 : i32
    %c0_i32_1 = arith.constant 0 : i32
    return %c0_i32, %c0_i32_0 : i32, i32
  }
  func.func @transform_5(%arg0: i32) -> (i32, i32) {
    %c0_i32 = arith.constant 0 : i32
    %c0_i32_0 = arith.constant 0 : i32
    return %arg0, %c0_i32 : i32, i32
  }
}

module attributes {stable_mosaic.version = 14 : i64} {
  func.func @_node_body(%arg0: i32, %arg1: memref<1x1x400xi32, #tpu.memory_space<vmem>>, %arg2: memref<400x1024xf32, #tpu.memory_space<vmem>>, %arg3: memref<64x8xf32, #tpu.memory_space<vmem>>, %arg4: memref<64x128xf32, #tpu.memory_space<vmem>>, %arg5: memref<1024x128xf32, #tpu.memory_space<vmem>>, %arg6: memref<1x128xf32, #tpu.memory_space<vmem>>, %arg7: memref<1x1x400xf32, #tpu.memory_space<vmem>>) attributes {dimension_semantics = [#tpu.dimension_semantics<arbitrary>], iteration_bounds = array<i64: 25>, scalar_prefetch = 0 : i64, scratch_operands = 0 : i64, tpu.core_type = #tpu.core_type<tc>, window_params = [{transform_indices = @transform_0, window_bounds = array<i64: 1, 1, 400>}, {transform_indices = @transform_1, window_bounds = array<i64: 400, 1024>}, {pipeline_mode = #tpu.pipeline_mode<synchronous>, transform_indices = @transform_2, window_bounds = array<i64: 64, 8>}, {pipeline_mode = #tpu.pipeline_mode<synchronous>, transform_indices = @transform_3, window_bounds = array<i64: 64, 128>}, {pipeline_mode = #tpu.pipeline_mode<synchronous>, transform_indices = @transform_4, window_bounds = array<i64: 1024, 128>}, {pipeline_mode = #tpu.pipeline_mode<synchronous>, transform_indices = @transform_5, window_bounds = array<i64: 1, 128>}, {transform_indices = @transform_6, window_bounds = array<i64: 1, 1, 400>}]} {
    %get3A = arith.constant 0 : index
    %get3A_0 = arith.constant 0 : index
    %get3A_1 = arith.constant 0 : index
    %get3A_2 = vector.load %arg1[%get3A, %get3A_0, %get3A_1] : memref<1x1x400xi32, #tpu.memory_space<vmem>>, vector<1x1x400xi32>
    %get3A_3 = vector.shape_cast %get3A_2 : vector<1x1x400xi32> to vector<1x400xi32>
    %iota3A = tpu.iota {dimensions = array<i32: 0>} : vector<64x400xi32>
    %eq3A = vector.broadcast %get3A_3 : vector<1x400xi32> to vector<64x400xi32>
    %eq3A_4 = arith.cmpi eq, %iota3A, %eq3A : vector<64x400xi32>
    %convert_element_type3A = arith.extui %eq3A_4 : vector<64x400xi1> to vector<64x400xi32>
    %convert_element_type3A_5 = arith.sitofp %convert_element_type3A : vector<64x400xi32> to vector<64x400xf32>
    %get3A_6 = arith.constant 0 : index
    %get3A_7 = arith.constant 0 : index
    %get3A_8 = vector.load %arg3[%get3A_6, %get3A_7] : memref<64x8xf32, #tpu.memory_space<vmem>>, vector<64x8xf32>
    %convert_element_type3A_9 = arith.truncf %get3A_8 : vector<64x8xf32> to vector<64x8xbf16>
    %convert_element_type3A_10 = arith.extf %convert_element_type3A_9 : vector<64x8xbf16> to vector<64x8xf32>
    %sub3A = arith.subf %get3A_8, %convert_element_type3A_10 : vector<64x8xf32>
    %convert_element_type3A_11 = arith.truncf %sub3A : vector<64x8xf32> to vector<64x8xbf16>
    %convert_element_type3A_12 = arith.extf %convert_element_type3A_11 : vector<64x8xbf16> to vector<64x8xf32>
    %sub3A_13 = arith.subf %sub3A, %convert_element_type3A_12 : vector<64x8xf32>
    %dot_general3A = arith.constant dense<0.000000e+00> : vector<400x8xf32>
    %dot_general3A_14 = tpu.matmul %convert_element_type3A_5, %convert_element_type3A_10, %dot_general3A {dimension_numbers = #tpu.dot_dimension_numbers<[0], [0], [1], [1], [0, 1, 1, 1], [], []>, transpose_lhs_hint = false} : vector<64x400xf32>, vector<64x8xf32>, vector<400x8xf32> -> vector<400x8xf32>
    %dot_general3A_15 = arith.constant dense<0.000000e+00> : vector<400x8xf32>
    %dot_general3A_16 = tpu.matmul %convert_element_type3A_5, %convert_element_type3A_12, %dot_general3A_15 {dimension_numbers = #tpu.dot_dimension_numbers<[0], [0], [1], [1], [0, 1, 1, 1], [], []>, transpose_lhs_hint = false} : vector<64x400xf32>, vector<64x8xf32>, vector<400x8xf32> -> vector<400x8xf32>
    %add3A = arith.addf %dot_general3A_14, %dot_general3A_16 : vector<400x8xf32>
    %dot_general3A_17 = arith.constant dense<0.000000e+00> : vector<400x8xf32>
    %dot_general3A_18 = tpu.matmul %convert_element_type3A_5, %sub3A_13, %dot_general3A_17 {dimension_numbers = #tpu.dot_dimension_numbers<[0], [0], [1], [1], [0, 1, 1, 1], [], []>, transpose_lhs_hint = false} : vector<64x400xf32>, vector<64x8xf32>, vector<400x8xf32> -> vector<400x8xf32>
    %add3A_19 = arith.addf %add3A, %dot_general3A_18 : vector<400x8xf32>
    %get3A_20 = arith.constant 0 : index
    %get3A_21 = arith.constant 0 : index
    %get3A_22 = vector.load %arg4[%get3A_20, %get3A_21] : memref<64x128xf32, #tpu.memory_space<vmem>>, vector<64x128xf32>
    %convert_element_type3A_23 = arith.truncf %get3A_22 : vector<64x128xf32> to vector<64x128xbf16>
    %convert_element_type3A_24 = arith.extf %convert_element_type3A_23 : vector<64x128xbf16> to vector<64x128xf32>
    %sub3A_25 = arith.subf %get3A_22, %convert_element_type3A_24 : vector<64x128xf32>
    %convert_element_type3A_26 = arith.truncf %sub3A_25 : vector<64x128xf32> to vector<64x128xbf16>
    %convert_element_type3A_27 = arith.extf %convert_element_type3A_26 : vector<64x128xbf16> to vector<64x128xf32>
    %sub3A_28 = arith.subf %sub3A_25, %convert_element_type3A_27 : vector<64x128xf32>
    %dot_general3A_29 = arith.constant dense<0.000000e+00> : vector<400x128xf32>
    %dot_general3A_30 = tpu.matmul %convert_element_type3A_5, %convert_element_type3A_24, %dot_general3A_29 {dimension_numbers = #tpu.dot_dimension_numbers<[0], [0], [1], [1], [0, 1, 1, 1], [], []>, transpose_lhs_hint = false} : vector<64x400xf32>, vector<64x128xf32>, vector<400x128xf32> -> vector<400x128xf32>
    %dot_general3A_31 = arith.constant dense<0.000000e+00> : vector<400x128xf32>
    %dot_general3A_32 = tpu.matmul %convert_element_type3A_5, %convert_element_type3A_27, %dot_general3A_31 {dimension_numbers = #tpu.dot_dimension_numbers<[0], [0], [1], [1], [0, 1, 1, 1], [], []>, transpose_lhs_hint = false} : vector<64x400xf32>, vector<64x128xf32>, vector<400x128xf32> -> vector<400x128xf32>
    %add3A_33 = arith.addf %dot_general3A_30, %dot_general3A_32 : vector<400x128xf32>
    %dot_general3A_34 = arith.constant dense<0.000000e+00> : vector<400x128xf32>
    %dot_general3A_35 = tpu.matmul %convert_element_type3A_5, %sub3A_28, %dot_general3A_34 {dimension_numbers = #tpu.dot_dimension_numbers<[0], [0], [1], [1], [0, 1, 1, 1], [], []>, transpose_lhs_hint = false} : vector<64x400xf32>, vector<64x128xf32>, vector<400x128xf32> -> vector<400x128xf32>
    %add3A_36 = arith.addf %add3A_33, %dot_general3A_35 : vector<400x128xf32>
    %broadcast_in_dim3A = arith.constant 0.000000e+00 : f32
    %broadcast_in_dim3A_37 = vector.broadcast %broadcast_in_dim3A : f32 to vector<400x128xf32>
    %get3A_38 = arith.constant 0 : index
    %get3A_39 = arith.constant 0 : index
    %get3A_40 = vector.load %arg2[%get3A_38, %get3A_39] : memref<400x1024xf32, #tpu.memory_space<vmem>>, vector<400x128xf32>
    %slice3A = vector.extract_strided_slice %add3A_19 {offsets = [0, 0], sizes = [400, 1], strides = [1, 1]} : vector<400x8xf32> to vector<400x1xf32>
    %mul3A = vector.broadcast %slice3A : vector<400x1xf32> to vector<400x128xf32>
    %mul3A_41 = arith.mulf %mul3A, %add3A_36 : vector<400x128xf32>
    %mul3A_42 = arith.mulf %mul3A_41, %get3A_40 : vector<400x128xf32>
    %get3A_43 = arith.constant 0 : index
    %get3A_44 = arith.constant 0 : index
    %get3A_45 = vector.load %arg5[%get3A_43, %get3A_44] : memref<1024x128xf32, #tpu.memory_space<vmem>>, vector<128x128xf32>
    %dot_general3A_46 = arith.constant dense<0.000000e+00> : vector<400x128xf32>
    %dot_general3A_47 = tpu.matmul %mul3A_42, %get3A_45, %dot_general3A_46 {dimension_numbers = #tpu.dot_dimension_numbers<[1], [0], [0], [1], [0, 0, 1, 1], [], []>, transpose_lhs_hint = false} : vector<400x128xf32>, vector<128x128xf32>, vector<400x128xf32> -> vector<400x128xf32>
    %add3A_48 = arith.addf %broadcast_in_dim3A_37, %dot_general3A_47 : vector<400x128xf32>
    %get3A_49 = arith.constant 0 : index
    %get3A_50 = arith.constant 128 : index
    %get3A_51 = vector.load %arg2[%get3A_49, %get3A_50] : memref<400x1024xf32, #tpu.memory_space<vmem>>, vector<400x128xf32>
    %slice3A_52 = vector.extract_strided_slice %add3A_19 {offsets = [0, 1], sizes = [400, 1], strides = [1, 1]} : vector<400x8xf32> to vector<400x1xf32>
    %mul3A_53 = vector.broadcast %slice3A_52 : vector<400x1xf32> to vector<400x128xf32>
    %mul3A_54 = arith.mulf %mul3A_53, %add3A_36 : vector<400x128xf32>
    %mul3A_55 = arith.mulf %mul3A_54, %get3A_51 : vector<400x128xf32>
    %get3A_56 = arith.constant 128 : index
    %get3A_57 = arith.constant 0 : index
    %get3A_58 = vector.load %arg5[%get3A_56, %get3A_57] : memref<1024x128xf32, #tpu.memory_space<vmem>>, vector<128x128xf32>
    %dot_general3A_59 = arith.constant dense<0.000000e+00> : vector<400x128xf32>
    %dot_general3A_60 = tpu.matmul %mul3A_55, %get3A_58, %dot_general3A_59 {dimension_numbers = #tpu.dot_dimension_numbers<[1], [0], [0], [1], [0, 0, 1, 1], [], []>, transpose_lhs_hint = false} : vector<400x128xf32>, vector<128x128xf32>, vector<400x128xf32> -> vector<400x128xf32>
    %add3A_61 = arith.addf %add3A_48, %dot_general3A_60 : vector<400x128xf32>
    %get3A_62 = arith.constant 0 : index
    %get3A_63 = arith.constant 256 : index
    %get3A_64 = vector.load %arg2[%get3A_62, %get3A_63] : memref<400x1024xf32, #tpu.memory_space<vmem>>, vector<400x128xf32>
    %slice3A_65 = vector.extract_strided_slice %add3A_19 {offsets = [0, 2], sizes = [400, 1], strides = [1, 1]} : vector<400x8xf32> to vector<400x1xf32>
    %mul3A_66 = vector.broadcast %slice3A_65 : vector<400x1xf32> to vector<400x128xf32>
    %mul3A_67 = arith.mulf %mul3A_66, %add3A_36 : vector<400x128xf32>
    %mul3A_68 = arith.mulf %mul3A_67, %get3A_64 : vector<400x128xf32>
    %get3A_69 = arith.constant 256 : index
    %get3A_70 = arith.constant 0 : index
    %get3A_71 = vector.load %arg5[%get3A_69, %get3A_70] : memref<1024x128xf32, #tpu.memory_space<vmem>>, vector<128x128xf32>
    %dot_general3A_72 = arith.constant dense<0.000000e+00> : vector<400x128xf32>
    %dot_general3A_73 = tpu.matmul %mul3A_68, %get3A_71, %dot_general3A_72 {dimension_numbers = #tpu.dot_dimension_numbers<[1], [0], [0], [1], [0, 0, 1, 1], [], []>, transpose_lhs_hint = false} : vector<400x128xf32>, vector<128x128xf32>, vector<400x128xf32> -> vector<400x128xf32>
    %add3A_74 = arith.addf %add3A_61, %dot_general3A_73 : vector<400x128xf32>
    %get3A_75 = arith.constant 0 : index
    %get3A_76 = arith.constant 384 : index
    %get3A_77 = vector.load %arg2[%get3A_75, %get3A_76] : memref<400x1024xf32, #tpu.memory_space<vmem>>, vector<400x128xf32>
    %slice3A_78 = vector.extract_strided_slice %add3A_19 {offsets = [0, 3], sizes = [400, 1], strides = [1, 1]} : vector<400x8xf32> to vector<400x1xf32>
    %mul3A_79 = vector.broadcast %slice3A_78 : vector<400x1xf32> to vector<400x128xf32>
    %mul3A_80 = arith.mulf %mul3A_79, %add3A_36 : vector<400x128xf32>
    %mul3A_81 = arith.mulf %mul3A_80, %get3A_77 : vector<400x128xf32>
    %get3A_82 = arith.constant 384 : index
    %get3A_83 = arith.constant 0 : index
    %get3A_84 = vector.load %arg5[%get3A_82, %get3A_83] : memref<1024x128xf32, #tpu.memory_space<vmem>>, vector<128x128xf32>
    %dot_general3A_85 = arith.constant dense<0.000000e+00> : vector<400x128xf32>
    %dot_general3A_86 = tpu.matmul %mul3A_81, %get3A_84, %dot_general3A_85 {dimension_numbers = #tpu.dot_dimension_numbers<[1], [0], [0], [1], [0, 0, 1, 1], [], []>, transpose_lhs_hint = false} : vector<400x128xf32>, vector<128x128xf32>, vector<400x128xf32> -> vector<400x128xf32>
    %add3A_87 = arith.addf %add3A_74, %dot_general3A_86 : vector<400x128xf32>
    %get3A_88 = arith.constant 0 : index
    %get3A_89 = arith.constant 512 : index
    %get3A_90 = vector.load %arg2[%get3A_88, %get3A_89] : memref<400x1024xf32, #tpu.memory_space<vmem>>, vector<400x128xf32>
    %slice3A_91 = vector.extract_strided_slice %add3A_19 {offsets = [0, 4], sizes = [400, 1], strides = [1, 1]} : vector<400x8xf32> to vector<400x1xf32>
    %mul3A_92 = vector.broadcast %slice3A_91 : vector<400x1xf32> to vector<400x128xf32>
    %mul3A_93 = arith.mulf %mul3A_92, %add3A_36 : vector<400x128xf32>
    %mul3A_94 = arith.mulf %mul3A_93, %get3A_90 : vector<400x128xf32>
    %get3A_95 = arith.constant 512 : index
    %get3A_96 = arith.constant 0 : index
    %get3A_97 = vector.load %arg5[%get3A_95, %get3A_96] : memref<1024x128xf32, #tpu.memory_space<vmem>>, vector<128x128xf32>
    %dot_general3A_98 = arith.constant dense<0.000000e+00> : vector<400x128xf32>
    %dot_general3A_99 = tpu.matmul %mul3A_94, %get3A_97, %dot_general3A_98 {dimension_numbers = #tpu.dot_dimension_numbers<[1], [0], [0], [1], [0, 0, 1, 1], [], []>, transpose_lhs_hint = false} : vector<400x128xf32>, vector<128x128xf32>, vector<400x128xf32> -> vector<400x128xf32>
    %add3A_100 = arith.addf %add3A_87, %dot_general3A_99 : vector<400x128xf32>
    %get3A_101 = arith.constant 0 : index
    %get3A_102 = arith.constant 640 : index
    %get3A_103 = vector.load %arg2[%get3A_101, %get3A_102] : memref<400x1024xf32, #tpu.memory_space<vmem>>, vector<400x128xf32>
    %slice3A_104 = vector.extract_strided_slice %add3A_19 {offsets = [0, 5], sizes = [400, 1], strides = [1, 1]} : vector<400x8xf32> to vector<400x1xf32>
    %mul3A_105 = vector.broadcast %slice3A_104 : vector<400x1xf32> to vector<400x128xf32>
    %mul3A_106 = arith.mulf %mul3A_105, %add3A_36 : vector<400x128xf32>
    %mul3A_107 = arith.mulf %mul3A_106, %get3A_103 : vector<400x128xf32>
    %get3A_108 = arith.constant 640 : index
    %get3A_109 = arith.constant 0 : index
    %get3A_110 = vector.load %arg5[%get3A_108, %get3A_109] : memref<1024x128xf32, #tpu.memory_space<vmem>>, vector<128x128xf32>
    %dot_general3A_111 = arith.constant dense<0.000000e+00> : vector<400x128xf32>
    %dot_general3A_112 = tpu.matmul %mul3A_107, %get3A_110, %dot_general3A_111 {dimension_numbers = #tpu.dot_dimension_numbers<[1], [0], [0], [1], [0, 0, 1, 1], [], []>, transpose_lhs_hint = false} : vector<400x128xf32>, vector<128x128xf32>, vector<400x128xf32> -> vector<400x128xf32>
    %add3A_113 = arith.addf %add3A_100, %dot_general3A_112 : vector<400x128xf32>
    %get3A_114 = arith.constant 0 : index
    %get3A_115 = arith.constant 768 : index
    %get3A_116 = vector.load %arg2[%get3A_114, %get3A_115] : memref<400x1024xf32, #tpu.memory_space<vmem>>, vector<400x128xf32>
    %slice3A_117 = vector.extract_strided_slice %add3A_19 {offsets = [0, 6], sizes = [400, 1], strides = [1, 1]} : vector<400x8xf32> to vector<400x1xf32>
    %mul3A_118 = vector.broadcast %slice3A_117 : vector<400x1xf32> to vector<400x128xf32>
    %mul3A_119 = arith.mulf %mul3A_118, %add3A_36 : vector<400x128xf32>
    %mul3A_120 = arith.mulf %mul3A_119, %get3A_116 : vector<400x128xf32>
    %get3A_121 = arith.constant 768 : index
    %get3A_122 = arith.constant 0 : index
    %get3A_123 = vector.load %arg5[%get3A_121, %get3A_122] : memref<1024x128xf32, #tpu.memory_space<vmem>>, vector<128x128xf32>
    %dot_general3A_124 = arith.constant dense<0.000000e+00> : vector<400x128xf32>
    %dot_general3A_125 = tpu.matmul %mul3A_120, %get3A_123, %dot_general3A_124 {dimension_numbers = #tpu.dot_dimension_numbers<[1], [0], [0], [1], [0, 0, 1, 1], [], []>, transpose_lhs_hint = false} : vector<400x128xf32>, vector<128x128xf32>, vector<400x128xf32> -> vector<400x128xf32>
    %add3A_126 = arith.addf %add3A_113, %dot_general3A_125 : vector<400x128xf32>
    %get3A_127 = arith.constant 0 : index
    %get3A_128 = arith.constant 896 : index
    %get3A_129 = vector.load %arg2[%get3A_127, %get3A_128] : memref<400x1024xf32, #tpu.memory_space<vmem>>, vector<400x128xf32>
    %slice3A_130 = vector.extract_strided_slice %add3A_19 {offsets = [0, 7], sizes = [400, 1], strides = [1, 1]} : vector<400x8xf32> to vector<400x1xf32>
    %mul3A_131 = vector.broadcast %slice3A_130 : vector<400x1xf32> to vector<400x128xf32>
    %mul3A_132 = arith.mulf %mul3A_131, %add3A_36 : vector<400x128xf32>
    %mul3A_133 = arith.mulf %mul3A_132, %get3A_129 : vector<400x128xf32>
    %get3A_134 = arith.constant 896 : index
    %get3A_135 = arith.constant 0 : index
    %get3A_136 = vector.load %arg5[%get3A_134, %get3A_135] : memref<1024x128xf32, #tpu.memory_space<vmem>>, vector<128x128xf32>
    %dot_general3A_137 = arith.constant dense<0.000000e+00> : vector<400x128xf32>
    %dot_general3A_138 = tpu.matmul %mul3A_133, %get3A_136, %dot_general3A_137 {dimension_numbers = #tpu.dot_dimension_numbers<[1], [0], [0], [1], [0, 0, 1, 1], [], []>, transpose_lhs_hint = false} : vector<400x128xf32>, vector<128x128xf32>, vector<400x128xf32> -> vector<400x128xf32>
    %add3A_139 = arith.addf %add3A_126, %dot_general3A_138 : vector<400x128xf32>
    %gt3A = arith.constant 0.000000e+00 : f32
    %gt3A_140 = vector.broadcast %gt3A : f32 to vector<400x128xf32>
    %gt3A_141 = arith.cmpf ogt, %add3A_139, %gt3A_140 : vector<400x128xf32>
    %exp3A = math.exp %add3A_139 : vector<400x128xf32>
    %sub3A_142 = arith.constant 1.000000e+00 : f32
    %sub3A_143 = vector.broadcast %sub3A_142 : f32 to vector<400x128xf32>
    %sub3A_144 = arith.subf %exp3A, %sub3A_143 : vector<400x128xf32>
    %select_n3A = arith.select %gt3A_141, %add3A_139, %sub3A_144 : vector<400x128xi1>, vector<400x128xf32>
    %get3A_145 = arith.constant 0 : index
    %get3A_146 = arith.constant 0 : index
    %get3A_147 = vector.load %arg6[%get3A_145, %get3A_146] : memref<1x128xf32, #tpu.memory_space<vmem>>, vector<1x128xf32>
    %convert_element_type3A_148 = arith.truncf %get3A_147 : vector<1x128xf32> to vector<1x128xbf16>
    %convert_element_type3A_149 = arith.truncf %select_n3A : vector<400x128xf32> to vector<400x128xbf16>
    %dot_general3A_150 = arith.constant dense<0.000000e+00> : vector<1x400xf32>
    %dot_general3A_151 = tpu.matmul %convert_element_type3A_148, %convert_element_type3A_149, %dot_general3A_150 {dimension_numbers = #tpu.dot_dimension_numbers<[1], [1], [0], [0], [0, 0, 1, 0], [], []>, transpose_lhs_hint = false} : vector<1x128xbf16>, vector<400x128xbf16>, vector<1x400xf32> -> vector<1x400xf32>
    %swap3A = arith.constant 0 : index
    %swap3A_152 = arith.constant 0 : index
    %swap3A_153 = arith.constant 0 : index
    %swap3A_154 = vector.load %arg7[%swap3A, %swap3A_152, %swap3A_153] : memref<1x1x400xf32, #tpu.memory_space<vmem>>, vector<1x1x400xf32>
    %swap3A_155 = vector.shape_cast %swap3A_154 : vector<1x1x400xf32> to vector<1x400xf32>
    %swap3A_156 = vector.shape_cast %dot_general3A_151 : vector<1x400xf32> to vector<1x1x400xf32>
    tpu.vector_store %arg7[%swap3A, %swap3A_152, %swap3A_153], %swap3A_156 {strides = array<i32>} : memref<1x1x400xf32, #tpu.memory_space<vmem>>, vector<1x1x400xf32>,
    return
  }
  func.func @transform_0(%arg0: i32) -> (i32, i32, i32) {
    %c0_i32 = arith.constant 0 : i32
    %c0_i32_0 = arith.constant 0 : i32
    %c0_i32_1 = arith.constant 0 : i32
    return %arg0, %c0_i32, %c0_i32_0 : i32, i32, i32
  }
  func.func @transform_1(%arg0: i32) -> (i32, i32) {
    %c0_i32 = arith.constant 0 : i32
    %c0_i32_0 = arith.constant 0 : i32
    return %arg0, %c0_i32 : i32, i32
  }
  func.func @transform_2(%arg0: i32) -> (i32, i32) {
    %c0_i32 = arith.constant 0 : i32
    %c0_i32_0 = arith.constant 0 : i32
    %c0_i32_1 = arith.constant 0 : i32
    return %c0_i32, %c0_i32_0 : i32, i32
  }
  func.func @transform_3(%arg0: i32) -> (i32, i32) {
    %c0_i32 = arith.constant 0 : i32
    %c0_i32_0 = arith.constant 0 : i32
    %c0_i32_1 = arith.constant 0 : i32
    return %c0_i32, %c0_i32_0 : i32, i32
  }
  func.func @transform_4(%arg0: i32) -> (i32, i32) {
    %c0_i32 = arith.constant 0 : i32
    %c0_i32_0 = arith.constant 0 : i32
    %c0_i32_1 = arith.constant 0 : i32
    return %c0_i32, %c0_i32_0 : i32, i32
  }
  func.func @transform_5(%arg0: i32) -> (i32, i32) {
    %c0_i32 = arith.constant 0 : i32
    %c0_i32_0 = arith.constant 0 : i32
    %c0_i32_1 = arith.constant 0 : i32
    return %c0_i32, %c0_i32_0 : i32, i32
  }
  func.func @transform_6(%arg0: i32) -> (i32, i32, i32) {
    %c0_i32 = arith.constant 0 : i32
    %c0_i32_0 = arith.constant 0 : i32
    %c0_i32_1 = arith.constant 0 : i32
    return %arg0, %c0_i32, %c0_i32_0 : i32, i32, i32
  }
}

module attributes {stable_mosaic.version = 14 : i64} {
  func.func @_agg_body(%arg0: i32, %arg1: memref<2x2048x128xf32, #tpu.memory_space<vmem>>, %arg2: memref<1x128xf32, #tpu.memory_space<vmem>>, %arg3: memref<1x1x2048xf32, #tpu.memory_space<vmem>>) attributes {dimension_semantics = [#tpu.dimension_semantics<arbitrary>], iteration_bounds = array<i64: 5>, scalar_prefetch = 0 : i64, scratch_operands = 0 : i64, tpu.core_type = #tpu.core_type<tc>, window_params = [{transform_indices = @transform_0, window_bounds = array<i64: 2, 2048, 128>}, {pipeline_mode = #tpu.pipeline_mode<synchronous>, transform_indices = @transform_1, window_bounds = array<i64: 1, 128>}, {transform_indices = @transform_2, window_bounds = array<i64: 1, 1, 2048>}]} {
    %get3A = arith.constant 0 : index
    %get3A_0 = arith.constant 0 : index
    %get3A_1 = arith.constant 0 : index
    %get3A_2 = vector.load %arg1[%get3A, %get3A_0, %get3A_1] : memref<2x2048x128xf32, #tpu.memory_space<vmem>>, vector<1x2048x128xf32>
    %get3A_3 = vector.shape_cast %get3A_2 : vector<1x2048x128xf32> to vector<2048x128xf32>
    %get3A_4 = arith.constant 1 : index
    %get3A_5 = arith.constant 0 : index
    %get3A_6 = arith.constant 0 : index
    %get3A_7 = vector.load %arg1[%get3A_4, %get3A_5, %get3A_6] : memref<2x2048x128xf32, #tpu.memory_space<vmem>>, vector<1x2048x128xf32>
    %get3A_8 = vector.shape_cast %get3A_7 : vector<1x2048x128xf32> to vector<2048x128xf32>
    %add3A = arith.addf %get3A_3, %get3A_8 : vector<2048x128xf32>
    %get3A_9 = arith.constant 0 : index
    %get3A_10 = arith.constant 0 : index
    %get3A_11 = vector.load %arg2[%get3A_9, %get3A_10] : memref<1x128xf32, #tpu.memory_space<vmem>>, vector<1x128xf32>
    %convert_element_type3A = arith.truncf %get3A_11 : vector<1x128xf32> to vector<1x128xbf16>
    %convert_element_type3A_12 = arith.truncf %add3A : vector<2048x128xf32> to vector<2048x128xbf16>
    %dot_general3A = arith.constant dense<0.000000e+00> : vector<1x2048xf32>
    %dot_general3A_13 = tpu.matmul %convert_element_type3A, %convert_element_type3A_12, %dot_general3A {dimension_numbers = #tpu.dot_dimension_numbers<[1], [1], [0], [0], [0, 0, 1, 0], [], []>, transpose_lhs_hint = false} : vector<1x128xbf16>, vector<2048x128xbf16>, vector<1x2048xf32> -> vector<1x2048xf32>
    %swap3A = arith.constant 0 : index
    %swap3A_14 = arith.constant 0 : index
    %swap3A_15 = arith.constant 0 : index
    %swap3A_16 = vector.load %arg3[%swap3A, %swap3A_14, %swap3A_15] : memref<1x1x2048xf32, #tpu.memory_space<vmem>>, vector<1x1x2048xf32>
    %swap3A_17 = vector.shape_cast %swap3A_16 : vector<1x1x2048xf32> to vector<1x2048xf32>
    %swap3A_18 = vector.shape_cast %dot_general3A_13 : vector<1x2048xf32> to vector<1x1x2048xf32>
    tpu.vector_store %arg3[%swap3A, %swap3A_14, %swap3A_15], %swap3A_18 {strides = array<i32>} : memref<1x1x2048xf32, #tpu.memory_space<vmem>>, vector<1x1x2048xf32>,
    return
  }
  func.func @transform_0(%arg0: i32) -> (i32, i32, i32) {
    %c0_i32 = arith.constant 0 : i32
    %c0_i32_0 = arith.constant 0 : i32
    %c0_i32_1 = arith.constant 0 : i32
    return %c0_i32, %arg0, %c0_i32_0 : i32, i32, i32
  }
  func.func @transform_1(%arg0: i32) -> (i32, i32) {
    %c0_i32 = arith.constant 0 : i32
    %c0_i32_0 = arith.constant 0 : i32
    %c0_i32_1 = arith.constant 0 : i32
    return %c0_i32, %c0_i32_0 : i32, i32
  }
  func.func @transform_2(%arg0: i32) -> (i32, i32, i32) {
    %c0_i32 = arith.constant 0 : i32
    %c0_i32_0 = arith.constant 0 : i32
    %c0_i32_1 = arith.constant 0 : i32
    return %arg0, %c0_i32, %c0_i32_0 : i32, i32, i32
  }
}

module attributes {stable_mosaic.version = 14 : i64} {
  func.func @_final_body(%arg0: memref<80x128xf32, #tpu.memory_space<vmem>>, %arg1: memref<80x128xf32, #tpu.memory_space<vmem>>, %arg2: memref<80x128xi32, #tpu.memory_space<vmem>>, %arg3: memref<1x128xf32, #tpu.memory_space<vmem>>, %arg4: memref<80x128xf32, #tpu.memory_space<vmem>>) attributes {dimension_semantics = [], scalar_prefetch = 0 : i64, scratch_operands = 0 : i64, tpu.core_type = #tpu.core_type<tc>} {
    %get3A = arith.constant 0 : index
    %get3A_0 = arith.constant 0 : index
    %get3A_1 = vector.load %arg0[%get3A, %get3A_0] : memref<80x128xf32, #tpu.memory_space<vmem>>, vector<80x128xf32>
    %get3A_2 = arith.constant 0 : index
    %get3A_3 = arith.constant 0 : index
    %get3A_4 = vector.load %arg1[%get3A_2, %get3A_3] : memref<80x128xf32, #tpu.memory_space<vmem>>, vector<80x128xf32>
    %get3A_5 = arith.constant 0 : index
    %get3A_6 = arith.constant 0 : index
    %get3A_7 = vector.load %arg2[%get3A_5, %get3A_6] : memref<80x128xi32, #tpu.memory_space<vmem>>, vector<80x128xi32>
    %broadcast_in_dim3A = arith.constant 0.000000e+00 : f32
    %broadcast_in_dim3A_8 = vector.broadcast %broadcast_in_dim3A : f32 to vector<80x128xf32>
    %eq3A = arith.constant 0 : i32
    %eq3A_9 = vector.broadcast %eq3A : i32 to vector<80x128xi32>
    %eq3A_10 = arith.cmpi eq, %get3A_7, %eq3A_9 : vector<80x128xi32>
    %jit3A = arith.constant -3.000000e+38 : f32
    %broadcast_in_dim3A_11 = vector.broadcast %jit3A : f32 to vector<80x128xf32>
    %select_n3A = arith.select %eq3A_10, %get3A_1, %broadcast_in_dim3A_11 : vector<80x128xi1>, vector<80x128xf32>
    %reduce_max3A = vector.shape_cast %select_n3A : vector<80x128xf32> to vector<1x80x128xf32>
    %reduce_max3A_12 = arith.constant dense<0xFF800000> : vector<1xf32>
    %reduce_max3A_13 = vector.multi_reduction <maximumf>, %reduce_max3A, %reduce_max3A_12 [1, 2] : vector<1x80x128xf32> to vector<1xf32>
    %reduce_max3A_14 = vector.shape_cast %reduce_max3A_13 : vector<1xf32> to vector<1x1x1xf32>
    %reduce_max3A_15 = vector.extract %reduce_max3A_14[0, 0, 0] : f32 from vector<1x1x1xf32>
    %jit3A_16 = arith.constant -3.000000e+38 : f32
    %broadcast_in_dim3A_17 = vector.broadcast %jit3A_16 : f32 to vector<80x128xf32>
    %select_n3A_18 = arith.select %eq3A_10, %get3A_4, %broadcast_in_dim3A_17 : vector<80x128xi1>, vector<80x128xf32>
    %reduce_max3A_19 = vector.shape_cast %select_n3A_18 : vector<80x128xf32> to vector<1x80x128xf32>
    %reduce_max3A_20 = arith.constant dense<0xFF800000> : vector<1xf32>
    %reduce_max3A_21 = vector.multi_reduction <maximumf>, %reduce_max3A_19, %reduce_max3A_20 [1, 2] : vector<1x80x128xf32> to vector<1xf32>
    %reduce_max3A_22 = vector.shape_cast %reduce_max3A_21 : vector<1xf32> to vector<1x1x1xf32>
    %reduce_max3A_23 = vector.extract %reduce_max3A_22[0, 0, 0] : f32 from vector<1x1x1xf32>
    %broadcast_in_dim3A_24 = vector.broadcast %reduce_max3A_15 : f32 to vector<80x128xf32>
    %select_n3A_25 = arith.select %eq3A_10, %broadcast_in_dim3A_24, %broadcast_in_dim3A_8 : vector<80x128xi1>, vector<80x128xf32>
    %broadcast_in_dim3A_26 = vector.broadcast %reduce_max3A_23 : f32 to vector<80x128xf32>
    %select_n3A_27 = arith.select %eq3A_10, %broadcast_in_dim3A_26, %broadcast_in_dim3A_8 : vector<80x128xi1>, vector<80x128xf32>
    %eq3A_28 = arith.constant 1 : i32
    %eq3A_29 = vector.broadcast %eq3A_28 : i32 to vector<80x128xi32>
    %eq3A_30 = arith.cmpi eq, %get3A_7, %eq3A_29 : vector<80x128xi32>
    %jit3A_31 = arith.constant -3.000000e+38 : f32
    %broadcast_in_dim3A_32 = vector.broadcast %jit3A_31 : f32 to vector<80x128xf32>
    %select_n3A_33 = arith.select %eq3A_30, %get3A_1, %broadcast_in_dim3A_32 : vector<80x128xi1>, vector<80x128xf32>
    %reduce_max3A_34 = vector.shape_cast %select_n3A_33 : vector<80x128xf32> to vector<1x80x128xf32>
    %reduce_max3A_35 = arith.constant dense<0xFF800000> : vector<1xf32>
    %reduce_max3A_36 = vector.multi_reduction <maximumf>, %reduce_max3A_34, %reduce_max3A_35 [1, 2] : vector<1x80x128xf32> to vector<1xf32>
    %reduce_max3A_37 = vector.shape_cast %reduce_max3A_36 : vector<1xf32> to vector<1x1x1xf32>
    %reduce_max3A_38 = vector.extract %reduce_max3A_37[0, 0, 0] : f32 from vector<1x1x1xf32>
    %jit3A_39 = arith.constant -3.000000e+38 : f32
    %broadcast_in_dim3A_40 = vector.broadcast %jit3A_39 : f32 to vector<80x128xf32>
    %select_n3A_41 = arith.select %eq3A_30, %get3A_4, %broadcast_in_dim3A_40 : vector<80x128xi1>, vector<80x128xf32>
    %reduce_max3A_42 = vector.shape_cast %select_n3A_41 : vector<80x128xf32> to vector<1x80x128xf32>
    %reduce_max3A_43 = arith.constant dense<0xFF800000> : vector<1xf32>
    %reduce_max3A_44 = vector.multi_reduction <maximumf>, %reduce_max3A_42, %reduce_max3A_43 [1, 2] : vector<1x80x128xf32> to vector<1xf32>
    %reduce_max3A_45 = vector.shape_cast %reduce_max3A_44 : vector<1xf32> to vector<1x1x1xf32>
    %reduce_max3A_46 = vector.extract %reduce_max3A_45[0, 0, 0] : f32 from vector<1x1x1xf32>
    %broadcast_in_dim3A_47 = vector.broadcast %reduce_max3A_38 : f32 to vector<80x128xf32>
    %select_n3A_48 = arith.select %eq3A_30, %broadcast_in_dim3A_47, %select_n3A_25 : vector<80x128xi1>, vector<80x128xf32>
    %broadcast_in_dim3A_49 = vector.broadcast %reduce_max3A_46 : f32 to vector<80x128xf32>
    %select_n3A_50 = arith.select %eq3A_30, %broadcast_in_dim3A_49, %select_n3A_27 : vector<80x128xi1>, vector<80x128xf32>
    %eq3A_51 = arith.constant 2 : i32
    %eq3A_52 = vector.broadcast %eq3A_51 : i32 to vector<80x128xi32>
    %eq3A_53 = arith.cmpi eq, %get3A_7, %eq3A_52 : vector<80x128xi32>
    %jit3A_54 = arith.constant -3.000000e+38 : f32
    %broadcast_in_dim3A_55 = vector.broadcast %jit3A_54 : f32 to vector<80x128xf32>
    %select_n3A_56 = arith.select %eq3A_53, %get3A_1, %broadcast_in_dim3A_55 : vector<80x128xi1>, vector<80x128xf32>
    %reduce_max3A_57 = vector.shape_cast %select_n3A_56 : vector<80x128xf32> to vector<1x80x128xf32>
    %reduce_max3A_58 = arith.constant dense<0xFF800000> : vector<1xf32>
    %reduce_max3A_59 = vector.multi_reduction <maximumf>, %reduce_max3A_57, %reduce_max3A_58 [1, 2] : vector<1x80x128xf32> to vector<1xf32>
    %reduce_max3A_60 = vector.shape_cast %reduce_max3A_59 : vector<1xf32> to vector<1x1x1xf32>
    %reduce_max3A_61 = vector.extract %reduce_max3A_60[0, 0, 0] : f32 from vector<1x1x1xf32>
    %jit3A_62 = arith.constant -3.000000e+38 : f32
    %broadcast_in_dim3A_63 = vector.broadcast %jit3A_62 : f32 to vector<80x128xf32>
    %select_n3A_64 = arith.select %eq3A_53, %get3A_4, %broadcast_in_dim3A_63 : vector<80x128xi1>, vector<80x128xf32>
    %reduce_max3A_65 = vector.shape_cast %select_n3A_64 : vector<80x128xf32> to vector<1x80x128xf32>
    %reduce_max3A_66 = arith.constant dense<0xFF800000> : vector<1xf32>
    %reduce_max3A_67 = vector.multi_reduction <maximumf>, %reduce_max3A_65, %reduce_max3A_66 [1, 2] : vector<1x80x128xf32> to vector<1xf32>
    %reduce_max3A_68 = vector.shape_cast %reduce_max3A_67 : vector<1xf32> to vector<1x1x1xf32>
    %reduce_max3A_69 = vector.extract %reduce_max3A_68[0, 0, 0] : f32 from vector<1x1x1xf32>
    %broadcast_in_dim3A_70 = vector.broadcast %reduce_max3A_61 : f32 to vector<80x128xf32>
    %select_n3A_71 = arith.select %eq3A_53, %broadcast_in_dim3A_70, %select_n3A_48 : vector<80x128xi1>, vector<80x128xf32>
    %broadcast_in_dim3A_72 = vector.broadcast %reduce_max3A_69 : f32 to vector<80x128xf32>
    %select_n3A_73 = arith.select %eq3A_53, %broadcast_in_dim3A_72, %select_n3A_50 : vector<80x128xi1>, vector<80x128xf32>
    %eq3A_74 = arith.constant 3 : i32
    %eq3A_75 = vector.broadcast %eq3A_74 : i32 to vector<80x128xi32>
    %eq3A_76 = arith.cmpi eq, %get3A_7, %eq3A_75 : vector<80x128xi32>
    %jit3A_77 = arith.constant -3.000000e+38 : f32
    %broadcast_in_dim3A_78 = vector.broadcast %jit3A_77 : f32 to vector<80x128xf32>
    %select_n3A_79 = arith.select %eq3A_76, %get3A_1, %broadcast_in_dim3A_78 : vector<80x128xi1>, vector<80x128xf32>
    %reduce_max3A_80 = vector.shape_cast %select_n3A_79 : vector<80x128xf32> to vector<1x80x128xf32>
    %reduce_max3A_81 = arith.constant dense<0xFF800000> : vector<1xf32>
    %reduce_max3A_82 = vector.multi_reduction <maximumf>, %reduce_max3A_80, %reduce_max3A_81 [1, 2] : vector<1x80x128xf32> to vector<1xf32>
    %reduce_max3A_83 = vector.shape_cast %reduce_max3A_82 : vector<1xf32> to vector<1x1x1xf32>
    %reduce_max3A_84 = vector.extract %reduce_max3A_83[0, 0, 0] : f32 from vector<1x1x1xf32>
    %jit3A_85 = arith.constant -3.000000e+38 : f32
    %broadcast_in_dim3A_86 = vector.broadcast %jit3A_85 : f32 to vector<80x128xf32>
    %select_n3A_87 = arith.select %eq3A_76, %get3A_4, %broadcast_in_dim3A_86 : vector<80x128xi1>, vector<80x128xf32>
    %reduce_max3A_88 = vector.shape_cast %select_n3A_87 : vector<80x128xf32> to vector<1x80x128xf32>
    %reduce_max3A_89 = arith.constant dense<0xFF800000> : vector<1xf32>
    %reduce_max3A_90 = vector.multi_reduction <maximumf>, %reduce_max3A_88, %reduce_max3A_89 [1, 2] : vector<1x80x128xf32> to vector<1xf32>
    %reduce_max3A_91 = vector.shape_cast %reduce_max3A_90 : vector<1xf32> to vector<1x1x1xf32>
    %reduce_max3A_92 = vector.extract %reduce_max3A_91[0, 0, 0] : f32 from vector<1x1x1xf32>
    %broadcast_in_dim3A_93 = vector.broadcast %reduce_max3A_84 : f32 to vector<80x128xf32>
    %select_n3A_94 = arith.select %eq3A_76, %broadcast_in_dim3A_93, %select_n3A_71 : vector<80x128xi1>, vector<80x128xf32>
    %broadcast_in_dim3A_95 = vector.broadcast %reduce_max3A_92 : f32 to vector<80x128xf32>
    %select_n3A_96 = arith.select %eq3A_76, %broadcast_in_dim3A_95, %select_n3A_73 : vector<80x128xi1>, vector<80x128xf32>
    %eq3A_97 = arith.constant 4 : i32
    %eq3A_98 = vector.broadcast %eq3A_97 : i32 to vector<80x128xi32>
    %eq3A_99 = arith.cmpi eq, %get3A_7, %eq3A_98 : vector<80x128xi32>
    %jit3A_100 = arith.constant -3.000000e+38 : f32
    %broadcast_in_dim3A_101 = vector.broadcast %jit3A_100 : f32 to vector<80x128xf32>
    %select_n3A_102 = arith.select %eq3A_99, %get3A_1, %broadcast_in_dim3A_101 : vector<80x128xi1>, vector<80x128xf32>
    %reduce_max3A_103 = vector.shape_cast %select_n3A_102 : vector<80x128xf32> to vector<1x80x128xf32>
    %reduce_max3A_104 = arith.constant dense<0xFF800000> : vector<1xf32>
    %reduce_max3A_105 = vector.multi_reduction <maximumf>, %reduce_max3A_103, %reduce_max3A_104 [1, 2] : vector<1x80x128xf32> to vector<1xf32>
    %reduce_max3A_106 = vector.shape_cast %reduce_max3A_105 : vector<1xf32> to vector<1x1x1xf32>
    %reduce_max3A_107 = vector.extract %reduce_max3A_106[0, 0, 0] : f32 from vector<1x1x1xf32>
    %jit3A_108 = arith.constant -3.000000e+38 : f32
    %broadcast_in_dim3A_109 = vector.broadcast %jit3A_108 : f32 to vector<80x128xf32>
    %select_n3A_110 = arith.select %eq3A_99, %get3A_4, %broadcast_in_dim3A_109 : vector<80x128xi1>, vector<80x128xf32>
    %reduce_max3A_111 = vector.shape_cast %select_n3A_110 : vector<80x128xf32> to vector<1x80x128xf32>
    %reduce_max3A_112 = arith.constant dense<0xFF800000> : vector<1xf32>
    %reduce_max3A_113 = vector.multi_reduction <maximumf>, %reduce_max3A_111, %reduce_max3A_112 [1, 2] : vector<1x80x128xf32> to vector<1xf32>
    %reduce_max3A_114 = vector.shape_cast %reduce_max3A_113 : vector<1xf32> to vector<1x1x1xf32>
    %reduce_max3A_115 = vector.extract %reduce_max3A_114[0, 0, 0] : f32 from vector<1x1x1xf32>
    %broadcast_in_dim3A_116 = vector.broadcast %reduce_max3A_107 : f32 to vector<80x128xf32>
    %select_n3A_117 = arith.select %eq3A_99, %broadcast_in_dim3A_116, %select_n3A_94 : vector<80x128xi1>, vector<80x128xf32>
    %broadcast_in_dim3A_118 = vector.broadcast %reduce_max3A_115 : f32 to vector<80x128xf32>
    %select_n3A_119 = arith.select %eq3A_99, %broadcast_in_dim3A_118, %select_n3A_96 : vector<80x128xi1>, vector<80x128xf32>
    %eq3A_120 = arith.constant 5 : i32
    %eq3A_121 = vector.broadcast %eq3A_120 : i32 to vector<80x128xi32>
    %eq3A_122 = arith.cmpi eq, %get3A_7, %eq3A_121 : vector<80x128xi32>
    %jit3A_123 = arith.constant -3.000000e+38 : f32
    %broadcast_in_dim3A_124 = vector.broadcast %jit3A_123 : f32 to vector<80x128xf32>
    %select_n3A_125 = arith.select %eq3A_122, %get3A_1, %broadcast_in_dim3A_124 : vector<80x128xi1>, vector<80x128xf32>
    %reduce_max3A_126 = vector.shape_cast %select_n3A_125 : vector<80x128xf32> to vector<1x80x128xf32>
    %reduce_max3A_127 = arith.constant dense<0xFF800000> : vector<1xf32>
    %reduce_max3A_128 = vector.multi_reduction <maximumf>, %reduce_max3A_126, %reduce_max3A_127 [1, 2] : vector<1x80x128xf32> to vector<1xf32>
    %reduce_max3A_129 = vector.shape_cast %reduce_max3A_128 : vector<1xf32> to vector<1x1x1xf32>
    %reduce_max3A_130 = vector.extract %reduce_max3A_129[0, 0, 0] : f32 from vector<1x1x1xf32>
    %jit3A_131 = arith.constant -3.000000e+38 : f32
    %broadcast_in_dim3A_132 = vector.broadcast %jit3A_131 : f32 to vector<80x128xf32>
    %select_n3A_133 = arith.select %eq3A_122, %get3A_4, %broadcast_in_dim3A_132 : vector<80x128xi1>, vector<80x128xf32>
    %reduce_max3A_134 = vector.shape_cast %select_n3A_133 : vector<80x128xf32> to vector<1x80x128xf32>
    %reduce_max3A_135 = arith.constant dense<0xFF800000> : vector<1xf32>
    %reduce_max3A_136 = vector.multi_reduction <maximumf>, %reduce_max3A_134, %reduce_max3A_135 [1, 2] : vector<1x80x128xf32> to vector<1xf32>
    %reduce_max3A_137 = vector.shape_cast %reduce_max3A_136 : vector<1xf32> to vector<1x1x1xf32>
    %reduce_max3A_138 = vector.extract %reduce_max3A_137[0, 0, 0] : f32 from vector<1x1x1xf32>
    %broadcast_in_dim3A_139 = vector.broadcast %reduce_max3A_130 : f32 to vector<80x128xf32>
    %select_n3A_140 = arith.select %eq3A_122, %broadcast_in_dim3A_139, %select_n3A_117 : vector<80x128xi1>, vector<80x128xf32>
    %broadcast_in_dim3A_141 = vector.broadcast %reduce_max3A_138 : f32 to vector<80x128xf32>
    %select_n3A_142 = arith.select %eq3A_122, %broadcast_in_dim3A_141, %select_n3A_119 : vector<80x128xi1>, vector<80x128xf32>
    %eq3A_143 = arith.constant 6 : i32
    %eq3A_144 = vector.broadcast %eq3A_143 : i32 to vector<80x128xi32>
    %eq3A_145 = arith.cmpi eq, %get3A_7, %eq3A_144 : vector<80x128xi32>
    %jit3A_146 = arith.constant -3.000000e+38 : f32
    %broadcast_in_dim3A_147 = vector.broadcast %jit3A_146 : f32 to vector<80x128xf32>
    %select_n3A_148 = arith.select %eq3A_145, %get3A_1, %broadcast_in_dim3A_147 : vector<80x128xi1>, vector<80x128xf32>
    %reduce_max3A_149 = vector.shape_cast %select_n3A_148 : vector<80x128xf32> to vector<1x80x128xf32>
    %reduce_max3A_150 = arith.constant dense<0xFF800000> : vector<1xf32>
    %reduce_max3A_151 = vector.multi_reduction <maximumf>, %reduce_max3A_149, %reduce_max3A_150 [1, 2] : vector<1x80x128xf32> to vector<1xf32>
    %reduce_max3A_152 = vector.shape_cast %reduce_max3A_151 : vector<1xf32> to vector<1x1x1xf32>
    %reduce_max3A_153 = vector.extract %reduce_max3A_152[0, 0, 0] : f32 from vector<1x1x1xf32>
    %jit3A_154 = arith.constant -3.000000e+38 : f32
    %broadcast_in_dim3A_155 = vector.broadcast %jit3A_154 : f32 to vector<80x128xf32>
    %select_n3A_156 = arith.select %eq3A_145, %get3A_4, %broadcast_in_dim3A_155 : vector<80x128xi1>, vector<80x128xf32>
    %reduce_max3A_157 = vector.shape_cast %select_n3A_156 : vector<80x128xf32> to vector<1x80x128xf32>
    %reduce_max3A_158 = arith.constant dense<0xFF800000> : vector<1xf32>
    %reduce_max3A_159 = vector.multi_reduction <maximumf>, %reduce_max3A_157, %reduce_max3A_158 [1, 2] : vector<1x80x128xf32> to vector<1xf32>
    %reduce_max3A_160 = vector.shape_cast %reduce_max3A_159 : vector<1xf32> to vector<1x1x1xf32>
    %reduce_max3A_161 = vector.extract %reduce_max3A_160[0, 0, 0] : f32 from vector<1x1x1xf32>
    %broadcast_in_dim3A_162 = vector.broadcast %reduce_max3A_153 : f32 to vector<80x128xf32>
    %select_n3A_163 = arith.select %eq3A_145, %broadcast_in_dim3A_162, %select_n3A_140 : vector<80x128xi1>, vector<80x128xf32>
    %broadcast_in_dim3A_164 = vector.broadcast %reduce_max3A_161 : f32 to vector<80x128xf32>
    %select_n3A_165 = arith.select %eq3A_145, %broadcast_in_dim3A_164, %select_n3A_142 : vector<80x128xi1>, vector<80x128xf32>
    %eq3A_166 = arith.constant 7 : i32
    %eq3A_167 = vector.broadcast %eq3A_166 : i32 to vector<80x128xi32>
    %eq3A_168 = arith.cmpi eq, %get3A_7, %eq3A_167 : vector<80x128xi32>
    %jit3A_169 = arith.constant -3.000000e+38 : f32
    %broadcast_in_dim3A_170 = vector.broadcast %jit3A_169 : f32 to vector<80x128xf32>
    %select_n3A_171 = arith.select %eq3A_168, %get3A_1, %broadcast_in_dim3A_170 : vector<80x128xi1>, vector<80x128xf32>
    %reduce_max3A_172 = vector.shape_cast %select_n3A_171 : vector<80x128xf32> to vector<1x80x128xf32>
    %reduce_max3A_173 = arith.constant dense<0xFF800000> : vector<1xf32>
    %reduce_max3A_174 = vector.multi_reduction <maximumf>, %reduce_max3A_172, %reduce_max3A_173 [1, 2] : vector<1x80x128xf32> to vector<1xf32>
    %reduce_max3A_175 = vector.shape_cast %reduce_max3A_174 : vector<1xf32> to vector<1x1x1xf32>
    %reduce_max3A_176 = vector.extract %reduce_max3A_175[0, 0, 0] : f32 from vector<1x1x1xf32>
    %jit3A_177 = arith.constant -3.000000e+38 : f32
    %broadcast_in_dim3A_178 = vector.broadcast %jit3A_177 : f32 to vector<80x128xf32>
    %select_n3A_179 = arith.select %eq3A_168, %get3A_4, %broadcast_in_dim3A_178 : vector<80x128xi1>, vector<80x128xf32>
    %reduce_max3A_180 = vector.shape_cast %select_n3A_179 : vector<80x128xf32> to vector<1x80x128xf32>
    %reduce_max3A_181 = arith.constant dense<0xFF800000> : vector<1xf32>
    %reduce_max3A_182 = vector.multi_reduction <maximumf>, %reduce_max3A_180, %reduce_max3A_181 [1, 2] : vector<1x80x128xf32> to vector<1xf32>
    %reduce_max3A_183 = vector.shape_cast %reduce_max3A_182 : vector<1xf32> to vector<1x1x1xf32>
    %reduce_max3A_184 = vector.extract %reduce_max3A_183[0, 0, 0] : f32 from vector<1x1x1xf32>
    %broadcast_in_dim3A_185 = vector.broadcast %reduce_max3A_176 : f32 to vector<80x128xf32>
    %select_n3A_186 = arith.select %eq3A_168, %broadcast_in_dim3A_185, %select_n3A_163 : vector<80x128xi1>, vector<80x128xf32>
    %broadcast_in_dim3A_187 = vector.broadcast %reduce_max3A_184 : f32 to vector<80x128xf32>
    %select_n3A_188 = arith.select %eq3A_168, %broadcast_in_dim3A_187, %select_n3A_165 : vector<80x128xi1>, vector<80x128xf32>
    %eq3A_189 = arith.constant 8 : i32
    %eq3A_190 = vector.broadcast %eq3A_189 : i32 to vector<80x128xi32>
    %eq3A_191 = arith.cmpi eq, %get3A_7, %eq3A_190 : vector<80x128xi32>
    %jit3A_192 = arith.constant -3.000000e+38 : f32
    %broadcast_in_dim3A_193 = vector.broadcast %jit3A_192 : f32 to vector<80x128xf32>
    %select_n3A_194 = arith.select %eq3A_191, %get3A_1, %broadcast_in_dim3A_193 : vector<80x128xi1>, vector<80x128xf32>
    %reduce_max3A_195 = vector.shape_cast %select_n3A_194 : vector<80x128xf32> to vector<1x80x128xf32>
    %reduce_max3A_196 = arith.constant dense<0xFF800000> : vector<1xf32>
    %reduce_max3A_197 = vector.multi_reduction <maximumf>, %reduce_max3A_195, %reduce_max3A_196 [1, 2] : vector<1x80x128xf32> to vector<1xf32>
    %reduce_max3A_198 = vector.shape_cast %reduce_max3A_197 : vector<1xf32> to vector<1x1x1xf32>
    %reduce_max3A_199 = vector.extract %reduce_max3A_198[0, 0, 0] : f32 from vector<1x1x1xf32>
    %jit3A_200 = arith.constant -3.000000e+38 : f32
    %broadcast_in_dim3A_201 = vector.broadcast %jit3A_200 : f32 to vector<80x128xf32>
    %select_n3A_202 = arith.select %eq3A_191, %get3A_4, %broadcast_in_dim3A_201 : vector<80x128xi1>, vector<80x128xf32>
    %reduce_max3A_203 = vector.shape_cast %select_n3A_202 : vector<80x128xf32> to vector<1x80x128xf32>
    %reduce_max3A_204 = arith.constant dense<0xFF800000> : vector<1xf32>
    %reduce_max3A_205 = vector.multi_reduction <maximumf>, %reduce_max3A_203, %reduce_max3A_204 [1, 2] : vector<1x80x128xf32> to vector<1xf32>
    %reduce_max3A_206 = vector.shape_cast %reduce_max3A_205 : vector<1xf32> to vector<1x1x1xf32>
    %reduce_max3A_207 = vector.extract %reduce_max3A_206[0, 0, 0] : f32 from vector<1x1x1xf32>
    %broadcast_in_dim3A_208 = vector.broadcast %reduce_max3A_199 : f32 to vector<80x128xf32>
    %select_n3A_209 = arith.select %eq3A_191, %broadcast_in_dim3A_208, %select_n3A_186 : vector<80x128xi1>, vector<80x128xf32>
    %broadcast_in_dim3A_210 = vector.broadcast %reduce_max3A_207 : f32 to vector<80x128xf32>
    %select_n3A_211 = arith.select %eq3A_191, %broadcast_in_dim3A_210, %select_n3A_188 : vector<80x128xi1>, vector<80x128xf32>
    %eq3A_212 = arith.constant 9 : i32
    %eq3A_213 = vector.broadcast %eq3A_212 : i32 to vector<80x128xi32>
    %eq3A_214 = arith.cmpi eq, %get3A_7, %eq3A_213 : vector<80x128xi32>
    %jit3A_215 = arith.constant -3.000000e+38 : f32
    %broadcast_in_dim3A_216 = vector.broadcast %jit3A_215 : f32 to vector<80x128xf32>
    %select_n3A_217 = arith.select %eq3A_214, %get3A_1, %broadcast_in_dim3A_216 : vector<80x128xi1>, vector<80x128xf32>
    %reduce_max3A_218 = vector.shape_cast %select_n3A_217 : vector<80x128xf32> to vector<1x80x128xf32>
    %reduce_max3A_219 = arith.constant dense<0xFF800000> : vector<1xf32>
    %reduce_max3A_220 = vector.multi_reduction <maximumf>, %reduce_max3A_218, %reduce_max3A_219 [1, 2] : vector<1x80x128xf32> to vector<1xf32>
    %reduce_max3A_221 = vector.shape_cast %reduce_max3A_220 : vector<1xf32> to vector<1x1x1xf32>
    %reduce_max3A_222 = vector.extract %reduce_max3A_221[0, 0, 0] : f32 from vector<1x1x1xf32>
    %jit3A_223 = arith.constant -3.000000e+38 : f32
    %broadcast_in_dim3A_224 = vector.broadcast %jit3A_223 : f32 to vector<80x128xf32>
    %select_n3A_225 = arith.select %eq3A_214, %get3A_4, %broadcast_in_dim3A_224 : vector<80x128xi1>, vector<80x128xf32>
    %reduce_max3A_226 = vector.shape_cast %select_n3A_225 : vector<80x128xf32> to vector<1x80x128xf32>
    %reduce_max3A_227 = arith.constant dense<0xFF800000> : vector<1xf32>
    %reduce_max3A_228 = vector.multi_reduction <maximumf>, %reduce_max3A_226, %reduce_max3A_227 [1, 2] : vector<1x80x128xf32> to vector<1xf32>
    %reduce_max3A_229 = vector.shape_cast %reduce_max3A_228 : vector<1xf32> to vector<1x1x1xf32>
    %reduce_max3A_230 = vector.extract %reduce_max3A_229[0, 0, 0] : f32 from vector<1x1x1xf32>
    %broadcast_in_dim3A_231 = vector.broadcast %reduce_max3A_222 : f32 to vector<80x128xf32>
    %select_n3A_232 = arith.select %eq3A_214, %broadcast_in_dim3A_231, %select_n3A_209 : vector<80x128xi1>, vector<80x128xf32>
    %broadcast_in_dim3A_233 = vector.broadcast %reduce_max3A_230 : f32 to vector<80x128xf32>
    %select_n3A_234 = arith.select %eq3A_214, %broadcast_in_dim3A_233, %select_n3A_211 : vector<80x128xi1>, vector<80x128xf32>
    %eq3A_235 = arith.constant 10 : i32
    %eq3A_236 = vector.broadcast %eq3A_235 : i32 to vector<80x128xi32>
    %eq3A_237 = arith.cmpi eq, %get3A_7, %eq3A_236 : vector<80x128xi32>
    %jit3A_238 = arith.constant -3.000000e+38 : f32
    %broadcast_in_dim3A_239 = vector.broadcast %jit3A_238 : f32 to vector<80x128xf32>
    %select_n3A_240 = arith.select %eq3A_237, %get3A_1, %broadcast_in_dim3A_239 : vector<80x128xi1>, vector<80x128xf32>
    %reduce_max3A_241 = vector.shape_cast %select_n3A_240 : vector<80x128xf32> to vector<1x80x128xf32>
    %reduce_max3A_242 = arith.constant dense<0xFF800000> : vector<1xf32>
    %reduce_max3A_243 = vector.multi_reduction <maximumf>, %reduce_max3A_241, %reduce_max3A_242 [1, 2] : vector<1x80x128xf32> to vector<1xf32>
    %reduce_max3A_244 = vector.shape_cast %reduce_max3A_243 : vector<1xf32> to vector<1x1x1xf32>
    %reduce_max3A_245 = vector.extract %reduce_max3A_244[0, 0, 0] : f32 from vector<1x1x1xf32>
    %jit3A_246 = arith.constant -3.000000e+38 : f32
    %broadcast_in_dim3A_247 = vector.broadcast %jit3A_246 : f32 to vector<80x128xf32>
    %select_n3A_248 = arith.select %eq3A_237, %get3A_4, %broadcast_in_dim3A_247 : vector<80x128xi1>, vector<80x128xf32>
    %reduce_max3A_249 = vector.shape_cast %select_n3A_248 : vector<80x128xf32> to vector<1x80x128xf32>
    %reduce_max3A_250 = arith.constant dense<0xFF800000> : vector<1xf32>
    %reduce_max3A_251 = vector.multi_reduction <maximumf>, %reduce_max3A_249, %reduce_max3A_250 [1, 2] : vector<1x80x128xf32> to vector<1xf32>
    %reduce_max3A_252 = vector.shape_cast %reduce_max3A_251 : vector<1xf32> to vector<1x1x1xf32>
    %reduce_max3A_253 = vector.extract %reduce_max3A_252[0, 0, 0] : f32 from vector<1x1x1xf32>
    %broadcast_in_dim3A_254 = vector.broadcast %reduce_max3A_245 : f32 to vector<80x128xf32>
    %select_n3A_255 = arith.select %eq3A_237, %broadcast_in_dim3A_254, %select_n3A_232 : vector<80x128xi1>, vector<80x128xf32>
    %broadcast_in_dim3A_256 = vector.broadcast %reduce_max3A_253 : f32 to vector<80x128xf32>
    %select_n3A_257 = arith.select %eq3A_237, %broadcast_in_dim3A_256, %select_n3A_234 : vector<80x128xi1>, vector<80x128xf32>
    %eq3A_258 = arith.constant 11 : i32
    %eq3A_259 = vector.broadcast %eq3A_258 : i32 to vector<80x128xi32>
    %eq3A_260 = arith.cmpi eq, %get3A_7, %eq3A_259 : vector<80x128xi32>
    %jit3A_261 = arith.constant -3.000000e+38 : f32
    %broadcast_in_dim3A_262 = vector.broadcast %jit3A_261 : f32 to vector<80x128xf32>
    %select_n3A_263 = arith.select %eq3A_260, %get3A_1, %broadcast_in_dim3A_262 : vector<80x128xi1>, vector<80x128xf32>
    %reduce_max3A_264 = vector.shape_cast %select_n3A_263 : vector<80x128xf32> to vector<1x80x128xf32>
    %reduce_max3A_265 = arith.constant dense<0xFF800000> : vector<1xf32>
    %reduce_max3A_266 = vector.multi_reduction <maximumf>, %reduce_max3A_264, %reduce_max3A_265 [1, 2] : vector<1x80x128xf32> to vector<1xf32>
    %reduce_max3A_267 = vector.shape_cast %reduce_max3A_266 : vector<1xf32> to vector<1x1x1xf32>
    %reduce_max3A_268 = vector.extract %reduce_max3A_267[0, 0, 0] : f32 from vector<1x1x1xf32>
    %jit3A_269 = arith.constant -3.000000e+38 : f32
    %broadcast_in_dim3A_270 = vector.broadcast %jit3A_269 : f32 to vector<80x128xf32>
    %select_n3A_271 = arith.select %eq3A_260, %get3A_4, %broadcast_in_dim3A_270 : vector<80x128xi1>, vector<80x128xf32>
    %reduce_max3A_272 = vector.shape_cast %select_n3A_271 : vector<80x128xf32> to vector<1x80x128xf32>
    %reduce_max3A_273 = arith.constant dense<0xFF800000> : vector<1xf32>
    %reduce_max3A_274 = vector.multi_reduction <maximumf>, %reduce_max3A_272, %reduce_max3A_273 [1, 2] : vector<1x80x128xf32> to vector<1xf32>
    %reduce_max3A_275 = vector.shape_cast %reduce_max3A_274 : vector<1xf32> to vector<1x1x1xf32>
    %reduce_max3A_276 = vector.extract %reduce_max3A_275[0, 0, 0] : f32 from vector<1x1x1xf32>
    %broadcast_in_dim3A_277 = vector.broadcast %reduce_max3A_268 : f32 to vector<80x128xf32>
    %select_n3A_278 = arith.select %eq3A_260, %broadcast_in_dim3A_277, %select_n3A_255 : vector<80x128xi1>, vector<80x128xf32>
    %broadcast_in_dim3A_279 = vector.broadcast %reduce_max3A_276 : f32 to vector<80x128xf32>
    %select_n3A_280 = arith.select %eq3A_260, %broadcast_in_dim3A_279, %select_n3A_257 : vector<80x128xi1>, vector<80x128xf32>
    %eq3A_281 = arith.constant 12 : i32
    %eq3A_282 = vector.broadcast %eq3A_281 : i32 to vector<80x128xi32>
    %eq3A_283 = arith.cmpi eq, %get3A_7, %eq3A_282 : vector<80x128xi32>
    %jit3A_284 = arith.constant -3.000000e+38 : f32
    %broadcast_in_dim3A_285 = vector.broadcast %jit3A_284 : f32 to vector<80x128xf32>
    %select_n3A_286 = arith.select %eq3A_283, %get3A_1, %broadcast_in_dim3A_285 : vector<80x128xi1>, vector<80x128xf32>
    %reduce_max3A_287 = vector.shape_cast %select_n3A_286 : vector<80x128xf32> to vector<1x80x128xf32>
    %reduce_max3A_288 = arith.constant dense<0xFF800000> : vector<1xf32>
    %reduce_max3A_289 = vector.multi_reduction <maximumf>, %reduce_max3A_287, %reduce_max3A_288 [1, 2] : vector<1x80x128xf32> to vector<1xf32>
    %reduce_max3A_290 = vector.shape_cast %reduce_max3A_289 : vector<1xf32> to vector<1x1x1xf32>
    %reduce_max3A_291 = vector.extract %reduce_max3A_290[0, 0, 0] : f32 from vector<1x1x1xf32>
    %jit3A_292 = arith.constant -3.000000e+38 : f32
    %broadcast_in_dim3A_293 = vector.broadcast %jit3A_292 : f32 to vector<80x128xf32>
    %select_n3A_294 = arith.select %eq3A_283, %get3A_4, %broadcast_in_dim3A_293 : vector<80x128xi1>, vector<80x128xf32>
    %reduce_max3A_295 = vector.shape_cast %select_n3A_294 : vector<80x128xf32> to vector<1x80x128xf32>
    %reduce_max3A_296 = arith.constant dense<0xFF800000> : vector<1xf32>
    %reduce_max3A_297 = vector.multi_reduction <maximumf>, %reduce_max3A_295, %reduce_max3A_296 [1, 2] : vector<1x80x128xf32> to vector<1xf32>
    %reduce_max3A_298 = vector.shape_cast %reduce_max3A_297 : vector<1xf32> to vector<1x1x1xf32>
    %reduce_max3A_299 = vector.extract %reduce_max3A_298[0, 0, 0] : f32 from vector<1x1x1xf32>
    %broadcast_in_dim3A_300 = vector.broadcast %reduce_max3A_291 : f32 to vector<80x128xf32>
    %select_n3A_301 = arith.select %eq3A_283, %broadcast_in_dim3A_300, %select_n3A_278 : vector<80x128xi1>, vector<80x128xf32>
    %broadcast_in_dim3A_302 = vector.broadcast %reduce_max3A_299 : f32 to vector<80x128xf32>
    %select_n3A_303 = arith.select %eq3A_283, %broadcast_in_dim3A_302, %select_n3A_280 : vector<80x128xi1>, vector<80x128xf32>
    %eq3A_304 = arith.constant 13 : i32
    %eq3A_305 = vector.broadcast %eq3A_304 : i32 to vector<80x128xi32>
    %eq3A_306 = arith.cmpi eq, %get3A_7, %eq3A_305 : vector<80x128xi32>
    %jit3A_307 = arith.constant -3.000000e+38 : f32
    %broadcast_in_dim3A_308 = vector.broadcast %jit3A_307 : f32 to vector<80x128xf32>
    %select_n3A_309 = arith.select %eq3A_306, %get3A_1, %broadcast_in_dim3A_308 : vector<80x128xi1>, vector<80x128xf32>
    %reduce_max3A_310 = vector.shape_cast %select_n3A_309 : vector<80x128xf32> to vector<1x80x128xf32>
    %reduce_max3A_311 = arith.constant dense<0xFF800000> : vector<1xf32>
    %reduce_max3A_312 = vector.multi_reduction <maximumf>, %reduce_max3A_310, %reduce_max3A_311 [1, 2] : vector<1x80x128xf32> to vector<1xf32>
    %reduce_max3A_313 = vector.shape_cast %reduce_max3A_312 : vector<1xf32> to vector<1x1x1xf32>
    %reduce_max3A_314 = vector.extract %reduce_max3A_313[0, 0, 0] : f32 from vector<1x1x1xf32>
    %jit3A_315 = arith.constant -3.000000e+38 : f32
    %broadcast_in_dim3A_316 = vector.broadcast %jit3A_315 : f32 to vector<80x128xf32>
    %select_n3A_317 = arith.select %eq3A_306, %get3A_4, %broadcast_in_dim3A_316 : vector<80x128xi1>, vector<80x128xf32>
    %reduce_max3A_318 = vector.shape_cast %select_n3A_317 : vector<80x128xf32> to vector<1x80x128xf32>
    %reduce_max3A_319 = arith.constant dense<0xFF800000> : vector<1xf32>
    %reduce_max3A_320 = vector.multi_reduction <maximumf>, %reduce_max3A_318, %reduce_max3A_319 [1, 2] : vector<1x80x128xf32> to vector<1xf32>
    %reduce_max3A_321 = vector.shape_cast %reduce_max3A_320 : vector<1xf32> to vector<1x1x1xf32>
    %reduce_max3A_322 = vector.extract %reduce_max3A_321[0, 0, 0] : f32 from vector<1x1x1xf32>
    %broadcast_in_dim3A_323 = vector.broadcast %reduce_max3A_314 : f32 to vector<80x128xf32>
    %select_n3A_324 = arith.select %eq3A_306, %broadcast_in_dim3A_323, %select_n3A_301 : vector<80x128xi1>, vector<80x128xf32>
    %broadcast_in_dim3A_325 = vector.broadcast %reduce_max3A_322 : f32 to vector<80x128xf32>
    %select_n3A_326 = arith.select %eq3A_306, %broadcast_in_dim3A_325, %select_n3A_303 : vector<80x128xi1>, vector<80x128xf32>
    %eq3A_327 = arith.constant 14 : i32
    %eq3A_328 = vector.broadcast %eq3A_327 : i32 to vector<80x128xi32>
    %eq3A_329 = arith.cmpi eq, %get3A_7, %eq3A_328 : vector<80x128xi32>
    %jit3A_330 = arith.constant -3.000000e+38 : f32
    %broadcast_in_dim3A_331 = vector.broadcast %jit3A_330 : f32 to vector<80x128xf32>
    %select_n3A_332 = arith.select %eq3A_329, %get3A_1, %broadcast_in_dim3A_331 : vector<80x128xi1>, vector<80x128xf32>
    %reduce_max3A_333 = vector.shape_cast %select_n3A_332 : vector<80x128xf32> to vector<1x80x128xf32>
    %reduce_max3A_334 = arith.constant dense<0xFF800000> : vector<1xf32>
    %reduce_max3A_335 = vector.multi_reduction <maximumf>, %reduce_max3A_333, %reduce_max3A_334 [1, 2] : vector<1x80x128xf32> to vector<1xf32>
    %reduce_max3A_336 = vector.shape_cast %reduce_max3A_335 : vector<1xf32> to vector<1x1x1xf32>
    %reduce_max3A_337 = vector.extract %reduce_max3A_336[0, 0, 0] : f32 from vector<1x1x1xf32>
    %jit3A_338 = arith.constant -3.000000e+38 : f32
    %broadcast_in_dim3A_339 = vector.broadcast %jit3A_338 : f32 to vector<80x128xf32>
    %select_n3A_340 = arith.select %eq3A_329, %get3A_4, %broadcast_in_dim3A_339 : vector<80x128xi1>, vector<80x128xf32>
    %reduce_max3A_341 = vector.shape_cast %select_n3A_340 : vector<80x128xf32> to vector<1x80x128xf32>
    %reduce_max3A_342 = arith.constant dense<0xFF800000> : vector<1xf32>
    %reduce_max3A_343 = vector.multi_reduction <maximumf>, %reduce_max3A_341, %reduce_max3A_342 [1, 2] : vector<1x80x128xf32> to vector<1xf32>
    %reduce_max3A_344 = vector.shape_cast %reduce_max3A_343 : vector<1xf32> to vector<1x1x1xf32>
    %reduce_max3A_345 = vector.extract %reduce_max3A_344[0, 0, 0] : f32 from vector<1x1x1xf32>
    %broadcast_in_dim3A_346 = vector.broadcast %reduce_max3A_337 : f32 to vector<80x128xf32>
    %select_n3A_347 = arith.select %eq3A_329, %broadcast_in_dim3A_346, %select_n3A_324 : vector<80x128xi1>, vector<80x128xf32>
    %broadcast_in_dim3A_348 = vector.broadcast %reduce_max3A_345 : f32 to vector<80x128xf32>
    %select_n3A_349 = arith.select %eq3A_329, %broadcast_in_dim3A_348, %select_n3A_326 : vector<80x128xi1>, vector<80x128xf32>
    %eq3A_350 = arith.constant 15 : i32
    %eq3A_351 = vector.broadcast %eq3A_350 : i32 to vector<80x128xi32>
    %eq3A_352 = arith.cmpi eq, %get3A_7, %eq3A_351 : vector<80x128xi32>
    %jit3A_353 = arith.constant -3.000000e+38 : f32
    %broadcast_in_dim3A_354 = vector.broadcast %jit3A_353 : f32 to vector<80x128xf32>
    %select_n3A_355 = arith.select %eq3A_352, %get3A_1, %broadcast_in_dim3A_354 : vector<80x128xi1>, vector<80x128xf32>
    %reduce_max3A_356 = vector.shape_cast %select_n3A_355 : vector<80x128xf32> to vector<1x80x128xf32>
    %reduce_max3A_357 = arith.constant dense<0xFF800000> : vector<1xf32>
    %reduce_max3A_358 = vector.multi_reduction <maximumf>, %reduce_max3A_356, %reduce_max3A_357 [1, 2] : vector<1x80x128xf32> to vector<1xf32>
    %reduce_max3A_359 = vector.shape_cast %reduce_max3A_358 : vector<1xf32> to vector<1x1x1xf32>
    %reduce_max3A_360 = vector.extract %reduce_max3A_359[0, 0, 0] : f32 from vector<1x1x1xf32>
    %jit3A_361 = arith.constant -3.000000e+38 : f32
    %broadcast_in_dim3A_362 = vector.broadcast %jit3A_361 : f32 to vector<80x128xf32>
    %select_n3A_363 = arith.select %eq3A_352, %get3A_4, %broadcast_in_dim3A_362 : vector<80x128xi1>, vector<80x128xf32>
    %reduce_max3A_364 = vector.shape_cast %select_n3A_363 : vector<80x128xf32> to vector<1x80x128xf32>
    %reduce_max3A_365 = arith.constant dense<0xFF800000> : vector<1xf32>
    %reduce_max3A_366 = vector.multi_reduction <maximumf>, %reduce_max3A_364, %reduce_max3A_365 [1, 2] : vector<1x80x128xf32> to vector<1xf32>
    %reduce_max3A_367 = vector.shape_cast %reduce_max3A_366 : vector<1xf32> to vector<1x1x1xf32>
    %reduce_max3A_368 = vector.extract %reduce_max3A_367[0, 0, 0] : f32 from vector<1x1x1xf32>
    %broadcast_in_dim3A_369 = vector.broadcast %reduce_max3A_360 : f32 to vector<80x128xf32>
    %select_n3A_370 = arith.select %eq3A_352, %broadcast_in_dim3A_369, %select_n3A_347 : vector<80x128xi1>, vector<80x128xf32>
    %broadcast_in_dim3A_371 = vector.broadcast %reduce_max3A_368 : f32 to vector<80x128xf32>
    %select_n3A_372 = arith.select %eq3A_352, %broadcast_in_dim3A_371, %select_n3A_349 : vector<80x128xi1>, vector<80x128xf32>
    %eq3A_373 = arith.constant 16 : i32
    %eq3A_374 = vector.broadcast %eq3A_373 : i32 to vector<80x128xi32>
    %eq3A_375 = arith.cmpi eq, %get3A_7, %eq3A_374 : vector<80x128xi32>
    %jit3A_376 = arith.constant -3.000000e+38 : f32
    %broadcast_in_dim3A_377 = vector.broadcast %jit3A_376 : f32 to vector<80x128xf32>
    %select_n3A_378 = arith.select %eq3A_375, %get3A_1, %broadcast_in_dim3A_377 : vector<80x128xi1>, vector<80x128xf32>
    %reduce_max3A_379 = vector.shape_cast %select_n3A_378 : vector<80x128xf32> to vector<1x80x128xf32>
    %reduce_max3A_380 = arith.constant dense<0xFF800000> : vector<1xf32>
    %reduce_max3A_381 = vector.multi_reduction <maximumf>, %reduce_max3A_379, %reduce_max3A_380 [1, 2] : vector<1x80x128xf32> to vector<1xf32>
    %reduce_max3A_382 = vector.shape_cast %reduce_max3A_381 : vector<1xf32> to vector<1x1x1xf32>
    %reduce_max3A_383 = vector.extract %reduce_max3A_382[0, 0, 0] : f32 from vector<1x1x1xf32>
    %jit3A_384 = arith.constant -3.000000e+38 : f32
    %broadcast_in_dim3A_385 = vector.broadcast %jit3A_384 : f32 to vector<80x128xf32>
    %select_n3A_386 = arith.select %eq3A_375, %get3A_4, %broadcast_in_dim3A_385 : vector<80x128xi1>, vector<80x128xf32>
    %reduce_max3A_387 = vector.shape_cast %select_n3A_386 : vector<80x128xf32> to vector<1x80x128xf32>
    %reduce_max3A_388 = arith.constant dense<0xFF800000> : vector<1xf32>
    %reduce_max3A_389 = vector.multi_reduction <maximumf>, %reduce_max3A_387, %reduce_max3A_388 [1, 2] : vector<1x80x128xf32> to vector<1xf32>
    %reduce_max3A_390 = vector.shape_cast %reduce_max3A_389 : vector<1xf32> to vector<1x1x1xf32>
    %reduce_max3A_391 = vector.extract %reduce_max3A_390[0, 0, 0] : f32 from vector<1x1x1xf32>
    %broadcast_in_dim3A_392 = vector.broadcast %reduce_max3A_383 : f32 to vector<80x128xf32>
    %select_n3A_393 = arith.select %eq3A_375, %broadcast_in_dim3A_392, %select_n3A_370 : vector<80x128xi1>, vector<80x128xf32>
    %broadcast_in_dim3A_394 = vector.broadcast %reduce_max3A_391 : f32 to vector<80x128xf32>
    %select_n3A_395 = arith.select %eq3A_375, %broadcast_in_dim3A_394, %select_n3A_372 : vector<80x128xi1>, vector<80x128xf32>
    %eq3A_396 = arith.constant 17 : i32
    %eq3A_397 = vector.broadcast %eq3A_396 : i32 to vector<80x128xi32>
    %eq3A_398 = arith.cmpi eq, %get3A_7, %eq3A_397 : vector<80x128xi32>
    %jit3A_399 = arith.constant -3.000000e+38 : f32
    %broadcast_in_dim3A_400 = vector.broadcast %jit3A_399 : f32 to vector<80x128xf32>
    %select_n3A_401 = arith.select %eq3A_398, %get3A_1, %broadcast_in_dim3A_400 : vector<80x128xi1>, vector<80x128xf32>
    %reduce_max3A_402 = vector.shape_cast %select_n3A_401 : vector<80x128xf32> to vector<1x80x128xf32>
    %reduce_max3A_403 = arith.constant dense<0xFF800000> : vector<1xf32>
    %reduce_max3A_404 = vector.multi_reduction <maximumf>, %reduce_max3A_402, %reduce_max3A_403 [1, 2] : vector<1x80x128xf32> to vector<1xf32>
    %reduce_max3A_405 = vector.shape_cast %reduce_max3A_404 : vector<1xf32> to vector<1x1x1xf32>
    %reduce_max3A_406 = vector.extract %reduce_max3A_405[0, 0, 0] : f32 from vector<1x1x1xf32>
    %jit3A_407 = arith.constant -3.000000e+38 : f32
    %broadcast_in_dim3A_408 = vector.broadcast %jit3A_407 : f32 to vector<80x128xf32>
    %select_n3A_409 = arith.select %eq3A_398, %get3A_4, %broadcast_in_dim3A_408 : vector<80x128xi1>, vector<80x128xf32>
    %reduce_max3A_410 = vector.shape_cast %select_n3A_409 : vector<80x128xf32> to vector<1x80x128xf32>
    %reduce_max3A_411 = arith.constant dense<0xFF800000> : vector<1xf32>
    %reduce_max3A_412 = vector.multi_reduction <maximumf>, %reduce_max3A_410, %reduce_max3A_411 [1, 2] : vector<1x80x128xf32> to vector<1xf32>
    %reduce_max3A_413 = vector.shape_cast %reduce_max3A_412 : vector<1xf32> to vector<1x1x1xf32>
    %reduce_max3A_414 = vector.extract %reduce_max3A_413[0, 0, 0] : f32 from vector<1x1x1xf32>
    %broadcast_in_dim3A_415 = vector.broadcast %reduce_max3A_406 : f32 to vector<80x128xf32>
    %select_n3A_416 = arith.select %eq3A_398, %broadcast_in_dim3A_415, %select_n3A_393 : vector<80x128xi1>, vector<80x128xf32>
    %broadcast_in_dim3A_417 = vector.broadcast %reduce_max3A_414 : f32 to vector<80x128xf32>
    %select_n3A_418 = arith.select %eq3A_398, %broadcast_in_dim3A_417, %select_n3A_395 : vector<80x128xi1>, vector<80x128xf32>
    %eq3A_419 = arith.constant 18 : i32
    %eq3A_420 = vector.broadcast %eq3A_419 : i32 to vector<80x128xi32>
    %eq3A_421 = arith.cmpi eq, %get3A_7, %eq3A_420 : vector<80x128xi32>
    %jit3A_422 = arith.constant -3.000000e+38 : f32
    %broadcast_in_dim3A_423 = vector.broadcast %jit3A_422 : f32 to vector<80x128xf32>
    %select_n3A_424 = arith.select %eq3A_421, %get3A_1, %broadcast_in_dim3A_423 : vector<80x128xi1>, vector<80x128xf32>
    %reduce_max3A_425 = vector.shape_cast %select_n3A_424 : vector<80x128xf32> to vector<1x80x128xf32>
    %reduce_max3A_426 = arith.constant dense<0xFF800000> : vector<1xf32>
    %reduce_max3A_427 = vector.multi_reduction <maximumf>, %reduce_max3A_425, %reduce_max3A_426 [1, 2] : vector<1x80x128xf32> to vector<1xf32>
    %reduce_max3A_428 = vector.shape_cast %reduce_max3A_427 : vector<1xf32> to vector<1x1x1xf32>
    %reduce_max3A_429 = vector.extract %reduce_max3A_428[0, 0, 0] : f32 from vector<1x1x1xf32>
    %jit3A_430 = arith.constant -3.000000e+38 : f32
    %broadcast_in_dim3A_431 = vector.broadcast %jit3A_430 : f32 to vector<80x128xf32>
    %select_n3A_432 = arith.select %eq3A_421, %get3A_4, %broadcast_in_dim3A_431 : vector<80x128xi1>, vector<80x128xf32>
    %reduce_max3A_433 = vector.shape_cast %select_n3A_432 : vector<80x128xf32> to vector<1x80x128xf32>
    %reduce_max3A_434 = arith.constant dense<0xFF800000> : vector<1xf32>
    %reduce_max3A_435 = vector.multi_reduction <maximumf>, %reduce_max3A_433, %reduce_max3A_434 [1, 2] : vector<1x80x128xf32> to vector<1xf32>
    %reduce_max3A_436 = vector.shape_cast %reduce_max3A_435 : vector<1xf32> to vector<1x1x1xf32>
    %reduce_max3A_437 = vector.extract %reduce_max3A_436[0, 0, 0] : f32 from vector<1x1x1xf32>
    %broadcast_in_dim3A_438 = vector.broadcast %reduce_max3A_429 : f32 to vector<80x128xf32>
    %select_n3A_439 = arith.select %eq3A_421, %broadcast_in_dim3A_438, %select_n3A_416 : vector<80x128xi1>, vector<80x128xf32>
    %broadcast_in_dim3A_440 = vector.broadcast %reduce_max3A_437 : f32 to vector<80x128xf32>
    %select_n3A_441 = arith.select %eq3A_421, %broadcast_in_dim3A_440, %select_n3A_418 : vector<80x128xi1>, vector<80x128xf32>
    %eq3A_442 = arith.constant 19 : i32
    %eq3A_443 = vector.broadcast %eq3A_442 : i32 to vector<80x128xi32>
    %eq3A_444 = arith.cmpi eq, %get3A_7, %eq3A_443 : vector<80x128xi32>
    %jit3A_445 = arith.constant -3.000000e+38 : f32
    %broadcast_in_dim3A_446 = vector.broadcast %jit3A_445 : f32 to vector<80x128xf32>
    %select_n3A_447 = arith.select %eq3A_444, %get3A_1, %broadcast_in_dim3A_446 : vector<80x128xi1>, vector<80x128xf32>
    %reduce_max3A_448 = vector.shape_cast %select_n3A_447 : vector<80x128xf32> to vector<1x80x128xf32>
    %reduce_max3A_449 = arith.constant dense<0xFF800000> : vector<1xf32>
    %reduce_max3A_450 = vector.multi_reduction <maximumf>, %reduce_max3A_448, %reduce_max3A_449 [1, 2] : vector<1x80x128xf32> to vector<1xf32>
    %reduce_max3A_451 = vector.shape_cast %reduce_max3A_450 : vector<1xf32> to vector<1x1x1xf32>
    %reduce_max3A_452 = vector.extract %reduce_max3A_451[0, 0, 0] : f32 from vector<1x1x1xf32>
    %jit3A_453 = arith.constant -3.000000e+38 : f32
    %broadcast_in_dim3A_454 = vector.broadcast %jit3A_453 : f32 to vector<80x128xf32>
    %select_n3A_455 = arith.select %eq3A_444, %get3A_4, %broadcast_in_dim3A_454 : vector<80x128xi1>, vector<80x128xf32>
    %reduce_max3A_456 = vector.shape_cast %select_n3A_455 : vector<80x128xf32> to vector<1x80x128xf32>
    %reduce_max3A_457 = arith.constant dense<0xFF800000> : vector<1xf32>
    %reduce_max3A_458 = vector.multi_reduction <maximumf>, %reduce_max3A_456, %reduce_max3A_457 [1, 2] : vector<1x80x128xf32> to vector<1xf32>
    %reduce_max3A_459 = vector.shape_cast %reduce_max3A_458 : vector<1xf32> to vector<1x1x1xf32>
    %reduce_max3A_460 = vector.extract %reduce_max3A_459[0, 0, 0] : f32 from vector<1x1x1xf32>
    %broadcast_in_dim3A_461 = vector.broadcast %reduce_max3A_452 : f32 to vector<80x128xf32>
    %select_n3A_462 = arith.select %eq3A_444, %broadcast_in_dim3A_461, %select_n3A_439 : vector<80x128xi1>, vector<80x128xf32>
    %broadcast_in_dim3A_463 = vector.broadcast %reduce_max3A_460 : f32 to vector<80x128xf32>
    %select_n3A_464 = arith.select %eq3A_444, %broadcast_in_dim3A_463, %select_n3A_441 : vector<80x128xi1>, vector<80x128xf32>
    %eq3A_465 = arith.constant 20 : i32
    %eq3A_466 = vector.broadcast %eq3A_465 : i32 to vector<80x128xi32>
    %eq3A_467 = arith.cmpi eq, %get3A_7, %eq3A_466 : vector<80x128xi32>
    %jit3A_468 = arith.constant -3.000000e+38 : f32
    %broadcast_in_dim3A_469 = vector.broadcast %jit3A_468 : f32 to vector<80x128xf32>
    %select_n3A_470 = arith.select %eq3A_467, %get3A_1, %broadcast_in_dim3A_469 : vector<80x128xi1>, vector<80x128xf32>
    %reduce_max3A_471 = vector.shape_cast %select_n3A_470 : vector<80x128xf32> to vector<1x80x128xf32>
    %reduce_max3A_472 = arith.constant dense<0xFF800000> : vector<1xf32>
    %reduce_max3A_473 = vector.multi_reduction <maximumf>, %reduce_max3A_471, %reduce_max3A_472 [1, 2] : vector<1x80x128xf32> to vector<1xf32>
    %reduce_max3A_474 = vector.shape_cast %reduce_max3A_473 : vector<1xf32> to vector<1x1x1xf32>
    %reduce_max3A_475 = vector.extract %reduce_max3A_474[0, 0, 0] : f32 from vector<1x1x1xf32>
    %jit3A_476 = arith.constant -3.000000e+38 : f32
    %broadcast_in_dim3A_477 = vector.broadcast %jit3A_476 : f32 to vector<80x128xf32>
    %select_n3A_478 = arith.select %eq3A_467, %get3A_4, %broadcast_in_dim3A_477 : vector<80x128xi1>, vector<80x128xf32>
    %reduce_max3A_479 = vector.shape_cast %select_n3A_478 : vector<80x128xf32> to vector<1x80x128xf32>
    %reduce_max3A_480 = arith.constant dense<0xFF800000> : vector<1xf32>
    %reduce_max3A_481 = vector.multi_reduction <maximumf>, %reduce_max3A_479, %reduce_max3A_480 [1, 2] : vector<1x80x128xf32> to vector<1xf32>
    %reduce_max3A_482 = vector.shape_cast %reduce_max3A_481 : vector<1xf32> to vector<1x1x1xf32>
    %reduce_max3A_483 = vector.extract %reduce_max3A_482[0, 0, 0] : f32 from vector<1x1x1xf32>
    %broadcast_in_dim3A_484 = vector.broadcast %reduce_max3A_475 : f32 to vector<80x128xf32>
    %select_n3A_485 = arith.select %eq3A_467, %broadcast_in_dim3A_484, %select_n3A_462 : vector<80x128xi1>, vector<80x128xf32>
    %broadcast_in_dim3A_486 = vector.broadcast %reduce_max3A_483 : f32 to vector<80x128xf32>
    %select_n3A_487 = arith.select %eq3A_467, %broadcast_in_dim3A_486, %select_n3A_464 : vector<80x128xi1>, vector<80x128xf32>
    %eq3A_488 = arith.constant 21 : i32
    %eq3A_489 = vector.broadcast %eq3A_488 : i32 to vector<80x128xi32>
    %eq3A_490 = arith.cmpi eq, %get3A_7, %eq3A_489 : vector<80x128xi32>
    %jit3A_491 = arith.constant -3.000000e+38 : f32
    %broadcast_in_dim3A_492 = vector.broadcast %jit3A_491 : f32 to vector<80x128xf32>
    %select_n3A_493 = arith.select %eq3A_490, %get3A_1, %broadcast_in_dim3A_492 : vector<80x128xi1>, vector<80x128xf32>
    %reduce_max3A_494 = vector.shape_cast %select_n3A_493 : vector<80x128xf32> to vector<1x80x128xf32>
    %reduce_max3A_495 = arith.constant dense<0xFF800000> : vector<1xf32>
    %reduce_max3A_496 = vector.multi_reduction <maximumf>, %reduce_max3A_494, %reduce_max3A_495 [1, 2] : vector<1x80x128xf32> to vector<1xf32>
    %reduce_max3A_497 = vector.shape_cast %reduce_max3A_496 : vector<1xf32> to vector<1x1x1xf32>
    %reduce_max3A_498 = vector.extract %reduce_max3A_497[0, 0, 0] : f32 from vector<1x1x1xf32>
    %jit3A_499 = arith.constant -3.000000e+38 : f32
    %broadcast_in_dim3A_500 = vector.broadcast %jit3A_499 : f32 to vector<80x128xf32>
    %select_n3A_501 = arith.select %eq3A_490, %get3A_4, %broadcast_in_dim3A_500 : vector<80x128xi1>, vector<80x128xf32>
    %reduce_max3A_502 = vector.shape_cast %select_n3A_501 : vector<80x128xf32> to vector<1x80x128xf32>
    %reduce_max3A_503 = arith.constant dense<0xFF800000> : vector<1xf32>
    %reduce_max3A_504 = vector.multi_reduction <maximumf>, %reduce_max3A_502, %reduce_max3A_503 [1, 2] : vector<1x80x128xf32> to vector<1xf32>
    %reduce_max3A_505 = vector.shape_cast %reduce_max3A_504 : vector<1xf32> to vector<1x1x1xf32>
    %reduce_max3A_506 = vector.extract %reduce_max3A_505[0, 0, 0] : f32 from vector<1x1x1xf32>
    %broadcast_in_dim3A_507 = vector.broadcast %reduce_max3A_498 : f32 to vector<80x128xf32>
    %select_n3A_508 = arith.select %eq3A_490, %broadcast_in_dim3A_507, %select_n3A_485 : vector<80x128xi1>, vector<80x128xf32>
    %broadcast_in_dim3A_509 = vector.broadcast %reduce_max3A_506 : f32 to vector<80x128xf32>
    %select_n3A_510 = arith.select %eq3A_490, %broadcast_in_dim3A_509, %select_n3A_487 : vector<80x128xi1>, vector<80x128xf32>
    %eq3A_511 = arith.constant 22 : i32
    %eq3A_512 = vector.broadcast %eq3A_511 : i32 to vector<80x128xi32>
    %eq3A_513 = arith.cmpi eq, %get3A_7, %eq3A_512 : vector<80x128xi32>
    %jit3A_514 = arith.constant -3.000000e+38 : f32
    %broadcast_in_dim3A_515 = vector.broadcast %jit3A_514 : f32 to vector<80x128xf32>
    %select_n3A_516 = arith.select %eq3A_513, %get3A_1, %broadcast_in_dim3A_515 : vector<80x128xi1>, vector<80x128xf32>
    %reduce_max3A_517 = vector.shape_cast %select_n3A_516 : vector<80x128xf32> to vector<1x80x128xf32>
    %reduce_max3A_518 = arith.constant dense<0xFF800000> : vector<1xf32>
    %reduce_max3A_519 = vector.multi_reduction <maximumf>, %reduce_max3A_517, %reduce_max3A_518 [1, 2] : vector<1x80x128xf32> to vector<1xf32>
    %reduce_max3A_520 = vector.shape_cast %reduce_max3A_519 : vector<1xf32> to vector<1x1x1xf32>
    %reduce_max3A_521 = vector.extract %reduce_max3A_520[0, 0, 0] : f32 from vector<1x1x1xf32>
    %jit3A_522 = arith.constant -3.000000e+38 : f32
    %broadcast_in_dim3A_523 = vector.broadcast %jit3A_522 : f32 to vector<80x128xf32>
    %select_n3A_524 = arith.select %eq3A_513, %get3A_4, %broadcast_in_dim3A_523 : vector<80x128xi1>, vector<80x128xf32>
    %reduce_max3A_525 = vector.shape_cast %select_n3A_524 : vector<80x128xf32> to vector<1x80x128xf32>
    %reduce_max3A_526 = arith.constant dense<0xFF800000> : vector<1xf32>
    %reduce_max3A_527 = vector.multi_reduction <maximumf>, %reduce_max3A_525, %reduce_max3A_526 [1, 2] : vector<1x80x128xf32> to vector<1xf32>
    %reduce_max3A_528 = vector.shape_cast %reduce_max3A_527 : vector<1xf32> to vector<1x1x1xf32>
    %reduce_max3A_529 = vector.extract %reduce_max3A_528[0, 0, 0] : f32 from vector<1x1x1xf32>
    %broadcast_in_dim3A_530 = vector.broadcast %reduce_max3A_521 : f32 to vector<80x128xf32>
    %select_n3A_531 = arith.select %eq3A_513, %broadcast_in_dim3A_530, %select_n3A_508 : vector<80x128xi1>, vector<80x128xf32>
    %broadcast_in_dim3A_532 = vector.broadcast %reduce_max3A_529 : f32 to vector<80x128xf32>
    %select_n3A_533 = arith.select %eq3A_513, %broadcast_in_dim3A_532, %select_n3A_510 : vector<80x128xi1>, vector<80x128xf32>
    %eq3A_534 = arith.constant 23 : i32
    %eq3A_535 = vector.broadcast %eq3A_534 : i32 to vector<80x128xi32>
    %eq3A_536 = arith.cmpi eq, %get3A_7, %eq3A_535 : vector<80x128xi32>
    %jit3A_537 = arith.constant -3.000000e+38 : f32
    %broadcast_in_dim3A_538 = vector.broadcast %jit3A_537 : f32 to vector<80x128xf32>
    %select_n3A_539 = arith.select %eq3A_536, %get3A_1, %broadcast_in_dim3A_538 : vector<80x128xi1>, vector<80x128xf32>
    %reduce_max3A_540 = vector.shape_cast %select_n3A_539 : vector<80x128xf32> to vector<1x80x128xf32>
    %reduce_max3A_541 = arith.constant dense<0xFF800000> : vector<1xf32>
    %reduce_max3A_542 = vector.multi_reduction <maximumf>, %reduce_max3A_540, %reduce_max3A_541 [1, 2] : vector<1x80x128xf32> to vector<1xf32>
    %reduce_max3A_543 = vector.shape_cast %reduce_max3A_542 : vector<1xf32> to vector<1x1x1xf32>
    %reduce_max3A_544 = vector.extract %reduce_max3A_543[0, 0, 0] : f32 from vector<1x1x1xf32>
    %jit3A_545 = arith.constant -3.000000e+38 : f32
    %broadcast_in_dim3A_546 = vector.broadcast %jit3A_545 : f32 to vector<80x128xf32>
    %select_n3A_547 = arith.select %eq3A_536, %get3A_4, %broadcast_in_dim3A_546 : vector<80x128xi1>, vector<80x128xf32>
    %reduce_max3A_548 = vector.shape_cast %select_n3A_547 : vector<80x128xf32> to vector<1x80x128xf32>
    %reduce_max3A_549 = arith.constant dense<0xFF800000> : vector<1xf32>
    %reduce_max3A_550 = vector.multi_reduction <maximumf>, %reduce_max3A_548, %reduce_max3A_549 [1, 2] : vector<1x80x128xf32> to vector<1xf32>
    %reduce_max3A_551 = vector.shape_cast %reduce_max3A_550 : vector<1xf32> to vector<1x1x1xf32>
    %reduce_max3A_552 = vector.extract %reduce_max3A_551[0, 0, 0] : f32 from vector<1x1x1xf32>
    %broadcast_in_dim3A_553 = vector.broadcast %reduce_max3A_544 : f32 to vector<80x128xf32>
    %select_n3A_554 = arith.select %eq3A_536, %broadcast_in_dim3A_553, %select_n3A_531 : vector<80x128xi1>, vector<80x128xf32>
    %broadcast_in_dim3A_555 = vector.broadcast %reduce_max3A_552 : f32 to vector<80x128xf32>
    %select_n3A_556 = arith.select %eq3A_536, %broadcast_in_dim3A_555, %select_n3A_533 : vector<80x128xi1>, vector<80x128xf32>
    %eq3A_557 = arith.constant 24 : i32
    %eq3A_558 = vector.broadcast %eq3A_557 : i32 to vector<80x128xi32>
    %eq3A_559 = arith.cmpi eq, %get3A_7, %eq3A_558 : vector<80x128xi32>
    %jit3A_560 = arith.constant -3.000000e+38 : f32
    %broadcast_in_dim3A_561 = vector.broadcast %jit3A_560 : f32 to vector<80x128xf32>
    %select_n3A_562 = arith.select %eq3A_559, %get3A_1, %broadcast_in_dim3A_561 : vector<80x128xi1>, vector<80x128xf32>
    %reduce_max3A_563 = vector.shape_cast %select_n3A_562 : vector<80x128xf32> to vector<1x80x128xf32>
    %reduce_max3A_564 = arith.constant dense<0xFF800000> : vector<1xf32>
    %reduce_max3A_565 = vector.multi_reduction <maximumf>, %reduce_max3A_563, %reduce_max3A_564 [1, 2] : vector<1x80x128xf32> to vector<1xf32>
    %reduce_max3A_566 = vector.shape_cast %reduce_max3A_565 : vector<1xf32> to vector<1x1x1xf32>
    %reduce_max3A_567 = vector.extract %reduce_max3A_566[0, 0, 0] : f32 from vector<1x1x1xf32>
    %jit3A_568 = arith.constant -3.000000e+38 : f32
    %broadcast_in_dim3A_569 = vector.broadcast %jit3A_568 : f32 to vector<80x128xf32>
    %select_n3A_570 = arith.select %eq3A_559, %get3A_4, %broadcast_in_dim3A_569 : vector<80x128xi1>, vector<80x128xf32>
    %reduce_max3A_571 = vector.shape_cast %select_n3A_570 : vector<80x128xf32> to vector<1x80x128xf32>
    %reduce_max3A_572 = arith.constant dense<0xFF800000> : vector<1xf32>
    %reduce_max3A_573 = vector.multi_reduction <maximumf>, %reduce_max3A_571, %reduce_max3A_572 [1, 2] : vector<1x80x128xf32> to vector<1xf32>
    %reduce_max3A_574 = vector.shape_cast %reduce_max3A_573 : vector<1xf32> to vector<1x1x1xf32>
    %reduce_max3A_575 = vector.extract %reduce_max3A_574[0, 0, 0] : f32 from vector<1x1x1xf32>
    %broadcast_in_dim3A_576 = vector.broadcast %reduce_max3A_567 : f32 to vector<80x128xf32>
    %select_n3A_577 = arith.select %eq3A_559, %broadcast_in_dim3A_576, %select_n3A_554 : vector<80x128xi1>, vector<80x128xf32>
    %broadcast_in_dim3A_578 = vector.broadcast %reduce_max3A_575 : f32 to vector<80x128xf32>
    %select_n3A_579 = arith.select %eq3A_559, %broadcast_in_dim3A_578, %select_n3A_556 : vector<80x128xi1>, vector<80x128xf32>
    %eq3A_580 = arith.constant 25 : i32
    %eq3A_581 = vector.broadcast %eq3A_580 : i32 to vector<80x128xi32>
    %eq3A_582 = arith.cmpi eq, %get3A_7, %eq3A_581 : vector<80x128xi32>
    %jit3A_583 = arith.constant -3.000000e+38 : f32
    %broadcast_in_dim3A_584 = vector.broadcast %jit3A_583 : f32 to vector<80x128xf32>
    %select_n3A_585 = arith.select %eq3A_582, %get3A_1, %broadcast_in_dim3A_584 : vector<80x128xi1>, vector<80x128xf32>
    %reduce_max3A_586 = vector.shape_cast %select_n3A_585 : vector<80x128xf32> to vector<1x80x128xf32>
    %reduce_max3A_587 = arith.constant dense<0xFF800000> : vector<1xf32>
    %reduce_max3A_588 = vector.multi_reduction <maximumf>, %reduce_max3A_586, %reduce_max3A_587 [1, 2] : vector<1x80x128xf32> to vector<1xf32>
    %reduce_max3A_589 = vector.shape_cast %reduce_max3A_588 : vector<1xf32> to vector<1x1x1xf32>
    %reduce_max3A_590 = vector.extract %reduce_max3A_589[0, 0, 0] : f32 from vector<1x1x1xf32>
    %jit3A_591 = arith.constant -3.000000e+38 : f32
    %broadcast_in_dim3A_592 = vector.broadcast %jit3A_591 : f32 to vector<80x128xf32>
    %select_n3A_593 = arith.select %eq3A_582, %get3A_4, %broadcast_in_dim3A_592 : vector<80x128xi1>, vector<80x128xf32>
    %reduce_max3A_594 = vector.shape_cast %select_n3A_593 : vector<80x128xf32> to vector<1x80x128xf32>
    %reduce_max3A_595 = arith.constant dense<0xFF800000> : vector<1xf32>
    %reduce_max3A_596 = vector.multi_reduction <maximumf>, %reduce_max3A_594, %reduce_max3A_595 [1, 2] : vector<1x80x128xf32> to vector<1xf32>
    %reduce_max3A_597 = vector.shape_cast %reduce_max3A_596 : vector<1xf32> to vector<1x1x1xf32>
    %reduce_max3A_598 = vector.extract %reduce_max3A_597[0, 0, 0] : f32 from vector<1x1x1xf32>
    %broadcast_in_dim3A_599 = vector.broadcast %reduce_max3A_590 : f32 to vector<80x128xf32>
    %select_n3A_600 = arith.select %eq3A_582, %broadcast_in_dim3A_599, %select_n3A_577 : vector<80x128xi1>, vector<80x128xf32>
    %broadcast_in_dim3A_601 = vector.broadcast %reduce_max3A_598 : f32 to vector<80x128xf32>
    %select_n3A_602 = arith.select %eq3A_582, %broadcast_in_dim3A_601, %select_n3A_579 : vector<80x128xi1>, vector<80x128xf32>
    %eq3A_603 = arith.constant 26 : i32
    %eq3A_604 = vector.broadcast %eq3A_603 : i32 to vector<80x128xi32>
    %eq3A_605 = arith.cmpi eq, %get3A_7, %eq3A_604 : vector<80x128xi32>
    %jit3A_606 = arith.constant -3.000000e+38 : f32
    %broadcast_in_dim3A_607 = vector.broadcast %jit3A_606 : f32 to vector<80x128xf32>
    %select_n3A_608 = arith.select %eq3A_605, %get3A_1, %broadcast_in_dim3A_607 : vector<80x128xi1>, vector<80x128xf32>
    %reduce_max3A_609 = vector.shape_cast %select_n3A_608 : vector<80x128xf32> to vector<1x80x128xf32>
    %reduce_max3A_610 = arith.constant dense<0xFF800000> : vector<1xf32>
    %reduce_max3A_611 = vector.multi_reduction <maximumf>, %reduce_max3A_609, %reduce_max3A_610 [1, 2] : vector<1x80x128xf32> to vector<1xf32>
    %reduce_max3A_612 = vector.shape_cast %reduce_max3A_611 : vector<1xf32> to vector<1x1x1xf32>
    %reduce_max3A_613 = vector.extract %reduce_max3A_612[0, 0, 0] : f32 from vector<1x1x1xf32>
    %jit3A_614 = arith.constant -3.000000e+38 : f32
    %broadcast_in_dim3A_615 = vector.broadcast %jit3A_614 : f32 to vector<80x128xf32>
    %select_n3A_616 = arith.select %eq3A_605, %get3A_4, %broadcast_in_dim3A_615 : vector<80x128xi1>, vector<80x128xf32>
    %reduce_max3A_617 = vector.shape_cast %select_n3A_616 : vector<80x128xf32> to vector<1x80x128xf32>
    %reduce_max3A_618 = arith.constant dense<0xFF800000> : vector<1xf32>
    %reduce_max3A_619 = vector.multi_reduction <maximumf>, %reduce_max3A_617, %reduce_max3A_618 [1, 2] : vector<1x80x128xf32> to vector<1xf32>
    %reduce_max3A_620 = vector.shape_cast %reduce_max3A_619 : vector<1xf32> to vector<1x1x1xf32>
    %reduce_max3A_621 = vector.extract %reduce_max3A_620[0, 0, 0] : f32 from vector<1x1x1xf32>
    %broadcast_in_dim3A_622 = vector.broadcast %reduce_max3A_613 : f32 to vector<80x128xf32>
    %select_n3A_623 = arith.select %eq3A_605, %broadcast_in_dim3A_622, %select_n3A_600 : vector<80x128xi1>, vector<80x128xf32>
    %broadcast_in_dim3A_624 = vector.broadcast %reduce_max3A_621 : f32 to vector<80x128xf32>
    %select_n3A_625 = arith.select %eq3A_605, %broadcast_in_dim3A_624, %select_n3A_602 : vector<80x128xi1>, vector<80x128xf32>
    %eq3A_626 = arith.constant 27 : i32
    %eq3A_627 = vector.broadcast %eq3A_626 : i32 to vector<80x128xi32>
    %eq3A_628 = arith.cmpi eq, %get3A_7, %eq3A_627 : vector<80x128xi32>
    %jit3A_629 = arith.constant -3.000000e+38 : f32
    %broadcast_in_dim3A_630 = vector.broadcast %jit3A_629 : f32 to vector<80x128xf32>
    %select_n3A_631 = arith.select %eq3A_628, %get3A_1, %broadcast_in_dim3A_630 : vector<80x128xi1>, vector<80x128xf32>
    %reduce_max3A_632 = vector.shape_cast %select_n3A_631 : vector<80x128xf32> to vector<1x80x128xf32>
    %reduce_max3A_633 = arith.constant dense<0xFF800000> : vector<1xf32>
    %reduce_max3A_634 = vector.multi_reduction <maximumf>, %reduce_max3A_632, %reduce_max3A_633 [1, 2] : vector<1x80x128xf32> to vector<1xf32>
    %reduce_max3A_635 = vector.shape_cast %reduce_max3A_634 : vector<1xf32> to vector<1x1x1xf32>
    %reduce_max3A_636 = vector.extract %reduce_max3A_635[0, 0, 0] : f32 from vector<1x1x1xf32>
    %jit3A_637 = arith.constant -3.000000e+38 : f32
    %broadcast_in_dim3A_638 = vector.broadcast %jit3A_637 : f32 to vector<80x128xf32>
    %select_n3A_639 = arith.select %eq3A_628, %get3A_4, %broadcast_in_dim3A_638 : vector<80x128xi1>, vector<80x128xf32>
    %reduce_max3A_640 = vector.shape_cast %select_n3A_639 : vector<80x128xf32> to vector<1x80x128xf32>
    %reduce_max3A_641 = arith.constant dense<0xFF800000> : vector<1xf32>
    %reduce_max3A_642 = vector.multi_reduction <maximumf>, %reduce_max3A_640, %reduce_max3A_641 [1, 2] : vector<1x80x128xf32> to vector<1xf32>
    %reduce_max3A_643 = vector.shape_cast %reduce_max3A_642 : vector<1xf32> to vector<1x1x1xf32>
    %reduce_max3A_644 = vector.extract %reduce_max3A_643[0, 0, 0] : f32 from vector<1x1x1xf32>
    %broadcast_in_dim3A_645 = vector.broadcast %reduce_max3A_636 : f32 to vector<80x128xf32>
    %select_n3A_646 = arith.select %eq3A_628, %broadcast_in_dim3A_645, %select_n3A_623 : vector<80x128xi1>, vector<80x128xf32>
    %broadcast_in_dim3A_647 = vector.broadcast %reduce_max3A_644 : f32 to vector<80x128xf32>
    %select_n3A_648 = arith.select %eq3A_628, %broadcast_in_dim3A_647, %select_n3A_625 : vector<80x128xi1>, vector<80x128xf32>
    %eq3A_649 = arith.constant 28 : i32
    %eq3A_650 = vector.broadcast %eq3A_649 : i32 to vector<80x128xi32>
    %eq3A_651 = arith.cmpi eq, %get3A_7, %eq3A_650 : vector<80x128xi32>
    %jit3A_652 = arith.constant -3.000000e+38 : f32
    %broadcast_in_dim3A_653 = vector.broadcast %jit3A_652 : f32 to vector<80x128xf32>
    %select_n3A_654 = arith.select %eq3A_651, %get3A_1, %broadcast_in_dim3A_653 : vector<80x128xi1>, vector<80x128xf32>
    %reduce_max3A_655 = vector.shape_cast %select_n3A_654 : vector<80x128xf32> to vector<1x80x128xf32>
    %reduce_max3A_656 = arith.constant dense<0xFF800000> : vector<1xf32>
    %reduce_max3A_657 = vector.multi_reduction <maximumf>, %reduce_max3A_655, %reduce_max3A_656 [1, 2] : vector<1x80x128xf32> to vector<1xf32>
    %reduce_max3A_658 = vector.shape_cast %reduce_max3A_657 : vector<1xf32> to vector<1x1x1xf32>
    %reduce_max3A_659 = vector.extract %reduce_max3A_658[0, 0, 0] : f32 from vector<1x1x1xf32>
    %jit3A_660 = arith.constant -3.000000e+38 : f32
    %broadcast_in_dim3A_661 = vector.broadcast %jit3A_660 : f32 to vector<80x128xf32>
    %select_n3A_662 = arith.select %eq3A_651, %get3A_4, %broadcast_in_dim3A_661 : vector<80x128xi1>, vector<80x128xf32>
    %reduce_max3A_663 = vector.shape_cast %select_n3A_662 : vector<80x128xf32> to vector<1x80x128xf32>
    %reduce_max3A_664 = arith.constant dense<0xFF800000> : vector<1xf32>
    %reduce_max3A_665 = vector.multi_reduction <maximumf>, %reduce_max3A_663, %reduce_max3A_664 [1, 2] : vector<1x80x128xf32> to vector<1xf32>
    %reduce_max3A_666 = vector.shape_cast %reduce_max3A_665 : vector<1xf32> to vector<1x1x1xf32>
    %reduce_max3A_667 = vector.extract %reduce_max3A_666[0, 0, 0] : f32 from vector<1x1x1xf32>
    %broadcast_in_dim3A_668 = vector.broadcast %reduce_max3A_659 : f32 to vector<80x128xf32>
    %select_n3A_669 = arith.select %eq3A_651, %broadcast_in_dim3A_668, %select_n3A_646 : vector<80x128xi1>, vector<80x128xf32>
    %broadcast_in_dim3A_670 = vector.broadcast %reduce_max3A_667 : f32 to vector<80x128xf32>
    %select_n3A_671 = arith.select %eq3A_651, %broadcast_in_dim3A_670, %select_n3A_648 : vector<80x128xi1>, vector<80x128xf32>
    %eq3A_672 = arith.constant 29 : i32
    %eq3A_673 = vector.broadcast %eq3A_672 : i32 to vector<80x128xi32>
    %eq3A_674 = arith.cmpi eq, %get3A_7, %eq3A_673 : vector<80x128xi32>
    %jit3A_675 = arith.constant -3.000000e+38 : f32
    %broadcast_in_dim3A_676 = vector.broadcast %jit3A_675 : f32 to vector<80x128xf32>
    %select_n3A_677 = arith.select %eq3A_674, %get3A_1, %broadcast_in_dim3A_676 : vector<80x128xi1>, vector<80x128xf32>
    %reduce_max3A_678 = vector.shape_cast %select_n3A_677 : vector<80x128xf32> to vector<1x80x128xf32>
    %reduce_max3A_679 = arith.constant dense<0xFF800000> : vector<1xf32>
    %reduce_max3A_680 = vector.multi_reduction <maximumf>, %reduce_max3A_678, %reduce_max3A_679 [1, 2] : vector<1x80x128xf32> to vector<1xf32>
    %reduce_max3A_681 = vector.shape_cast %reduce_max3A_680 : vector<1xf32> to vector<1x1x1xf32>
    %reduce_max3A_682 = vector.extract %reduce_max3A_681[0, 0, 0] : f32 from vector<1x1x1xf32>
    %jit3A_683 = arith.constant -3.000000e+38 : f32
    %broadcast_in_dim3A_684 = vector.broadcast %jit3A_683 : f32 to vector<80x128xf32>
    %select_n3A_685 = arith.select %eq3A_674, %get3A_4, %broadcast_in_dim3A_684 : vector<80x128xi1>, vector<80x128xf32>
    %reduce_max3A_686 = vector.shape_cast %select_n3A_685 : vector<80x128xf32> to vector<1x80x128xf32>
    %reduce_max3A_687 = arith.constant dense<0xFF800000> : vector<1xf32>
    %reduce_max3A_688 = vector.multi_reduction <maximumf>, %reduce_max3A_686, %reduce_max3A_687 [1, 2] : vector<1x80x128xf32> to vector<1xf32>
    %reduce_max3A_689 = vector.shape_cast %reduce_max3A_688 : vector<1xf32> to vector<1x1x1xf32>
    %reduce_max3A_690 = vector.extract %reduce_max3A_689[0, 0, 0] : f32 from vector<1x1x1xf32>
    %broadcast_in_dim3A_691 = vector.broadcast %reduce_max3A_682 : f32 to vector<80x128xf32>
    %select_n3A_692 = arith.select %eq3A_674, %broadcast_in_dim3A_691, %select_n3A_669 : vector<80x128xi1>, vector<80x128xf32>
    %broadcast_in_dim3A_693 = vector.broadcast %reduce_max3A_690 : f32 to vector<80x128xf32>
    %select_n3A_694 = arith.select %eq3A_674, %broadcast_in_dim3A_693, %select_n3A_671 : vector<80x128xi1>, vector<80x128xf32>
    %eq3A_695 = arith.constant 30 : i32
    %eq3A_696 = vector.broadcast %eq3A_695 : i32 to vector<80x128xi32>
    %eq3A_697 = arith.cmpi eq, %get3A_7, %eq3A_696 : vector<80x128xi32>
    %jit3A_698 = arith.constant -3.000000e+38 : f32
    %broadcast_in_dim3A_699 = vector.broadcast %jit3A_698 : f32 to vector<80x128xf32>
    %select_n3A_700 = arith.select %eq3A_697, %get3A_1, %broadcast_in_dim3A_699 : vector<80x128xi1>, vector<80x128xf32>
    %reduce_max3A_701 = vector.shape_cast %select_n3A_700 : vector<80x128xf32> to vector<1x80x128xf32>
    %reduce_max3A_702 = arith.constant dense<0xFF800000> : vector<1xf32>
    %reduce_max3A_703 = vector.multi_reduction <maximumf>, %reduce_max3A_701, %reduce_max3A_702 [1, 2] : vector<1x80x128xf32> to vector<1xf32>
    %reduce_max3A_704 = vector.shape_cast %reduce_max3A_703 : vector<1xf32> to vector<1x1x1xf32>
    %reduce_max3A_705 = vector.extract %reduce_max3A_704[0, 0, 0] : f32 from vector<1x1x1xf32>
    %jit3A_706 = arith.constant -3.000000e+38 : f32
    %broadcast_in_dim3A_707 = vector.broadcast %jit3A_706 : f32 to vector<80x128xf32>
    %select_n3A_708 = arith.select %eq3A_697, %get3A_4, %broadcast_in_dim3A_707 : vector<80x128xi1>, vector<80x128xf32>
    %reduce_max3A_709 = vector.shape_cast %select_n3A_708 : vector<80x128xf32> to vector<1x80x128xf32>
    %reduce_max3A_710 = arith.constant dense<0xFF800000> : vector<1xf32>
    %reduce_max3A_711 = vector.multi_reduction <maximumf>, %reduce_max3A_709, %reduce_max3A_710 [1, 2] : vector<1x80x128xf32> to vector<1xf32>
    %reduce_max3A_712 = vector.shape_cast %reduce_max3A_711 : vector<1xf32> to vector<1x1x1xf32>
    %reduce_max3A_713 = vector.extract %reduce_max3A_712[0, 0, 0] : f32 from vector<1x1x1xf32>
    %broadcast_in_dim3A_714 = vector.broadcast %reduce_max3A_705 : f32 to vector<80x128xf32>
    %select_n3A_715 = arith.select %eq3A_697, %broadcast_in_dim3A_714, %select_n3A_692 : vector<80x128xi1>, vector<80x128xf32>
    %broadcast_in_dim3A_716 = vector.broadcast %reduce_max3A_713 : f32 to vector<80x128xf32>
    %select_n3A_717 = arith.select %eq3A_697, %broadcast_in_dim3A_716, %select_n3A_694 : vector<80x128xi1>, vector<80x128xf32>
    %eq3A_718 = arith.constant 31 : i32
    %eq3A_719 = vector.broadcast %eq3A_718 : i32 to vector<80x128xi32>
    %eq3A_720 = arith.cmpi eq, %get3A_7, %eq3A_719 : vector<80x128xi32>
    %jit3A_721 = arith.constant -3.000000e+38 : f32
    %broadcast_in_dim3A_722 = vector.broadcast %jit3A_721 : f32 to vector<80x128xf32>
    %select_n3A_723 = arith.select %eq3A_720, %get3A_1, %broadcast_in_dim3A_722 : vector<80x128xi1>, vector<80x128xf32>
    %reduce_max3A_724 = vector.shape_cast %select_n3A_723 : vector<80x128xf32> to vector<1x80x128xf32>
    %reduce_max3A_725 = arith.constant dense<0xFF800000> : vector<1xf32>
    %reduce_max3A_726 = vector.multi_reduction <maximumf>, %reduce_max3A_724, %reduce_max3A_725 [1, 2] : vector<1x80x128xf32> to vector<1xf32>
    %reduce_max3A_727 = vector.shape_cast %reduce_max3A_726 : vector<1xf32> to vector<1x1x1xf32>
    %reduce_max3A_728 = vector.extract %reduce_max3A_727[0, 0, 0] : f32 from vector<1x1x1xf32>
    %jit3A_729 = arith.constant -3.000000e+38 : f32
    %broadcast_in_dim3A_730 = vector.broadcast %jit3A_729 : f32 to vector<80x128xf32>
    %select_n3A_731 = arith.select %eq3A_720, %get3A_4, %broadcast_in_dim3A_730 : vector<80x128xi1>, vector<80x128xf32>
    %reduce_max3A_732 = vector.shape_cast %select_n3A_731 : vector<80x128xf32> to vector<1x80x128xf32>
    %reduce_max3A_733 = arith.constant dense<0xFF800000> : vector<1xf32>
    %reduce_max3A_734 = vector.multi_reduction <maximumf>, %reduce_max3A_732, %reduce_max3A_733 [1, 2] : vector<1x80x128xf32> to vector<1xf32>
    %reduce_max3A_735 = vector.shape_cast %reduce_max3A_734 : vector<1xf32> to vector<1x1x1xf32>
    %reduce_max3A_736 = vector.extract %reduce_max3A_735[0, 0, 0] : f32 from vector<1x1x1xf32>
    %broadcast_in_dim3A_737 = vector.broadcast %reduce_max3A_728 : f32 to vector<80x128xf32>
    %select_n3A_738 = arith.select %eq3A_720, %broadcast_in_dim3A_737, %select_n3A_715 : vector<80x128xi1>, vector<80x128xf32>
    %broadcast_in_dim3A_739 = vector.broadcast %reduce_max3A_736 : f32 to vector<80x128xf32>
    %select_n3A_740 = arith.select %eq3A_720, %broadcast_in_dim3A_739, %select_n3A_717 : vector<80x128xi1>, vector<80x128xf32>
    %eq3A_741 = arith.constant 32 : i32
    %eq3A_742 = vector.broadcast %eq3A_741 : i32 to vector<80x128xi32>
    %eq3A_743 = arith.cmpi eq, %get3A_7, %eq3A_742 : vector<80x128xi32>
    %jit3A_744 = arith.constant -3.000000e+38 : f32
    %broadcast_in_dim3A_745 = vector.broadcast %jit3A_744 : f32 to vector<80x128xf32>
    %select_n3A_746 = arith.select %eq3A_743, %get3A_1, %broadcast_in_dim3A_745 : vector<80x128xi1>, vector<80x128xf32>
    %reduce_max3A_747 = vector.shape_cast %select_n3A_746 : vector<80x128xf32> to vector<1x80x128xf32>
    %reduce_max3A_748 = arith.constant dense<0xFF800000> : vector<1xf32>
    %reduce_max3A_749 = vector.multi_reduction <maximumf>, %reduce_max3A_747, %reduce_max3A_748 [1, 2] : vector<1x80x128xf32> to vector<1xf32>
    %reduce_max3A_750 = vector.shape_cast %reduce_max3A_749 : vector<1xf32> to vector<1x1x1xf32>
    %reduce_max3A_751 = vector.extract %reduce_max3A_750[0, 0, 0] : f32 from vector<1x1x1xf32>
    %jit3A_752 = arith.constant -3.000000e+38 : f32
    %broadcast_in_dim3A_753 = vector.broadcast %jit3A_752 : f32 to vector<80x128xf32>
    %select_n3A_754 = arith.select %eq3A_743, %get3A_4, %broadcast_in_dim3A_753 : vector<80x128xi1>, vector<80x128xf32>
    %reduce_max3A_755 = vector.shape_cast %select_n3A_754 : vector<80x128xf32> to vector<1x80x128xf32>
    %reduce_max3A_756 = arith.constant dense<0xFF800000> : vector<1xf32>
    %reduce_max3A_757 = vector.multi_reduction <maximumf>, %reduce_max3A_755, %reduce_max3A_756 [1, 2] : vector<1x80x128xf32> to vector<1xf32>
    %reduce_max3A_758 = vector.shape_cast %reduce_max3A_757 : vector<1xf32> to vector<1x1x1xf32>
    %reduce_max3A_759 = vector.extract %reduce_max3A_758[0, 0, 0] : f32 from vector<1x1x1xf32>
    %broadcast_in_dim3A_760 = vector.broadcast %reduce_max3A_751 : f32 to vector<80x128xf32>
    %select_n3A_761 = arith.select %eq3A_743, %broadcast_in_dim3A_760, %select_n3A_738 : vector<80x128xi1>, vector<80x128xf32>
    %broadcast_in_dim3A_762 = vector.broadcast %reduce_max3A_759 : f32 to vector<80x128xf32>
    %select_n3A_763 = arith.select %eq3A_743, %broadcast_in_dim3A_762, %select_n3A_740 : vector<80x128xi1>, vector<80x128xf32>
    %eq3A_764 = arith.constant 33 : i32
    %eq3A_765 = vector.broadcast %eq3A_764 : i32 to vector<80x128xi32>
    %eq3A_766 = arith.cmpi eq, %get3A_7, %eq3A_765 : vector<80x128xi32>
    %jit3A_767 = arith.constant -3.000000e+38 : f32
    %broadcast_in_dim3A_768 = vector.broadcast %jit3A_767 : f32 to vector<80x128xf32>
    %select_n3A_769 = arith.select %eq3A_766, %get3A_1, %broadcast_in_dim3A_768 : vector<80x128xi1>, vector<80x128xf32>
    %reduce_max3A_770 = vector.shape_cast %select_n3A_769 : vector<80x128xf32> to vector<1x80x128xf32>
    %reduce_max3A_771 = arith.constant dense<0xFF800000> : vector<1xf32>
    %reduce_max3A_772 = vector.multi_reduction <maximumf>, %reduce_max3A_770, %reduce_max3A_771 [1, 2] : vector<1x80x128xf32> to vector<1xf32>
    %reduce_max3A_773 = vector.shape_cast %reduce_max3A_772 : vector<1xf32> to vector<1x1x1xf32>
    %reduce_max3A_774 = vector.extract %reduce_max3A_773[0, 0, 0] : f32 from vector<1x1x1xf32>
    %jit3A_775 = arith.constant -3.000000e+38 : f32
    %broadcast_in_dim3A_776 = vector.broadcast %jit3A_775 : f32 to vector<80x128xf32>
    %select_n3A_777 = arith.select %eq3A_766, %get3A_4, %broadcast_in_dim3A_776 : vector<80x128xi1>, vector<80x128xf32>
    %reduce_max3A_778 = vector.shape_cast %select_n3A_777 : vector<80x128xf32> to vector<1x80x128xf32>
    %reduce_max3A_779 = arith.constant dense<0xFF800000> : vector<1xf32>
    %reduce_max3A_780 = vector.multi_reduction <maximumf>, %reduce_max3A_778, %reduce_max3A_779 [1, 2] : vector<1x80x128xf32> to vector<1xf32>
    %reduce_max3A_781 = vector.shape_cast %reduce_max3A_780 : vector<1xf32> to vector<1x1x1xf32>
    %reduce_max3A_782 = vector.extract %reduce_max3A_781[0, 0, 0] : f32 from vector<1x1x1xf32>
    %broadcast_in_dim3A_783 = vector.broadcast %reduce_max3A_774 : f32 to vector<80x128xf32>
    %select_n3A_784 = arith.select %eq3A_766, %broadcast_in_dim3A_783, %select_n3A_761 : vector<80x128xi1>, vector<80x128xf32>
    %broadcast_in_dim3A_785 = vector.broadcast %reduce_max3A_782 : f32 to vector<80x128xf32>
    %select_n3A_786 = arith.select %eq3A_766, %broadcast_in_dim3A_785, %select_n3A_763 : vector<80x128xi1>, vector<80x128xf32>
    %eq3A_787 = arith.constant 34 : i32
    %eq3A_788 = vector.broadcast %eq3A_787 : i32 to vector<80x128xi32>
    %eq3A_789 = arith.cmpi eq, %get3A_7, %eq3A_788 : vector<80x128xi32>
    %jit3A_790 = arith.constant -3.000000e+38 : f32
    %broadcast_in_dim3A_791 = vector.broadcast %jit3A_790 : f32 to vector<80x128xf32>
    %select_n3A_792 = arith.select %eq3A_789, %get3A_1, %broadcast_in_dim3A_791 : vector<80x128xi1>, vector<80x128xf32>
    %reduce_max3A_793 = vector.shape_cast %select_n3A_792 : vector<80x128xf32> to vector<1x80x128xf32>
    %reduce_max3A_794 = arith.constant dense<0xFF800000> : vector<1xf32>
    %reduce_max3A_795 = vector.multi_reduction <maximumf>, %reduce_max3A_793, %reduce_max3A_794 [1, 2] : vector<1x80x128xf32> to vector<1xf32>
    %reduce_max3A_796 = vector.shape_cast %reduce_max3A_795 : vector<1xf32> to vector<1x1x1xf32>
    %reduce_max3A_797 = vector.extract %reduce_max3A_796[0, 0, 0] : f32 from vector<1x1x1xf32>
    %jit3A_798 = arith.constant -3.000000e+38 : f32
    %broadcast_in_dim3A_799 = vector.broadcast %jit3A_798 : f32 to vector<80x128xf32>
    %select_n3A_800 = arith.select %eq3A_789, %get3A_4, %broadcast_in_dim3A_799 : vector<80x128xi1>, vector<80x128xf32>
    %reduce_max3A_801 = vector.shape_cast %select_n3A_800 : vector<80x128xf32> to vector<1x80x128xf32>
    %reduce_max3A_802 = arith.constant dense<0xFF800000> : vector<1xf32>
    %reduce_max3A_803 = vector.multi_reduction <maximumf>, %reduce_max3A_801, %reduce_max3A_802 [1, 2] : vector<1x80x128xf32> to vector<1xf32>
    %reduce_max3A_804 = vector.shape_cast %reduce_max3A_803 : vector<1xf32> to vector<1x1x1xf32>
    %reduce_max3A_805 = vector.extract %reduce_max3A_804[0, 0, 0] : f32 from vector<1x1x1xf32>
    %broadcast_in_dim3A_806 = vector.broadcast %reduce_max3A_797 : f32 to vector<80x128xf32>
    %select_n3A_807 = arith.select %eq3A_789, %broadcast_in_dim3A_806, %select_n3A_784 : vector<80x128xi1>, vector<80x128xf32>
    %broadcast_in_dim3A_808 = vector.broadcast %reduce_max3A_805 : f32 to vector<80x128xf32>
    %select_n3A_809 = arith.select %eq3A_789, %broadcast_in_dim3A_808, %select_n3A_786 : vector<80x128xi1>, vector<80x128xf32>
    %eq3A_810 = arith.constant 35 : i32
    %eq3A_811 = vector.broadcast %eq3A_810 : i32 to vector<80x128xi32>
    %eq3A_812 = arith.cmpi eq, %get3A_7, %eq3A_811 : vector<80x128xi32>
    %jit3A_813 = arith.constant -3.000000e+38 : f32
    %broadcast_in_dim3A_814 = vector.broadcast %jit3A_813 : f32 to vector<80x128xf32>
    %select_n3A_815 = arith.select %eq3A_812, %get3A_1, %broadcast_in_dim3A_814 : vector<80x128xi1>, vector<80x128xf32>
    %reduce_max3A_816 = vector.shape_cast %select_n3A_815 : vector<80x128xf32> to vector<1x80x128xf32>
    %reduce_max3A_817 = arith.constant dense<0xFF800000> : vector<1xf32>
    %reduce_max3A_818 = vector.multi_reduction <maximumf>, %reduce_max3A_816, %reduce_max3A_817 [1, 2] : vector<1x80x128xf32> to vector<1xf32>
    %reduce_max3A_819 = vector.shape_cast %reduce_max3A_818 : vector<1xf32> to vector<1x1x1xf32>
    %reduce_max3A_820 = vector.extract %reduce_max3A_819[0, 0, 0] : f32 from vector<1x1x1xf32>
    %jit3A_821 = arith.constant -3.000000e+38 : f32
    %broadcast_in_dim3A_822 = vector.broadcast %jit3A_821 : f32 to vector<80x128xf32>
    %select_n3A_823 = arith.select %eq3A_812, %get3A_4, %broadcast_in_dim3A_822 : vector<80x128xi1>, vector<80x128xf32>
    %reduce_max3A_824 = vector.shape_cast %select_n3A_823 : vector<80x128xf32> to vector<1x80x128xf32>
    %reduce_max3A_825 = arith.constant dense<0xFF800000> : vector<1xf32>
    %reduce_max3A_826 = vector.multi_reduction <maximumf>, %reduce_max3A_824, %reduce_max3A_825 [1, 2] : vector<1x80x128xf32> to vector<1xf32>
    %reduce_max3A_827 = vector.shape_cast %reduce_max3A_826 : vector<1xf32> to vector<1x1x1xf32>
    %reduce_max3A_828 = vector.extract %reduce_max3A_827[0, 0, 0] : f32 from vector<1x1x1xf32>
    %broadcast_in_dim3A_829 = vector.broadcast %reduce_max3A_820 : f32 to vector<80x128xf32>
    %select_n3A_830 = arith.select %eq3A_812, %broadcast_in_dim3A_829, %select_n3A_807 : vector<80x128xi1>, vector<80x128xf32>
    %broadcast_in_dim3A_831 = vector.broadcast %reduce_max3A_828 : f32 to vector<80x128xf32>
    %select_n3A_832 = arith.select %eq3A_812, %broadcast_in_dim3A_831, %select_n3A_809 : vector<80x128xi1>, vector<80x128xf32>
    %eq3A_833 = arith.constant 36 : i32
    %eq3A_834 = vector.broadcast %eq3A_833 : i32 to vector<80x128xi32>
    %eq3A_835 = arith.cmpi eq, %get3A_7, %eq3A_834 : vector<80x128xi32>
    %jit3A_836 = arith.constant -3.000000e+38 : f32
    %broadcast_in_dim3A_837 = vector.broadcast %jit3A_836 : f32 to vector<80x128xf32>
    %select_n3A_838 = arith.select %eq3A_835, %get3A_1, %broadcast_in_dim3A_837 : vector<80x128xi1>, vector<80x128xf32>
    %reduce_max3A_839 = vector.shape_cast %select_n3A_838 : vector<80x128xf32> to vector<1x80x128xf32>
    %reduce_max3A_840 = arith.constant dense<0xFF800000> : vector<1xf32>
    %reduce_max3A_841 = vector.multi_reduction <maximumf>, %reduce_max3A_839, %reduce_max3A_840 [1, 2] : vector<1x80x128xf32> to vector<1xf32>
    %reduce_max3A_842 = vector.shape_cast %reduce_max3A_841 : vector<1xf32> to vector<1x1x1xf32>
    %reduce_max3A_843 = vector.extract %reduce_max3A_842[0, 0, 0] : f32 from vector<1x1x1xf32>
    %jit3A_844 = arith.constant -3.000000e+38 : f32
    %broadcast_in_dim3A_845 = vector.broadcast %jit3A_844 : f32 to vector<80x128xf32>
    %select_n3A_846 = arith.select %eq3A_835, %get3A_4, %broadcast_in_dim3A_845 : vector<80x128xi1>, vector<80x128xf32>
    %reduce_max3A_847 = vector.shape_cast %select_n3A_846 : vector<80x128xf32> to vector<1x80x128xf32>
    %reduce_max3A_848 = arith.constant dense<0xFF800000> : vector<1xf32>
    %reduce_max3A_849 = vector.multi_reduction <maximumf>, %reduce_max3A_847, %reduce_max3A_848 [1, 2] : vector<1x80x128xf32> to vector<1xf32>
    %reduce_max3A_850 = vector.shape_cast %reduce_max3A_849 : vector<1xf32> to vector<1x1x1xf32>
    %reduce_max3A_851 = vector.extract %reduce_max3A_850[0, 0, 0] : f32 from vector<1x1x1xf32>
    %broadcast_in_dim3A_852 = vector.broadcast %reduce_max3A_843 : f32 to vector<80x128xf32>
    %select_n3A_853 = arith.select %eq3A_835, %broadcast_in_dim3A_852, %select_n3A_830 : vector<80x128xi1>, vector<80x128xf32>
    %broadcast_in_dim3A_854 = vector.broadcast %reduce_max3A_851 : f32 to vector<80x128xf32>
    %select_n3A_855 = arith.select %eq3A_835, %broadcast_in_dim3A_854, %select_n3A_832 : vector<80x128xi1>, vector<80x128xf32>
    %eq3A_856 = arith.constant 37 : i32
    %eq3A_857 = vector.broadcast %eq3A_856 : i32 to vector<80x128xi32>
    %eq3A_858 = arith.cmpi eq, %get3A_7, %eq3A_857 : vector<80x128xi32>
    %jit3A_859 = arith.constant -3.000000e+38 : f32
    %broadcast_in_dim3A_860 = vector.broadcast %jit3A_859 : f32 to vector<80x128xf32>
    %select_n3A_861 = arith.select %eq3A_858, %get3A_1, %broadcast_in_dim3A_860 : vector<80x128xi1>, vector<80x128xf32>
    %reduce_max3A_862 = vector.shape_cast %select_n3A_861 : vector<80x128xf32> to vector<1x80x128xf32>
    %reduce_max3A_863 = arith.constant dense<0xFF800000> : vector<1xf32>
    %reduce_max3A_864 = vector.multi_reduction <maximumf>, %reduce_max3A_862, %reduce_max3A_863 [1, 2] : vector<1x80x128xf32> to vector<1xf32>
    %reduce_max3A_865 = vector.shape_cast %reduce_max3A_864 : vector<1xf32> to vector<1x1x1xf32>
    %reduce_max3A_866 = vector.extract %reduce_max3A_865[0, 0, 0] : f32 from vector<1x1x1xf32>
    %jit3A_867 = arith.constant -3.000000e+38 : f32
    %broadcast_in_dim3A_868 = vector.broadcast %jit3A_867 : f32 to vector<80x128xf32>
    %select_n3A_869 = arith.select %eq3A_858, %get3A_4, %broadcast_in_dim3A_868 : vector<80x128xi1>, vector<80x128xf32>
    %reduce_max3A_870 = vector.shape_cast %select_n3A_869 : vector<80x128xf32> to vector<1x80x128xf32>
    %reduce_max3A_871 = arith.constant dense<0xFF800000> : vector<1xf32>
    %reduce_max3A_872 = vector.multi_reduction <maximumf>, %reduce_max3A_870, %reduce_max3A_871 [1, 2] : vector<1x80x128xf32> to vector<1xf32>
    %reduce_max3A_873 = vector.shape_cast %reduce_max3A_872 : vector<1xf32> to vector<1x1x1xf32>
    %reduce_max3A_874 = vector.extract %reduce_max3A_873[0, 0, 0] : f32 from vector<1x1x1xf32>
    %broadcast_in_dim3A_875 = vector.broadcast %reduce_max3A_866 : f32 to vector<80x128xf32>
    %select_n3A_876 = arith.select %eq3A_858, %broadcast_in_dim3A_875, %select_n3A_853 : vector<80x128xi1>, vector<80x128xf32>
    %broadcast_in_dim3A_877 = vector.broadcast %reduce_max3A_874 : f32 to vector<80x128xf32>
    %select_n3A_878 = arith.select %eq3A_858, %broadcast_in_dim3A_877, %select_n3A_855 : vector<80x128xi1>, vector<80x128xf32>
    %eq3A_879 = arith.constant 38 : i32
    %eq3A_880 = vector.broadcast %eq3A_879 : i32 to vector<80x128xi32>
    %eq3A_881 = arith.cmpi eq, %get3A_7, %eq3A_880 : vector<80x128xi32>
    %jit3A_882 = arith.constant -3.000000e+38 : f32
    %broadcast_in_dim3A_883 = vector.broadcast %jit3A_882 : f32 to vector<80x128xf32>
    %select_n3A_884 = arith.select %eq3A_881, %get3A_1, %broadcast_in_dim3A_883 : vector<80x128xi1>, vector<80x128xf32>
    %reduce_max3A_885 = vector.shape_cast %select_n3A_884 : vector<80x128xf32> to vector<1x80x128xf32>
    %reduce_max3A_886 = arith.constant dense<0xFF800000> : vector<1xf32>
    %reduce_max3A_887 = vector.multi_reduction <maximumf>, %reduce_max3A_885, %reduce_max3A_886 [1, 2] : vector<1x80x128xf32> to vector<1xf32>
    %reduce_max3A_888 = vector.shape_cast %reduce_max3A_887 : vector<1xf32> to vector<1x1x1xf32>
    %reduce_max3A_889 = vector.extract %reduce_max3A_888[0, 0, 0] : f32 from vector<1x1x1xf32>
    %jit3A_890 = arith.constant -3.000000e+38 : f32
    %broadcast_in_dim3A_891 = vector.broadcast %jit3A_890 : f32 to vector<80x128xf32>
    %select_n3A_892 = arith.select %eq3A_881, %get3A_4, %broadcast_in_dim3A_891 : vector<80x128xi1>, vector<80x128xf32>
    %reduce_max3A_893 = vector.shape_cast %select_n3A_892 : vector<80x128xf32> to vector<1x80x128xf32>
    %reduce_max3A_894 = arith.constant dense<0xFF800000> : vector<1xf32>
    %reduce_max3A_895 = vector.multi_reduction <maximumf>, %reduce_max3A_893, %reduce_max3A_894 [1, 2] : vector<1x80x128xf32> to vector<1xf32>
    %reduce_max3A_896 = vector.shape_cast %reduce_max3A_895 : vector<1xf32> to vector<1x1x1xf32>
    %reduce_max3A_897 = vector.extract %reduce_max3A_896[0, 0, 0] : f32 from vector<1x1x1xf32>
    %broadcast_in_dim3A_898 = vector.broadcast %reduce_max3A_889 : f32 to vector<80x128xf32>
    %select_n3A_899 = arith.select %eq3A_881, %broadcast_in_dim3A_898, %select_n3A_876 : vector<80x128xi1>, vector<80x128xf32>
    %broadcast_in_dim3A_900 = vector.broadcast %reduce_max3A_897 : f32 to vector<80x128xf32>
    %select_n3A_901 = arith.select %eq3A_881, %broadcast_in_dim3A_900, %select_n3A_878 : vector<80x128xi1>, vector<80x128xf32>
    %eq3A_902 = arith.constant 39 : i32
    %eq3A_903 = vector.broadcast %eq3A_902 : i32 to vector<80x128xi32>
    %eq3A_904 = arith.cmpi eq, %get3A_7, %eq3A_903 : vector<80x128xi32>
    %jit3A_905 = arith.constant -3.000000e+38 : f32
    %broadcast_in_dim3A_906 = vector.broadcast %jit3A_905 : f32 to vector<80x128xf32>
    %select_n3A_907 = arith.select %eq3A_904, %get3A_1, %broadcast_in_dim3A_906 : vector<80x128xi1>, vector<80x128xf32>
    %reduce_max3A_908 = vector.shape_cast %select_n3A_907 : vector<80x128xf32> to vector<1x80x128xf32>
    %reduce_max3A_909 = arith.constant dense<0xFF800000> : vector<1xf32>
    %reduce_max3A_910 = vector.multi_reduction <maximumf>, %reduce_max3A_908, %reduce_max3A_909 [1, 2] : vector<1x80x128xf32> to vector<1xf32>
    %reduce_max3A_911 = vector.shape_cast %reduce_max3A_910 : vector<1xf32> to vector<1x1x1xf32>
    %reduce_max3A_912 = vector.extract %reduce_max3A_911[0, 0, 0] : f32 from vector<1x1x1xf32>
    %jit3A_913 = arith.constant -3.000000e+38 : f32
    %broadcast_in_dim3A_914 = vector.broadcast %jit3A_913 : f32 to vector<80x128xf32>
    %select_n3A_915 = arith.select %eq3A_904, %get3A_4, %broadcast_in_dim3A_914 : vector<80x128xi1>, vector<80x128xf32>
    %reduce_max3A_916 = vector.shape_cast %select_n3A_915 : vector<80x128xf32> to vector<1x80x128xf32>
    %reduce_max3A_917 = arith.constant dense<0xFF800000> : vector<1xf32>
    %reduce_max3A_918 = vector.multi_reduction <maximumf>, %reduce_max3A_916, %reduce_max3A_917 [1, 2] : vector<1x80x128xf32> to vector<1xf32>
    %reduce_max3A_919 = vector.shape_cast %reduce_max3A_918 : vector<1xf32> to vector<1x1x1xf32>
    %reduce_max3A_920 = vector.extract %reduce_max3A_919[0, 0, 0] : f32 from vector<1x1x1xf32>
    %broadcast_in_dim3A_921 = vector.broadcast %reduce_max3A_912 : f32 to vector<80x128xf32>
    %select_n3A_922 = arith.select %eq3A_904, %broadcast_in_dim3A_921, %select_n3A_899 : vector<80x128xi1>, vector<80x128xf32>
    %broadcast_in_dim3A_923 = vector.broadcast %reduce_max3A_920 : f32 to vector<80x128xf32>
    %select_n3A_924 = arith.select %eq3A_904, %broadcast_in_dim3A_923, %select_n3A_901 : vector<80x128xi1>, vector<80x128xf32>
    %eq3A_925 = arith.constant 40 : i32
    %eq3A_926 = vector.broadcast %eq3A_925 : i32 to vector<80x128xi32>
    %eq3A_927 = arith.cmpi eq, %get3A_7, %eq3A_926 : vector<80x128xi32>
    %jit3A_928 = arith.constant -3.000000e+38 : f32
    %broadcast_in_dim3A_929 = vector.broadcast %jit3A_928 : f32 to vector<80x128xf32>
    %select_n3A_930 = arith.select %eq3A_927, %get3A_1, %broadcast_in_dim3A_929 : vector<80x128xi1>, vector<80x128xf32>
    %reduce_max3A_931 = vector.shape_cast %select_n3A_930 : vector<80x128xf32> to vector<1x80x128xf32>
    %reduce_max3A_932 = arith.constant dense<0xFF800000> : vector<1xf32>
    %reduce_max3A_933 = vector.multi_reduction <maximumf>, %reduce_max3A_931, %reduce_max3A_932 [1, 2] : vector<1x80x128xf32> to vector<1xf32>
    %reduce_max3A_934 = vector.shape_cast %reduce_max3A_933 : vector<1xf32> to vector<1x1x1xf32>
    %reduce_max3A_935 = vector.extract %reduce_max3A_934[0, 0, 0] : f32 from vector<1x1x1xf32>
    %jit3A_936 = arith.constant -3.000000e+38 : f32
    %broadcast_in_dim3A_937 = vector.broadcast %jit3A_936 : f32 to vector<80x128xf32>
    %select_n3A_938 = arith.select %eq3A_927, %get3A_4, %broadcast_in_dim3A_937 : vector<80x128xi1>, vector<80x128xf32>
    %reduce_max3A_939 = vector.shape_cast %select_n3A_938 : vector<80x128xf32> to vector<1x80x128xf32>
    %reduce_max3A_940 = arith.constant dense<0xFF800000> : vector<1xf32>
    %reduce_max3A_941 = vector.multi_reduction <maximumf>, %reduce_max3A_939, %reduce_max3A_940 [1, 2] : vector<1x80x128xf32> to vector<1xf32>
    %reduce_max3A_942 = vector.shape_cast %reduce_max3A_941 : vector<1xf32> to vector<1x1x1xf32>
    %reduce_max3A_943 = vector.extract %reduce_max3A_942[0, 0, 0] : f32 from vector<1x1x1xf32>
    %broadcast_in_dim3A_944 = vector.broadcast %reduce_max3A_935 : f32 to vector<80x128xf32>
    %select_n3A_945 = arith.select %eq3A_927, %broadcast_in_dim3A_944, %select_n3A_922 : vector<80x128xi1>, vector<80x128xf32>
    %broadcast_in_dim3A_946 = vector.broadcast %reduce_max3A_943 : f32 to vector<80x128xf32>
    %select_n3A_947 = arith.select %eq3A_927, %broadcast_in_dim3A_946, %select_n3A_924 : vector<80x128xi1>, vector<80x128xf32>
    %eq3A_948 = arith.constant 41 : i32
    %eq3A_949 = vector.broadcast %eq3A_948 : i32 to vector<80x128xi32>
    %eq3A_950 = arith.cmpi eq, %get3A_7, %eq3A_949 : vector<80x128xi32>
    %jit3A_951 = arith.constant -3.000000e+38 : f32
    %broadcast_in_dim3A_952 = vector.broadcast %jit3A_951 : f32 to vector<80x128xf32>
    %select_n3A_953 = arith.select %eq3A_950, %get3A_1, %broadcast_in_dim3A_952 : vector<80x128xi1>, vector<80x128xf32>
    %reduce_max3A_954 = vector.shape_cast %select_n3A_953 : vector<80x128xf32> to vector<1x80x128xf32>
    %reduce_max3A_955 = arith.constant dense<0xFF800000> : vector<1xf32>
    %reduce_max3A_956 = vector.multi_reduction <maximumf>, %reduce_max3A_954, %reduce_max3A_955 [1, 2] : vector<1x80x128xf32> to vector<1xf32>
    %reduce_max3A_957 = vector.shape_cast %reduce_max3A_956 : vector<1xf32> to vector<1x1x1xf32>
    %reduce_max3A_958 = vector.extract %reduce_max3A_957[0, 0, 0] : f32 from vector<1x1x1xf32>
    %jit3A_959 = arith.constant -3.000000e+38 : f32
    %broadcast_in_dim3A_960 = vector.broadcast %jit3A_959 : f32 to vector<80x128xf32>
    %select_n3A_961 = arith.select %eq3A_950, %get3A_4, %broadcast_in_dim3A_960 : vector<80x128xi1>, vector<80x128xf32>
    %reduce_max3A_962 = vector.shape_cast %select_n3A_961 : vector<80x128xf32> to vector<1x80x128xf32>
    %reduce_max3A_963 = arith.constant dense<0xFF800000> : vector<1xf32>
    %reduce_max3A_964 = vector.multi_reduction <maximumf>, %reduce_max3A_962, %reduce_max3A_963 [1, 2] : vector<1x80x128xf32> to vector<1xf32>
    %reduce_max3A_965 = vector.shape_cast %reduce_max3A_964 : vector<1xf32> to vector<1x1x1xf32>
    %reduce_max3A_966 = vector.extract %reduce_max3A_965[0, 0, 0] : f32 from vector<1x1x1xf32>
    %broadcast_in_dim3A_967 = vector.broadcast %reduce_max3A_958 : f32 to vector<80x128xf32>
    %select_n3A_968 = arith.select %eq3A_950, %broadcast_in_dim3A_967, %select_n3A_945 : vector<80x128xi1>, vector<80x128xf32>
    %broadcast_in_dim3A_969 = vector.broadcast %reduce_max3A_966 : f32 to vector<80x128xf32>
    %select_n3A_970 = arith.select %eq3A_950, %broadcast_in_dim3A_969, %select_n3A_947 : vector<80x128xi1>, vector<80x128xf32>
    %eq3A_971 = arith.constant 42 : i32
    %eq3A_972 = vector.broadcast %eq3A_971 : i32 to vector<80x128xi32>
    %eq3A_973 = arith.cmpi eq, %get3A_7, %eq3A_972 : vector<80x128xi32>
    %jit3A_974 = arith.constant -3.000000e+38 : f32
    %broadcast_in_dim3A_975 = vector.broadcast %jit3A_974 : f32 to vector<80x128xf32>
    %select_n3A_976 = arith.select %eq3A_973, %get3A_1, %broadcast_in_dim3A_975 : vector<80x128xi1>, vector<80x128xf32>
    %reduce_max3A_977 = vector.shape_cast %select_n3A_976 : vector<80x128xf32> to vector<1x80x128xf32>
    %reduce_max3A_978 = arith.constant dense<0xFF800000> : vector<1xf32>
    %reduce_max3A_979 = vector.multi_reduction <maximumf>, %reduce_max3A_977, %reduce_max3A_978 [1, 2] : vector<1x80x128xf32> to vector<1xf32>
    %reduce_max3A_980 = vector.shape_cast %reduce_max3A_979 : vector<1xf32> to vector<1x1x1xf32>
    %reduce_max3A_981 = vector.extract %reduce_max3A_980[0, 0, 0] : f32 from vector<1x1x1xf32>
    %jit3A_982 = arith.constant -3.000000e+38 : f32
    %broadcast_in_dim3A_983 = vector.broadcast %jit3A_982 : f32 to vector<80x128xf32>
    %select_n3A_984 = arith.select %eq3A_973, %get3A_4, %broadcast_in_dim3A_983 : vector<80x128xi1>, vector<80x128xf32>
    %reduce_max3A_985 = vector.shape_cast %select_n3A_984 : vector<80x128xf32> to vector<1x80x128xf32>
    %reduce_max3A_986 = arith.constant dense<0xFF800000> : vector<1xf32>
    %reduce_max3A_987 = vector.multi_reduction <maximumf>, %reduce_max3A_985, %reduce_max3A_986 [1, 2] : vector<1x80x128xf32> to vector<1xf32>
    %reduce_max3A_988 = vector.shape_cast %reduce_max3A_987 : vector<1xf32> to vector<1x1x1xf32>
    %reduce_max3A_989 = vector.extract %reduce_max3A_988[0, 0, 0] : f32 from vector<1x1x1xf32>
    %broadcast_in_dim3A_990 = vector.broadcast %reduce_max3A_981 : f32 to vector<80x128xf32>
    %select_n3A_991 = arith.select %eq3A_973, %broadcast_in_dim3A_990, %select_n3A_968 : vector<80x128xi1>, vector<80x128xf32>
    %broadcast_in_dim3A_992 = vector.broadcast %reduce_max3A_989 : f32 to vector<80x128xf32>
    %select_n3A_993 = arith.select %eq3A_973, %broadcast_in_dim3A_992, %select_n3A_970 : vector<80x128xi1>, vector<80x128xf32>
    %eq3A_994 = arith.constant 43 : i32
    %eq3A_995 = vector.broadcast %eq3A_994 : i32 to vector<80x128xi32>
    %eq3A_996 = arith.cmpi eq, %get3A_7, %eq3A_995 : vector<80x128xi32>
    %jit3A_997 = arith.constant -3.000000e+38 : f32
    %broadcast_in_dim3A_998 = vector.broadcast %jit3A_997 : f32 to vector<80x128xf32>
    %select_n3A_999 = arith.select %eq3A_996, %get3A_1, %broadcast_in_dim3A_998 : vector<80x128xi1>, vector<80x128xf32>
    %reduce_max3A_1000 = vector.shape_cast %select_n3A_999 : vector<80x128xf32> to vector<1x80x128xf32>
    %reduce_max3A_1001 = arith.constant dense<0xFF800000> : vector<1xf32>
    %reduce_max3A_1002 = vector.multi_reduction <maximumf>, %reduce_max3A_1000, %reduce_max3A_1001 [1, 2] : vector<1x80x128xf32> to vector<1xf32>
    %reduce_max3A_1003 = vector.shape_cast %reduce_max3A_1002 : vector<1xf32> to vector<1x1x1xf32>
    %reduce_max3A_1004 = vector.extract %reduce_max3A_1003[0, 0, 0] : f32 from vector<1x1x1xf32>
    %jit3A_1005 = arith.constant -3.000000e+38 : f32
    %broadcast_in_dim3A_1006 = vector.broadcast %jit3A_1005 : f32 to vector<80x128xf32>
    %select_n3A_1007 = arith.select %eq3A_996, %get3A_4, %broadcast_in_dim3A_1006 : vector<80x128xi1>, vector<80x128xf32>
    %reduce_max3A_1008 = vector.shape_cast %select_n3A_1007 : vector<80x128xf32> to vector<1x80x128xf32>
    %reduce_max3A_1009 = arith.constant dense<0xFF800000> : vector<1xf32>
    %reduce_max3A_1010 = vector.multi_reduction <maximumf>, %reduce_max3A_1008, %reduce_max3A_1009 [1, 2] : vector<1x80x128xf32> to vector<1xf32>
    %reduce_max3A_1011 = vector.shape_cast %reduce_max3A_1010 : vector<1xf32> to vector<1x1x1xf32>
    %reduce_max3A_1012 = vector.extract %reduce_max3A_1011[0, 0, 0] : f32 from vector<1x1x1xf32>
    %broadcast_in_dim3A_1013 = vector.broadcast %reduce_max3A_1004 : f32 to vector<80x128xf32>
    %select_n3A_1014 = arith.select %eq3A_996, %broadcast_in_dim3A_1013, %select_n3A_991 : vector<80x128xi1>, vector<80x128xf32>
    %broadcast_in_dim3A_1015 = vector.broadcast %reduce_max3A_1012 : f32 to vector<80x128xf32>
    %select_n3A_1016 = arith.select %eq3A_996, %broadcast_in_dim3A_1015, %select_n3A_993 : vector<80x128xi1>, vector<80x128xf32>
    %eq3A_1017 = arith.constant 44 : i32
    %eq3A_1018 = vector.broadcast %eq3A_1017 : i32 to vector<80x128xi32>
    %eq3A_1019 = arith.cmpi eq, %get3A_7, %eq3A_1018 : vector<80x128xi32>
    %jit3A_1020 = arith.constant -3.000000e+38 : f32
    %broadcast_in_dim3A_1021 = vector.broadcast %jit3A_1020 : f32 to vector<80x128xf32>
    %select_n3A_1022 = arith.select %eq3A_1019, %get3A_1, %broadcast_in_dim3A_1021 : vector<80x128xi1>, vector<80x128xf32>
    %reduce_max3A_1023 = vector.shape_cast %select_n3A_1022 : vector<80x128xf32> to vector<1x80x128xf32>
    %reduce_max3A_1024 = arith.constant dense<0xFF800000> : vector<1xf32>
    %reduce_max3A_1025 = vector.multi_reduction <maximumf>, %reduce_max3A_1023, %reduce_max3A_1024 [1, 2] : vector<1x80x128xf32> to vector<1xf32>
    %reduce_max3A_1026 = vector.shape_cast %reduce_max3A_1025 : vector<1xf32> to vector<1x1x1xf32>
    %reduce_max3A_1027 = vector.extract %reduce_max3A_1026[0, 0, 0] : f32 from vector<1x1x1xf32>
    %jit3A_1028 = arith.constant -3.000000e+38 : f32
    %broadcast_in_dim3A_1029 = vector.broadcast %jit3A_1028 : f32 to vector<80x128xf32>
    %select_n3A_1030 = arith.select %eq3A_1019, %get3A_4, %broadcast_in_dim3A_1029 : vector<80x128xi1>, vector<80x128xf32>
    %reduce_max3A_1031 = vector.shape_cast %select_n3A_1030 : vector<80x128xf32> to vector<1x80x128xf32>
    %reduce_max3A_1032 = arith.constant dense<0xFF800000> : vector<1xf32>
    %reduce_max3A_1033 = vector.multi_reduction <maximumf>, %reduce_max3A_1031, %reduce_max3A_1032 [1, 2] : vector<1x80x128xf32> to vector<1xf32>
    %reduce_max3A_1034 = vector.shape_cast %reduce_max3A_1033 : vector<1xf32> to vector<1x1x1xf32>
    %reduce_max3A_1035 = vector.extract %reduce_max3A_1034[0, 0, 0] : f32 from vector<1x1x1xf32>
    %broadcast_in_dim3A_1036 = vector.broadcast %reduce_max3A_1027 : f32 to vector<80x128xf32>
    %select_n3A_1037 = arith.select %eq3A_1019, %broadcast_in_dim3A_1036, %select_n3A_1014 : vector<80x128xi1>, vector<80x128xf32>
    %broadcast_in_dim3A_1038 = vector.broadcast %reduce_max3A_1035 : f32 to vector<80x128xf32>
    %select_n3A_1039 = arith.select %eq3A_1019, %broadcast_in_dim3A_1038, %select_n3A_1016 : vector<80x128xi1>, vector<80x128xf32>
    %eq3A_1040 = arith.constant 45 : i32
    %eq3A_1041 = vector.broadcast %eq3A_1040 : i32 to vector<80x128xi32>
    %eq3A_1042 = arith.cmpi eq, %get3A_7, %eq3A_1041 : vector<80x128xi32>
    %jit3A_1043 = arith.constant -3.000000e+38 : f32
    %broadcast_in_dim3A_1044 = vector.broadcast %jit3A_1043 : f32 to vector<80x128xf32>
    %select_n3A_1045 = arith.select %eq3A_1042, %get3A_1, %broadcast_in_dim3A_1044 : vector<80x128xi1>, vector<80x128xf32>
    %reduce_max3A_1046 = vector.shape_cast %select_n3A_1045 : vector<80x128xf32> to vector<1x80x128xf32>
    %reduce_max3A_1047 = arith.constant dense<0xFF800000> : vector<1xf32>
    %reduce_max3A_1048 = vector.multi_reduction <maximumf>, %reduce_max3A_1046, %reduce_max3A_1047 [1, 2] : vector<1x80x128xf32> to vector<1xf32>
    %reduce_max3A_1049 = vector.shape_cast %reduce_max3A_1048 : vector<1xf32> to vector<1x1x1xf32>
    %reduce_max3A_1050 = vector.extract %reduce_max3A_1049[0, 0, 0] : f32 from vector<1x1x1xf32>
    %jit3A_1051 = arith.constant -3.000000e+38 : f32
    %broadcast_in_dim3A_1052 = vector.broadcast %jit3A_1051 : f32 to vector<80x128xf32>
    %select_n3A_1053 = arith.select %eq3A_1042, %get3A_4, %broadcast_in_dim3A_1052 : vector<80x128xi1>, vector<80x128xf32>
    %reduce_max3A_1054 = vector.shape_cast %select_n3A_1053 : vector<80x128xf32> to vector<1x80x128xf32>
    %reduce_max3A_1055 = arith.constant dense<0xFF800000> : vector<1xf32>
    %reduce_max3A_1056 = vector.multi_reduction <maximumf>, %reduce_max3A_1054, %reduce_max3A_1055 [1, 2] : vector<1x80x128xf32> to vector<1xf32>
    %reduce_max3A_1057 = vector.shape_cast %reduce_max3A_1056 : vector<1xf32> to vector<1x1x1xf32>
    %reduce_max3A_1058 = vector.extract %reduce_max3A_1057[0, 0, 0] : f32 from vector<1x1x1xf32>
    %broadcast_in_dim3A_1059 = vector.broadcast %reduce_max3A_1050 : f32 to vector<80x128xf32>
    %select_n3A_1060 = arith.select %eq3A_1042, %broadcast_in_dim3A_1059, %select_n3A_1037 : vector<80x128xi1>, vector<80x128xf32>
    %broadcast_in_dim3A_1061 = vector.broadcast %reduce_max3A_1058 : f32 to vector<80x128xf32>
    %select_n3A_1062 = arith.select %eq3A_1042, %broadcast_in_dim3A_1061, %select_n3A_1039 : vector<80x128xi1>, vector<80x128xf32>
    %eq3A_1063 = arith.constant 46 : i32
    %eq3A_1064 = vector.broadcast %eq3A_1063 : i32 to vector<80x128xi32>
    %eq3A_1065 = arith.cmpi eq, %get3A_7, %eq3A_1064 : vector<80x128xi32>
    %jit3A_1066 = arith.constant -3.000000e+38 : f32
    %broadcast_in_dim3A_1067 = vector.broadcast %jit3A_1066 : f32 to vector<80x128xf32>
    %select_n3A_1068 = arith.select %eq3A_1065, %get3A_1, %broadcast_in_dim3A_1067 : vector<80x128xi1>, vector<80x128xf32>
    %reduce_max3A_1069 = vector.shape_cast %select_n3A_1068 : vector<80x128xf32> to vector<1x80x128xf32>
    %reduce_max3A_1070 = arith.constant dense<0xFF800000> : vector<1xf32>
    %reduce_max3A_1071 = vector.multi_reduction <maximumf>, %reduce_max3A_1069, %reduce_max3A_1070 [1, 2] : vector<1x80x128xf32> to vector<1xf32>
    %reduce_max3A_1072 = vector.shape_cast %reduce_max3A_1071 : vector<1xf32> to vector<1x1x1xf32>
    %reduce_max3A_1073 = vector.extract %reduce_max3A_1072[0, 0, 0] : f32 from vector<1x1x1xf32>
    %jit3A_1074 = arith.constant -3.000000e+38 : f32
    %broadcast_in_dim3A_1075 = vector.broadcast %jit3A_1074 : f32 to vector<80x128xf32>
    %select_n3A_1076 = arith.select %eq3A_1065, %get3A_4, %broadcast_in_dim3A_1075 : vector<80x128xi1>, vector<80x128xf32>
    %reduce_max3A_1077 = vector.shape_cast %select_n3A_1076 : vector<80x128xf32> to vector<1x80x128xf32>
    %reduce_max3A_1078 = arith.constant dense<0xFF800000> : vector<1xf32>
    %reduce_max3A_1079 = vector.multi_reduction <maximumf>, %reduce_max3A_1077, %reduce_max3A_1078 [1, 2] : vector<1x80x128xf32> to vector<1xf32>
    %reduce_max3A_1080 = vector.shape_cast %reduce_max3A_1079 : vector<1xf32> to vector<1x1x1xf32>
    %reduce_max3A_1081 = vector.extract %reduce_max3A_1080[0, 0, 0] : f32 from vector<1x1x1xf32>
    %broadcast_in_dim3A_1082 = vector.broadcast %reduce_max3A_1073 : f32 to vector<80x128xf32>
    %select_n3A_1083 = arith.select %eq3A_1065, %broadcast_in_dim3A_1082, %select_n3A_1060 : vector<80x128xi1>, vector<80x128xf32>
    %broadcast_in_dim3A_1084 = vector.broadcast %reduce_max3A_1081 : f32 to vector<80x128xf32>
    %select_n3A_1085 = arith.select %eq3A_1065, %broadcast_in_dim3A_1084, %select_n3A_1062 : vector<80x128xi1>, vector<80x128xf32>
    %eq3A_1086 = arith.constant 47 : i32
    %eq3A_1087 = vector.broadcast %eq3A_1086 : i32 to vector<80x128xi32>
    %eq3A_1088 = arith.cmpi eq, %get3A_7, %eq3A_1087 : vector<80x128xi32>
    %jit3A_1089 = arith.constant -3.000000e+38 : f32
    %broadcast_in_dim3A_1090 = vector.broadcast %jit3A_1089 : f32 to vector<80x128xf32>
    %select_n3A_1091 = arith.select %eq3A_1088, %get3A_1, %broadcast_in_dim3A_1090 : vector<80x128xi1>, vector<80x128xf32>
    %reduce_max3A_1092 = vector.shape_cast %select_n3A_1091 : vector<80x128xf32> to vector<1x80x128xf32>
    %reduce_max3A_1093 = arith.constant dense<0xFF800000> : vector<1xf32>
    %reduce_max3A_1094 = vector.multi_reduction <maximumf>, %reduce_max3A_1092, %reduce_max3A_1093 [1, 2] : vector<1x80x128xf32> to vector<1xf32>
    %reduce_max3A_1095 = vector.shape_cast %reduce_max3A_1094 : vector<1xf32> to vector<1x1x1xf32>
    %reduce_max3A_1096 = vector.extract %reduce_max3A_1095[0, 0, 0] : f32 from vector<1x1x1xf32>
    %jit3A_1097 = arith.constant -3.000000e+38 : f32
    %broadcast_in_dim3A_1098 = vector.broadcast %jit3A_1097 : f32 to vector<80x128xf32>
    %select_n3A_1099 = arith.select %eq3A_1088, %get3A_4, %broadcast_in_dim3A_1098 : vector<80x128xi1>, vector<80x128xf32>
    %reduce_max3A_1100 = vector.shape_cast %select_n3A_1099 : vector<80x128xf32> to vector<1x80x128xf32>
    %reduce_max3A_1101 = arith.constant dense<0xFF800000> : vector<1xf32>
    %reduce_max3A_1102 = vector.multi_reduction <maximumf>, %reduce_max3A_1100, %reduce_max3A_1101 [1, 2] : vector<1x80x128xf32> to vector<1xf32>
    %reduce_max3A_1103 = vector.shape_cast %reduce_max3A_1102 : vector<1xf32> to vector<1x1x1xf32>
    %reduce_max3A_1104 = vector.extract %reduce_max3A_1103[0, 0, 0] : f32 from vector<1x1x1xf32>
    %broadcast_in_dim3A_1105 = vector.broadcast %reduce_max3A_1096 : f32 to vector<80x128xf32>
    %select_n3A_1106 = arith.select %eq3A_1088, %broadcast_in_dim3A_1105, %select_n3A_1083 : vector<80x128xi1>, vector<80x128xf32>
    %broadcast_in_dim3A_1107 = vector.broadcast %reduce_max3A_1104 : f32 to vector<80x128xf32>
    %select_n3A_1108 = arith.select %eq3A_1088, %broadcast_in_dim3A_1107, %select_n3A_1085 : vector<80x128xi1>, vector<80x128xf32>
    %eq3A_1109 = arith.constant 48 : i32
    %eq3A_1110 = vector.broadcast %eq3A_1109 : i32 to vector<80x128xi32>
    %eq3A_1111 = arith.cmpi eq, %get3A_7, %eq3A_1110 : vector<80x128xi32>
    %jit3A_1112 = arith.constant -3.000000e+38 : f32
    %broadcast_in_dim3A_1113 = vector.broadcast %jit3A_1112 : f32 to vector<80x128xf32>
    %select_n3A_1114 = arith.select %eq3A_1111, %get3A_1, %broadcast_in_dim3A_1113 : vector<80x128xi1>, vector<80x128xf32>
    %reduce_max3A_1115 = vector.shape_cast %select_n3A_1114 : vector<80x128xf32> to vector<1x80x128xf32>
    %reduce_max3A_1116 = arith.constant dense<0xFF800000> : vector<1xf32>
    %reduce_max3A_1117 = vector.multi_reduction <maximumf>, %reduce_max3A_1115, %reduce_max3A_1116 [1, 2] : vector<1x80x128xf32> to vector<1xf32>
    %reduce_max3A_1118 = vector.shape_cast %reduce_max3A_1117 : vector<1xf32> to vector<1x1x1xf32>
    %reduce_max3A_1119 = vector.extract %reduce_max3A_1118[0, 0, 0] : f32 from vector<1x1x1xf32>
    %jit3A_1120 = arith.constant -3.000000e+38 : f32
    %broadcast_in_dim3A_1121 = vector.broadcast %jit3A_1120 : f32 to vector<80x128xf32>
    %select_n3A_1122 = arith.select %eq3A_1111, %get3A_4, %broadcast_in_dim3A_1121 : vector<80x128xi1>, vector<80x128xf32>
    %reduce_max3A_1123 = vector.shape_cast %select_n3A_1122 : vector<80x128xf32> to vector<1x80x128xf32>
    %reduce_max3A_1124 = arith.constant dense<0xFF800000> : vector<1xf32>
    %reduce_max3A_1125 = vector.multi_reduction <maximumf>, %reduce_max3A_1123, %reduce_max3A_1124 [1, 2] : vector<1x80x128xf32> to vector<1xf32>
    %reduce_max3A_1126 = vector.shape_cast %reduce_max3A_1125 : vector<1xf32> to vector<1x1x1xf32>
    %reduce_max3A_1127 = vector.extract %reduce_max3A_1126[0, 0, 0] : f32 from vector<1x1x1xf32>
    %broadcast_in_dim3A_1128 = vector.broadcast %reduce_max3A_1119 : f32 to vector<80x128xf32>
    %select_n3A_1129 = arith.select %eq3A_1111, %broadcast_in_dim3A_1128, %select_n3A_1106 : vector<80x128xi1>, vector<80x128xf32>
    %broadcast_in_dim3A_1130 = vector.broadcast %reduce_max3A_1127 : f32 to vector<80x128xf32>
    %select_n3A_1131 = arith.select %eq3A_1111, %broadcast_in_dim3A_1130, %select_n3A_1108 : vector<80x128xi1>, vector<80x128xf32>
    %eq3A_1132 = arith.constant 49 : i32
    %eq3A_1133 = vector.broadcast %eq3A_1132 : i32 to vector<80x128xi32>
    %eq3A_1134 = arith.cmpi eq, %get3A_7, %eq3A_1133 : vector<80x128xi32>
    %jit3A_1135 = arith.constant -3.000000e+38 : f32
    %broadcast_in_dim3A_1136 = vector.broadcast %jit3A_1135 : f32 to vector<80x128xf32>
    %select_n3A_1137 = arith.select %eq3A_1134, %get3A_1, %broadcast_in_dim3A_1136 : vector<80x128xi1>, vector<80x128xf32>
    %reduce_max3A_1138 = vector.shape_cast %select_n3A_1137 : vector<80x128xf32> to vector<1x80x128xf32>
    %reduce_max3A_1139 = arith.constant dense<0xFF800000> : vector<1xf32>
    %reduce_max3A_1140 = vector.multi_reduction <maximumf>, %reduce_max3A_1138, %reduce_max3A_1139 [1, 2] : vector<1x80x128xf32> to vector<1xf32>
    %reduce_max3A_1141 = vector.shape_cast %reduce_max3A_1140 : vector<1xf32> to vector<1x1x1xf32>
    %reduce_max3A_1142 = vector.extract %reduce_max3A_1141[0, 0, 0] : f32 from vector<1x1x1xf32>
    %jit3A_1143 = arith.constant -3.000000e+38 : f32
    %broadcast_in_dim3A_1144 = vector.broadcast %jit3A_1143 : f32 to vector<80x128xf32>
    %select_n3A_1145 = arith.select %eq3A_1134, %get3A_4, %broadcast_in_dim3A_1144 : vector<80x128xi1>, vector<80x128xf32>
    %reduce_max3A_1146 = vector.shape_cast %select_n3A_1145 : vector<80x128xf32> to vector<1x80x128xf32>
    %reduce_max3A_1147 = arith.constant dense<0xFF800000> : vector<1xf32>
    %reduce_max3A_1148 = vector.multi_reduction <maximumf>, %reduce_max3A_1146, %reduce_max3A_1147 [1, 2] : vector<1x80x128xf32> to vector<1xf32>
    %reduce_max3A_1149 = vector.shape_cast %reduce_max3A_1148 : vector<1xf32> to vector<1x1x1xf32>
    %reduce_max3A_1150 = vector.extract %reduce_max3A_1149[0, 0, 0] : f32 from vector<1x1x1xf32>
    %broadcast_in_dim3A_1151 = vector.broadcast %reduce_max3A_1142 : f32 to vector<80x128xf32>
    %select_n3A_1152 = arith.select %eq3A_1134, %broadcast_in_dim3A_1151, %select_n3A_1129 : vector<80x128xi1>, vector<80x128xf32>
    %broadcast_in_dim3A_1153 = vector.broadcast %reduce_max3A_1150 : f32 to vector<80x128xf32>
    %select_n3A_1154 = arith.select %eq3A_1134, %broadcast_in_dim3A_1153, %select_n3A_1131 : vector<80x128xi1>, vector<80x128xf32>
    %eq3A_1155 = arith.constant 50 : i32
    %eq3A_1156 = vector.broadcast %eq3A_1155 : i32 to vector<80x128xi32>
    %eq3A_1157 = arith.cmpi eq, %get3A_7, %eq3A_1156 : vector<80x128xi32>
    %jit3A_1158 = arith.constant -3.000000e+38 : f32
    %broadcast_in_dim3A_1159 = vector.broadcast %jit3A_1158 : f32 to vector<80x128xf32>
    %select_n3A_1160 = arith.select %eq3A_1157, %get3A_1, %broadcast_in_dim3A_1159 : vector<80x128xi1>, vector<80x128xf32>
    %reduce_max3A_1161 = vector.shape_cast %select_n3A_1160 : vector<80x128xf32> to vector<1x80x128xf32>
    %reduce_max3A_1162 = arith.constant dense<0xFF800000> : vector<1xf32>
    %reduce_max3A_1163 = vector.multi_reduction <maximumf>, %reduce_max3A_1161, %reduce_max3A_1162 [1, 2] : vector<1x80x128xf32> to vector<1xf32>
    %reduce_max3A_1164 = vector.shape_cast %reduce_max3A_1163 : vector<1xf32> to vector<1x1x1xf32>
    %reduce_max3A_1165 = vector.extract %reduce_max3A_1164[0, 0, 0] : f32 from vector<1x1x1xf32>
    %jit3A_1166 = arith.constant -3.000000e+38 : f32
    %broadcast_in_dim3A_1167 = vector.broadcast %jit3A_1166 : f32 to vector<80x128xf32>
    %select_n3A_1168 = arith.select %eq3A_1157, %get3A_4, %broadcast_in_dim3A_1167 : vector<80x128xi1>, vector<80x128xf32>
    %reduce_max3A_1169 = vector.shape_cast %select_n3A_1168 : vector<80x128xf32> to vector<1x80x128xf32>
    %reduce_max3A_1170 = arith.constant dense<0xFF800000> : vector<1xf32>
    %reduce_max3A_1171 = vector.multi_reduction <maximumf>, %reduce_max3A_1169, %reduce_max3A_1170 [1, 2] : vector<1x80x128xf32> to vector<1xf32>
    %reduce_max3A_1172 = vector.shape_cast %reduce_max3A_1171 : vector<1xf32> to vector<1x1x1xf32>
    %reduce_max3A_1173 = vector.extract %reduce_max3A_1172[0, 0, 0] : f32 from vector<1x1x1xf32>
    %broadcast_in_dim3A_1174 = vector.broadcast %reduce_max3A_1165 : f32 to vector<80x128xf32>
    %select_n3A_1175 = arith.select %eq3A_1157, %broadcast_in_dim3A_1174, %select_n3A_1152 : vector<80x128xi1>, vector<80x128xf32>
    %broadcast_in_dim3A_1176 = vector.broadcast %reduce_max3A_1173 : f32 to vector<80x128xf32>
    %select_n3A_1177 = arith.select %eq3A_1157, %broadcast_in_dim3A_1176, %select_n3A_1154 : vector<80x128xi1>, vector<80x128xf32>
    %eq3A_1178 = arith.constant 51 : i32
    %eq3A_1179 = vector.broadcast %eq3A_1178 : i32 to vector<80x128xi32>
    %eq3A_1180 = arith.cmpi eq, %get3A_7, %eq3A_1179 : vector<80x128xi32>
    %jit3A_1181 = arith.constant -3.000000e+38 : f32
    %broadcast_in_dim3A_1182 = vector.broadcast %jit3A_1181 : f32 to vector<80x128xf32>
    %select_n3A_1183 = arith.select %eq3A_1180, %get3A_1, %broadcast_in_dim3A_1182 : vector<80x128xi1>, vector<80x128xf32>
    %reduce_max3A_1184 = vector.shape_cast %select_n3A_1183 : vector<80x128xf32> to vector<1x80x128xf32>
    %reduce_max3A_1185 = arith.constant dense<0xFF800000> : vector<1xf32>
    %reduce_max3A_1186 = vector.multi_reduction <maximumf>, %reduce_max3A_1184, %reduce_max3A_1185 [1, 2] : vector<1x80x128xf32> to vector<1xf32>
    %reduce_max3A_1187 = vector.shape_cast %reduce_max3A_1186 : vector<1xf32> to vector<1x1x1xf32>
    %reduce_max3A_1188 = vector.extract %reduce_max3A_1187[0, 0, 0] : f32 from vector<1x1x1xf32>
    %jit3A_1189 = arith.constant -3.000000e+38 : f32
    %broadcast_in_dim3A_1190 = vector.broadcast %jit3A_1189 : f32 to vector<80x128xf32>
    %select_n3A_1191 = arith.select %eq3A_1180, %get3A_4, %broadcast_in_dim3A_1190 : vector<80x128xi1>, vector<80x128xf32>
    %reduce_max3A_1192 = vector.shape_cast %select_n3A_1191 : vector<80x128xf32> to vector<1x80x128xf32>
    %reduce_max3A_1193 = arith.constant dense<0xFF800000> : vector<1xf32>
    %reduce_max3A_1194 = vector.multi_reduction <maximumf>, %reduce_max3A_1192, %reduce_max3A_1193 [1, 2] : vector<1x80x128xf32> to vector<1xf32>
    %reduce_max3A_1195 = vector.shape_cast %reduce_max3A_1194 : vector<1xf32> to vector<1x1x1xf32>
    %reduce_max3A_1196 = vector.extract %reduce_max3A_1195[0, 0, 0] : f32 from vector<1x1x1xf32>
    %broadcast_in_dim3A_1197 = vector.broadcast %reduce_max3A_1188 : f32 to vector<80x128xf32>
    %select_n3A_1198 = arith.select %eq3A_1180, %broadcast_in_dim3A_1197, %select_n3A_1175 : vector<80x128xi1>, vector<80x128xf32>
    %broadcast_in_dim3A_1199 = vector.broadcast %reduce_max3A_1196 : f32 to vector<80x128xf32>
    %select_n3A_1200 = arith.select %eq3A_1180, %broadcast_in_dim3A_1199, %select_n3A_1177 : vector<80x128xi1>, vector<80x128xf32>
    %eq3A_1201 = arith.constant 52 : i32
    %eq3A_1202 = vector.broadcast %eq3A_1201 : i32 to vector<80x128xi32>
    %eq3A_1203 = arith.cmpi eq, %get3A_7, %eq3A_1202 : vector<80x128xi32>
    %jit3A_1204 = arith.constant -3.000000e+38 : f32
    %broadcast_in_dim3A_1205 = vector.broadcast %jit3A_1204 : f32 to vector<80x128xf32>
    %select_n3A_1206 = arith.select %eq3A_1203, %get3A_1, %broadcast_in_dim3A_1205 : vector<80x128xi1>, vector<80x128xf32>
    %reduce_max3A_1207 = vector.shape_cast %select_n3A_1206 : vector<80x128xf32> to vector<1x80x128xf32>
    %reduce_max3A_1208 = arith.constant dense<0xFF800000> : vector<1xf32>
    %reduce_max3A_1209 = vector.multi_reduction <maximumf>, %reduce_max3A_1207, %reduce_max3A_1208 [1, 2] : vector<1x80x128xf32> to vector<1xf32>
    %reduce_max3A_1210 = vector.shape_cast %reduce_max3A_1209 : vector<1xf32> to vector<1x1x1xf32>
    %reduce_max3A_1211 = vector.extract %reduce_max3A_1210[0, 0, 0] : f32 from vector<1x1x1xf32>
    %jit3A_1212 = arith.constant -3.000000e+38 : f32
    %broadcast_in_dim3A_1213 = vector.broadcast %jit3A_1212 : f32 to vector<80x128xf32>
    %select_n3A_1214 = arith.select %eq3A_1203, %get3A_4, %broadcast_in_dim3A_1213 : vector<80x128xi1>, vector<80x128xf32>
    %reduce_max3A_1215 = vector.shape_cast %select_n3A_1214 : vector<80x128xf32> to vector<1x80x128xf32>
    %reduce_max3A_1216 = arith.constant dense<0xFF800000> : vector<1xf32>
    %reduce_max3A_1217 = vector.multi_reduction <maximumf>, %reduce_max3A_1215, %reduce_max3A_1216 [1, 2] : vector<1x80x128xf32> to vector<1xf32>
    %reduce_max3A_1218 = vector.shape_cast %reduce_max3A_1217 : vector<1xf32> to vector<1x1x1xf32>
    %reduce_max3A_1219 = vector.extract %reduce_max3A_1218[0, 0, 0] : f32 from vector<1x1x1xf32>
    %broadcast_in_dim3A_1220 = vector.broadcast %reduce_max3A_1211 : f32 to vector<80x128xf32>
    %select_n3A_1221 = arith.select %eq3A_1203, %broadcast_in_dim3A_1220, %select_n3A_1198 : vector<80x128xi1>, vector<80x128xf32>
    %broadcast_in_dim3A_1222 = vector.broadcast %reduce_max3A_1219 : f32 to vector<80x128xf32>
    %select_n3A_1223 = arith.select %eq3A_1203, %broadcast_in_dim3A_1222, %select_n3A_1200 : vector<80x128xi1>, vector<80x128xf32>
    %eq3A_1224 = arith.constant 53 : i32
    %eq3A_1225 = vector.broadcast %eq3A_1224 : i32 to vector<80x128xi32>
    %eq3A_1226 = arith.cmpi eq, %get3A_7, %eq3A_1225 : vector<80x128xi32>
    %jit3A_1227 = arith.constant -3.000000e+38 : f32
    %broadcast_in_dim3A_1228 = vector.broadcast %jit3A_1227 : f32 to vector<80x128xf32>
    %select_n3A_1229 = arith.select %eq3A_1226, %get3A_1, %broadcast_in_dim3A_1228 : vector<80x128xi1>, vector<80x128xf32>
    %reduce_max3A_1230 = vector.shape_cast %select_n3A_1229 : vector<80x128xf32> to vector<1x80x128xf32>
    %reduce_max3A_1231 = arith.constant dense<0xFF800000> : vector<1xf32>
    %reduce_max3A_1232 = vector.multi_reduction <maximumf>, %reduce_max3A_1230, %reduce_max3A_1231 [1, 2] : vector<1x80x128xf32> to vector<1xf32>
    %reduce_max3A_1233 = vector.shape_cast %reduce_max3A_1232 : vector<1xf32> to vector<1x1x1xf32>
    %reduce_max3A_1234 = vector.extract %reduce_max3A_1233[0, 0, 0] : f32 from vector<1x1x1xf32>
    %jit3A_1235 = arith.constant -3.000000e+38 : f32
    %broadcast_in_dim3A_1236 = vector.broadcast %jit3A_1235 : f32 to vector<80x128xf32>
    %select_n3A_1237 = arith.select %eq3A_1226, %get3A_4, %broadcast_in_dim3A_1236 : vector<80x128xi1>, vector<80x128xf32>
    %reduce_max3A_1238 = vector.shape_cast %select_n3A_1237 : vector<80x128xf32> to vector<1x80x128xf32>
    %reduce_max3A_1239 = arith.constant dense<0xFF800000> : vector<1xf32>
    %reduce_max3A_1240 = vector.multi_reduction <maximumf>, %reduce_max3A_1238, %reduce_max3A_1239 [1, 2] : vector<1x80x128xf32> to vector<1xf32>
    %reduce_max3A_1241 = vector.shape_cast %reduce_max3A_1240 : vector<1xf32> to vector<1x1x1xf32>
    %reduce_max3A_1242 = vector.extract %reduce_max3A_1241[0, 0, 0] : f32 from vector<1x1x1xf32>
    %broadcast_in_dim3A_1243 = vector.broadcast %reduce_max3A_1234 : f32 to vector<80x128xf32>
    %select_n3A_1244 = arith.select %eq3A_1226, %broadcast_in_dim3A_1243, %select_n3A_1221 : vector<80x128xi1>, vector<80x128xf32>
    %broadcast_in_dim3A_1245 = vector.broadcast %reduce_max3A_1242 : f32 to vector<80x128xf32>
    %select_n3A_1246 = arith.select %eq3A_1226, %broadcast_in_dim3A_1245, %select_n3A_1223 : vector<80x128xi1>, vector<80x128xf32>
    %eq3A_1247 = arith.constant 54 : i32
    %eq3A_1248 = vector.broadcast %eq3A_1247 : i32 to vector<80x128xi32>
    %eq3A_1249 = arith.cmpi eq, %get3A_7, %eq3A_1248 : vector<80x128xi32>
    %jit3A_1250 = arith.constant -3.000000e+38 : f32
    %broadcast_in_dim3A_1251 = vector.broadcast %jit3A_1250 : f32 to vector<80x128xf32>
    %select_n3A_1252 = arith.select %eq3A_1249, %get3A_1, %broadcast_in_dim3A_1251 : vector<80x128xi1>, vector<80x128xf32>
    %reduce_max3A_1253 = vector.shape_cast %select_n3A_1252 : vector<80x128xf32> to vector<1x80x128xf32>
    %reduce_max3A_1254 = arith.constant dense<0xFF800000> : vector<1xf32>
    %reduce_max3A_1255 = vector.multi_reduction <maximumf>, %reduce_max3A_1253, %reduce_max3A_1254 [1, 2] : vector<1x80x128xf32> to vector<1xf32>
    %reduce_max3A_1256 = vector.shape_cast %reduce_max3A_1255 : vector<1xf32> to vector<1x1x1xf32>
    %reduce_max3A_1257 = vector.extract %reduce_max3A_1256[0, 0, 0] : f32 from vector<1x1x1xf32>
    %jit3A_1258 = arith.constant -3.000000e+38 : f32
    %broadcast_in_dim3A_1259 = vector.broadcast %jit3A_1258 : f32 to vector<80x128xf32>
    %select_n3A_1260 = arith.select %eq3A_1249, %get3A_4, %broadcast_in_dim3A_1259 : vector<80x128xi1>, vector<80x128xf32>
    %reduce_max3A_1261 = vector.shape_cast %select_n3A_1260 : vector<80x128xf32> to vector<1x80x128xf32>
    %reduce_max3A_1262 = arith.constant dense<0xFF800000> : vector<1xf32>
    %reduce_max3A_1263 = vector.multi_reduction <maximumf>, %reduce_max3A_1261, %reduce_max3A_1262 [1, 2] : vector<1x80x128xf32> to vector<1xf32>
    %reduce_max3A_1264 = vector.shape_cast %reduce_max3A_1263 : vector<1xf32> to vector<1x1x1xf32>
    %reduce_max3A_1265 = vector.extract %reduce_max3A_1264[0, 0, 0] : f32 from vector<1x1x1xf32>
    %broadcast_in_dim3A_1266 = vector.broadcast %reduce_max3A_1257 : f32 to vector<80x128xf32>
    %select_n3A_1267 = arith.select %eq3A_1249, %broadcast_in_dim3A_1266, %select_n3A_1244 : vector<80x128xi1>, vector<80x128xf32>
    %broadcast_in_dim3A_1268 = vector.broadcast %reduce_max3A_1265 : f32 to vector<80x128xf32>
    %select_n3A_1269 = arith.select %eq3A_1249, %broadcast_in_dim3A_1268, %select_n3A_1246 : vector<80x128xi1>, vector<80x128xf32>
    %eq3A_1270 = arith.constant 55 : i32
    %eq3A_1271 = vector.broadcast %eq3A_1270 : i32 to vector<80x128xi32>
    %eq3A_1272 = arith.cmpi eq, %get3A_7, %eq3A_1271 : vector<80x128xi32>
    %jit3A_1273 = arith.constant -3.000000e+38 : f32
    %broadcast_in_dim3A_1274 = vector.broadcast %jit3A_1273 : f32 to vector<80x128xf32>
    %select_n3A_1275 = arith.select %eq3A_1272, %get3A_1, %broadcast_in_dim3A_1274 : vector<80x128xi1>, vector<80x128xf32>
    %reduce_max3A_1276 = vector.shape_cast %select_n3A_1275 : vector<80x128xf32> to vector<1x80x128xf32>
    %reduce_max3A_1277 = arith.constant dense<0xFF800000> : vector<1xf32>
    %reduce_max3A_1278 = vector.multi_reduction <maximumf>, %reduce_max3A_1276, %reduce_max3A_1277 [1, 2] : vector<1x80x128xf32> to vector<1xf32>
    %reduce_max3A_1279 = vector.shape_cast %reduce_max3A_1278 : vector<1xf32> to vector<1x1x1xf32>
    %reduce_max3A_1280 = vector.extract %reduce_max3A_1279[0, 0, 0] : f32 from vector<1x1x1xf32>
    %jit3A_1281 = arith.constant -3.000000e+38 : f32
    %broadcast_in_dim3A_1282 = vector.broadcast %jit3A_1281 : f32 to vector<80x128xf32>
    %select_n3A_1283 = arith.select %eq3A_1272, %get3A_4, %broadcast_in_dim3A_1282 : vector<80x128xi1>, vector<80x128xf32>
    %reduce_max3A_1284 = vector.shape_cast %select_n3A_1283 : vector<80x128xf32> to vector<1x80x128xf32>
    %reduce_max3A_1285 = arith.constant dense<0xFF800000> : vector<1xf32>
    %reduce_max3A_1286 = vector.multi_reduction <maximumf>, %reduce_max3A_1284, %reduce_max3A_1285 [1, 2] : vector<1x80x128xf32> to vector<1xf32>
    %reduce_max3A_1287 = vector.shape_cast %reduce_max3A_1286 : vector<1xf32> to vector<1x1x1xf32>
    %reduce_max3A_1288 = vector.extract %reduce_max3A_1287[0, 0, 0] : f32 from vector<1x1x1xf32>
    %broadcast_in_dim3A_1289 = vector.broadcast %reduce_max3A_1280 : f32 to vector<80x128xf32>
    %select_n3A_1290 = arith.select %eq3A_1272, %broadcast_in_dim3A_1289, %select_n3A_1267 : vector<80x128xi1>, vector<80x128xf32>
    %broadcast_in_dim3A_1291 = vector.broadcast %reduce_max3A_1288 : f32 to vector<80x128xf32>
    %select_n3A_1292 = arith.select %eq3A_1272, %broadcast_in_dim3A_1291, %select_n3A_1269 : vector<80x128xi1>, vector<80x128xf32>
    %eq3A_1293 = arith.constant 56 : i32
    %eq3A_1294 = vector.broadcast %eq3A_1293 : i32 to vector<80x128xi32>
    %eq3A_1295 = arith.cmpi eq, %get3A_7, %eq3A_1294 : vector<80x128xi32>
    %jit3A_1296 = arith.constant -3.000000e+38 : f32
    %broadcast_in_dim3A_1297 = vector.broadcast %jit3A_1296 : f32 to vector<80x128xf32>
    %select_n3A_1298 = arith.select %eq3A_1295, %get3A_1, %broadcast_in_dim3A_1297 : vector<80x128xi1>, vector<80x128xf32>
    %reduce_max3A_1299 = vector.shape_cast %select_n3A_1298 : vector<80x128xf32> to vector<1x80x128xf32>
    %reduce_max3A_1300 = arith.constant dense<0xFF800000> : vector<1xf32>
    %reduce_max3A_1301 = vector.multi_reduction <maximumf>, %reduce_max3A_1299, %reduce_max3A_1300 [1, 2] : vector<1x80x128xf32> to vector<1xf32>
    %reduce_max3A_1302 = vector.shape_cast %reduce_max3A_1301 : vector<1xf32> to vector<1x1x1xf32>
    %reduce_max3A_1303 = vector.extract %reduce_max3A_1302[0, 0, 0] : f32 from vector<1x1x1xf32>
    %jit3A_1304 = arith.constant -3.000000e+38 : f32
    %broadcast_in_dim3A_1305 = vector.broadcast %jit3A_1304 : f32 to vector<80x128xf32>
    %select_n3A_1306 = arith.select %eq3A_1295, %get3A_4, %broadcast_in_dim3A_1305 : vector<80x128xi1>, vector<80x128xf32>
    %reduce_max3A_1307 = vector.shape_cast %select_n3A_1306 : vector<80x128xf32> to vector<1x80x128xf32>
    %reduce_max3A_1308 = arith.constant dense<0xFF800000> : vector<1xf32>
    %reduce_max3A_1309 = vector.multi_reduction <maximumf>, %reduce_max3A_1307, %reduce_max3A_1308 [1, 2] : vector<1x80x128xf32> to vector<1xf32>
    %reduce_max3A_1310 = vector.shape_cast %reduce_max3A_1309 : vector<1xf32> to vector<1x1x1xf32>
    %reduce_max3A_1311 = vector.extract %reduce_max3A_1310[0, 0, 0] : f32 from vector<1x1x1xf32>
    %broadcast_in_dim3A_1312 = vector.broadcast %reduce_max3A_1303 : f32 to vector<80x128xf32>
    %select_n3A_1313 = arith.select %eq3A_1295, %broadcast_in_dim3A_1312, %select_n3A_1290 : vector<80x128xi1>, vector<80x128xf32>
    %broadcast_in_dim3A_1314 = vector.broadcast %reduce_max3A_1311 : f32 to vector<80x128xf32>
    %select_n3A_1315 = arith.select %eq3A_1295, %broadcast_in_dim3A_1314, %select_n3A_1292 : vector<80x128xi1>, vector<80x128xf32>
    %eq3A_1316 = arith.constant 57 : i32
    %eq3A_1317 = vector.broadcast %eq3A_1316 : i32 to vector<80x128xi32>
    %eq3A_1318 = arith.cmpi eq, %get3A_7, %eq3A_1317 : vector<80x128xi32>
    %jit3A_1319 = arith.constant -3.000000e+38 : f32
    %broadcast_in_dim3A_1320 = vector.broadcast %jit3A_1319 : f32 to vector<80x128xf32>
    %select_n3A_1321 = arith.select %eq3A_1318, %get3A_1, %broadcast_in_dim3A_1320 : vector<80x128xi1>, vector<80x128xf32>
    %reduce_max3A_1322 = vector.shape_cast %select_n3A_1321 : vector<80x128xf32> to vector<1x80x128xf32>
    %reduce_max3A_1323 = arith.constant dense<0xFF800000> : vector<1xf32>
    %reduce_max3A_1324 = vector.multi_reduction <maximumf>, %reduce_max3A_1322, %reduce_max3A_1323 [1, 2] : vector<1x80x128xf32> to vector<1xf32>
    %reduce_max3A_1325 = vector.shape_cast %reduce_max3A_1324 : vector<1xf32> to vector<1x1x1xf32>
    %reduce_max3A_1326 = vector.extract %reduce_max3A_1325[0, 0, 0] : f32 from vector<1x1x1xf32>
    %jit3A_1327 = arith.constant -3.000000e+38 : f32
    %broadcast_in_dim3A_1328 = vector.broadcast %jit3A_1327 : f32 to vector<80x128xf32>
    %select_n3A_1329 = arith.select %eq3A_1318, %get3A_4, %broadcast_in_dim3A_1328 : vector<80x128xi1>, vector<80x128xf32>
    %reduce_max3A_1330 = vector.shape_cast %select_n3A_1329 : vector<80x128xf32> to vector<1x80x128xf32>
    %reduce_max3A_1331 = arith.constant dense<0xFF800000> : vector<1xf32>
    %reduce_max3A_1332 = vector.multi_reduction <maximumf>, %reduce_max3A_1330, %reduce_max3A_1331 [1, 2] : vector<1x80x128xf32> to vector<1xf32>
    %reduce_max3A_1333 = vector.shape_cast %reduce_max3A_1332 : vector<1xf32> to vector<1x1x1xf32>
    %reduce_max3A_1334 = vector.extract %reduce_max3A_1333[0, 0, 0] : f32 from vector<1x1x1xf32>
    %broadcast_in_dim3A_1335 = vector.broadcast %reduce_max3A_1326 : f32 to vector<80x128xf32>
    %select_n3A_1336 = arith.select %eq3A_1318, %broadcast_in_dim3A_1335, %select_n3A_1313 : vector<80x128xi1>, vector<80x128xf32>
    %broadcast_in_dim3A_1337 = vector.broadcast %reduce_max3A_1334 : f32 to vector<80x128xf32>
    %select_n3A_1338 = arith.select %eq3A_1318, %broadcast_in_dim3A_1337, %select_n3A_1315 : vector<80x128xi1>, vector<80x128xf32>
    %eq3A_1339 = arith.constant 58 : i32
    %eq3A_1340 = vector.broadcast %eq3A_1339 : i32 to vector<80x128xi32>
    %eq3A_1341 = arith.cmpi eq, %get3A_7, %eq3A_1340 : vector<80x128xi32>
    %jit3A_1342 = arith.constant -3.000000e+38 : f32
    %broadcast_in_dim3A_1343 = vector.broadcast %jit3A_1342 : f32 to vector<80x128xf32>
    %select_n3A_1344 = arith.select %eq3A_1341, %get3A_1, %broadcast_in_dim3A_1343 : vector<80x128xi1>, vector<80x128xf32>
    %reduce_max3A_1345 = vector.shape_cast %select_n3A_1344 : vector<80x128xf32> to vector<1x80x128xf32>
    %reduce_max3A_1346 = arith.constant dense<0xFF800000> : vector<1xf32>
    %reduce_max3A_1347 = vector.multi_reduction <maximumf>, %reduce_max3A_1345, %reduce_max3A_1346 [1, 2] : vector<1x80x128xf32> to vector<1xf32>
    %reduce_max3A_1348 = vector.shape_cast %reduce_max3A_1347 : vector<1xf32> to vector<1x1x1xf32>
    %reduce_max3A_1349 = vector.extract %reduce_max3A_1348[0, 0, 0] : f32 from vector<1x1x1xf32>
    %jit3A_1350 = arith.constant -3.000000e+38 : f32
    %broadcast_in_dim3A_1351 = vector.broadcast %jit3A_1350 : f32 to vector<80x128xf32>
    %select_n3A_1352 = arith.select %eq3A_1341, %get3A_4, %broadcast_in_dim3A_1351 : vector<80x128xi1>, vector<80x128xf32>
    %reduce_max3A_1353 = vector.shape_cast %select_n3A_1352 : vector<80x128xf32> to vector<1x80x128xf32>
    %reduce_max3A_1354 = arith.constant dense<0xFF800000> : vector<1xf32>
    %reduce_max3A_1355 = vector.multi_reduction <maximumf>, %reduce_max3A_1353, %reduce_max3A_1354 [1, 2] : vector<1x80x128xf32> to vector<1xf32>
    %reduce_max3A_1356 = vector.shape_cast %reduce_max3A_1355 : vector<1xf32> to vector<1x1x1xf32>
    %reduce_max3A_1357 = vector.extract %reduce_max3A_1356[0, 0, 0] : f32 from vector<1x1x1xf32>
    %broadcast_in_dim3A_1358 = vector.broadcast %reduce_max3A_1349 : f32 to vector<80x128xf32>
    %select_n3A_1359 = arith.select %eq3A_1341, %broadcast_in_dim3A_1358, %select_n3A_1336 : vector<80x128xi1>, vector<80x128xf32>
    %broadcast_in_dim3A_1360 = vector.broadcast %reduce_max3A_1357 : f32 to vector<80x128xf32>
    %select_n3A_1361 = arith.select %eq3A_1341, %broadcast_in_dim3A_1360, %select_n3A_1338 : vector<80x128xi1>, vector<80x128xf32>
    %eq3A_1362 = arith.constant 59 : i32
    %eq3A_1363 = vector.broadcast %eq3A_1362 : i32 to vector<80x128xi32>
    %eq3A_1364 = arith.cmpi eq, %get3A_7, %eq3A_1363 : vector<80x128xi32>
    %jit3A_1365 = arith.constant -3.000000e+38 : f32
    %broadcast_in_dim3A_1366 = vector.broadcast %jit3A_1365 : f32 to vector<80x128xf32>
    %select_n3A_1367 = arith.select %eq3A_1364, %get3A_1, %broadcast_in_dim3A_1366 : vector<80x128xi1>, vector<80x128xf32>
    %reduce_max3A_1368 = vector.shape_cast %select_n3A_1367 : vector<80x128xf32> to vector<1x80x128xf32>
    %reduce_max3A_1369 = arith.constant dense<0xFF800000> : vector<1xf32>
    %reduce_max3A_1370 = vector.multi_reduction <maximumf>, %reduce_max3A_1368, %reduce_max3A_1369 [1, 2] : vector<1x80x128xf32> to vector<1xf32>
    %reduce_max3A_1371 = vector.shape_cast %reduce_max3A_1370 : vector<1xf32> to vector<1x1x1xf32>
    %reduce_max3A_1372 = vector.extract %reduce_max3A_1371[0, 0, 0] : f32 from vector<1x1x1xf32>
    %jit3A_1373 = arith.constant -3.000000e+38 : f32
    %broadcast_in_dim3A_1374 = vector.broadcast %jit3A_1373 : f32 to vector<80x128xf32>
    %select_n3A_1375 = arith.select %eq3A_1364, %get3A_4, %broadcast_in_dim3A_1374 : vector<80x128xi1>, vector<80x128xf32>
    %reduce_max3A_1376 = vector.shape_cast %select_n3A_1375 : vector<80x128xf32> to vector<1x80x128xf32>
    %reduce_max3A_1377 = arith.constant dense<0xFF800000> : vector<1xf32>
    %reduce_max3A_1378 = vector.multi_reduction <maximumf>, %reduce_max3A_1376, %reduce_max3A_1377 [1, 2] : vector<1x80x128xf32> to vector<1xf32>
    %reduce_max3A_1379 = vector.shape_cast %reduce_max3A_1378 : vector<1xf32> to vector<1x1x1xf32>
    %reduce_max3A_1380 = vector.extract %reduce_max3A_1379[0, 0, 0] : f32 from vector<1x1x1xf32>
    %broadcast_in_dim3A_1381 = vector.broadcast %reduce_max3A_1372 : f32 to vector<80x128xf32>
    %select_n3A_1382 = arith.select %eq3A_1364, %broadcast_in_dim3A_1381, %select_n3A_1359 : vector<80x128xi1>, vector<80x128xf32>
    %broadcast_in_dim3A_1383 = vector.broadcast %reduce_max3A_1380 : f32 to vector<80x128xf32>
    %select_n3A_1384 = arith.select %eq3A_1364, %broadcast_in_dim3A_1383, %select_n3A_1361 : vector<80x128xi1>, vector<80x128xf32>
    %eq3A_1385 = arith.constant 60 : i32
    %eq3A_1386 = vector.broadcast %eq3A_1385 : i32 to vector<80x128xi32>
    %eq3A_1387 = arith.cmpi eq, %get3A_7, %eq3A_1386 : vector<80x128xi32>
    %jit3A_1388 = arith.constant -3.000000e+38 : f32
    %broadcast_in_dim3A_1389 = vector.broadcast %jit3A_1388 : f32 to vector<80x128xf32>
    %select_n3A_1390 = arith.select %eq3A_1387, %get3A_1, %broadcast_in_dim3A_1389 : vector<80x128xi1>, vector<80x128xf32>
    %reduce_max3A_1391 = vector.shape_cast %select_n3A_1390 : vector<80x128xf32> to vector<1x80x128xf32>
    %reduce_max3A_1392 = arith.constant dense<0xFF800000> : vector<1xf32>
    %reduce_max3A_1393 = vector.multi_reduction <maximumf>, %reduce_max3A_1391, %reduce_max3A_1392 [1, 2] : vector<1x80x128xf32> to vector<1xf32>
    %reduce_max3A_1394 = vector.shape_cast %reduce_max3A_1393 : vector<1xf32> to vector<1x1x1xf32>
    %reduce_max3A_1395 = vector.extract %reduce_max3A_1394[0, 0, 0] : f32 from vector<1x1x1xf32>
    %jit3A_1396 = arith.constant -3.000000e+38 : f32
    %broadcast_in_dim3A_1397 = vector.broadcast %jit3A_1396 : f32 to vector<80x128xf32>
    %select_n3A_1398 = arith.select %eq3A_1387, %get3A_4, %broadcast_in_dim3A_1397 : vector<80x128xi1>, vector<80x128xf32>
    %reduce_max3A_1399 = vector.shape_cast %select_n3A_1398 : vector<80x128xf32> to vector<1x80x128xf32>
    %reduce_max3A_1400 = arith.constant dense<0xFF800000> : vector<1xf32>
    %reduce_max3A_1401 = vector.multi_reduction <maximumf>, %reduce_max3A_1399, %reduce_max3A_1400 [1, 2] : vector<1x80x128xf32> to vector<1xf32>
    %reduce_max3A_1402 = vector.shape_cast %reduce_max3A_1401 : vector<1xf32> to vector<1x1x1xf32>
    %reduce_max3A_1403 = vector.extract %reduce_max3A_1402[0, 0, 0] : f32 from vector<1x1x1xf32>
    %broadcast_in_dim3A_1404 = vector.broadcast %reduce_max3A_1395 : f32 to vector<80x128xf32>
    %select_n3A_1405 = arith.select %eq3A_1387, %broadcast_in_dim3A_1404, %select_n3A_1382 : vector<80x128xi1>, vector<80x128xf32>
    %broadcast_in_dim3A_1406 = vector.broadcast %reduce_max3A_1403 : f32 to vector<80x128xf32>
    %select_n3A_1407 = arith.select %eq3A_1387, %broadcast_in_dim3A_1406, %select_n3A_1384 : vector<80x128xi1>, vector<80x128xf32>
    %eq3A_1408 = arith.constant 61 : i32
    %eq3A_1409 = vector.broadcast %eq3A_1408 : i32 to vector<80x128xi32>
    %eq3A_1410 = arith.cmpi eq, %get3A_7, %eq3A_1409 : vector<80x128xi32>
    %jit3A_1411 = arith.constant -3.000000e+38 : f32
    %broadcast_in_dim3A_1412 = vector.broadcast %jit3A_1411 : f32 to vector<80x128xf32>
    %select_n3A_1413 = arith.select %eq3A_1410, %get3A_1, %broadcast_in_dim3A_1412 : vector<80x128xi1>, vector<80x128xf32>
    %reduce_max3A_1414 = vector.shape_cast %select_n3A_1413 : vector<80x128xf32> to vector<1x80x128xf32>
    %reduce_max3A_1415 = arith.constant dense<0xFF800000> : vector<1xf32>
    %reduce_max3A_1416 = vector.multi_reduction <maximumf>, %reduce_max3A_1414, %reduce_max3A_1415 [1, 2] : vector<1x80x128xf32> to vector<1xf32>
    %reduce_max3A_1417 = vector.shape_cast %reduce_max3A_1416 : vector<1xf32> to vector<1x1x1xf32>
    %reduce_max3A_1418 = vector.extract %reduce_max3A_1417[0, 0, 0] : f32 from vector<1x1x1xf32>
    %jit3A_1419 = arith.constant -3.000000e+38 : f32
    %broadcast_in_dim3A_1420 = vector.broadcast %jit3A_1419 : f32 to vector<80x128xf32>
    %select_n3A_1421 = arith.select %eq3A_1410, %get3A_4, %broadcast_in_dim3A_1420 : vector<80x128xi1>, vector<80x128xf32>
    %reduce_max3A_1422 = vector.shape_cast %select_n3A_1421 : vector<80x128xf32> to vector<1x80x128xf32>
    %reduce_max3A_1423 = arith.constant dense<0xFF800000> : vector<1xf32>
    %reduce_max3A_1424 = vector.multi_reduction <maximumf>, %reduce_max3A_1422, %reduce_max3A_1423 [1, 2] : vector<1x80x128xf32> to vector<1xf32>
    %reduce_max3A_1425 = vector.shape_cast %reduce_max3A_1424 : vector<1xf32> to vector<1x1x1xf32>
    %reduce_max3A_1426 = vector.extract %reduce_max3A_1425[0, 0, 0] : f32 from vector<1x1x1xf32>
    %broadcast_in_dim3A_1427 = vector.broadcast %reduce_max3A_1418 : f32 to vector<80x128xf32>
    %select_n3A_1428 = arith.select %eq3A_1410, %broadcast_in_dim3A_1427, %select_n3A_1405 : vector<80x128xi1>, vector<80x128xf32>
    %broadcast_in_dim3A_1429 = vector.broadcast %reduce_max3A_1426 : f32 to vector<80x128xf32>
    %select_n3A_1430 = arith.select %eq3A_1410, %broadcast_in_dim3A_1429, %select_n3A_1407 : vector<80x128xi1>, vector<80x128xf32>
    %eq3A_1431 = arith.constant 62 : i32
    %eq3A_1432 = vector.broadcast %eq3A_1431 : i32 to vector<80x128xi32>
    %eq3A_1433 = arith.cmpi eq, %get3A_7, %eq3A_1432 : vector<80x128xi32>
    %jit3A_1434 = arith.constant -3.000000e+38 : f32
    %broadcast_in_dim3A_1435 = vector.broadcast %jit3A_1434 : f32 to vector<80x128xf32>
    %select_n3A_1436 = arith.select %eq3A_1433, %get3A_1, %broadcast_in_dim3A_1435 : vector<80x128xi1>, vector<80x128xf32>
    %reduce_max3A_1437 = vector.shape_cast %select_n3A_1436 : vector<80x128xf32> to vector<1x80x128xf32>
    %reduce_max3A_1438 = arith.constant dense<0xFF800000> : vector<1xf32>
    %reduce_max3A_1439 = vector.multi_reduction <maximumf>, %reduce_max3A_1437, %reduce_max3A_1438 [1, 2] : vector<1x80x128xf32> to vector<1xf32>
    %reduce_max3A_1440 = vector.shape_cast %reduce_max3A_1439 : vector<1xf32> to vector<1x1x1xf32>
    %reduce_max3A_1441 = vector.extract %reduce_max3A_1440[0, 0, 0] : f32 from vector<1x1x1xf32>
    %jit3A_1442 = arith.constant -3.000000e+38 : f32
    %broadcast_in_dim3A_1443 = vector.broadcast %jit3A_1442 : f32 to vector<80x128xf32>
    %select_n3A_1444 = arith.select %eq3A_1433, %get3A_4, %broadcast_in_dim3A_1443 : vector<80x128xi1>, vector<80x128xf32>
    %reduce_max3A_1445 = vector.shape_cast %select_n3A_1444 : vector<80x128xf32> to vector<1x80x128xf32>
    %reduce_max3A_1446 = arith.constant dense<0xFF800000> : vector<1xf32>
    %reduce_max3A_1447 = vector.multi_reduction <maximumf>, %reduce_max3A_1445, %reduce_max3A_1446 [1, 2] : vector<1x80x128xf32> to vector<1xf32>
    %reduce_max3A_1448 = vector.shape_cast %reduce_max3A_1447 : vector<1xf32> to vector<1x1x1xf32>
    %reduce_max3A_1449 = vector.extract %reduce_max3A_1448[0, 0, 0] : f32 from vector<1x1x1xf32>
    %broadcast_in_dim3A_1450 = vector.broadcast %reduce_max3A_1441 : f32 to vector<80x128xf32>
    %select_n3A_1451 = arith.select %eq3A_1433, %broadcast_in_dim3A_1450, %select_n3A_1428 : vector<80x128xi1>, vector<80x128xf32>
    %broadcast_in_dim3A_1452 = vector.broadcast %reduce_max3A_1449 : f32 to vector<80x128xf32>
    %select_n3A_1453 = arith.select %eq3A_1433, %broadcast_in_dim3A_1452, %select_n3A_1430 : vector<80x128xi1>, vector<80x128xf32>
    %eq3A_1454 = arith.constant 63 : i32
    %eq3A_1455 = vector.broadcast %eq3A_1454 : i32 to vector<80x128xi32>
    %eq3A_1456 = arith.cmpi eq, %get3A_7, %eq3A_1455 : vector<80x128xi32>
    %jit3A_1457 = arith.constant -3.000000e+38 : f32
    %broadcast_in_dim3A_1458 = vector.broadcast %jit3A_1457 : f32 to vector<80x128xf32>
    %select_n3A_1459 = arith.select %eq3A_1456, %get3A_1, %broadcast_in_dim3A_1458 : vector<80x128xi1>, vector<80x128xf32>
    %reduce_max3A_1460 = vector.shape_cast %select_n3A_1459 : vector<80x128xf32> to vector<1x80x128xf32>
    %reduce_max3A_1461 = arith.constant dense<0xFF800000> : vector<1xf32>
    %reduce_max3A_1462 = vector.multi_reduction <maximumf>, %reduce_max3A_1460, %reduce_max3A_1461 [1, 2] : vector<1x80x128xf32> to vector<1xf32>
    %reduce_max3A_1463 = vector.shape_cast %reduce_max3A_1462 : vector<1xf32> to vector<1x1x1xf32>
    %reduce_max3A_1464 = vector.extract %reduce_max3A_1463[0, 0, 0] : f32 from vector<1x1x1xf32>
    %jit3A_1465 = arith.constant -3.000000e+38 : f32
    %broadcast_in_dim3A_1466 = vector.broadcast %jit3A_1465 : f32 to vector<80x128xf32>
    %select_n3A_1467 = arith.select %eq3A_1456, %get3A_4, %broadcast_in_dim3A_1466 : vector<80x128xi1>, vector<80x128xf32>
    %reduce_max3A_1468 = vector.shape_cast %select_n3A_1467 : vector<80x128xf32> to vector<1x80x128xf32>
    %reduce_max3A_1469 = arith.constant dense<0xFF800000> : vector<1xf32>
    %reduce_max3A_1470 = vector.multi_reduction <maximumf>, %reduce_max3A_1468, %reduce_max3A_1469 [1, 2] : vector<1x80x128xf32> to vector<1xf32>
    %reduce_max3A_1471 = vector.shape_cast %reduce_max3A_1470 : vector<1xf32> to vector<1x1x1xf32>
    %reduce_max3A_1472 = vector.extract %reduce_max3A_1471[0, 0, 0] : f32 from vector<1x1x1xf32>
    %broadcast_in_dim3A_1473 = vector.broadcast %reduce_max3A_1464 : f32 to vector<80x128xf32>
    %select_n3A_1474 = arith.select %eq3A_1456, %broadcast_in_dim3A_1473, %select_n3A_1451 : vector<80x128xi1>, vector<80x128xf32>
    %broadcast_in_dim3A_1475 = vector.broadcast %reduce_max3A_1472 : f32 to vector<80x128xf32>
    %select_n3A_1476 = arith.select %eq3A_1456, %broadcast_in_dim3A_1475, %select_n3A_1453 : vector<80x128xi1>, vector<80x128xf32>
    %sub3A = arith.subf %get3A_1, %select_n3A_1474 : vector<80x128xf32>
    %exp3A = math.exp %sub3A : vector<80x128xf32>
    %sub3A_1477 = arith.subf %get3A_4, %select_n3A_1476 : vector<80x128xf32>
    %exp3A_1478 = math.exp %sub3A_1477 : vector<80x128xf32>
    %eq3A_1479 = arith.constant 0 : i32
    %eq3A_1480 = vector.broadcast %eq3A_1479 : i32 to vector<80x128xi32>
    %eq3A_1481 = arith.cmpi eq, %get3A_7, %eq3A_1480 : vector<80x128xi32>
    %jit3A_1482 = arith.constant 0.000000e+00 : f32
    %broadcast_in_dim3A_1483 = vector.broadcast %jit3A_1482 : f32 to vector<80x128xf32>
    %select_n3A_1484 = arith.select %eq3A_1481, %exp3A, %broadcast_in_dim3A_1483 : vector<80x128xi1>, vector<80x128xf32>
    %reduce_sum3A = vector.shape_cast %select_n3A_1484 : vector<80x128xf32> to vector<1x80x128xf32>
    %reduce_sum3A_1485 = arith.constant dense<0.000000e+00> : vector<1xf32>
    %reduce_sum3A_1486 = vector.multi_reduction <add>, %reduce_sum3A, %reduce_sum3A_1485 [1, 2] : vector<1x80x128xf32> to vector<1xf32>
    %reduce_sum3A_1487 = vector.shape_cast %reduce_sum3A_1486 : vector<1xf32> to vector<1x1x1xf32>
    %reduce_sum3A_1488 = vector.extract %reduce_sum3A_1487[0, 0, 0] : f32 from vector<1x1x1xf32>
    %jit3A_1489 = arith.constant 0.000000e+00 : f32
    %broadcast_in_dim3A_1490 = vector.broadcast %jit3A_1489 : f32 to vector<80x128xf32>
    %select_n3A_1491 = arith.select %eq3A_1481, %exp3A_1478, %broadcast_in_dim3A_1490 : vector<80x128xi1>, vector<80x128xf32>
    %reduce_sum3A_1492 = vector.shape_cast %select_n3A_1491 : vector<80x128xf32> to vector<1x80x128xf32>
    %reduce_sum3A_1493 = arith.constant dense<0.000000e+00> : vector<1xf32>
    %reduce_sum3A_1494 = vector.multi_reduction <add>, %reduce_sum3A_1492, %reduce_sum3A_1493 [1, 2] : vector<1x80x128xf32> to vector<1xf32>
    %reduce_sum3A_1495 = vector.shape_cast %reduce_sum3A_1494 : vector<1xf32> to vector<1x1x1xf32>
    %reduce_sum3A_1496 = vector.extract %reduce_sum3A_1495[0, 0, 0] : f32 from vector<1x1x1xf32>
    %broadcast_in_dim3A_1497 = vector.broadcast %reduce_sum3A_1488 : f32 to vector<80x128xf32>
    %select_n3A_1498 = arith.select %eq3A_1481, %broadcast_in_dim3A_1497, %broadcast_in_dim3A_8 : vector<80x128xi1>, vector<80x128xf32>
    %broadcast_in_dim3A_1499 = vector.broadcast %reduce_sum3A_1496 : f32 to vector<80x128xf32>
    %select_n3A_1500 = arith.select %eq3A_1481, %broadcast_in_dim3A_1499, %broadcast_in_dim3A_8 : vector<80x128xi1>, vector<80x128xf32>
    %get3A_1501 = arith.constant 0 : index
    %get3A_1502 = arith.constant 0 : index
    %get3A_1503 = vector.load %arg3[%get3A_1501, %get3A_1502] : memref<1x128xf32, #tpu.memory_space<vmem>>, vector<1x1xf32>
    %get3A_1504 = vector.extract %get3A_1503[0, 0] : f32 from vector<1x1xf32>
    %broadcast_in_dim3A_1505 = vector.broadcast %get3A_1504 : f32 to vector<80x128xf32>
    %select_n3A_1506 = arith.select %eq3A_1481, %broadcast_in_dim3A_1505, %broadcast_in_dim3A_8 : vector<80x128xi1>, vector<80x128xf32>
    %eq3A_1507 = arith.constant 1 : i32
    %eq3A_1508 = vector.broadcast %eq3A_1507 : i32 to vector<80x128xi32>
    %eq3A_1509 = arith.cmpi eq, %get3A_7, %eq3A_1508 : vector<80x128xi32>
    %jit3A_1510 = arith.constant 0.000000e+00 : f32
    %broadcast_in_dim3A_1511 = vector.broadcast %jit3A_1510 : f32 to vector<80x128xf32>
    %select_n3A_1512 = arith.select %eq3A_1509, %exp3A, %broadcast_in_dim3A_1511 : vector<80x128xi1>, vector<80x128xf32>
    %reduce_sum3A_1513 = vector.shape_cast %select_n3A_1512 : vector<80x128xf32> to vector<1x80x128xf32>
    %reduce_sum3A_1514 = arith.constant dense<0.000000e+00> : vector<1xf32>
    %reduce_sum3A_1515 = vector.multi_reduction <add>, %reduce_sum3A_1513, %reduce_sum3A_1514 [1, 2] : vector<1x80x128xf32> to vector<1xf32>
    %reduce_sum3A_1516 = vector.shape_cast %reduce_sum3A_1515 : vector<1xf32> to vector<1x1x1xf32>
    %reduce_sum3A_1517 = vector.extract %reduce_sum3A_1516[0, 0, 0] : f32 from vector<1x1x1xf32>
    %jit3A_1518 = arith.constant 0.000000e+00 : f32
    %broadcast_in_dim3A_1519 = vector.broadcast %jit3A_1518 : f32 to vector<80x128xf32>
    %select_n3A_1520 = arith.select %eq3A_1509, %exp3A_1478, %broadcast_in_dim3A_1519 : vector<80x128xi1>, vector<80x128xf32>
    %reduce_sum3A_1521 = vector.shape_cast %select_n3A_1520 : vector<80x128xf32> to vector<1x80x128xf32>
    %reduce_sum3A_1522 = arith.constant dense<0.000000e+00> : vector<1xf32>
    %reduce_sum3A_1523 = vector.multi_reduction <add>, %reduce_sum3A_1521, %reduce_sum3A_1522 [1, 2] : vector<1x80x128xf32> to vector<1xf32>
    %reduce_sum3A_1524 = vector.shape_cast %reduce_sum3A_1523 : vector<1xf32> to vector<1x1x1xf32>
    %reduce_sum3A_1525 = vector.extract %reduce_sum3A_1524[0, 0, 0] : f32 from vector<1x1x1xf32>
    %broadcast_in_dim3A_1526 = vector.broadcast %reduce_sum3A_1517 : f32 to vector<80x128xf32>
    %select_n3A_1527 = arith.select %eq3A_1509, %broadcast_in_dim3A_1526, %select_n3A_1498 : vector<80x128xi1>, vector<80x128xf32>
    %broadcast_in_dim3A_1528 = vector.broadcast %reduce_sum3A_1525 : f32 to vector<80x128xf32>
    %select_n3A_1529 = arith.select %eq3A_1509, %broadcast_in_dim3A_1528, %select_n3A_1500 : vector<80x128xi1>, vector<80x128xf32>
    %get3A_1530 = arith.constant 0 : index
    %get3A_1531 = arith.constant 1 : index
    %get3A_1532 = vector.load %arg3[%get3A_1530, %get3A_1531] : memref<1x128xf32, #tpu.memory_space<vmem>>, vector<1x1xf32>
    %get3A_1533 = vector.extract %get3A_1532[0, 0] : f32 from vector<1x1xf32>
    %broadcast_in_dim3A_1534 = vector.broadcast %get3A_1533 : f32 to vector<80x128xf32>
    %select_n3A_1535 = arith.select %eq3A_1509, %broadcast_in_dim3A_1534, %select_n3A_1506 : vector<80x128xi1>, vector<80x128xf32>
    %eq3A_1536 = arith.constant 2 : i32
    %eq3A_1537 = vector.broadcast %eq3A_1536 : i32 to vector<80x128xi32>
    %eq3A_1538 = arith.cmpi eq, %get3A_7, %eq3A_1537 : vector<80x128xi32>
    %jit3A_1539 = arith.constant 0.000000e+00 : f32
    %broadcast_in_dim3A_1540 = vector.broadcast %jit3A_1539 : f32 to vector<80x128xf32>
    %select_n3A_1541 = arith.select %eq3A_1538, %exp3A, %broadcast_in_dim3A_1540 : vector<80x128xi1>, vector<80x128xf32>
    %reduce_sum3A_1542 = vector.shape_cast %select_n3A_1541 : vector<80x128xf32> to vector<1x80x128xf32>
    %reduce_sum3A_1543 = arith.constant dense<0.000000e+00> : vector<1xf32>
    %reduce_sum3A_1544 = vector.multi_reduction <add>, %reduce_sum3A_1542, %reduce_sum3A_1543 [1, 2] : vector<1x80x128xf32> to vector<1xf32>
    %reduce_sum3A_1545 = vector.shape_cast %reduce_sum3A_1544 : vector<1xf32> to vector<1x1x1xf32>
    %reduce_sum3A_1546 = vector.extract %reduce_sum3A_1545[0, 0, 0] : f32 from vector<1x1x1xf32>
    %jit3A_1547 = arith.constant 0.000000e+00 : f32
    %broadcast_in_dim3A_1548 = vector.broadcast %jit3A_1547 : f32 to vector<80x128xf32>
    %select_n3A_1549 = arith.select %eq3A_1538, %exp3A_1478, %broadcast_in_dim3A_1548 : vector<80x128xi1>, vector<80x128xf32>
    %reduce_sum3A_1550 = vector.shape_cast %select_n3A_1549 : vector<80x128xf32> to vector<1x80x128xf32>
    %reduce_sum3A_1551 = arith.constant dense<0.000000e+00> : vector<1xf32>
    %reduce_sum3A_1552 = vector.multi_reduction <add>, %reduce_sum3A_1550, %reduce_sum3A_1551 [1, 2] : vector<1x80x128xf32> to vector<1xf32>
    %reduce_sum3A_1553 = vector.shape_cast %reduce_sum3A_1552 : vector<1xf32> to vector<1x1x1xf32>
    %reduce_sum3A_1554 = vector.extract %reduce_sum3A_1553[0, 0, 0] : f32 from vector<1x1x1xf32>
    %broadcast_in_dim3A_1555 = vector.broadcast %reduce_sum3A_1546 : f32 to vector<80x128xf32>
    %select_n3A_1556 = arith.select %eq3A_1538, %broadcast_in_dim3A_1555, %select_n3A_1527 : vector<80x128xi1>, vector<80x128xf32>
    %broadcast_in_dim3A_1557 = vector.broadcast %reduce_sum3A_1554 : f32 to vector<80x128xf32>
    %select_n3A_1558 = arith.select %eq3A_1538, %broadcast_in_dim3A_1557, %select_n3A_1529 : vector<80x128xi1>, vector<80x128xf32>
    %get3A_1559 = arith.constant 0 : index
    %get3A_1560 = arith.constant 2 : index
    %get3A_1561 = vector.load %arg3[%get3A_1559, %get3A_1560] : memref<1x128xf32, #tpu.memory_space<vmem>>, vector<1x1xf32>
    %get3A_1562 = vector.extract %get3A_1561[0, 0] : f32 from vector<1x1xf32>
    %broadcast_in_dim3A_1563 = vector.broadcast %get3A_1562 : f32 to vector<80x128xf32>
    %select_n3A_1564 = arith.select %eq3A_1538, %broadcast_in_dim3A_1563, %select_n3A_1535 : vector<80x128xi1>, vector<80x128xf32>
    %eq3A_1565 = arith.constant 3 : i32
    %eq3A_1566 = vector.broadcast %eq3A_1565 : i32 to vector<80x128xi32>
    %eq3A_1567 = arith.cmpi eq, %get3A_7, %eq3A_1566 : vector<80x128xi32>
    %jit3A_1568 = arith.constant 0.000000e+00 : f32
    %broadcast_in_dim3A_1569 = vector.broadcast %jit3A_1568 : f32 to vector<80x128xf32>
    %select_n3A_1570 = arith.select %eq3A_1567, %exp3A, %broadcast_in_dim3A_1569 : vector<80x128xi1>, vector<80x128xf32>
    %reduce_sum3A_1571 = vector.shape_cast %select_n3A_1570 : vector<80x128xf32> to vector<1x80x128xf32>
    %reduce_sum3A_1572 = arith.constant dense<0.000000e+00> : vector<1xf32>
    %reduce_sum3A_1573 = vector.multi_reduction <add>, %reduce_sum3A_1571, %reduce_sum3A_1572 [1, 2] : vector<1x80x128xf32> to vector<1xf32>
    %reduce_sum3A_1574 = vector.shape_cast %reduce_sum3A_1573 : vector<1xf32> to vector<1x1x1xf32>
    %reduce_sum3A_1575 = vector.extract %reduce_sum3A_1574[0, 0, 0] : f32 from vector<1x1x1xf32>
    %jit3A_1576 = arith.constant 0.000000e+00 : f32
    %broadcast_in_dim3A_1577 = vector.broadcast %jit3A_1576 : f32 to vector<80x128xf32>
    %select_n3A_1578 = arith.select %eq3A_1567, %exp3A_1478, %broadcast_in_dim3A_1577 : vector<80x128xi1>, vector<80x128xf32>
    %reduce_sum3A_1579 = vector.shape_cast %select_n3A_1578 : vector<80x128xf32> to vector<1x80x128xf32>
    %reduce_sum3A_1580 = arith.constant dense<0.000000e+00> : vector<1xf32>
    %reduce_sum3A_1581 = vector.multi_reduction <add>, %reduce_sum3A_1579, %reduce_sum3A_1580 [1, 2] : vector<1x80x128xf32> to vector<1xf32>
    %reduce_sum3A_1582 = vector.shape_cast %reduce_sum3A_1581 : vector<1xf32> to vector<1x1x1xf32>
    %reduce_sum3A_1583 = vector.extract %reduce_sum3A_1582[0, 0, 0] : f32 from vector<1x1x1xf32>
    %broadcast_in_dim3A_1584 = vector.broadcast %reduce_sum3A_1575 : f32 to vector<80x128xf32>
    %select_n3A_1585 = arith.select %eq3A_1567, %broadcast_in_dim3A_1584, %select_n3A_1556 : vector<80x128xi1>, vector<80x128xf32>
    %broadcast_in_dim3A_1586 = vector.broadcast %reduce_sum3A_1583 : f32 to vector<80x128xf32>
    %select_n3A_1587 = arith.select %eq3A_1567, %broadcast_in_dim3A_1586, %select_n3A_1558 : vector<80x128xi1>, vector<80x128xf32>
    %get3A_1588 = arith.constant 0 : index
    %get3A_1589 = arith.constant 3 : index
    %get3A_1590 = vector.load %arg3[%get3A_1588, %get3A_1589] : memref<1x128xf32, #tpu.memory_space<vmem>>, vector<1x1xf32>
    %get3A_1591 = vector.extract %get3A_1590[0, 0] : f32 from vector<1x1xf32>
    %broadcast_in_dim3A_1592 = vector.broadcast %get3A_1591 : f32 to vector<80x128xf32>
    %select_n3A_1593 = arith.select %eq3A_1567, %broadcast_in_dim3A_1592, %select_n3A_1564 : vector<80x128xi1>, vector<80x128xf32>
    %eq3A_1594 = arith.constant 4 : i32
    %eq3A_1595 = vector.broadcast %eq3A_1594 : i32 to vector<80x128xi32>
    %eq3A_1596 = arith.cmpi eq, %get3A_7, %eq3A_1595 : vector<80x128xi32>
    %jit3A_1597 = arith.constant 0.000000e+00 : f32
    %broadcast_in_dim3A_1598 = vector.broadcast %jit3A_1597 : f32 to vector<80x128xf32>
    %select_n3A_1599 = arith.select %eq3A_1596, %exp3A, %broadcast_in_dim3A_1598 : vector<80x128xi1>, vector<80x128xf32>
    %reduce_sum3A_1600 = vector.shape_cast %select_n3A_1599 : vector<80x128xf32> to vector<1x80x128xf32>
    %reduce_sum3A_1601 = arith.constant dense<0.000000e+00> : vector<1xf32>
    %reduce_sum3A_1602 = vector.multi_reduction <add>, %reduce_sum3A_1600, %reduce_sum3A_1601 [1, 2] : vector<1x80x128xf32> to vector<1xf32>
    %reduce_sum3A_1603 = vector.shape_cast %reduce_sum3A_1602 : vector<1xf32> to vector<1x1x1xf32>
    %reduce_sum3A_1604 = vector.extract %reduce_sum3A_1603[0, 0, 0] : f32 from vector<1x1x1xf32>
    %jit3A_1605 = arith.constant 0.000000e+00 : f32
    %broadcast_in_dim3A_1606 = vector.broadcast %jit3A_1605 : f32 to vector<80x128xf32>
    %select_n3A_1607 = arith.select %eq3A_1596, %exp3A_1478, %broadcast_in_dim3A_1606 : vector<80x128xi1>, vector<80x128xf32>
    %reduce_sum3A_1608 = vector.shape_cast %select_n3A_1607 : vector<80x128xf32> to vector<1x80x128xf32>
    %reduce_sum3A_1609 = arith.constant dense<0.000000e+00> : vector<1xf32>
    %reduce_sum3A_1610 = vector.multi_reduction <add>, %reduce_sum3A_1608, %reduce_sum3A_1609 [1, 2] : vector<1x80x128xf32> to vector<1xf32>
    %reduce_sum3A_1611 = vector.shape_cast %reduce_sum3A_1610 : vector<1xf32> to vector<1x1x1xf32>
    %reduce_sum3A_1612 = vector.extract %reduce_sum3A_1611[0, 0, 0] : f32 from vector<1x1x1xf32>
    %broadcast_in_dim3A_1613 = vector.broadcast %reduce_sum3A_1604 : f32 to vector<80x128xf32>
    %select_n3A_1614 = arith.select %eq3A_1596, %broadcast_in_dim3A_1613, %select_n3A_1585 : vector<80x128xi1>, vector<80x128xf32>
    %broadcast_in_dim3A_1615 = vector.broadcast %reduce_sum3A_1612 : f32 to vector<80x128xf32>
    %select_n3A_1616 = arith.select %eq3A_1596, %broadcast_in_dim3A_1615, %select_n3A_1587 : vector<80x128xi1>, vector<80x128xf32>
    %get3A_1617 = arith.constant 0 : index
    %get3A_1618 = arith.constant 4 : index
    %get3A_1619 = vector.load %arg3[%get3A_1617, %get3A_1618] : memref<1x128xf32, #tpu.memory_space<vmem>>, vector<1x1xf32>
    %get3A_1620 = vector.extract %get3A_1619[0, 0] : f32 from vector<1x1xf32>
    %broadcast_in_dim3A_1621 = vector.broadcast %get3A_1620 : f32 to vector<80x128xf32>
    %select_n3A_1622 = arith.select %eq3A_1596, %broadcast_in_dim3A_1621, %select_n3A_1593 : vector<80x128xi1>, vector<80x128xf32>
    %eq3A_1623 = arith.constant 5 : i32
    %eq3A_1624 = vector.broadcast %eq3A_1623 : i32 to vector<80x128xi32>
    %eq3A_1625 = arith.cmpi eq, %get3A_7, %eq3A_1624 : vector<80x128xi32>
    %jit3A_1626 = arith.constant 0.000000e+00 : f32
    %broadcast_in_dim3A_1627 = vector.broadcast %jit3A_1626 : f32 to vector<80x128xf32>
    %select_n3A_1628 = arith.select %eq3A_1625, %exp3A, %broadcast_in_dim3A_1627 : vector<80x128xi1>, vector<80x128xf32>
    %reduce_sum3A_1629 = vector.shape_cast %select_n3A_1628 : vector<80x128xf32> to vector<1x80x128xf32>
    %reduce_sum3A_1630 = arith.constant dense<0.000000e+00> : vector<1xf32>
    %reduce_sum3A_1631 = vector.multi_reduction <add>, %reduce_sum3A_1629, %reduce_sum3A_1630 [1, 2] : vector<1x80x128xf32> to vector<1xf32>
    %reduce_sum3A_1632 = vector.shape_cast %reduce_sum3A_1631 : vector<1xf32> to vector<1x1x1xf32>
    %reduce_sum3A_1633 = vector.extract %reduce_sum3A_1632[0, 0, 0] : f32 from vector<1x1x1xf32>
    %jit3A_1634 = arith.constant 0.000000e+00 : f32
    %broadcast_in_dim3A_1635 = vector.broadcast %jit3A_1634 : f32 to vector<80x128xf32>
    %select_n3A_1636 = arith.select %eq3A_1625, %exp3A_1478, %broadcast_in_dim3A_1635 : vector<80x128xi1>, vector<80x128xf32>
    %reduce_sum3A_1637 = vector.shape_cast %select_n3A_1636 : vector<80x128xf32> to vector<1x80x128xf32>
    %reduce_sum3A_1638 = arith.constant dense<0.000000e+00> : vector<1xf32>
    %reduce_sum3A_1639 = vector.multi_reduction <add>, %reduce_sum3A_1637, %reduce_sum3A_1638 [1, 2] : vector<1x80x128xf32> to vector<1xf32>
    %reduce_sum3A_1640 = vector.shape_cast %reduce_sum3A_1639 : vector<1xf32> to vector<1x1x1xf32>
    %reduce_sum3A_1641 = vector.extract %reduce_sum3A_1640[0, 0, 0] : f32 from vector<1x1x1xf32>
    %broadcast_in_dim3A_1642 = vector.broadcast %reduce_sum3A_1633 : f32 to vector<80x128xf32>
    %select_n3A_1643 = arith.select %eq3A_1625, %broadcast_in_dim3A_1642, %select_n3A_1614 : vector<80x128xi1>, vector<80x128xf32>
    %broadcast_in_dim3A_1644 = vector.broadcast %reduce_sum3A_1641 : f32 to vector<80x128xf32>
    %select_n3A_1645 = arith.select %eq3A_1625, %broadcast_in_dim3A_1644, %select_n3A_1616 : vector<80x128xi1>, vector<80x128xf32>
    %get3A_1646 = arith.constant 0 : index
    %get3A_1647 = arith.constant 5 : index
    %get3A_1648 = vector.load %arg3[%get3A_1646, %get3A_1647] : memref<1x128xf32, #tpu.memory_space<vmem>>, vector<1x1xf32>
    %get3A_1649 = vector.extract %get3A_1648[0, 0] : f32 from vector<1x1xf32>
    %broadcast_in_dim3A_1650 = vector.broadcast %get3A_1649 : f32 to vector<80x128xf32>
    %select_n3A_1651 = arith.select %eq3A_1625, %broadcast_in_dim3A_1650, %select_n3A_1622 : vector<80x128xi1>, vector<80x128xf32>
    %eq3A_1652 = arith.constant 6 : i32
    %eq3A_1653 = vector.broadcast %eq3A_1652 : i32 to vector<80x128xi32>
    %eq3A_1654 = arith.cmpi eq, %get3A_7, %eq3A_1653 : vector<80x128xi32>
    %jit3A_1655 = arith.constant 0.000000e+00 : f32
    %broadcast_in_dim3A_1656 = vector.broadcast %jit3A_1655 : f32 to vector<80x128xf32>
    %select_n3A_1657 = arith.select %eq3A_1654, %exp3A, %broadcast_in_dim3A_1656 : vector<80x128xi1>, vector<80x128xf32>
    %reduce_sum3A_1658 = vector.shape_cast %select_n3A_1657 : vector<80x128xf32> to vector<1x80x128xf32>
    %reduce_sum3A_1659 = arith.constant dense<0.000000e+00> : vector<1xf32>
    %reduce_sum3A_1660 = vector.multi_reduction <add>, %reduce_sum3A_1658, %reduce_sum3A_1659 [1, 2] : vector<1x80x128xf32> to vector<1xf32>
    %reduce_sum3A_1661 = vector.shape_cast %reduce_sum3A_1660 : vector<1xf32> to vector<1x1x1xf32>
    %reduce_sum3A_1662 = vector.extract %reduce_sum3A_1661[0, 0, 0] : f32 from vector<1x1x1xf32>
    %jit3A_1663 = arith.constant 0.000000e+00 : f32
    %broadcast_in_dim3A_1664 = vector.broadcast %jit3A_1663 : f32 to vector<80x128xf32>
    %select_n3A_1665 = arith.select %eq3A_1654, %exp3A_1478, %broadcast_in_dim3A_1664 : vector<80x128xi1>, vector<80x128xf32>
    %reduce_sum3A_1666 = vector.shape_cast %select_n3A_1665 : vector<80x128xf32> to vector<1x80x128xf32>
    %reduce_sum3A_1667 = arith.constant dense<0.000000e+00> : vector<1xf32>
    %reduce_sum3A_1668 = vector.multi_reduction <add>, %reduce_sum3A_1666, %reduce_sum3A_1667 [1, 2] : vector<1x80x128xf32> to vector<1xf32>
    %reduce_sum3A_1669 = vector.shape_cast %reduce_sum3A_1668 : vector<1xf32> to vector<1x1x1xf32>
    %reduce_sum3A_1670 = vector.extract %reduce_sum3A_1669[0, 0, 0] : f32 from vector<1x1x1xf32>
    %broadcast_in_dim3A_1671 = vector.broadcast %reduce_sum3A_1662 : f32 to vector<80x128xf32>
    %select_n3A_1672 = arith.select %eq3A_1654, %broadcast_in_dim3A_1671, %select_n3A_1643 : vector<80x128xi1>, vector<80x128xf32>
    %broadcast_in_dim3A_1673 = vector.broadcast %reduce_sum3A_1670 : f32 to vector<80x128xf32>
    %select_n3A_1674 = arith.select %eq3A_1654, %broadcast_in_dim3A_1673, %select_n3A_1645 : vector<80x128xi1>, vector<80x128xf32>
    %get3A_1675 = arith.constant 0 : index
    %get3A_1676 = arith.constant 6 : index
    %get3A_1677 = vector.load %arg3[%get3A_1675, %get3A_1676] : memref<1x128xf32, #tpu.memory_space<vmem>>, vector<1x1xf32>
    %get3A_1678 = vector.extract %get3A_1677[0, 0] : f32 from vector<1x1xf32>
    %broadcast_in_dim3A_1679 = vector.broadcast %get3A_1678 : f32 to vector<80x128xf32>
    %select_n3A_1680 = arith.select %eq3A_1654, %broadcast_in_dim3A_1679, %select_n3A_1651 : vector<80x128xi1>, vector<80x128xf32>
    %eq3A_1681 = arith.constant 7 : i32
    %eq3A_1682 = vector.broadcast %eq3A_1681 : i32 to vector<80x128xi32>
    %eq3A_1683 = arith.cmpi eq, %get3A_7, %eq3A_1682 : vector<80x128xi32>
    %jit3A_1684 = arith.constant 0.000000e+00 : f32
    %broadcast_in_dim3A_1685 = vector.broadcast %jit3A_1684 : f32 to vector<80x128xf32>
    %select_n3A_1686 = arith.select %eq3A_1683, %exp3A, %broadcast_in_dim3A_1685 : vector<80x128xi1>, vector<80x128xf32>
    %reduce_sum3A_1687 = vector.shape_cast %select_n3A_1686 : vector<80x128xf32> to vector<1x80x128xf32>
    %reduce_sum3A_1688 = arith.constant dense<0.000000e+00> : vector<1xf32>
    %reduce_sum3A_1689 = vector.multi_reduction <add>, %reduce_sum3A_1687, %reduce_sum3A_1688 [1, 2] : vector<1x80x128xf32> to vector<1xf32>
    %reduce_sum3A_1690 = vector.shape_cast %reduce_sum3A_1689 : vector<1xf32> to vector<1x1x1xf32>
    %reduce_sum3A_1691 = vector.extract %reduce_sum3A_1690[0, 0, 0] : f32 from vector<1x1x1xf32>
    %jit3A_1692 = arith.constant 0.000000e+00 : f32
    %broadcast_in_dim3A_1693 = vector.broadcast %jit3A_1692 : f32 to vector<80x128xf32>
    %select_n3A_1694 = arith.select %eq3A_1683, %exp3A_1478, %broadcast_in_dim3A_1693 : vector<80x128xi1>, vector<80x128xf32>
    %reduce_sum3A_1695 = vector.shape_cast %select_n3A_1694 : vector<80x128xf32> to vector<1x80x128xf32>
    %reduce_sum3A_1696 = arith.constant dense<0.000000e+00> : vector<1xf32>
    %reduce_sum3A_1697 = vector.multi_reduction <add>, %reduce_sum3A_1695, %reduce_sum3A_1696 [1, 2] : vector<1x80x128xf32> to vector<1xf32>
    %reduce_sum3A_1698 = vector.shape_cast %reduce_sum3A_1697 : vector<1xf32> to vector<1x1x1xf32>
    %reduce_sum3A_1699 = vector.extract %reduce_sum3A_1698[0, 0, 0] : f32 from vector<1x1x1xf32>
    %broadcast_in_dim3A_1700 = vector.broadcast %reduce_sum3A_1691 : f32 to vector<80x128xf32>
    %select_n3A_1701 = arith.select %eq3A_1683, %broadcast_in_dim3A_1700, %select_n3A_1672 : vector<80x128xi1>, vector<80x128xf32>
    %broadcast_in_dim3A_1702 = vector.broadcast %reduce_sum3A_1699 : f32 to vector<80x128xf32>
    %select_n3A_1703 = arith.select %eq3A_1683, %broadcast_in_dim3A_1702, %select_n3A_1674 : vector<80x128xi1>, vector<80x128xf32>
    %get3A_1704 = arith.constant 0 : index
    %get3A_1705 = arith.constant 7 : index
    %get3A_1706 = vector.load %arg3[%get3A_1704, %get3A_1705] : memref<1x128xf32, #tpu.memory_space<vmem>>, vector<1x1xf32>
    %get3A_1707 = vector.extract %get3A_1706[0, 0] : f32 from vector<1x1xf32>
    %broadcast_in_dim3A_1708 = vector.broadcast %get3A_1707 : f32 to vector<80x128xf32>
    %select_n3A_1709 = arith.select %eq3A_1683, %broadcast_in_dim3A_1708, %select_n3A_1680 : vector<80x128xi1>, vector<80x128xf32>
    %eq3A_1710 = arith.constant 8 : i32
    %eq3A_1711 = vector.broadcast %eq3A_1710 : i32 to vector<80x128xi32>
    %eq3A_1712 = arith.cmpi eq, %get3A_7, %eq3A_1711 : vector<80x128xi32>
    %jit3A_1713 = arith.constant 0.000000e+00 : f32
    %broadcast_in_dim3A_1714 = vector.broadcast %jit3A_1713 : f32 to vector<80x128xf32>
    %select_n3A_1715 = arith.select %eq3A_1712, %exp3A, %broadcast_in_dim3A_1714 : vector<80x128xi1>, vector<80x128xf32>
    %reduce_sum3A_1716 = vector.shape_cast %select_n3A_1715 : vector<80x128xf32> to vector<1x80x128xf32>
    %reduce_sum3A_1717 = arith.constant dense<0.000000e+00> : vector<1xf32>
    %reduce_sum3A_1718 = vector.multi_reduction <add>, %reduce_sum3A_1716, %reduce_sum3A_1717 [1, 2] : vector<1x80x128xf32> to vector<1xf32>
    %reduce_sum3A_1719 = vector.shape_cast %reduce_sum3A_1718 : vector<1xf32> to vector<1x1x1xf32>
    %reduce_sum3A_1720 = vector.extract %reduce_sum3A_1719[0, 0, 0] : f32 from vector<1x1x1xf32>
    %jit3A_1721 = arith.constant 0.000000e+00 : f32
    %broadcast_in_dim3A_1722 = vector.broadcast %jit3A_1721 : f32 to vector<80x128xf32>
    %select_n3A_1723 = arith.select %eq3A_1712, %exp3A_1478, %broadcast_in_dim3A_1722 : vector<80x128xi1>, vector<80x128xf32>
    %reduce_sum3A_1724 = vector.shape_cast %select_n3A_1723 : vector<80x128xf32> to vector<1x80x128xf32>
    %reduce_sum3A_1725 = arith.constant dense<0.000000e+00> : vector<1xf32>
    %reduce_sum3A_1726 = vector.multi_reduction <add>, %reduce_sum3A_1724, %reduce_sum3A_1725 [1, 2] : vector<1x80x128xf32> to vector<1xf32>
    %reduce_sum3A_1727 = vector.shape_cast %reduce_sum3A_1726 : vector<1xf32> to vector<1x1x1xf32>
    %reduce_sum3A_1728 = vector.extract %reduce_sum3A_1727[0, 0, 0] : f32 from vector<1x1x1xf32>
    %broadcast_in_dim3A_1729 = vector.broadcast %reduce_sum3A_1720 : f32 to vector<80x128xf32>
    %select_n3A_1730 = arith.select %eq3A_1712, %broadcast_in_dim3A_1729, %select_n3A_1701 : vector<80x128xi1>, vector<80x128xf32>
    %broadcast_in_dim3A_1731 = vector.broadcast %reduce_sum3A_1728 : f32 to vector<80x128xf32>
    %select_n3A_1732 = arith.select %eq3A_1712, %broadcast_in_dim3A_1731, %select_n3A_1703 : vector<80x128xi1>, vector<80x128xf32>
    %get3A_1733 = arith.constant 0 : index
    %get3A_1734 = arith.constant 8 : index
    %get3A_1735 = vector.load %arg3[%get3A_1733, %get3A_1734] : memref<1x128xf32, #tpu.memory_space<vmem>>, vector<1x1xf32>
    %get3A_1736 = vector.extract %get3A_1735[0, 0] : f32 from vector<1x1xf32>
    %broadcast_in_dim3A_1737 = vector.broadcast %get3A_1736 : f32 to vector<80x128xf32>
    %select_n3A_1738 = arith.select %eq3A_1712, %broadcast_in_dim3A_1737, %select_n3A_1709 : vector<80x128xi1>, vector<80x128xf32>
    %eq3A_1739 = arith.constant 9 : i32
    %eq3A_1740 = vector.broadcast %eq3A_1739 : i32 to vector<80x128xi32>
    %eq3A_1741 = arith.cmpi eq, %get3A_7, %eq3A_1740 : vector<80x128xi32>
    %jit3A_1742 = arith.constant 0.000000e+00 : f32
    %broadcast_in_dim3A_1743 = vector.broadcast %jit3A_1742 : f32 to vector<80x128xf32>
    %select_n3A_1744 = arith.select %eq3A_1741, %exp3A, %broadcast_in_dim3A_1743 : vector<80x128xi1>, vector<80x128xf32>
    %reduce_sum3A_1745 = vector.shape_cast %select_n3A_1744 : vector<80x128xf32> to vector<1x80x128xf32>
    %reduce_sum3A_1746 = arith.constant dense<0.000000e+00> : vector<1xf32>
    %reduce_sum3A_1747 = vector.multi_reduction <add>, %reduce_sum3A_1745, %reduce_sum3A_1746 [1, 2] : vector<1x80x128xf32> to vector<1xf32>
    %reduce_sum3A_1748 = vector.shape_cast %reduce_sum3A_1747 : vector<1xf32> to vector<1x1x1xf32>
    %reduce_sum3A_1749 = vector.extract %reduce_sum3A_1748[0, 0, 0] : f32 from vector<1x1x1xf32>
    %jit3A_1750 = arith.constant 0.000000e+00 : f32
    %broadcast_in_dim3A_1751 = vector.broadcast %jit3A_1750 : f32 to vector<80x128xf32>
    %select_n3A_1752 = arith.select %eq3A_1741, %exp3A_1478, %broadcast_in_dim3A_1751 : vector<80x128xi1>, vector<80x128xf32>
    %reduce_sum3A_1753 = vector.shape_cast %select_n3A_1752 : vector<80x128xf32> to vector<1x80x128xf32>
    %reduce_sum3A_1754 = arith.constant dense<0.000000e+00> : vector<1xf32>
    %reduce_sum3A_1755 = vector.multi_reduction <add>, %reduce_sum3A_1753, %reduce_sum3A_1754 [1, 2] : vector<1x80x128xf32> to vector<1xf32>
    %reduce_sum3A_1756 = vector.shape_cast %reduce_sum3A_1755 : vector<1xf32> to vector<1x1x1xf32>
    %reduce_sum3A_1757 = vector.extract %reduce_sum3A_1756[0, 0, 0] : f32 from vector<1x1x1xf32>
    %broadcast_in_dim3A_1758 = vector.broadcast %reduce_sum3A_1749 : f32 to vector<80x128xf32>
    %select_n3A_1759 = arith.select %eq3A_1741, %broadcast_in_dim3A_1758, %select_n3A_1730 : vector<80x128xi1>, vector<80x128xf32>
    %broadcast_in_dim3A_1760 = vector.broadcast %reduce_sum3A_1757 : f32 to vector<80x128xf32>
    %select_n3A_1761 = arith.select %eq3A_1741, %broadcast_in_dim3A_1760, %select_n3A_1732 : vector<80x128xi1>, vector<80x128xf32>
    %get3A_1762 = arith.constant 0 : index
    %get3A_1763 = arith.constant 9 : index
    %get3A_1764 = vector.load %arg3[%get3A_1762, %get3A_1763] : memref<1x128xf32, #tpu.memory_space<vmem>>, vector<1x1xf32>
    %get3A_1765 = vector.extract %get3A_1764[0, 0] : f32 from vector<1x1xf32>
    %broadcast_in_dim3A_1766 = vector.broadcast %get3A_1765 : f32 to vector<80x128xf32>
    %select_n3A_1767 = arith.select %eq3A_1741, %broadcast_in_dim3A_1766, %select_n3A_1738 : vector<80x128xi1>, vector<80x128xf32>
    %eq3A_1768 = arith.constant 10 : i32
    %eq3A_1769 = vector.broadcast %eq3A_1768 : i32 to vector<80x128xi32>
    %eq3A_1770 = arith.cmpi eq, %get3A_7, %eq3A_1769 : vector<80x128xi32>
    %jit3A_1771 = arith.constant 0.000000e+00 : f32
    %broadcast_in_dim3A_1772 = vector.broadcast %jit3A_1771 : f32 to vector<80x128xf32>
    %select_n3A_1773 = arith.select %eq3A_1770, %exp3A, %broadcast_in_dim3A_1772 : vector<80x128xi1>, vector<80x128xf32>
    %reduce_sum3A_1774 = vector.shape_cast %select_n3A_1773 : vector<80x128xf32> to vector<1x80x128xf32>
    %reduce_sum3A_1775 = arith.constant dense<0.000000e+00> : vector<1xf32>
    %reduce_sum3A_1776 = vector.multi_reduction <add>, %reduce_sum3A_1774, %reduce_sum3A_1775 [1, 2] : vector<1x80x128xf32> to vector<1xf32>
    %reduce_sum3A_1777 = vector.shape_cast %reduce_sum3A_1776 : vector<1xf32> to vector<1x1x1xf32>
    %reduce_sum3A_1778 = vector.extract %reduce_sum3A_1777[0, 0, 0] : f32 from vector<1x1x1xf32>
    %jit3A_1779 = arith.constant 0.000000e+00 : f32
    %broadcast_in_dim3A_1780 = vector.broadcast %jit3A_1779 : f32 to vector<80x128xf32>
    %select_n3A_1781 = arith.select %eq3A_1770, %exp3A_1478, %broadcast_in_dim3A_1780 : vector<80x128xi1>, vector<80x128xf32>
    %reduce_sum3A_1782 = vector.shape_cast %select_n3A_1781 : vector<80x128xf32> to vector<1x80x128xf32>
    %reduce_sum3A_1783 = arith.constant dense<0.000000e+00> : vector<1xf32>
    %reduce_sum3A_1784 = vector.multi_reduction <add>, %reduce_sum3A_1782, %reduce_sum3A_1783 [1, 2] : vector<1x80x128xf32> to vector<1xf32>
    %reduce_sum3A_1785 = vector.shape_cast %reduce_sum3A_1784 : vector<1xf32> to vector<1x1x1xf32>
    %reduce_sum3A_1786 = vector.extract %reduce_sum3A_1785[0, 0, 0] : f32 from vector<1x1x1xf32>
    %broadcast_in_dim3A_1787 = vector.broadcast %reduce_sum3A_1778 : f32 to vector<80x128xf32>
    %select_n3A_1788 = arith.select %eq3A_1770, %broadcast_in_dim3A_1787, %select_n3A_1759 : vector<80x128xi1>, vector<80x128xf32>
    %broadcast_in_dim3A_1789 = vector.broadcast %reduce_sum3A_1786 : f32 to vector<80x128xf32>
    %select_n3A_1790 = arith.select %eq3A_1770, %broadcast_in_dim3A_1789, %select_n3A_1761 : vector<80x128xi1>, vector<80x128xf32>
    %get3A_1791 = arith.constant 0 : index
    %get3A_1792 = arith.constant 10 : index
    %get3A_1793 = vector.load %arg3[%get3A_1791, %get3A_1792] : memref<1x128xf32, #tpu.memory_space<vmem>>, vector<1x1xf32>
    %get3A_1794 = vector.extract %get3A_1793[0, 0] : f32 from vector<1x1xf32>
    %broadcast_in_dim3A_1795 = vector.broadcast %get3A_1794 : f32 to vector<80x128xf32>
    %select_n3A_1796 = arith.select %eq3A_1770, %broadcast_in_dim3A_1795, %select_n3A_1767 : vector<80x128xi1>, vector<80x128xf32>
    %eq3A_1797 = arith.constant 11 : i32
    %eq3A_1798 = vector.broadcast %eq3A_1797 : i32 to vector<80x128xi32>
    %eq3A_1799 = arith.cmpi eq, %get3A_7, %eq3A_1798 : vector<80x128xi32>
    %jit3A_1800 = arith.constant 0.000000e+00 : f32
    %broadcast_in_dim3A_1801 = vector.broadcast %jit3A_1800 : f32 to vector<80x128xf32>
    %select_n3A_1802 = arith.select %eq3A_1799, %exp3A, %broadcast_in_dim3A_1801 : vector<80x128xi1>, vector<80x128xf32>
    %reduce_sum3A_1803 = vector.shape_cast %select_n3A_1802 : vector<80x128xf32> to vector<1x80x128xf32>
    %reduce_sum3A_1804 = arith.constant dense<0.000000e+00> : vector<1xf32>
    %reduce_sum3A_1805 = vector.multi_reduction <add>, %reduce_sum3A_1803, %reduce_sum3A_1804 [1, 2] : vector<1x80x128xf32> to vector<1xf32>
    %reduce_sum3A_1806 = vector.shape_cast %reduce_sum3A_1805 : vector<1xf32> to vector<1x1x1xf32>
    %reduce_sum3A_1807 = vector.extract %reduce_sum3A_1806[0, 0, 0] : f32 from vector<1x1x1xf32>
    %jit3A_1808 = arith.constant 0.000000e+00 : f32
    %broadcast_in_dim3A_1809 = vector.broadcast %jit3A_1808 : f32 to vector<80x128xf32>
    %select_n3A_1810 = arith.select %eq3A_1799, %exp3A_1478, %broadcast_in_dim3A_1809 : vector<80x128xi1>, vector<80x128xf32>
    %reduce_sum3A_1811 = vector.shape_cast %select_n3A_1810 : vector<80x128xf32> to vector<1x80x128xf32>
    %reduce_sum3A_1812 = arith.constant dense<0.000000e+00> : vector<1xf32>
    %reduce_sum3A_1813 = vector.multi_reduction <add>, %reduce_sum3A_1811, %reduce_sum3A_1812 [1, 2] : vector<1x80x128xf32> to vector<1xf32>
    %reduce_sum3A_1814 = vector.shape_cast %reduce_sum3A_1813 : vector<1xf32> to vector<1x1x1xf32>
    %reduce_sum3A_1815 = vector.extract %reduce_sum3A_1814[0, 0, 0] : f32 from vector<1x1x1xf32>
    %broadcast_in_dim3A_1816 = vector.broadcast %reduce_sum3A_1807 : f32 to vector<80x128xf32>
    %select_n3A_1817 = arith.select %eq3A_1799, %broadcast_in_dim3A_1816, %select_n3A_1788 : vector<80x128xi1>, vector<80x128xf32>
    %broadcast_in_dim3A_1818 = vector.broadcast %reduce_sum3A_1815 : f32 to vector<80x128xf32>
    %select_n3A_1819 = arith.select %eq3A_1799, %broadcast_in_dim3A_1818, %select_n3A_1790 : vector<80x128xi1>, vector<80x128xf32>
    %get3A_1820 = arith.constant 0 : index
    %get3A_1821 = arith.constant 11 : index
    %get3A_1822 = vector.load %arg3[%get3A_1820, %get3A_1821] : memref<1x128xf32, #tpu.memory_space<vmem>>, vector<1x1xf32>
    %get3A_1823 = vector.extract %get3A_1822[0, 0] : f32 from vector<1x1xf32>
    %broadcast_in_dim3A_1824 = vector.broadcast %get3A_1823 : f32 to vector<80x128xf32>
    %select_n3A_1825 = arith.select %eq3A_1799, %broadcast_in_dim3A_1824, %select_n3A_1796 : vector<80x128xi1>, vector<80x128xf32>
    %eq3A_1826 = arith.constant 12 : i32
    %eq3A_1827 = vector.broadcast %eq3A_1826 : i32 to vector<80x128xi32>
    %eq3A_1828 = arith.cmpi eq, %get3A_7, %eq3A_1827 : vector<80x128xi32>
    %jit3A_1829 = arith.constant 0.000000e+00 : f32
    %broadcast_in_dim3A_1830 = vector.broadcast %jit3A_1829 : f32 to vector<80x128xf32>
    %select_n3A_1831 = arith.select %eq3A_1828, %exp3A, %broadcast_in_dim3A_1830 : vector<80x128xi1>, vector<80x128xf32>
    %reduce_sum3A_1832 = vector.shape_cast %select_n3A_1831 : vector<80x128xf32> to vector<1x80x128xf32>
    %reduce_sum3A_1833 = arith.constant dense<0.000000e+00> : vector<1xf32>
    %reduce_sum3A_1834 = vector.multi_reduction <add>, %reduce_sum3A_1832, %reduce_sum3A_1833 [1, 2] : vector<1x80x128xf32> to vector<1xf32>
    %reduce_sum3A_1835 = vector.shape_cast %reduce_sum3A_1834 : vector<1xf32> to vector<1x1x1xf32>
    %reduce_sum3A_1836 = vector.extract %reduce_sum3A_1835[0, 0, 0] : f32 from vector<1x1x1xf32>
    %jit3A_1837 = arith.constant 0.000000e+00 : f32
    %broadcast_in_dim3A_1838 = vector.broadcast %jit3A_1837 : f32 to vector<80x128xf32>
    %select_n3A_1839 = arith.select %eq3A_1828, %exp3A_1478, %broadcast_in_dim3A_1838 : vector<80x128xi1>, vector<80x128xf32>
    %reduce_sum3A_1840 = vector.shape_cast %select_n3A_1839 : vector<80x128xf32> to vector<1x80x128xf32>
    %reduce_sum3A_1841 = arith.constant dense<0.000000e+00> : vector<1xf32>
    %reduce_sum3A_1842 = vector.multi_reduction <add>, %reduce_sum3A_1840, %reduce_sum3A_1841 [1, 2] : vector<1x80x128xf32> to vector<1xf32>
    %reduce_sum3A_1843 = vector.shape_cast %reduce_sum3A_1842 : vector<1xf32> to vector<1x1x1xf32>
    %reduce_sum3A_1844 = vector.extract %reduce_sum3A_1843[0, 0, 0] : f32 from vector<1x1x1xf32>
    %broadcast_in_dim3A_1845 = vector.broadcast %reduce_sum3A_1836 : f32 to vector<80x128xf32>
    %select_n3A_1846 = arith.select %eq3A_1828, %broadcast_in_dim3A_1845, %select_n3A_1817 : vector<80x128xi1>, vector<80x128xf32>
    %broadcast_in_dim3A_1847 = vector.broadcast %reduce_sum3A_1844 : f32 to vector<80x128xf32>
    %select_n3A_1848 = arith.select %eq3A_1828, %broadcast_in_dim3A_1847, %select_n3A_1819 : vector<80x128xi1>, vector<80x128xf32>
    %get3A_1849 = arith.constant 0 : index
    %get3A_1850 = arith.constant 12 : index
    %get3A_1851 = vector.load %arg3[%get3A_1849, %get3A_1850] : memref<1x128xf32, #tpu.memory_space<vmem>>, vector<1x1xf32>
    %get3A_1852 = vector.extract %get3A_1851[0, 0] : f32 from vector<1x1xf32>
    %broadcast_in_dim3A_1853 = vector.broadcast %get3A_1852 : f32 to vector<80x128xf32>
    %select_n3A_1854 = arith.select %eq3A_1828, %broadcast_in_dim3A_1853, %select_n3A_1825 : vector<80x128xi1>, vector<80x128xf32>
    %eq3A_1855 = arith.constant 13 : i32
    %eq3A_1856 = vector.broadcast %eq3A_1855 : i32 to vector<80x128xi32>
    %eq3A_1857 = arith.cmpi eq, %get3A_7, %eq3A_1856 : vector<80x128xi32>
    %jit3A_1858 = arith.constant 0.000000e+00 : f32
    %broadcast_in_dim3A_1859 = vector.broadcast %jit3A_1858 : f32 to vector<80x128xf32>
    %select_n3A_1860 = arith.select %eq3A_1857, %exp3A, %broadcast_in_dim3A_1859 : vector<80x128xi1>, vector<80x128xf32>
    %reduce_sum3A_1861 = vector.shape_cast %select_n3A_1860 : vector<80x128xf32> to vector<1x80x128xf32>
    %reduce_sum3A_1862 = arith.constant dense<0.000000e+00> : vector<1xf32>
    %reduce_sum3A_1863 = vector.multi_reduction <add>, %reduce_sum3A_1861, %reduce_sum3A_1862 [1, 2] : vector<1x80x128xf32> to vector<1xf32>
    %reduce_sum3A_1864 = vector.shape_cast %reduce_sum3A_1863 : vector<1xf32> to vector<1x1x1xf32>
    %reduce_sum3A_1865 = vector.extract %reduce_sum3A_1864[0, 0, 0] : f32 from vector<1x1x1xf32>
    %jit3A_1866 = arith.constant 0.000000e+00 : f32
    %broadcast_in_dim3A_1867 = vector.broadcast %jit3A_1866 : f32 to vector<80x128xf32>
    %select_n3A_1868 = arith.select %eq3A_1857, %exp3A_1478, %broadcast_in_dim3A_1867 : vector<80x128xi1>, vector<80x128xf32>
    %reduce_sum3A_1869 = vector.shape_cast %select_n3A_1868 : vector<80x128xf32> to vector<1x80x128xf32>
    %reduce_sum3A_1870 = arith.constant dense<0.000000e+00> : vector<1xf32>
    %reduce_sum3A_1871 = vector.multi_reduction <add>, %reduce_sum3A_1869, %reduce_sum3A_1870 [1, 2] : vector<1x80x128xf32> to vector<1xf32>
    %reduce_sum3A_1872 = vector.shape_cast %reduce_sum3A_1871 : vector<1xf32> to vector<1x1x1xf32>
    %reduce_sum3A_1873 = vector.extract %reduce_sum3A_1872[0, 0, 0] : f32 from vector<1x1x1xf32>
    %broadcast_in_dim3A_1874 = vector.broadcast %reduce_sum3A_1865 : f32 to vector<80x128xf32>
    %select_n3A_1875 = arith.select %eq3A_1857, %broadcast_in_dim3A_1874, %select_n3A_1846 : vector<80x128xi1>, vector<80x128xf32>
    %broadcast_in_dim3A_1876 = vector.broadcast %reduce_sum3A_1873 : f32 to vector<80x128xf32>
    %select_n3A_1877 = arith.select %eq3A_1857, %broadcast_in_dim3A_1876, %select_n3A_1848 : vector<80x128xi1>, vector<80x128xf32>
    %get3A_1878 = arith.constant 0 : index
    %get3A_1879 = arith.constant 13 : index
    %get3A_1880 = vector.load %arg3[%get3A_1878, %get3A_1879] : memref<1x128xf32, #tpu.memory_space<vmem>>, vector<1x1xf32>
    %get3A_1881 = vector.extract %get3A_1880[0, 0] : f32 from vector<1x1xf32>
    %broadcast_in_dim3A_1882 = vector.broadcast %get3A_1881 : f32 to vector<80x128xf32>
    %select_n3A_1883 = arith.select %eq3A_1857, %broadcast_in_dim3A_1882, %select_n3A_1854 : vector<80x128xi1>, vector<80x128xf32>
    %eq3A_1884 = arith.constant 14 : i32
    %eq3A_1885 = vector.broadcast %eq3A_1884 : i32 to vector<80x128xi32>
    %eq3A_1886 = arith.cmpi eq, %get3A_7, %eq3A_1885 : vector<80x128xi32>
    %jit3A_1887 = arith.constant 0.000000e+00 : f32
    %broadcast_in_dim3A_1888 = vector.broadcast %jit3A_1887 : f32 to vector<80x128xf32>
    %select_n3A_1889 = arith.select %eq3A_1886, %exp3A, %broadcast_in_dim3A_1888 : vector<80x128xi1>, vector<80x128xf32>
    %reduce_sum3A_1890 = vector.shape_cast %select_n3A_1889 : vector<80x128xf32> to vector<1x80x128xf32>
    %reduce_sum3A_1891 = arith.constant dense<0.000000e+00> : vector<1xf32>
    %reduce_sum3A_1892 = vector.multi_reduction <add>, %reduce_sum3A_1890, %reduce_sum3A_1891 [1, 2] : vector<1x80x128xf32> to vector<1xf32>
    %reduce_sum3A_1893 = vector.shape_cast %reduce_sum3A_1892 : vector<1xf32> to vector<1x1x1xf32>
    %reduce_sum3A_1894 = vector.extract %reduce_sum3A_1893[0, 0, 0] : f32 from vector<1x1x1xf32>
    %jit3A_1895 = arith.constant 0.000000e+00 : f32
    %broadcast_in_dim3A_1896 = vector.broadcast %jit3A_1895 : f32 to vector<80x128xf32>
    %select_n3A_1897 = arith.select %eq3A_1886, %exp3A_1478, %broadcast_in_dim3A_1896 : vector<80x128xi1>, vector<80x128xf32>
    %reduce_sum3A_1898 = vector.shape_cast %select_n3A_1897 : vector<80x128xf32> to vector<1x80x128xf32>
    %reduce_sum3A_1899 = arith.constant dense<0.000000e+00> : vector<1xf32>
    %reduce_sum3A_1900 = vector.multi_reduction <add>, %reduce_sum3A_1898, %reduce_sum3A_1899 [1, 2] : vector<1x80x128xf32> to vector<1xf32>
    %reduce_sum3A_1901 = vector.shape_cast %reduce_sum3A_1900 : vector<1xf32> to vector<1x1x1xf32>
    %reduce_sum3A_1902 = vector.extract %reduce_sum3A_1901[0, 0, 0] : f32 from vector<1x1x1xf32>
    %broadcast_in_dim3A_1903 = vector.broadcast %reduce_sum3A_1894 : f32 to vector<80x128xf32>
    %select_n3A_1904 = arith.select %eq3A_1886, %broadcast_in_dim3A_1903, %select_n3A_1875 : vector<80x128xi1>, vector<80x128xf32>
    %broadcast_in_dim3A_1905 = vector.broadcast %reduce_sum3A_1902 : f32 to vector<80x128xf32>
    %select_n3A_1906 = arith.select %eq3A_1886, %broadcast_in_dim3A_1905, %select_n3A_1877 : vector<80x128xi1>, vector<80x128xf32>
    %get3A_1907 = arith.constant 0 : index
    %get3A_1908 = arith.constant 14 : index
    %get3A_1909 = vector.load %arg3[%get3A_1907, %get3A_1908] : memref<1x128xf32, #tpu.memory_space<vmem>>, vector<1x1xf32>
    %get3A_1910 = vector.extract %get3A_1909[0, 0] : f32 from vector<1x1xf32>
    %broadcast_in_dim3A_1911 = vector.broadcast %get3A_1910 : f32 to vector<80x128xf32>
    %select_n3A_1912 = arith.select %eq3A_1886, %broadcast_in_dim3A_1911, %select_n3A_1883 : vector<80x128xi1>, vector<80x128xf32>
    %eq3A_1913 = arith.constant 15 : i32
    %eq3A_1914 = vector.broadcast %eq3A_1913 : i32 to vector<80x128xi32>
    %eq3A_1915 = arith.cmpi eq, %get3A_7, %eq3A_1914 : vector<80x128xi32>
    %jit3A_1916 = arith.constant 0.000000e+00 : f32
    %broadcast_in_dim3A_1917 = vector.broadcast %jit3A_1916 : f32 to vector<80x128xf32>
    %select_n3A_1918 = arith.select %eq3A_1915, %exp3A, %broadcast_in_dim3A_1917 : vector<80x128xi1>, vector<80x128xf32>
    %reduce_sum3A_1919 = vector.shape_cast %select_n3A_1918 : vector<80x128xf32> to vector<1x80x128xf32>
    %reduce_sum3A_1920 = arith.constant dense<0.000000e+00> : vector<1xf32>
    %reduce_sum3A_1921 = vector.multi_reduction <add>, %reduce_sum3A_1919, %reduce_sum3A_1920 [1, 2] : vector<1x80x128xf32> to vector<1xf32>
    %reduce_sum3A_1922 = vector.shape_cast %reduce_sum3A_1921 : vector<1xf32> to vector<1x1x1xf32>
    %reduce_sum3A_1923 = vector.extract %reduce_sum3A_1922[0, 0, 0] : f32 from vector<1x1x1xf32>
    %jit3A_1924 = arith.constant 0.000000e+00 : f32
    %broadcast_in_dim3A_1925 = vector.broadcast %jit3A_1924 : f32 to vector<80x128xf32>
    %select_n3A_1926 = arith.select %eq3A_1915, %exp3A_1478, %broadcast_in_dim3A_1925 : vector<80x128xi1>, vector<80x128xf32>
    %reduce_sum3A_1927 = vector.shape_cast %select_n3A_1926 : vector<80x128xf32> to vector<1x80x128xf32>
    %reduce_sum3A_1928 = arith.constant dense<0.000000e+00> : vector<1xf32>
    %reduce_sum3A_1929 = vector.multi_reduction <add>, %reduce_sum3A_1927, %reduce_sum3A_1928 [1, 2] : vector<1x80x128xf32> to vector<1xf32>
    %reduce_sum3A_1930 = vector.shape_cast %reduce_sum3A_1929 : vector<1xf32> to vector<1x1x1xf32>
    %reduce_sum3A_1931 = vector.extract %reduce_sum3A_1930[0, 0, 0] : f32 from vector<1x1x1xf32>
    %broadcast_in_dim3A_1932 = vector.broadcast %reduce_sum3A_1923 : f32 to vector<80x128xf32>
    %select_n3A_1933 = arith.select %eq3A_1915, %broadcast_in_dim3A_1932, %select_n3A_1904 : vector<80x128xi1>, vector<80x128xf32>
    %broadcast_in_dim3A_1934 = vector.broadcast %reduce_sum3A_1931 : f32 to vector<80x128xf32>
    %select_n3A_1935 = arith.select %eq3A_1915, %broadcast_in_dim3A_1934, %select_n3A_1906 : vector<80x128xi1>, vector<80x128xf32>
    %get3A_1936 = arith.constant 0 : index
    %get3A_1937 = arith.constant 15 : index
    %get3A_1938 = vector.load %arg3[%get3A_1936, %get3A_1937] : memref<1x128xf32, #tpu.memory_space<vmem>>, vector<1x1xf32>
    %get3A_1939 = vector.extract %get3A_1938[0, 0] : f32 from vector<1x1xf32>
    %broadcast_in_dim3A_1940 = vector.broadcast %get3A_1939 : f32 to vector<80x128xf32>
    %select_n3A_1941 = arith.select %eq3A_1915, %broadcast_in_dim3A_1940, %select_n3A_1912 : vector<80x128xi1>, vector<80x128xf32>
    %eq3A_1942 = arith.constant 16 : i32
    %eq3A_1943 = vector.broadcast %eq3A_1942 : i32 to vector<80x128xi32>
    %eq3A_1944 = arith.cmpi eq, %get3A_7, %eq3A_1943 : vector<80x128xi32>
    %jit3A_1945 = arith.constant 0.000000e+00 : f32
    %broadcast_in_dim3A_1946 = vector.broadcast %jit3A_1945 : f32 to vector<80x128xf32>
    %select_n3A_1947 = arith.select %eq3A_1944, %exp3A, %broadcast_in_dim3A_1946 : vector<80x128xi1>, vector<80x128xf32>
    %reduce_sum3A_1948 = vector.shape_cast %select_n3A_1947 : vector<80x128xf32> to vector<1x80x128xf32>
    %reduce_sum3A_1949 = arith.constant dense<0.000000e+00> : vector<1xf32>
    %reduce_sum3A_1950 = vector.multi_reduction <add>, %reduce_sum3A_1948, %reduce_sum3A_1949 [1, 2] : vector<1x80x128xf32> to vector<1xf32>
    %reduce_sum3A_1951 = vector.shape_cast %reduce_sum3A_1950 : vector<1xf32> to vector<1x1x1xf32>
    %reduce_sum3A_1952 = vector.extract %reduce_sum3A_1951[0, 0, 0] : f32 from vector<1x1x1xf32>
    %jit3A_1953 = arith.constant 0.000000e+00 : f32
    %broadcast_in_dim3A_1954 = vector.broadcast %jit3A_1953 : f32 to vector<80x128xf32>
    %select_n3A_1955 = arith.select %eq3A_1944, %exp3A_1478, %broadcast_in_dim3A_1954 : vector<80x128xi1>, vector<80x128xf32>
    %reduce_sum3A_1956 = vector.shape_cast %select_n3A_1955 : vector<80x128xf32> to vector<1x80x128xf32>
    %reduce_sum3A_1957 = arith.constant dense<0.000000e+00> : vector<1xf32>
    %reduce_sum3A_1958 = vector.multi_reduction <add>, %reduce_sum3A_1956, %reduce_sum3A_1957 [1, 2] : vector<1x80x128xf32> to vector<1xf32>
    %reduce_sum3A_1959 = vector.shape_cast %reduce_sum3A_1958 : vector<1xf32> to vector<1x1x1xf32>
    %reduce_sum3A_1960 = vector.extract %reduce_sum3A_1959[0, 0, 0] : f32 from vector<1x1x1xf32>
    %broadcast_in_dim3A_1961 = vector.broadcast %reduce_sum3A_1952 : f32 to vector<80x128xf32>
    %select_n3A_1962 = arith.select %eq3A_1944, %broadcast_in_dim3A_1961, %select_n3A_1933 : vector<80x128xi1>, vector<80x128xf32>
    %broadcast_in_dim3A_1963 = vector.broadcast %reduce_sum3A_1960 : f32 to vector<80x128xf32>
    %select_n3A_1964 = arith.select %eq3A_1944, %broadcast_in_dim3A_1963, %select_n3A_1935 : vector<80x128xi1>, vector<80x128xf32>
    %get3A_1965 = arith.constant 0 : index
    %get3A_1966 = arith.constant 16 : index
    %get3A_1967 = vector.load %arg3[%get3A_1965, %get3A_1966] : memref<1x128xf32, #tpu.memory_space<vmem>>, vector<1x1xf32>
    %get3A_1968 = vector.extract %get3A_1967[0, 0] : f32 from vector<1x1xf32>
    %broadcast_in_dim3A_1969 = vector.broadcast %get3A_1968 : f32 to vector<80x128xf32>
    %select_n3A_1970 = arith.select %eq3A_1944, %broadcast_in_dim3A_1969, %select_n3A_1941 : vector<80x128xi1>, vector<80x128xf32>
    %eq3A_1971 = arith.constant 17 : i32
    %eq3A_1972 = vector.broadcast %eq3A_1971 : i32 to vector<80x128xi32>
    %eq3A_1973 = arith.cmpi eq, %get3A_7, %eq3A_1972 : vector<80x128xi32>
    %jit3A_1974 = arith.constant 0.000000e+00 : f32
    %broadcast_in_dim3A_1975 = vector.broadcast %jit3A_1974 : f32 to vector<80x128xf32>
    %select_n3A_1976 = arith.select %eq3A_1973, %exp3A, %broadcast_in_dim3A_1975 : vector<80x128xi1>, vector<80x128xf32>
    %reduce_sum3A_1977 = vector.shape_cast %select_n3A_1976 : vector<80x128xf32> to vector<1x80x128xf32>
    %reduce_sum3A_1978 = arith.constant dense<0.000000e+00> : vector<1xf32>
    %reduce_sum3A_1979 = vector.multi_reduction <add>, %reduce_sum3A_1977, %reduce_sum3A_1978 [1, 2] : vector<1x80x128xf32> to vector<1xf32>
    %reduce_sum3A_1980 = vector.shape_cast %reduce_sum3A_1979 : vector<1xf32> to vector<1x1x1xf32>
    %reduce_sum3A_1981 = vector.extract %reduce_sum3A_1980[0, 0, 0] : f32 from vector<1x1x1xf32>
    %jit3A_1982 = arith.constant 0.000000e+00 : f32
    %broadcast_in_dim3A_1983 = vector.broadcast %jit3A_1982 : f32 to vector<80x128xf32>
    %select_n3A_1984 = arith.select %eq3A_1973, %exp3A_1478, %broadcast_in_dim3A_1983 : vector<80x128xi1>, vector<80x128xf32>
    %reduce_sum3A_1985 = vector.shape_cast %select_n3A_1984 : vector<80x128xf32> to vector<1x80x128xf32>
    %reduce_sum3A_1986 = arith.constant dense<0.000000e+00> : vector<1xf32>
    %reduce_sum3A_1987 = vector.multi_reduction <add>, %reduce_sum3A_1985, %reduce_sum3A_1986 [1, 2] : vector<1x80x128xf32> to vector<1xf32>
    %reduce_sum3A_1988 = vector.shape_cast %reduce_sum3A_1987 : vector<1xf32> to vector<1x1x1xf32>
    %reduce_sum3A_1989 = vector.extract %reduce_sum3A_1988[0, 0, 0] : f32 from vector<1x1x1xf32>
    %broadcast_in_dim3A_1990 = vector.broadcast %reduce_sum3A_1981 : f32 to vector<80x128xf32>
    %select_n3A_1991 = arith.select %eq3A_1973, %broadcast_in_dim3A_1990, %select_n3A_1962 : vector<80x128xi1>, vector<80x128xf32>
    %broadcast_in_dim3A_1992 = vector.broadcast %reduce_sum3A_1989 : f32 to vector<80x128xf32>
    %select_n3A_1993 = arith.select %eq3A_1973, %broadcast_in_dim3A_1992, %select_n3A_1964 : vector<80x128xi1>, vector<80x128xf32>
    %get3A_1994 = arith.constant 0 : index
    %get3A_1995 = arith.constant 17 : index
    %get3A_1996 = vector.load %arg3[%get3A_1994, %get3A_1995] : memref<1x128xf32, #tpu.memory_space<vmem>>, vector<1x1xf32>
    %get3A_1997 = vector.extract %get3A_1996[0, 0] : f32 from vector<1x1xf32>
    %broadcast_in_dim3A_1998 = vector.broadcast %get3A_1997 : f32 to vector<80x128xf32>
    %select_n3A_1999 = arith.select %eq3A_1973, %broadcast_in_dim3A_1998, %select_n3A_1970 : vector<80x128xi1>, vector<80x128xf32>
    %eq3A_2000 = arith.constant 18 : i32
    %eq3A_2001 = vector.broadcast %eq3A_2000 : i32 to vector<80x128xi32>
    %eq3A_2002 = arith.cmpi eq, %get3A_7, %eq3A_2001 : vector<80x128xi32>
    %jit3A_2003 = arith.constant 0.000000e+00 : f32
    %broadcast_in_dim3A_2004 = vector.broadcast %jit3A_2003 : f32 to vector<80x128xf32>
    %select_n3A_2005 = arith.select %eq3A_2002, %exp3A, %broadcast_in_dim3A_2004 : vector<80x128xi1>, vector<80x128xf32>
    %reduce_sum3A_2006 = vector.shape_cast %select_n3A_2005 : vector<80x128xf32> to vector<1x80x128xf32>
    %reduce_sum3A_2007 = arith.constant dense<0.000000e+00> : vector<1xf32>
    %reduce_sum3A_2008 = vector.multi_reduction <add>, %reduce_sum3A_2006, %reduce_sum3A_2007 [1, 2] : vector<1x80x128xf32> to vector<1xf32>
    %reduce_sum3A_2009 = vector.shape_cast %reduce_sum3A_2008 : vector<1xf32> to vector<1x1x1xf32>
    %reduce_sum3A_2010 = vector.extract %reduce_sum3A_2009[0, 0, 0] : f32 from vector<1x1x1xf32>
    %jit3A_2011 = arith.constant 0.000000e+00 : f32
    %broadcast_in_dim3A_2012 = vector.broadcast %jit3A_2011 : f32 to vector<80x128xf32>
    %select_n3A_2013 = arith.select %eq3A_2002, %exp3A_1478, %broadcast_in_dim3A_2012 : vector<80x128xi1>, vector<80x128xf32>
    %reduce_sum3A_2014 = vector.shape_cast %select_n3A_2013 : vector<80x128xf32> to vector<1x80x128xf32>
    %reduce_sum3A_2015 = arith.constant dense<0.000000e+00> : vector<1xf32>
    %reduce_sum3A_2016 = vector.multi_reduction <add>, %reduce_sum3A_2014, %reduce_sum3A_2015 [1, 2] : vector<1x80x128xf32> to vector<1xf32>
    %reduce_sum3A_2017 = vector.shape_cast %reduce_sum3A_2016 : vector<1xf32> to vector<1x1x1xf32>
    %reduce_sum3A_2018 = vector.extract %reduce_sum3A_2017[0, 0, 0] : f32 from vector<1x1x1xf32>
    %broadcast_in_dim3A_2019 = vector.broadcast %reduce_sum3A_2010 : f32 to vector<80x128xf32>
    %select_n3A_2020 = arith.select %eq3A_2002, %broadcast_in_dim3A_2019, %select_n3A_1991 : vector<80x128xi1>, vector<80x128xf32>
    %broadcast_in_dim3A_2021 = vector.broadcast %reduce_sum3A_2018 : f32 to vector<80x128xf32>
    %select_n3A_2022 = arith.select %eq3A_2002, %broadcast_in_dim3A_2021, %select_n3A_1993 : vector<80x128xi1>, vector<80x128xf32>
    %get3A_2023 = arith.constant 0 : index
    %get3A_2024 = arith.constant 18 : index
    %get3A_2025 = vector.load %arg3[%get3A_2023, %get3A_2024] : memref<1x128xf32, #tpu.memory_space<vmem>>, vector<1x1xf32>
    %get3A_2026 = vector.extract %get3A_2025[0, 0] : f32 from vector<1x1xf32>
    %broadcast_in_dim3A_2027 = vector.broadcast %get3A_2026 : f32 to vector<80x128xf32>
    %select_n3A_2028 = arith.select %eq3A_2002, %broadcast_in_dim3A_2027, %select_n3A_1999 : vector<80x128xi1>, vector<80x128xf32>
    %eq3A_2029 = arith.constant 19 : i32
    %eq3A_2030 = vector.broadcast %eq3A_2029 : i32 to vector<80x128xi32>
    %eq3A_2031 = arith.cmpi eq, %get3A_7, %eq3A_2030 : vector<80x128xi32>
    %jit3A_2032 = arith.constant 0.000000e+00 : f32
    %broadcast_in_dim3A_2033 = vector.broadcast %jit3A_2032 : f32 to vector<80x128xf32>
    %select_n3A_2034 = arith.select %eq3A_2031, %exp3A, %broadcast_in_dim3A_2033 : vector<80x128xi1>, vector<80x128xf32>
    %reduce_sum3A_2035 = vector.shape_cast %select_n3A_2034 : vector<80x128xf32> to vector<1x80x128xf32>
    %reduce_sum3A_2036 = arith.constant dense<0.000000e+00> : vector<1xf32>
    %reduce_sum3A_2037 = vector.multi_reduction <add>, %reduce_sum3A_2035, %reduce_sum3A_2036 [1, 2] : vector<1x80x128xf32> to vector<1xf32>
    %reduce_sum3A_2038 = vector.shape_cast %reduce_sum3A_2037 : vector<1xf32> to vector<1x1x1xf32>
    %reduce_sum3A_2039 = vector.extract %reduce_sum3A_2038[0, 0, 0] : f32 from vector<1x1x1xf32>
    %jit3A_2040 = arith.constant 0.000000e+00 : f32
    %broadcast_in_dim3A_2041 = vector.broadcast %jit3A_2040 : f32 to vector<80x128xf32>
    %select_n3A_2042 = arith.select %eq3A_2031, %exp3A_1478, %broadcast_in_dim3A_2041 : vector<80x128xi1>, vector<80x128xf32>
    %reduce_sum3A_2043 = vector.shape_cast %select_n3A_2042 : vector<80x128xf32> to vector<1x80x128xf32>
    %reduce_sum3A_2044 = arith.constant dense<0.000000e+00> : vector<1xf32>
    %reduce_sum3A_2045 = vector.multi_reduction <add>, %reduce_sum3A_2043, %reduce_sum3A_2044 [1, 2] : vector<1x80x128xf32> to vector<1xf32>
    %reduce_sum3A_2046 = vector.shape_cast %reduce_sum3A_2045 : vector<1xf32> to vector<1x1x1xf32>
    %reduce_sum3A_2047 = vector.extract %reduce_sum3A_2046[0, 0, 0] : f32 from vector<1x1x1xf32>
    %broadcast_in_dim3A_2048 = vector.broadcast %reduce_sum3A_2039 : f32 to vector<80x128xf32>
    %select_n3A_2049 = arith.select %eq3A_2031, %broadcast_in_dim3A_2048, %select_n3A_2020 : vector<80x128xi1>, vector<80x128xf32>
    %broadcast_in_dim3A_2050 = vector.broadcast %reduce_sum3A_2047 : f32 to vector<80x128xf32>
    %select_n3A_2051 = arith.select %eq3A_2031, %broadcast_in_dim3A_2050, %select_n3A_2022 : vector<80x128xi1>, vector<80x128xf32>
    %get3A_2052 = arith.constant 0 : index
    %get3A_2053 = arith.constant 19 : index
    %get3A_2054 = vector.load %arg3[%get3A_2052, %get3A_2053] : memref<1x128xf32, #tpu.memory_space<vmem>>, vector<1x1xf32>
    %get3A_2055 = vector.extract %get3A_2054[0, 0] : f32 from vector<1x1xf32>
    %broadcast_in_dim3A_2056 = vector.broadcast %get3A_2055 : f32 to vector<80x128xf32>
    %select_n3A_2057 = arith.select %eq3A_2031, %broadcast_in_dim3A_2056, %select_n3A_2028 : vector<80x128xi1>, vector<80x128xf32>
    %eq3A_2058 = arith.constant 20 : i32
    %eq3A_2059 = vector.broadcast %eq3A_2058 : i32 to vector<80x128xi32>
    %eq3A_2060 = arith.cmpi eq, %get3A_7, %eq3A_2059 : vector<80x128xi32>
    %jit3A_2061 = arith.constant 0.000000e+00 : f32
    %broadcast_in_dim3A_2062 = vector.broadcast %jit3A_2061 : f32 to vector<80x128xf32>
    %select_n3A_2063 = arith.select %eq3A_2060, %exp3A, %broadcast_in_dim3A_2062 : vector<80x128xi1>, vector<80x128xf32>
    %reduce_sum3A_2064 = vector.shape_cast %select_n3A_2063 : vector<80x128xf32> to vector<1x80x128xf32>
    %reduce_sum3A_2065 = arith.constant dense<0.000000e+00> : vector<1xf32>
    %reduce_sum3A_2066 = vector.multi_reduction <add>, %reduce_sum3A_2064, %reduce_sum3A_2065 [1, 2] : vector<1x80x128xf32> to vector<1xf32>
    %reduce_sum3A_2067 = vector.shape_cast %reduce_sum3A_2066 : vector<1xf32> to vector<1x1x1xf32>
    %reduce_sum3A_2068 = vector.extract %reduce_sum3A_2067[0, 0, 0] : f32 from vector<1x1x1xf32>
    %jit3A_2069 = arith.constant 0.000000e+00 : f32
    %broadcast_in_dim3A_2070 = vector.broadcast %jit3A_2069 : f32 to vector<80x128xf32>
    %select_n3A_2071 = arith.select %eq3A_2060, %exp3A_1478, %broadcast_in_dim3A_2070 : vector<80x128xi1>, vector<80x128xf32>
    %reduce_sum3A_2072 = vector.shape_cast %select_n3A_2071 : vector<80x128xf32> to vector<1x80x128xf32>
    %reduce_sum3A_2073 = arith.constant dense<0.000000e+00> : vector<1xf32>
    %reduce_sum3A_2074 = vector.multi_reduction <add>, %reduce_sum3A_2072, %reduce_sum3A_2073 [1, 2] : vector<1x80x128xf32> to vector<1xf32>
    %reduce_sum3A_2075 = vector.shape_cast %reduce_sum3A_2074 : vector<1xf32> to vector<1x1x1xf32>
    %reduce_sum3A_2076 = vector.extract %reduce_sum3A_2075[0, 0, 0] : f32 from vector<1x1x1xf32>
    %broadcast_in_dim3A_2077 = vector.broadcast %reduce_sum3A_2068 : f32 to vector<80x128xf32>
    %select_n3A_2078 = arith.select %eq3A_2060, %broadcast_in_dim3A_2077, %select_n3A_2049 : vector<80x128xi1>, vector<80x128xf32>
    %broadcast_in_dim3A_2079 = vector.broadcast %reduce_sum3A_2076 : f32 to vector<80x128xf32>
    %select_n3A_2080 = arith.select %eq3A_2060, %broadcast_in_dim3A_2079, %select_n3A_2051 : vector<80x128xi1>, vector<80x128xf32>
    %get3A_2081 = arith.constant 0 : index
    %get3A_2082 = arith.constant 20 : index
    %get3A_2083 = vector.load %arg3[%get3A_2081, %get3A_2082] : memref<1x128xf32, #tpu.memory_space<vmem>>, vector<1x1xf32>
    %get3A_2084 = vector.extract %get3A_2083[0, 0] : f32 from vector<1x1xf32>
    %broadcast_in_dim3A_2085 = vector.broadcast %get3A_2084 : f32 to vector<80x128xf32>
    %select_n3A_2086 = arith.select %eq3A_2060, %broadcast_in_dim3A_2085, %select_n3A_2057 : vector<80x128xi1>, vector<80x128xf32>
    %eq3A_2087 = arith.constant 21 : i32
    %eq3A_2088 = vector.broadcast %eq3A_2087 : i32 to vector<80x128xi32>
    %eq3A_2089 = arith.cmpi eq, %get3A_7, %eq3A_2088 : vector<80x128xi32>
    %jit3A_2090 = arith.constant 0.000000e+00 : f32
    %broadcast_in_dim3A_2091 = vector.broadcast %jit3A_2090 : f32 to vector<80x128xf32>
    %select_n3A_2092 = arith.select %eq3A_2089, %exp3A, %broadcast_in_dim3A_2091 : vector<80x128xi1>, vector<80x128xf32>
    %reduce_sum3A_2093 = vector.shape_cast %select_n3A_2092 : vector<80x128xf32> to vector<1x80x128xf32>
    %reduce_sum3A_2094 = arith.constant dense<0.000000e+00> : vector<1xf32>
    %reduce_sum3A_2095 = vector.multi_reduction <add>, %reduce_sum3A_2093, %reduce_sum3A_2094 [1, 2] : vector<1x80x128xf32> to vector<1xf32>
    %reduce_sum3A_2096 = vector.shape_cast %reduce_sum3A_2095 : vector<1xf32> to vector<1x1x1xf32>
    %reduce_sum3A_2097 = vector.extract %reduce_sum3A_2096[0, 0, 0] : f32 from vector<1x1x1xf32>
    %jit3A_2098 = arith.constant 0.000000e+00 : f32
    %broadcast_in_dim3A_2099 = vector.broadcast %jit3A_2098 : f32 to vector<80x128xf32>
    %select_n3A_2100 = arith.select %eq3A_2089, %exp3A_1478, %broadcast_in_dim3A_2099 : vector<80x128xi1>, vector<80x128xf32>
    %reduce_sum3A_2101 = vector.shape_cast %select_n3A_2100 : vector<80x128xf32> to vector<1x80x128xf32>
    %reduce_sum3A_2102 = arith.constant dense<0.000000e+00> : vector<1xf32>
    %reduce_sum3A_2103 = vector.multi_reduction <add>, %reduce_sum3A_2101, %reduce_sum3A_2102 [1, 2] : vector<1x80x128xf32> to vector<1xf32>
    %reduce_sum3A_2104 = vector.shape_cast %reduce_sum3A_2103 : vector<1xf32> to vector<1x1x1xf32>
    %reduce_sum3A_2105 = vector.extract %reduce_sum3A_2104[0, 0, 0] : f32 from vector<1x1x1xf32>
    %broadcast_in_dim3A_2106 = vector.broadcast %reduce_sum3A_2097 : f32 to vector<80x128xf32>
    %select_n3A_2107 = arith.select %eq3A_2089, %broadcast_in_dim3A_2106, %select_n3A_2078 : vector<80x128xi1>, vector<80x128xf32>
    %broadcast_in_dim3A_2108 = vector.broadcast %reduce_sum3A_2105 : f32 to vector<80x128xf32>
    %select_n3A_2109 = arith.select %eq3A_2089, %broadcast_in_dim3A_2108, %select_n3A_2080 : vector<80x128xi1>, vector<80x128xf32>
    %get3A_2110 = arith.constant 0 : index
    %get3A_2111 = arith.constant 21 : index
    %get3A_2112 = vector.load %arg3[%get3A_2110, %get3A_2111] : memref<1x128xf32, #tpu.memory_space<vmem>>, vector<1x1xf32>
    %get3A_2113 = vector.extract %get3A_2112[0, 0] : f32 from vector<1x1xf32>
    %broadcast_in_dim3A_2114 = vector.broadcast %get3A_2113 : f32 to vector<80x128xf32>
    %select_n3A_2115 = arith.select %eq3A_2089, %broadcast_in_dim3A_2114, %select_n3A_2086 : vector<80x128xi1>, vector<80x128xf32>
    %eq3A_2116 = arith.constant 22 : i32
    %eq3A_2117 = vector.broadcast %eq3A_2116 : i32 to vector<80x128xi32>
    %eq3A_2118 = arith.cmpi eq, %get3A_7, %eq3A_2117 : vector<80x128xi32>
    %jit3A_2119 = arith.constant 0.000000e+00 : f32
    %broadcast_in_dim3A_2120 = vector.broadcast %jit3A_2119 : f32 to vector<80x128xf32>
    %select_n3A_2121 = arith.select %eq3A_2118, %exp3A, %broadcast_in_dim3A_2120 : vector<80x128xi1>, vector<80x128xf32>
    %reduce_sum3A_2122 = vector.shape_cast %select_n3A_2121 : vector<80x128xf32> to vector<1x80x128xf32>
    %reduce_sum3A_2123 = arith.constant dense<0.000000e+00> : vector<1xf32>
    %reduce_sum3A_2124 = vector.multi_reduction <add>, %reduce_sum3A_2122, %reduce_sum3A_2123 [1, 2] : vector<1x80x128xf32> to vector<1xf32>
    %reduce_sum3A_2125 = vector.shape_cast %reduce_sum3A_2124 : vector<1xf32> to vector<1x1x1xf32>
    %reduce_sum3A_2126 = vector.extract %reduce_sum3A_2125[0, 0, 0] : f32 from vector<1x1x1xf32>
    %jit3A_2127 = arith.constant 0.000000e+00 : f32
    %broadcast_in_dim3A_2128 = vector.broadcast %jit3A_2127 : f32 to vector<80x128xf32>
    %select_n3A_2129 = arith.select %eq3A_2118, %exp3A_1478, %broadcast_in_dim3A_2128 : vector<80x128xi1>, vector<80x128xf32>
    %reduce_sum3A_2130 = vector.shape_cast %select_n3A_2129 : vector<80x128xf32> to vector<1x80x128xf32>
    %reduce_sum3A_2131 = arith.constant dense<0.000000e+00> : vector<1xf32>
    %reduce_sum3A_2132 = vector.multi_reduction <add>, %reduce_sum3A_2130, %reduce_sum3A_2131 [1, 2] : vector<1x80x128xf32> to vector<1xf32>
    %reduce_sum3A_2133 = vector.shape_cast %reduce_sum3A_2132 : vector<1xf32> to vector<1x1x1xf32>
    %reduce_sum3A_2134 = vector.extract %reduce_sum3A_2133[0, 0, 0] : f32 from vector<1x1x1xf32>
    %broadcast_in_dim3A_2135 = vector.broadcast %reduce_sum3A_2126 : f32 to vector<80x128xf32>
    %select_n3A_2136 = arith.select %eq3A_2118, %broadcast_in_dim3A_2135, %select_n3A_2107 : vector<80x128xi1>, vector<80x128xf32>
    %broadcast_in_dim3A_2137 = vector.broadcast %reduce_sum3A_2134 : f32 to vector<80x128xf32>
    %select_n3A_2138 = arith.select %eq3A_2118, %broadcast_in_dim3A_2137, %select_n3A_2109 : vector<80x128xi1>, vector<80x128xf32>
    %get3A_2139 = arith.constant 0 : index
    %get3A_2140 = arith.constant 22 : index
    %get3A_2141 = vector.load %arg3[%get3A_2139, %get3A_2140] : memref<1x128xf32, #tpu.memory_space<vmem>>, vector<1x1xf32>
    %get3A_2142 = vector.extract %get3A_2141[0, 0] : f32 from vector<1x1xf32>
    %broadcast_in_dim3A_2143 = vector.broadcast %get3A_2142 : f32 to vector<80x128xf32>
    %select_n3A_2144 = arith.select %eq3A_2118, %broadcast_in_dim3A_2143, %select_n3A_2115 : vector<80x128xi1>, vector<80x128xf32>
    %eq3A_2145 = arith.constant 23 : i32
    %eq3A_2146 = vector.broadcast %eq3A_2145 : i32 to vector<80x128xi32>
    %eq3A_2147 = arith.cmpi eq, %get3A_7, %eq3A_2146 : vector<80x128xi32>
    %jit3A_2148 = arith.constant 0.000000e+00 : f32
    %broadcast_in_dim3A_2149 = vector.broadcast %jit3A_2148 : f32 to vector<80x128xf32>
    %select_n3A_2150 = arith.select %eq3A_2147, %exp3A, %broadcast_in_dim3A_2149 : vector<80x128xi1>, vector<80x128xf32>
    %reduce_sum3A_2151 = vector.shape_cast %select_n3A_2150 : vector<80x128xf32> to vector<1x80x128xf32>
    %reduce_sum3A_2152 = arith.constant dense<0.000000e+00> : vector<1xf32>
    %reduce_sum3A_2153 = vector.multi_reduction <add>, %reduce_sum3A_2151, %reduce_sum3A_2152 [1, 2] : vector<1x80x128xf32> to vector<1xf32>
    %reduce_sum3A_2154 = vector.shape_cast %reduce_sum3A_2153 : vector<1xf32> to vector<1x1x1xf32>
    %reduce_sum3A_2155 = vector.extract %reduce_sum3A_2154[0, 0, 0] : f32 from vector<1x1x1xf32>
    %jit3A_2156 = arith.constant 0.000000e+00 : f32
    %broadcast_in_dim3A_2157 = vector.broadcast %jit3A_2156 : f32 to vector<80x128xf32>
    %select_n3A_2158 = arith.select %eq3A_2147, %exp3A_1478, %broadcast_in_dim3A_2157 : vector<80x128xi1>, vector<80x128xf32>
    %reduce_sum3A_2159 = vector.shape_cast %select_n3A_2158 : vector<80x128xf32> to vector<1x80x128xf32>
    %reduce_sum3A_2160 = arith.constant dense<0.000000e+00> : vector<1xf32>
    %reduce_sum3A_2161 = vector.multi_reduction <add>, %reduce_sum3A_2159, %reduce_sum3A_2160 [1, 2] : vector<1x80x128xf32> to vector<1xf32>
    %reduce_sum3A_2162 = vector.shape_cast %reduce_sum3A_2161 : vector<1xf32> to vector<1x1x1xf32>
    %reduce_sum3A_2163 = vector.extract %reduce_sum3A_2162[0, 0, 0] : f32 from vector<1x1x1xf32>
    %broadcast_in_dim3A_2164 = vector.broadcast %reduce_sum3A_2155 : f32 to vector<80x128xf32>
    %select_n3A_2165 = arith.select %eq3A_2147, %broadcast_in_dim3A_2164, %select_n3A_2136 : vector<80x128xi1>, vector<80x128xf32>
    %broadcast_in_dim3A_2166 = vector.broadcast %reduce_sum3A_2163 : f32 to vector<80x128xf32>
    %select_n3A_2167 = arith.select %eq3A_2147, %broadcast_in_dim3A_2166, %select_n3A_2138 : vector<80x128xi1>, vector<80x128xf32>
    %get3A_2168 = arith.constant 0 : index
    %get3A_2169 = arith.constant 23 : index
    %get3A_2170 = vector.load %arg3[%get3A_2168, %get3A_2169] : memref<1x128xf32, #tpu.memory_space<vmem>>, vector<1x1xf32>
    %get3A_2171 = vector.extract %get3A_2170[0, 0] : f32 from vector<1x1xf32>
    %broadcast_in_dim3A_2172 = vector.broadcast %get3A_2171 : f32 to vector<80x128xf32>
    %select_n3A_2173 = arith.select %eq3A_2147, %broadcast_in_dim3A_2172, %select_n3A_2144 : vector<80x128xi1>, vector<80x128xf32>
    %eq3A_2174 = arith.constant 24 : i32
    %eq3A_2175 = vector.broadcast %eq3A_2174 : i32 to vector<80x128xi32>
    %eq3A_2176 = arith.cmpi eq, %get3A_7, %eq3A_2175 : vector<80x128xi32>
    %jit3A_2177 = arith.constant 0.000000e+00 : f32
    %broadcast_in_dim3A_2178 = vector.broadcast %jit3A_2177 : f32 to vector<80x128xf32>
    %select_n3A_2179 = arith.select %eq3A_2176, %exp3A, %broadcast_in_dim3A_2178 : vector<80x128xi1>, vector<80x128xf32>
    %reduce_sum3A_2180 = vector.shape_cast %select_n3A_2179 : vector<80x128xf32> to vector<1x80x128xf32>
    %reduce_sum3A_2181 = arith.constant dense<0.000000e+00> : vector<1xf32>
    %reduce_sum3A_2182 = vector.multi_reduction <add>, %reduce_sum3A_2180, %reduce_sum3A_2181 [1, 2] : vector<1x80x128xf32> to vector<1xf32>
    %reduce_sum3A_2183 = vector.shape_cast %reduce_sum3A_2182 : vector<1xf32> to vector<1x1x1xf32>
    %reduce_sum3A_2184 = vector.extract %reduce_sum3A_2183[0, 0, 0] : f32 from vector<1x1x1xf32>
    %jit3A_2185 = arith.constant 0.000000e+00 : f32
    %broadcast_in_dim3A_2186 = vector.broadcast %jit3A_2185 : f32 to vector<80x128xf32>
    %select_n3A_2187 = arith.select %eq3A_2176, %exp3A_1478, %broadcast_in_dim3A_2186 : vector<80x128xi1>, vector<80x128xf32>
    %reduce_sum3A_2188 = vector.shape_cast %select_n3A_2187 : vector<80x128xf32> to vector<1x80x128xf32>
    %reduce_sum3A_2189 = arith.constant dense<0.000000e+00> : vector<1xf32>
    %reduce_sum3A_2190 = vector.multi_reduction <add>, %reduce_sum3A_2188, %reduce_sum3A_2189 [1, 2] : vector<1x80x128xf32> to vector<1xf32>
    %reduce_sum3A_2191 = vector.shape_cast %reduce_sum3A_2190 : vector<1xf32> to vector<1x1x1xf32>
    %reduce_sum3A_2192 = vector.extract %reduce_sum3A_2191[0, 0, 0] : f32 from vector<1x1x1xf32>
    %broadcast_in_dim3A_2193 = vector.broadcast %reduce_sum3A_2184 : f32 to vector<80x128xf32>
    %select_n3A_2194 = arith.select %eq3A_2176, %broadcast_in_dim3A_2193, %select_n3A_2165 : vector<80x128xi1>, vector<80x128xf32>
    %broadcast_in_dim3A_2195 = vector.broadcast %reduce_sum3A_2192 : f32 to vector<80x128xf32>
    %select_n3A_2196 = arith.select %eq3A_2176, %broadcast_in_dim3A_2195, %select_n3A_2167 : vector<80x128xi1>, vector<80x128xf32>
    %get3A_2197 = arith.constant 0 : index
    %get3A_2198 = arith.constant 24 : index
    %get3A_2199 = vector.load %arg3[%get3A_2197, %get3A_2198] : memref<1x128xf32, #tpu.memory_space<vmem>>, vector<1x1xf32>
    %get3A_2200 = vector.extract %get3A_2199[0, 0] : f32 from vector<1x1xf32>
    %broadcast_in_dim3A_2201 = vector.broadcast %get3A_2200 : f32 to vector<80x128xf32>
    %select_n3A_2202 = arith.select %eq3A_2176, %broadcast_in_dim3A_2201, %select_n3A_2173 : vector<80x128xi1>, vector<80x128xf32>
    %eq3A_2203 = arith.constant 25 : i32
    %eq3A_2204 = vector.broadcast %eq3A_2203 : i32 to vector<80x128xi32>
    %eq3A_2205 = arith.cmpi eq, %get3A_7, %eq3A_2204 : vector<80x128xi32>
    %jit3A_2206 = arith.constant 0.000000e+00 : f32
    %broadcast_in_dim3A_2207 = vector.broadcast %jit3A_2206 : f32 to vector<80x128xf32>
    %select_n3A_2208 = arith.select %eq3A_2205, %exp3A, %broadcast_in_dim3A_2207 : vector<80x128xi1>, vector<80x128xf32>
    %reduce_sum3A_2209 = vector.shape_cast %select_n3A_2208 : vector<80x128xf32> to vector<1x80x128xf32>
    %reduce_sum3A_2210 = arith.constant dense<0.000000e+00> : vector<1xf32>
    %reduce_sum3A_2211 = vector.multi_reduction <add>, %reduce_sum3A_2209, %reduce_sum3A_2210 [1, 2] : vector<1x80x128xf32> to vector<1xf32>
    %reduce_sum3A_2212 = vector.shape_cast %reduce_sum3A_2211 : vector<1xf32> to vector<1x1x1xf32>
    %reduce_sum3A_2213 = vector.extract %reduce_sum3A_2212[0, 0, 0] : f32 from vector<1x1x1xf32>
    %jit3A_2214 = arith.constant 0.000000e+00 : f32
    %broadcast_in_dim3A_2215 = vector.broadcast %jit3A_2214 : f32 to vector<80x128xf32>
    %select_n3A_2216 = arith.select %eq3A_2205, %exp3A_1478, %broadcast_in_dim3A_2215 : vector<80x128xi1>, vector<80x128xf32>
    %reduce_sum3A_2217 = vector.shape_cast %select_n3A_2216 : vector<80x128xf32> to vector<1x80x128xf32>
    %reduce_sum3A_2218 = arith.constant dense<0.000000e+00> : vector<1xf32>
    %reduce_sum3A_2219 = vector.multi_reduction <add>, %reduce_sum3A_2217, %reduce_sum3A_2218 [1, 2] : vector<1x80x128xf32> to vector<1xf32>
    %reduce_sum3A_2220 = vector.shape_cast %reduce_sum3A_2219 : vector<1xf32> to vector<1x1x1xf32>
    %reduce_sum3A_2221 = vector.extract %reduce_sum3A_2220[0, 0, 0] : f32 from vector<1x1x1xf32>
    %broadcast_in_dim3A_2222 = vector.broadcast %reduce_sum3A_2213 : f32 to vector<80x128xf32>
    %select_n3A_2223 = arith.select %eq3A_2205, %broadcast_in_dim3A_2222, %select_n3A_2194 : vector<80x128xi1>, vector<80x128xf32>
    %broadcast_in_dim3A_2224 = vector.broadcast %reduce_sum3A_2221 : f32 to vector<80x128xf32>
    %select_n3A_2225 = arith.select %eq3A_2205, %broadcast_in_dim3A_2224, %select_n3A_2196 : vector<80x128xi1>, vector<80x128xf32>
    %get3A_2226 = arith.constant 0 : index
    %get3A_2227 = arith.constant 25 : index
    %get3A_2228 = vector.load %arg3[%get3A_2226, %get3A_2227] : memref<1x128xf32, #tpu.memory_space<vmem>>, vector<1x1xf32>
    %get3A_2229 = vector.extract %get3A_2228[0, 0] : f32 from vector<1x1xf32>
    %broadcast_in_dim3A_2230 = vector.broadcast %get3A_2229 : f32 to vector<80x128xf32>
    %select_n3A_2231 = arith.select %eq3A_2205, %broadcast_in_dim3A_2230, %select_n3A_2202 : vector<80x128xi1>, vector<80x128xf32>
    %eq3A_2232 = arith.constant 26 : i32
    %eq3A_2233 = vector.broadcast %eq3A_2232 : i32 to vector<80x128xi32>
    %eq3A_2234 = arith.cmpi eq, %get3A_7, %eq3A_2233 : vector<80x128xi32>
    %jit3A_2235 = arith.constant 0.000000e+00 : f32
    %broadcast_in_dim3A_2236 = vector.broadcast %jit3A_2235 : f32 to vector<80x128xf32>
    %select_n3A_2237 = arith.select %eq3A_2234, %exp3A, %broadcast_in_dim3A_2236 : vector<80x128xi1>, vector<80x128xf32>
    %reduce_sum3A_2238 = vector.shape_cast %select_n3A_2237 : vector<80x128xf32> to vector<1x80x128xf32>
    %reduce_sum3A_2239 = arith.constant dense<0.000000e+00> : vector<1xf32>
    %reduce_sum3A_2240 = vector.multi_reduction <add>, %reduce_sum3A_2238, %reduce_sum3A_2239 [1, 2] : vector<1x80x128xf32> to vector<1xf32>
    %reduce_sum3A_2241 = vector.shape_cast %reduce_sum3A_2240 : vector<1xf32> to vector<1x1x1xf32>
    %reduce_sum3A_2242 = vector.extract %reduce_sum3A_2241[0, 0, 0] : f32 from vector<1x1x1xf32>
    %jit3A_2243 = arith.constant 0.000000e+00 : f32
    %broadcast_in_dim3A_2244 = vector.broadcast %jit3A_2243 : f32 to vector<80x128xf32>
    %select_n3A_2245 = arith.select %eq3A_2234, %exp3A_1478, %broadcast_in_dim3A_2244 : vector<80x128xi1>, vector<80x128xf32>
    %reduce_sum3A_2246 = vector.shape_cast %select_n3A_2245 : vector<80x128xf32> to vector<1x80x128xf32>
    %reduce_sum3A_2247 = arith.constant dense<0.000000e+00> : vector<1xf32>
    %reduce_sum3A_2248 = vector.multi_reduction <add>, %reduce_sum3A_2246, %reduce_sum3A_2247 [1, 2] : vector<1x80x128xf32> to vector<1xf32>
    %reduce_sum3A_2249 = vector.shape_cast %reduce_sum3A_2248 : vector<1xf32> to vector<1x1x1xf32>
    %reduce_sum3A_2250 = vector.extract %reduce_sum3A_2249[0, 0, 0] : f32 from vector<1x1x1xf32>
    %broadcast_in_dim3A_2251 = vector.broadcast %reduce_sum3A_2242 : f32 to vector<80x128xf32>
    %select_n3A_2252 = arith.select %eq3A_2234, %broadcast_in_dim3A_2251, %select_n3A_2223 : vector<80x128xi1>, vector<80x128xf32>
    %broadcast_in_dim3A_2253 = vector.broadcast %reduce_sum3A_2250 : f32 to vector<80x128xf32>
    %select_n3A_2254 = arith.select %eq3A_2234, %broadcast_in_dim3A_2253, %select_n3A_2225 : vector<80x128xi1>, vector<80x128xf32>
    %get3A_2255 = arith.constant 0 : index
    %get3A_2256 = arith.constant 26 : index
    %get3A_2257 = vector.load %arg3[%get3A_2255, %get3A_2256] : memref<1x128xf32, #tpu.memory_space<vmem>>, vector<1x1xf32>
    %get3A_2258 = vector.extract %get3A_2257[0, 0] : f32 from vector<1x1xf32>
    %broadcast_in_dim3A_2259 = vector.broadcast %get3A_2258 : f32 to vector<80x128xf32>
    %select_n3A_2260 = arith.select %eq3A_2234, %broadcast_in_dim3A_2259, %select_n3A_2231 : vector<80x128xi1>, vector<80x128xf32>
    %eq3A_2261 = arith.constant 27 : i32
    %eq3A_2262 = vector.broadcast %eq3A_2261 : i32 to vector<80x128xi32>
    %eq3A_2263 = arith.cmpi eq, %get3A_7, %eq3A_2262 : vector<80x128xi32>
    %jit3A_2264 = arith.constant 0.000000e+00 : f32
    %broadcast_in_dim3A_2265 = vector.broadcast %jit3A_2264 : f32 to vector<80x128xf32>
    %select_n3A_2266 = arith.select %eq3A_2263, %exp3A, %broadcast_in_dim3A_2265 : vector<80x128xi1>, vector<80x128xf32>
    %reduce_sum3A_2267 = vector.shape_cast %select_n3A_2266 : vector<80x128xf32> to vector<1x80x128xf32>
    %reduce_sum3A_2268 = arith.constant dense<0.000000e+00> : vector<1xf32>
    %reduce_sum3A_2269 = vector.multi_reduction <add>, %reduce_sum3A_2267, %reduce_sum3A_2268 [1, 2] : vector<1x80x128xf32> to vector<1xf32>
    %reduce_sum3A_2270 = vector.shape_cast %reduce_sum3A_2269 : vector<1xf32> to vector<1x1x1xf32>
    %reduce_sum3A_2271 = vector.extract %reduce_sum3A_2270[0, 0, 0] : f32 from vector<1x1x1xf32>
    %jit3A_2272 = arith.constant 0.000000e+00 : f32
    %broadcast_in_dim3A_2273 = vector.broadcast %jit3A_2272 : f32 to vector<80x128xf32>
    %select_n3A_2274 = arith.select %eq3A_2263, %exp3A_1478, %broadcast_in_dim3A_2273 : vector<80x128xi1>, vector<80x128xf32>
    %reduce_sum3A_2275 = vector.shape_cast %select_n3A_2274 : vector<80x128xf32> to vector<1x80x128xf32>
    %reduce_sum3A_2276 = arith.constant dense<0.000000e+00> : vector<1xf32>
    %reduce_sum3A_2277 = vector.multi_reduction <add>, %reduce_sum3A_2275, %reduce_sum3A_2276 [1, 2] : vector<1x80x128xf32> to vector<1xf32>
    %reduce_sum3A_2278 = vector.shape_cast %reduce_sum3A_2277 : vector<1xf32> to vector<1x1x1xf32>
    %reduce_sum3A_2279 = vector.extract %reduce_sum3A_2278[0, 0, 0] : f32 from vector<1x1x1xf32>
    %broadcast_in_dim3A_2280 = vector.broadcast %reduce_sum3A_2271 : f32 to vector<80x128xf32>
    %select_n3A_2281 = arith.select %eq3A_2263, %broadcast_in_dim3A_2280, %select_n3A_2252 : vector<80x128xi1>, vector<80x128xf32>
    %broadcast_in_dim3A_2282 = vector.broadcast %reduce_sum3A_2279 : f32 to vector<80x128xf32>
    %select_n3A_2283 = arith.select %eq3A_2263, %broadcast_in_dim3A_2282, %select_n3A_2254 : vector<80x128xi1>, vector<80x128xf32>
    %get3A_2284 = arith.constant 0 : index
    %get3A_2285 = arith.constant 27 : index
    %get3A_2286 = vector.load %arg3[%get3A_2284, %get3A_2285] : memref<1x128xf32, #tpu.memory_space<vmem>>, vector<1x1xf32>
    %get3A_2287 = vector.extract %get3A_2286[0, 0] : f32 from vector<1x1xf32>
    %broadcast_in_dim3A_2288 = vector.broadcast %get3A_2287 : f32 to vector<80x128xf32>
    %select_n3A_2289 = arith.select %eq3A_2263, %broadcast_in_dim3A_2288, %select_n3A_2260 : vector<80x128xi1>, vector<80x128xf32>
    %eq3A_2290 = arith.constant 28 : i32
    %eq3A_2291 = vector.broadcast %eq3A_2290 : i32 to vector<80x128xi32>
    %eq3A_2292 = arith.cmpi eq, %get3A_7, %eq3A_2291 : vector<80x128xi32>
    %jit3A_2293 = arith.constant 0.000000e+00 : f32
    %broadcast_in_dim3A_2294 = vector.broadcast %jit3A_2293 : f32 to vector<80x128xf32>
    %select_n3A_2295 = arith.select %eq3A_2292, %exp3A, %broadcast_in_dim3A_2294 : vector<80x128xi1>, vector<80x128xf32>
    %reduce_sum3A_2296 = vector.shape_cast %select_n3A_2295 : vector<80x128xf32> to vector<1x80x128xf32>
    %reduce_sum3A_2297 = arith.constant dense<0.000000e+00> : vector<1xf32>
    %reduce_sum3A_2298 = vector.multi_reduction <add>, %reduce_sum3A_2296, %reduce_sum3A_2297 [1, 2] : vector<1x80x128xf32> to vector<1xf32>
    %reduce_sum3A_2299 = vector.shape_cast %reduce_sum3A_2298 : vector<1xf32> to vector<1x1x1xf32>
    %reduce_sum3A_2300 = vector.extract %reduce_sum3A_2299[0, 0, 0] : f32 from vector<1x1x1xf32>
    %jit3A_2301 = arith.constant 0.000000e+00 : f32
    %broadcast_in_dim3A_2302 = vector.broadcast %jit3A_2301 : f32 to vector<80x128xf32>
    %select_n3A_2303 = arith.select %eq3A_2292, %exp3A_1478, %broadcast_in_dim3A_2302 : vector<80x128xi1>, vector<80x128xf32>
    %reduce_sum3A_2304 = vector.shape_cast %select_n3A_2303 : vector<80x128xf32> to vector<1x80x128xf32>
    %reduce_sum3A_2305 = arith.constant dense<0.000000e+00> : vector<1xf32>
    %reduce_sum3A_2306 = vector.multi_reduction <add>, %reduce_sum3A_2304, %reduce_sum3A_2305 [1, 2] : vector<1x80x128xf32> to vector<1xf32>
    %reduce_sum3A_2307 = vector.shape_cast %reduce_sum3A_2306 : vector<1xf32> to vector<1x1x1xf32>
    %reduce_sum3A_2308 = vector.extract %reduce_sum3A_2307[0, 0, 0] : f32 from vector<1x1x1xf32>
    %broadcast_in_dim3A_2309 = vector.broadcast %reduce_sum3A_2300 : f32 to vector<80x128xf32>
    %select_n3A_2310 = arith.select %eq3A_2292, %broadcast_in_dim3A_2309, %select_n3A_2281 : vector<80x128xi1>, vector<80x128xf32>
    %broadcast_in_dim3A_2311 = vector.broadcast %reduce_sum3A_2308 : f32 to vector<80x128xf32>
    %select_n3A_2312 = arith.select %eq3A_2292, %broadcast_in_dim3A_2311, %select_n3A_2283 : vector<80x128xi1>, vector<80x128xf32>
    %get3A_2313 = arith.constant 0 : index
    %get3A_2314 = arith.constant 28 : index
    %get3A_2315 = vector.load %arg3[%get3A_2313, %get3A_2314] : memref<1x128xf32, #tpu.memory_space<vmem>>, vector<1x1xf32>
    %get3A_2316 = vector.extract %get3A_2315[0, 0] : f32 from vector<1x1xf32>
    %broadcast_in_dim3A_2317 = vector.broadcast %get3A_2316 : f32 to vector<80x128xf32>
    %select_n3A_2318 = arith.select %eq3A_2292, %broadcast_in_dim3A_2317, %select_n3A_2289 : vector<80x128xi1>, vector<80x128xf32>
    %eq3A_2319 = arith.constant 29 : i32
    %eq3A_2320 = vector.broadcast %eq3A_2319 : i32 to vector<80x128xi32>
    %eq3A_2321 = arith.cmpi eq, %get3A_7, %eq3A_2320 : vector<80x128xi32>
    %jit3A_2322 = arith.constant 0.000000e+00 : f32
    %broadcast_in_dim3A_2323 = vector.broadcast %jit3A_2322 : f32 to vector<80x128xf32>
    %select_n3A_2324 = arith.select %eq3A_2321, %exp3A, %broadcast_in_dim3A_2323 : vector<80x128xi1>, vector<80x128xf32>
    %reduce_sum3A_2325 = vector.shape_cast %select_n3A_2324 : vector<80x128xf32> to vector<1x80x128xf32>
    %reduce_sum3A_2326 = arith.constant dense<0.000000e+00> : vector<1xf32>
    %reduce_sum3A_2327 = vector.multi_reduction <add>, %reduce_sum3A_2325, %reduce_sum3A_2326 [1, 2] : vector<1x80x128xf32> to vector<1xf32>
    %reduce_sum3A_2328 = vector.shape_cast %reduce_sum3A_2327 : vector<1xf32> to vector<1x1x1xf32>
    %reduce_sum3A_2329 = vector.extract %reduce_sum3A_2328[0, 0, 0] : f32 from vector<1x1x1xf32>
    %jit3A_2330 = arith.constant 0.000000e+00 : f32
    %broadcast_in_dim3A_2331 = vector.broadcast %jit3A_2330 : f32 to vector<80x128xf32>
    %select_n3A_2332 = arith.select %eq3A_2321, %exp3A_1478, %broadcast_in_dim3A_2331 : vector<80x128xi1>, vector<80x128xf32>
    %reduce_sum3A_2333 = vector.shape_cast %select_n3A_2332 : vector<80x128xf32> to vector<1x80x128xf32>
    %reduce_sum3A_2334 = arith.constant dense<0.000000e+00> : vector<1xf32>
    %reduce_sum3A_2335 = vector.multi_reduction <add>, %reduce_sum3A_2333, %reduce_sum3A_2334 [1, 2] : vector<1x80x128xf32> to vector<1xf32>
    %reduce_sum3A_2336 = vector.shape_cast %reduce_sum3A_2335 : vector<1xf32> to vector<1x1x1xf32>
    %reduce_sum3A_2337 = vector.extract %reduce_sum3A_2336[0, 0, 0] : f32 from vector<1x1x1xf32>
    %broadcast_in_dim3A_2338 = vector.broadcast %reduce_sum3A_2329 : f32 to vector<80x128xf32>
    %select_n3A_2339 = arith.select %eq3A_2321, %broadcast_in_dim3A_2338, %select_n3A_2310 : vector<80x128xi1>, vector<80x128xf32>
    %broadcast_in_dim3A_2340 = vector.broadcast %reduce_sum3A_2337 : f32 to vector<80x128xf32>
    %select_n3A_2341 = arith.select %eq3A_2321, %broadcast_in_dim3A_2340, %select_n3A_2312 : vector<80x128xi1>, vector<80x128xf32>
    %get3A_2342 = arith.constant 0 : index
    %get3A_2343 = arith.constant 29 : index
    %get3A_2344 = vector.load %arg3[%get3A_2342, %get3A_2343] : memref<1x128xf32, #tpu.memory_space<vmem>>, vector<1x1xf32>
    %get3A_2345 = vector.extract %get3A_2344[0, 0] : f32 from vector<1x1xf32>
    %broadcast_in_dim3A_2346 = vector.broadcast %get3A_2345 : f32 to vector<80x128xf32>
    %select_n3A_2347 = arith.select %eq3A_2321, %broadcast_in_dim3A_2346, %select_n3A_2318 : vector<80x128xi1>, vector<80x128xf32>
    %eq3A_2348 = arith.constant 30 : i32
    %eq3A_2349 = vector.broadcast %eq3A_2348 : i32 to vector<80x128xi32>
    %eq3A_2350 = arith.cmpi eq, %get3A_7, %eq3A_2349 : vector<80x128xi32>
    %jit3A_2351 = arith.constant 0.000000e+00 : f32
    %broadcast_in_dim3A_2352 = vector.broadcast %jit3A_2351 : f32 to vector<80x128xf32>
    %select_n3A_2353 = arith.select %eq3A_2350, %exp3A, %broadcast_in_dim3A_2352 : vector<80x128xi1>, vector<80x128xf32>
    %reduce_sum3A_2354 = vector.shape_cast %select_n3A_2353 : vector<80x128xf32> to vector<1x80x128xf32>
    %reduce_sum3A_2355 = arith.constant dense<0.000000e+00> : vector<1xf32>
    %reduce_sum3A_2356 = vector.multi_reduction <add>, %reduce_sum3A_2354, %reduce_sum3A_2355 [1, 2] : vector<1x80x128xf32> to vector<1xf32>
    %reduce_sum3A_2357 = vector.shape_cast %reduce_sum3A_2356 : vector<1xf32> to vector<1x1x1xf32>
    %reduce_sum3A_2358 = vector.extract %reduce_sum3A_2357[0, 0, 0] : f32 from vector<1x1x1xf32>
    %jit3A_2359 = arith.constant 0.000000e+00 : f32
    %broadcast_in_dim3A_2360 = vector.broadcast %jit3A_2359 : f32 to vector<80x128xf32>
    %select_n3A_2361 = arith.select %eq3A_2350, %exp3A_1478, %broadcast_in_dim3A_2360 : vector<80x128xi1>, vector<80x128xf32>
    %reduce_sum3A_2362 = vector.shape_cast %select_n3A_2361 : vector<80x128xf32> to vector<1x80x128xf32>
    %reduce_sum3A_2363 = arith.constant dense<0.000000e+00> : vector<1xf32>
    %reduce_sum3A_2364 = vector.multi_reduction <add>, %reduce_sum3A_2362, %reduce_sum3A_2363 [1, 2] : vector<1x80x128xf32> to vector<1xf32>
    %reduce_sum3A_2365 = vector.shape_cast %reduce_sum3A_2364 : vector<1xf32> to vector<1x1x1xf32>
    %reduce_sum3A_2366 = vector.extract %reduce_sum3A_2365[0, 0, 0] : f32 from vector<1x1x1xf32>
    %broadcast_in_dim3A_2367 = vector.broadcast %reduce_sum3A_2358 : f32 to vector<80x128xf32>
    %select_n3A_2368 = arith.select %eq3A_2350, %broadcast_in_dim3A_2367, %select_n3A_2339 : vector<80x128xi1>, vector<80x128xf32>
    %broadcast_in_dim3A_2369 = vector.broadcast %reduce_sum3A_2366 : f32 to vector<80x128xf32>
    %select_n3A_2370 = arith.select %eq3A_2350, %broadcast_in_dim3A_2369, %select_n3A_2341 : vector<80x128xi1>, vector<80x128xf32>
    %get3A_2371 = arith.constant 0 : index
    %get3A_2372 = arith.constant 30 : index
    %get3A_2373 = vector.load %arg3[%get3A_2371, %get3A_2372] : memref<1x128xf32, #tpu.memory_space<vmem>>, vector<1x1xf32>
    %get3A_2374 = vector.extract %get3A_2373[0, 0] : f32 from vector<1x1xf32>
    %broadcast_in_dim3A_2375 = vector.broadcast %get3A_2374 : f32 to vector<80x128xf32>
    %select_n3A_2376 = arith.select %eq3A_2350, %broadcast_in_dim3A_2375, %select_n3A_2347 : vector<80x128xi1>, vector<80x128xf32>
    %eq3A_2377 = arith.constant 31 : i32
    %eq3A_2378 = vector.broadcast %eq3A_2377 : i32 to vector<80x128xi32>
    %eq3A_2379 = arith.cmpi eq, %get3A_7, %eq3A_2378 : vector<80x128xi32>
    %jit3A_2380 = arith.constant 0.000000e+00 : f32
    %broadcast_in_dim3A_2381 = vector.broadcast %jit3A_2380 : f32 to vector<80x128xf32>
    %select_n3A_2382 = arith.select %eq3A_2379, %exp3A, %broadcast_in_dim3A_2381 : vector<80x128xi1>, vector<80x128xf32>
    %reduce_sum3A_2383 = vector.shape_cast %select_n3A_2382 : vector<80x128xf32> to vector<1x80x128xf32>
    %reduce_sum3A_2384 = arith.constant dense<0.000000e+00> : vector<1xf32>
    %reduce_sum3A_2385 = vector.multi_reduction <add>, %reduce_sum3A_2383, %reduce_sum3A_2384 [1, 2] : vector<1x80x128xf32> to vector<1xf32>
    %reduce_sum3A_2386 = vector.shape_cast %reduce_sum3A_2385 : vector<1xf32> to vector<1x1x1xf32>
    %reduce_sum3A_2387 = vector.extract %reduce_sum3A_2386[0, 0, 0] : f32 from vector<1x1x1xf32>
    %jit3A_2388 = arith.constant 0.000000e+00 : f32
    %broadcast_in_dim3A_2389 = vector.broadcast %jit3A_2388 : f32 to vector<80x128xf32>
    %select_n3A_2390 = arith.select %eq3A_2379, %exp3A_1478, %broadcast_in_dim3A_2389 : vector<80x128xi1>, vector<80x128xf32>
    %reduce_sum3A_2391 = vector.shape_cast %select_n3A_2390 : vector<80x128xf32> to vector<1x80x128xf32>
    %reduce_sum3A_2392 = arith.constant dense<0.000000e+00> : vector<1xf32>
    %reduce_sum3A_2393 = vector.multi_reduction <add>, %reduce_sum3A_2391, %reduce_sum3A_2392 [1, 2] : vector<1x80x128xf32> to vector<1xf32>
    %reduce_sum3A_2394 = vector.shape_cast %reduce_sum3A_2393 : vector<1xf32> to vector<1x1x1xf32>
    %reduce_sum3A_2395 = vector.extract %reduce_sum3A_2394[0, 0, 0] : f32 from vector<1x1x1xf32>
    %broadcast_in_dim3A_2396 = vector.broadcast %reduce_sum3A_2387 : f32 to vector<80x128xf32>
    %select_n3A_2397 = arith.select %eq3A_2379, %broadcast_in_dim3A_2396, %select_n3A_2368 : vector<80x128xi1>, vector<80x128xf32>
    %broadcast_in_dim3A_2398 = vector.broadcast %reduce_sum3A_2395 : f32 to vector<80x128xf32>
    %select_n3A_2399 = arith.select %eq3A_2379, %broadcast_in_dim3A_2398, %select_n3A_2370 : vector<80x128xi1>, vector<80x128xf32>
    %get3A_2400 = arith.constant 0 : index
    %get3A_2401 = arith.constant 31 : index
    %get3A_2402 = vector.load %arg3[%get3A_2400, %get3A_2401] : memref<1x128xf32, #tpu.memory_space<vmem>>, vector<1x1xf32>
    %get3A_2403 = vector.extract %get3A_2402[0, 0] : f32 from vector<1x1xf32>
    %broadcast_in_dim3A_2404 = vector.broadcast %get3A_2403 : f32 to vector<80x128xf32>
    %select_n3A_2405 = arith.select %eq3A_2379, %broadcast_in_dim3A_2404, %select_n3A_2376 : vector<80x128xi1>, vector<80x128xf32>
    %eq3A_2406 = arith.constant 32 : i32
    %eq3A_2407 = vector.broadcast %eq3A_2406 : i32 to vector<80x128xi32>
    %eq3A_2408 = arith.cmpi eq, %get3A_7, %eq3A_2407 : vector<80x128xi32>
    %jit3A_2409 = arith.constant 0.000000e+00 : f32
    %broadcast_in_dim3A_2410 = vector.broadcast %jit3A_2409 : f32 to vector<80x128xf32>
    %select_n3A_2411 = arith.select %eq3A_2408, %exp3A, %broadcast_in_dim3A_2410 : vector<80x128xi1>, vector<80x128xf32>
    %reduce_sum3A_2412 = vector.shape_cast %select_n3A_2411 : vector<80x128xf32> to vector<1x80x128xf32>
    %reduce_sum3A_2413 = arith.constant dense<0.000000e+00> : vector<1xf32>
    %reduce_sum3A_2414 = vector.multi_reduction <add>, %reduce_sum3A_2412, %reduce_sum3A_2413 [1, 2] : vector<1x80x128xf32> to vector<1xf32>
    %reduce_sum3A_2415 = vector.shape_cast %reduce_sum3A_2414 : vector<1xf32> to vector<1x1x1xf32>
    %reduce_sum3A_2416 = vector.extract %reduce_sum3A_2415[0, 0, 0] : f32 from vector<1x1x1xf32>
    %jit3A_2417 = arith.constant 0.000000e+00 : f32
    %broadcast_in_dim3A_2418 = vector.broadcast %jit3A_2417 : f32 to vector<80x128xf32>
    %select_n3A_2419 = arith.select %eq3A_2408, %exp3A_1478, %broadcast_in_dim3A_2418 : vector<80x128xi1>, vector<80x128xf32>
    %reduce_sum3A_2420 = vector.shape_cast %select_n3A_2419 : vector<80x128xf32> to vector<1x80x128xf32>
    %reduce_sum3A_2421 = arith.constant dense<0.000000e+00> : vector<1xf32>
    %reduce_sum3A_2422 = vector.multi_reduction <add>, %reduce_sum3A_2420, %reduce_sum3A_2421 [1, 2] : vector<1x80x128xf32> to vector<1xf32>
    %reduce_sum3A_2423 = vector.shape_cast %reduce_sum3A_2422 : vector<1xf32> to vector<1x1x1xf32>
    %reduce_sum3A_2424 = vector.extract %reduce_sum3A_2423[0, 0, 0] : f32 from vector<1x1x1xf32>
    %broadcast_in_dim3A_2425 = vector.broadcast %reduce_sum3A_2416 : f32 to vector<80x128xf32>
    %select_n3A_2426 = arith.select %eq3A_2408, %broadcast_in_dim3A_2425, %select_n3A_2397 : vector<80x128xi1>, vector<80x128xf32>
    %broadcast_in_dim3A_2427 = vector.broadcast %reduce_sum3A_2424 : f32 to vector<80x128xf32>
    %select_n3A_2428 = arith.select %eq3A_2408, %broadcast_in_dim3A_2427, %select_n3A_2399 : vector<80x128xi1>, vector<80x128xf32>
    %get3A_2429 = arith.constant 0 : index
    %get3A_2430 = arith.constant 32 : index
    %get3A_2431 = vector.load %arg3[%get3A_2429, %get3A_2430] : memref<1x128xf32, #tpu.memory_space<vmem>>, vector<1x1xf32>
    %get3A_2432 = vector.extract %get3A_2431[0, 0] : f32 from vector<1x1xf32>
    %broadcast_in_dim3A_2433 = vector.broadcast %get3A_2432 : f32 to vector<80x128xf32>
    %select_n3A_2434 = arith.select %eq3A_2408, %broadcast_in_dim3A_2433, %select_n3A_2405 : vector<80x128xi1>, vector<80x128xf32>
    %eq3A_2435 = arith.constant 33 : i32
    %eq3A_2436 = vector.broadcast %eq3A_2435 : i32 to vector<80x128xi32>
    %eq3A_2437 = arith.cmpi eq, %get3A_7, %eq3A_2436 : vector<80x128xi32>
    %jit3A_2438 = arith.constant 0.000000e+00 : f32
    %broadcast_in_dim3A_2439 = vector.broadcast %jit3A_2438 : f32 to vector<80x128xf32>
    %select_n3A_2440 = arith.select %eq3A_2437, %exp3A, %broadcast_in_dim3A_2439 : vector<80x128xi1>, vector<80x128xf32>
    %reduce_sum3A_2441 = vector.shape_cast %select_n3A_2440 : vector<80x128xf32> to vector<1x80x128xf32>
    %reduce_sum3A_2442 = arith.constant dense<0.000000e+00> : vector<1xf32>
    %reduce_sum3A_2443 = vector.multi_reduction <add>, %reduce_sum3A_2441, %reduce_sum3A_2442 [1, 2] : vector<1x80x128xf32> to vector<1xf32>
    %reduce_sum3A_2444 = vector.shape_cast %reduce_sum3A_2443 : vector<1xf32> to vector<1x1x1xf32>
    %reduce_sum3A_2445 = vector.extract %reduce_sum3A_2444[0, 0, 0] : f32 from vector<1x1x1xf32>
    %jit3A_2446 = arith.constant 0.000000e+00 : f32
    %broadcast_in_dim3A_2447 = vector.broadcast %jit3A_2446 : f32 to vector<80x128xf32>
    %select_n3A_2448 = arith.select %eq3A_2437, %exp3A_1478, %broadcast_in_dim3A_2447 : vector<80x128xi1>, vector<80x128xf32>
    %reduce_sum3A_2449 = vector.shape_cast %select_n3A_2448 : vector<80x128xf32> to vector<1x80x128xf32>
    %reduce_sum3A_2450 = arith.constant dense<0.000000e+00> : vector<1xf32>
    %reduce_sum3A_2451 = vector.multi_reduction <add>, %reduce_sum3A_2449, %reduce_sum3A_2450 [1, 2] : vector<1x80x128xf32> to vector<1xf32>
    %reduce_sum3A_2452 = vector.shape_cast %reduce_sum3A_2451 : vector<1xf32> to vector<1x1x1xf32>
    %reduce_sum3A_2453 = vector.extract %reduce_sum3A_2452[0, 0, 0] : f32 from vector<1x1x1xf32>
    %broadcast_in_dim3A_2454 = vector.broadcast %reduce_sum3A_2445 : f32 to vector<80x128xf32>
    %select_n3A_2455 = arith.select %eq3A_2437, %broadcast_in_dim3A_2454, %select_n3A_2426 : vector<80x128xi1>, vector<80x128xf32>
    %broadcast_in_dim3A_2456 = vector.broadcast %reduce_sum3A_2453 : f32 to vector<80x128xf32>
    %select_n3A_2457 = arith.select %eq3A_2437, %broadcast_in_dim3A_2456, %select_n3A_2428 : vector<80x128xi1>, vector<80x128xf32>
    %get3A_2458 = arith.constant 0 : index
    %get3A_2459 = arith.constant 33 : index
    %get3A_2460 = vector.load %arg3[%get3A_2458, %get3A_2459] : memref<1x128xf32, #tpu.memory_space<vmem>>, vector<1x1xf32>
    %get3A_2461 = vector.extract %get3A_2460[0, 0] : f32 from vector<1x1xf32>
    %broadcast_in_dim3A_2462 = vector.broadcast %get3A_2461 : f32 to vector<80x128xf32>
    %select_n3A_2463 = arith.select %eq3A_2437, %broadcast_in_dim3A_2462, %select_n3A_2434 : vector<80x128xi1>, vector<80x128xf32>
    %eq3A_2464 = arith.constant 34 : i32
    %eq3A_2465 = vector.broadcast %eq3A_2464 : i32 to vector<80x128xi32>
    %eq3A_2466 = arith.cmpi eq, %get3A_7, %eq3A_2465 : vector<80x128xi32>
    %jit3A_2467 = arith.constant 0.000000e+00 : f32
    %broadcast_in_dim3A_2468 = vector.broadcast %jit3A_2467 : f32 to vector<80x128xf32>
    %select_n3A_2469 = arith.select %eq3A_2466, %exp3A, %broadcast_in_dim3A_2468 : vector<80x128xi1>, vector<80x128xf32>
    %reduce_sum3A_2470 = vector.shape_cast %select_n3A_2469 : vector<80x128xf32> to vector<1x80x128xf32>
    %reduce_sum3A_2471 = arith.constant dense<0.000000e+00> : vector<1xf32>
    %reduce_sum3A_2472 = vector.multi_reduction <add>, %reduce_sum3A_2470, %reduce_sum3A_2471 [1, 2] : vector<1x80x128xf32> to vector<1xf32>
    %reduce_sum3A_2473 = vector.shape_cast %reduce_sum3A_2472 : vector<1xf32> to vector<1x1x1xf32>
    %reduce_sum3A_2474 = vector.extract %reduce_sum3A_2473[0, 0, 0] : f32 from vector<1x1x1xf32>
    %jit3A_2475 = arith.constant 0.000000e+00 : f32
    %broadcast_in_dim3A_2476 = vector.broadcast %jit3A_2475 : f32 to vector<80x128xf32>
    %select_n3A_2477 = arith.select %eq3A_2466, %exp3A_1478, %broadcast_in_dim3A_2476 : vector<80x128xi1>, vector<80x128xf32>
    %reduce_sum3A_2478 = vector.shape_cast %select_n3A_2477 : vector<80x128xf32> to vector<1x80x128xf32>
    %reduce_sum3A_2479 = arith.constant dense<0.000000e+00> : vector<1xf32>
    %reduce_sum3A_2480 = vector.multi_reduction <add>, %reduce_sum3A_2478, %reduce_sum3A_2479 [1, 2] : vector<1x80x128xf32> to vector<1xf32>
    %reduce_sum3A_2481 = vector.shape_cast %reduce_sum3A_2480 : vector<1xf32> to vector<1x1x1xf32>
    %reduce_sum3A_2482 = vector.extract %reduce_sum3A_2481[0, 0, 0] : f32 from vector<1x1x1xf32>
    %broadcast_in_dim3A_2483 = vector.broadcast %reduce_sum3A_2474 : f32 to vector<80x128xf32>
    %select_n3A_2484 = arith.select %eq3A_2466, %broadcast_in_dim3A_2483, %select_n3A_2455 : vector<80x128xi1>, vector<80x128xf32>
    %broadcast_in_dim3A_2485 = vector.broadcast %reduce_sum3A_2482 : f32 to vector<80x128xf32>
    %select_n3A_2486 = arith.select %eq3A_2466, %broadcast_in_dim3A_2485, %select_n3A_2457 : vector<80x128xi1>, vector<80x128xf32>
    %get3A_2487 = arith.constant 0 : index
    %get3A_2488 = arith.constant 34 : index
    %get3A_2489 = vector.load %arg3[%get3A_2487, %get3A_2488] : memref<1x128xf32, #tpu.memory_space<vmem>>, vector<1x1xf32>
    %get3A_2490 = vector.extract %get3A_2489[0, 0] : f32 from vector<1x1xf32>
    %broadcast_in_dim3A_2491 = vector.broadcast %get3A_2490 : f32 to vector<80x128xf32>
    %select_n3A_2492 = arith.select %eq3A_2466, %broadcast_in_dim3A_2491, %select_n3A_2463 : vector<80x128xi1>, vector<80x128xf32>
    %eq3A_2493 = arith.constant 35 : i32
    %eq3A_2494 = vector.broadcast %eq3A_2493 : i32 to vector<80x128xi32>
    %eq3A_2495 = arith.cmpi eq, %get3A_7, %eq3A_2494 : vector<80x128xi32>
    %jit3A_2496 = arith.constant 0.000000e+00 : f32
    %broadcast_in_dim3A_2497 = vector.broadcast %jit3A_2496 : f32 to vector<80x128xf32>
    %select_n3A_2498 = arith.select %eq3A_2495, %exp3A, %broadcast_in_dim3A_2497 : vector<80x128xi1>, vector<80x128xf32>
    %reduce_sum3A_2499 = vector.shape_cast %select_n3A_2498 : vector<80x128xf32> to vector<1x80x128xf32>
    %reduce_sum3A_2500 = arith.constant dense<0.000000e+00> : vector<1xf32>
    %reduce_sum3A_2501 = vector.multi_reduction <add>, %reduce_sum3A_2499, %reduce_sum3A_2500 [1, 2] : vector<1x80x128xf32> to vector<1xf32>
    %reduce_sum3A_2502 = vector.shape_cast %reduce_sum3A_2501 : vector<1xf32> to vector<1x1x1xf32>
    %reduce_sum3A_2503 = vector.extract %reduce_sum3A_2502[0, 0, 0] : f32 from vector<1x1x1xf32>
    %jit3A_2504 = arith.constant 0.000000e+00 : f32
    %broadcast_in_dim3A_2505 = vector.broadcast %jit3A_2504 : f32 to vector<80x128xf32>
    %select_n3A_2506 = arith.select %eq3A_2495, %exp3A_1478, %broadcast_in_dim3A_2505 : vector<80x128xi1>, vector<80x128xf32>
    %reduce_sum3A_2507 = vector.shape_cast %select_n3A_2506 : vector<80x128xf32> to vector<1x80x128xf32>
    %reduce_sum3A_2508 = arith.constant dense<0.000000e+00> : vector<1xf32>
    %reduce_sum3A_2509 = vector.multi_reduction <add>, %reduce_sum3A_2507, %reduce_sum3A_2508 [1, 2] : vector<1x80x128xf32> to vector<1xf32>
    %reduce_sum3A_2510 = vector.shape_cast %reduce_sum3A_2509 : vector<1xf32> to vector<1x1x1xf32>
    %reduce_sum3A_2511 = vector.extract %reduce_sum3A_2510[0, 0, 0] : f32 from vector<1x1x1xf32>
    %broadcast_in_dim3A_2512 = vector.broadcast %reduce_sum3A_2503 : f32 to vector<80x128xf32>
    %select_n3A_2513 = arith.select %eq3A_2495, %broadcast_in_dim3A_2512, %select_n3A_2484 : vector<80x128xi1>, vector<80x128xf32>
    %broadcast_in_dim3A_2514 = vector.broadcast %reduce_sum3A_2511 : f32 to vector<80x128xf32>
    %select_n3A_2515 = arith.select %eq3A_2495, %broadcast_in_dim3A_2514, %select_n3A_2486 : vector<80x128xi1>, vector<80x128xf32>
    %get3A_2516 = arith.constant 0 : index
    %get3A_2517 = arith.constant 35 : index
    %get3A_2518 = vector.load %arg3[%get3A_2516, %get3A_2517] : memref<1x128xf32, #tpu.memory_space<vmem>>, vector<1x1xf32>
    %get3A_2519 = vector.extract %get3A_2518[0, 0] : f32 from vector<1x1xf32>
    %broadcast_in_dim3A_2520 = vector.broadcast %get3A_2519 : f32 to vector<80x128xf32>
    %select_n3A_2521 = arith.select %eq3A_2495, %broadcast_in_dim3A_2520, %select_n3A_2492 : vector<80x128xi1>, vector<80x128xf32>
    %eq3A_2522 = arith.constant 36 : i32
    %eq3A_2523 = vector.broadcast %eq3A_2522 : i32 to vector<80x128xi32>
    %eq3A_2524 = arith.cmpi eq, %get3A_7, %eq3A_2523 : vector<80x128xi32>
    %jit3A_2525 = arith.constant 0.000000e+00 : f32
    %broadcast_in_dim3A_2526 = vector.broadcast %jit3A_2525 : f32 to vector<80x128xf32>
    %select_n3A_2527 = arith.select %eq3A_2524, %exp3A, %broadcast_in_dim3A_2526 : vector<80x128xi1>, vector<80x128xf32>
    %reduce_sum3A_2528 = vector.shape_cast %select_n3A_2527 : vector<80x128xf32> to vector<1x80x128xf32>
    %reduce_sum3A_2529 = arith.constant dense<0.000000e+00> : vector<1xf32>
    %reduce_sum3A_2530 = vector.multi_reduction <add>, %reduce_sum3A_2528, %reduce_sum3A_2529 [1, 2] : vector<1x80x128xf32> to vector<1xf32>
    %reduce_sum3A_2531 = vector.shape_cast %reduce_sum3A_2530 : vector<1xf32> to vector<1x1x1xf32>
    %reduce_sum3A_2532 = vector.extract %reduce_sum3A_2531[0, 0, 0] : f32 from vector<1x1x1xf32>
    %jit3A_2533 = arith.constant 0.000000e+00 : f32
    %broadcast_in_dim3A_2534 = vector.broadcast %jit3A_2533 : f32 to vector<80x128xf32>
    %select_n3A_2535 = arith.select %eq3A_2524, %exp3A_1478, %broadcast_in_dim3A_2534 : vector<80x128xi1>, vector<80x128xf32>
    %reduce_sum3A_2536 = vector.shape_cast %select_n3A_2535 : vector<80x128xf32> to vector<1x80x128xf32>
    %reduce_sum3A_2537 = arith.constant dense<0.000000e+00> : vector<1xf32>
    %reduce_sum3A_2538 = vector.multi_reduction <add>, %reduce_sum3A_2536, %reduce_sum3A_2537 [1, 2] : vector<1x80x128xf32> to vector<1xf32>
    %reduce_sum3A_2539 = vector.shape_cast %reduce_sum3A_2538 : vector<1xf32> to vector<1x1x1xf32>
    %reduce_sum3A_2540 = vector.extract %reduce_sum3A_2539[0, 0, 0] : f32 from vector<1x1x1xf32>
    %broadcast_in_dim3A_2541 = vector.broadcast %reduce_sum3A_2532 : f32 to vector<80x128xf32>
    %select_n3A_2542 = arith.select %eq3A_2524, %broadcast_in_dim3A_2541, %select_n3A_2513 : vector<80x128xi1>, vector<80x128xf32>
    %broadcast_in_dim3A_2543 = vector.broadcast %reduce_sum3A_2540 : f32 to vector<80x128xf32>
    %select_n3A_2544 = arith.select %eq3A_2524, %broadcast_in_dim3A_2543, %select_n3A_2515 : vector<80x128xi1>, vector<80x128xf32>
    %get3A_2545 = arith.constant 0 : index
    %get3A_2546 = arith.constant 36 : index
    %get3A_2547 = vector.load %arg3[%get3A_2545, %get3A_2546] : memref<1x128xf32, #tpu.memory_space<vmem>>, vector<1x1xf32>
    %get3A_2548 = vector.extract %get3A_2547[0, 0] : f32 from vector<1x1xf32>
    %broadcast_in_dim3A_2549 = vector.broadcast %get3A_2548 : f32 to vector<80x128xf32>
    %select_n3A_2550 = arith.select %eq3A_2524, %broadcast_in_dim3A_2549, %select_n3A_2521 : vector<80x128xi1>, vector<80x128xf32>
    %eq3A_2551 = arith.constant 37 : i32
    %eq3A_2552 = vector.broadcast %eq3A_2551 : i32 to vector<80x128xi32>
    %eq3A_2553 = arith.cmpi eq, %get3A_7, %eq3A_2552 : vector<80x128xi32>
    %jit3A_2554 = arith.constant 0.000000e+00 : f32
    %broadcast_in_dim3A_2555 = vector.broadcast %jit3A_2554 : f32 to vector<80x128xf32>
    %select_n3A_2556 = arith.select %eq3A_2553, %exp3A, %broadcast_in_dim3A_2555 : vector<80x128xi1>, vector<80x128xf32>
    %reduce_sum3A_2557 = vector.shape_cast %select_n3A_2556 : vector<80x128xf32> to vector<1x80x128xf32>
    %reduce_sum3A_2558 = arith.constant dense<0.000000e+00> : vector<1xf32>
    %reduce_sum3A_2559 = vector.multi_reduction <add>, %reduce_sum3A_2557, %reduce_sum3A_2558 [1, 2] : vector<1x80x128xf32> to vector<1xf32>
    %reduce_sum3A_2560 = vector.shape_cast %reduce_sum3A_2559 : vector<1xf32> to vector<1x1x1xf32>
    %reduce_sum3A_2561 = vector.extract %reduce_sum3A_2560[0, 0, 0] : f32 from vector<1x1x1xf32>
    %jit3A_2562 = arith.constant 0.000000e+00 : f32
    %broadcast_in_dim3A_2563 = vector.broadcast %jit3A_2562 : f32 to vector<80x128xf32>
    %select_n3A_2564 = arith.select %eq3A_2553, %exp3A_1478, %broadcast_in_dim3A_2563 : vector<80x128xi1>, vector<80x128xf32>
    %reduce_sum3A_2565 = vector.shape_cast %select_n3A_2564 : vector<80x128xf32> to vector<1x80x128xf32>
    %reduce_sum3A_2566 = arith.constant dense<0.000000e+00> : vector<1xf32>
    %reduce_sum3A_2567 = vector.multi_reduction <add>, %reduce_sum3A_2565, %reduce_sum3A_2566 [1, 2] : vector<1x80x128xf32> to vector<1xf32>
    %reduce_sum3A_2568 = vector.shape_cast %reduce_sum3A_2567 : vector<1xf32> to vector<1x1x1xf32>
    %reduce_sum3A_2569 = vector.extract %reduce_sum3A_2568[0, 0, 0] : f32 from vector<1x1x1xf32>
    %broadcast_in_dim3A_2570 = vector.broadcast %reduce_sum3A_2561 : f32 to vector<80x128xf32>
    %select_n3A_2571 = arith.select %eq3A_2553, %broadcast_in_dim3A_2570, %select_n3A_2542 : vector<80x128xi1>, vector<80x128xf32>
    %broadcast_in_dim3A_2572 = vector.broadcast %reduce_sum3A_2569 : f32 to vector<80x128xf32>
    %select_n3A_2573 = arith.select %eq3A_2553, %broadcast_in_dim3A_2572, %select_n3A_2544 : vector<80x128xi1>, vector<80x128xf32>
    %get3A_2574 = arith.constant 0 : index
    %get3A_2575 = arith.constant 37 : index
    %get3A_2576 = vector.load %arg3[%get3A_2574, %get3A_2575] : memref<1x128xf32, #tpu.memory_space<vmem>>, vector<1x1xf32>
    %get3A_2577 = vector.extract %get3A_2576[0, 0] : f32 from vector<1x1xf32>
    %broadcast_in_dim3A_2578 = vector.broadcast %get3A_2577 : f32 to vector<80x128xf32>
    %select_n3A_2579 = arith.select %eq3A_2553, %broadcast_in_dim3A_2578, %select_n3A_2550 : vector<80x128xi1>, vector<80x128xf32>
    %eq3A_2580 = arith.constant 38 : i32
    %eq3A_2581 = vector.broadcast %eq3A_2580 : i32 to vector<80x128xi32>
    %eq3A_2582 = arith.cmpi eq, %get3A_7, %eq3A_2581 : vector<80x128xi32>
    %jit3A_2583 = arith.constant 0.000000e+00 : f32
    %broadcast_in_dim3A_2584 = vector.broadcast %jit3A_2583 : f32 to vector<80x128xf32>
    %select_n3A_2585 = arith.select %eq3A_2582, %exp3A, %broadcast_in_dim3A_2584 : vector<80x128xi1>, vector<80x128xf32>
    %reduce_sum3A_2586 = vector.shape_cast %select_n3A_2585 : vector<80x128xf32> to vector<1x80x128xf32>
    %reduce_sum3A_2587 = arith.constant dense<0.000000e+00> : vector<1xf32>
    %reduce_sum3A_2588 = vector.multi_reduction <add>, %reduce_sum3A_2586, %reduce_sum3A_2587 [1, 2] : vector<1x80x128xf32> to vector<1xf32>
    %reduce_sum3A_2589 = vector.shape_cast %reduce_sum3A_2588 : vector<1xf32> to vector<1x1x1xf32>
    %reduce_sum3A_2590 = vector.extract %reduce_sum3A_2589[0, 0, 0] : f32 from vector<1x1x1xf32>
    %jit3A_2591 = arith.constant 0.000000e+00 : f32
    %broadcast_in_dim3A_2592 = vector.broadcast %jit3A_2591 : f32 to vector<80x128xf32>
    %select_n3A_2593 = arith.select %eq3A_2582, %exp3A_1478, %broadcast_in_dim3A_2592 : vector<80x128xi1>, vector<80x128xf32>
    %reduce_sum3A_2594 = vector.shape_cast %select_n3A_2593 : vector<80x128xf32> to vector<1x80x128xf32>
    %reduce_sum3A_2595 = arith.constant dense<0.000000e+00> : vector<1xf32>
    %reduce_sum3A_2596 = vector.multi_reduction <add>, %reduce_sum3A_2594, %reduce_sum3A_2595 [1, 2] : vector<1x80x128xf32> to vector<1xf32>
    %reduce_sum3A_2597 = vector.shape_cast %reduce_sum3A_2596 : vector<1xf32> to vector<1x1x1xf32>
    %reduce_sum3A_2598 = vector.extract %reduce_sum3A_2597[0, 0, 0] : f32 from vector<1x1x1xf32>
    %broadcast_in_dim3A_2599 = vector.broadcast %reduce_sum3A_2590 : f32 to vector<80x128xf32>
    %select_n3A_2600 = arith.select %eq3A_2582, %broadcast_in_dim3A_2599, %select_n3A_2571 : vector<80x128xi1>, vector<80x128xf32>
    %broadcast_in_dim3A_2601 = vector.broadcast %reduce_sum3A_2598 : f32 to vector<80x128xf32>
    %select_n3A_2602 = arith.select %eq3A_2582, %broadcast_in_dim3A_2601, %select_n3A_2573 : vector<80x128xi1>, vector<80x128xf32>
    %get3A_2603 = arith.constant 0 : index
    %get3A_2604 = arith.constant 38 : index
    %get3A_2605 = vector.load %arg3[%get3A_2603, %get3A_2604] : memref<1x128xf32, #tpu.memory_space<vmem>>, vector<1x1xf32>
    %get3A_2606 = vector.extract %get3A_2605[0, 0] : f32 from vector<1x1xf32>
    %broadcast_in_dim3A_2607 = vector.broadcast %get3A_2606 : f32 to vector<80x128xf32>
    %select_n3A_2608 = arith.select %eq3A_2582, %broadcast_in_dim3A_2607, %select_n3A_2579 : vector<80x128xi1>, vector<80x128xf32>
    %eq3A_2609 = arith.constant 39 : i32
    %eq3A_2610 = vector.broadcast %eq3A_2609 : i32 to vector<80x128xi32>
    %eq3A_2611 = arith.cmpi eq, %get3A_7, %eq3A_2610 : vector<80x128xi32>
    %jit3A_2612 = arith.constant 0.000000e+00 : f32
    %broadcast_in_dim3A_2613 = vector.broadcast %jit3A_2612 : f32 to vector<80x128xf32>
    %select_n3A_2614 = arith.select %eq3A_2611, %exp3A, %broadcast_in_dim3A_2613 : vector<80x128xi1>, vector<80x128xf32>
    %reduce_sum3A_2615 = vector.shape_cast %select_n3A_2614 : vector<80x128xf32> to vector<1x80x128xf32>
    %reduce_sum3A_2616 = arith.constant dense<0.000000e+00> : vector<1xf32>
    %reduce_sum3A_2617 = vector.multi_reduction <add>, %reduce_sum3A_2615, %reduce_sum3A_2616 [1, 2] : vector<1x80x128xf32> to vector<1xf32>
    %reduce_sum3A_2618 = vector.shape_cast %reduce_sum3A_2617 : vector<1xf32> to vector<1x1x1xf32>
    %reduce_sum3A_2619 = vector.extract %reduce_sum3A_2618[0, 0, 0] : f32 from vector<1x1x1xf32>
    %jit3A_2620 = arith.constant 0.000000e+00 : f32
    %broadcast_in_dim3A_2621 = vector.broadcast %jit3A_2620 : f32 to vector<80x128xf32>
    %select_n3A_2622 = arith.select %eq3A_2611, %exp3A_1478, %broadcast_in_dim3A_2621 : vector<80x128xi1>, vector<80x128xf32>
    %reduce_sum3A_2623 = vector.shape_cast %select_n3A_2622 : vector<80x128xf32> to vector<1x80x128xf32>
    %reduce_sum3A_2624 = arith.constant dense<0.000000e+00> : vector<1xf32>
    %reduce_sum3A_2625 = vector.multi_reduction <add>, %reduce_sum3A_2623, %reduce_sum3A_2624 [1, 2] : vector<1x80x128xf32> to vector<1xf32>
    %reduce_sum3A_2626 = vector.shape_cast %reduce_sum3A_2625 : vector<1xf32> to vector<1x1x1xf32>
    %reduce_sum3A_2627 = vector.extract %reduce_sum3A_2626[0, 0, 0] : f32 from vector<1x1x1xf32>
    %broadcast_in_dim3A_2628 = vector.broadcast %reduce_sum3A_2619 : f32 to vector<80x128xf32>
    %select_n3A_2629 = arith.select %eq3A_2611, %broadcast_in_dim3A_2628, %select_n3A_2600 : vector<80x128xi1>, vector<80x128xf32>
    %broadcast_in_dim3A_2630 = vector.broadcast %reduce_sum3A_2627 : f32 to vector<80x128xf32>
    %select_n3A_2631 = arith.select %eq3A_2611, %broadcast_in_dim3A_2630, %select_n3A_2602 : vector<80x128xi1>, vector<80x128xf32>
    %get3A_2632 = arith.constant 0 : index
    %get3A_2633 = arith.constant 39 : index
    %get3A_2634 = vector.load %arg3[%get3A_2632, %get3A_2633] : memref<1x128xf32, #tpu.memory_space<vmem>>, vector<1x1xf32>
    %get3A_2635 = vector.extract %get3A_2634[0, 0] : f32 from vector<1x1xf32>
    %broadcast_in_dim3A_2636 = vector.broadcast %get3A_2635 : f32 to vector<80x128xf32>
    %select_n3A_2637 = arith.select %eq3A_2611, %broadcast_in_dim3A_2636, %select_n3A_2608 : vector<80x128xi1>, vector<80x128xf32>
    %eq3A_2638 = arith.constant 40 : i32
    %eq3A_2639 = vector.broadcast %eq3A_2638 : i32 to vector<80x128xi32>
    %eq3A_2640 = arith.cmpi eq, %get3A_7, %eq3A_2639 : vector<80x128xi32>
    %jit3A_2641 = arith.constant 0.000000e+00 : f32
    %broadcast_in_dim3A_2642 = vector.broadcast %jit3A_2641 : f32 to vector<80x128xf32>
    %select_n3A_2643 = arith.select %eq3A_2640, %exp3A, %broadcast_in_dim3A_2642 : vector<80x128xi1>, vector<80x128xf32>
    %reduce_sum3A_2644 = vector.shape_cast %select_n3A_2643 : vector<80x128xf32> to vector<1x80x128xf32>
    %reduce_sum3A_2645 = arith.constant dense<0.000000e+00> : vector<1xf32>
    %reduce_sum3A_2646 = vector.multi_reduction <add>, %reduce_sum3A_2644, %reduce_sum3A_2645 [1, 2] : vector<1x80x128xf32> to vector<1xf32>
    %reduce_sum3A_2647 = vector.shape_cast %reduce_sum3A_2646 : vector<1xf32> to vector<1x1x1xf32>
    %reduce_sum3A_2648 = vector.extract %reduce_sum3A_2647[0, 0, 0] : f32 from vector<1x1x1xf32>
    %jit3A_2649 = arith.constant 0.000000e+00 : f32
    %broadcast_in_dim3A_2650 = vector.broadcast %jit3A_2649 : f32 to vector<80x128xf32>
    %select_n3A_2651 = arith.select %eq3A_2640, %exp3A_1478, %broadcast_in_dim3A_2650 : vector<80x128xi1>, vector<80x128xf32>
    %reduce_sum3A_2652 = vector.shape_cast %select_n3A_2651 : vector<80x128xf32> to vector<1x80x128xf32>
    %reduce_sum3A_2653 = arith.constant dense<0.000000e+00> : vector<1xf32>
    %reduce_sum3A_2654 = vector.multi_reduction <add>, %reduce_sum3A_2652, %reduce_sum3A_2653 [1, 2] : vector<1x80x128xf32> to vector<1xf32>
    %reduce_sum3A_2655 = vector.shape_cast %reduce_sum3A_2654 : vector<1xf32> to vector<1x1x1xf32>
    %reduce_sum3A_2656 = vector.extract %reduce_sum3A_2655[0, 0, 0] : f32 from vector<1x1x1xf32>
    %broadcast_in_dim3A_2657 = vector.broadcast %reduce_sum3A_2648 : f32 to vector<80x128xf32>
    %select_n3A_2658 = arith.select %eq3A_2640, %broadcast_in_dim3A_2657, %select_n3A_2629 : vector<80x128xi1>, vector<80x128xf32>
    %broadcast_in_dim3A_2659 = vector.broadcast %reduce_sum3A_2656 : f32 to vector<80x128xf32>
    %select_n3A_2660 = arith.select %eq3A_2640, %broadcast_in_dim3A_2659, %select_n3A_2631 : vector<80x128xi1>, vector<80x128xf32>
    %get3A_2661 = arith.constant 0 : index
    %get3A_2662 = arith.constant 40 : index
    %get3A_2663 = vector.load %arg3[%get3A_2661, %get3A_2662] : memref<1x128xf32, #tpu.memory_space<vmem>>, vector<1x1xf32>
    %get3A_2664 = vector.extract %get3A_2663[0, 0] : f32 from vector<1x1xf32>
    %broadcast_in_dim3A_2665 = vector.broadcast %get3A_2664 : f32 to vector<80x128xf32>
    %select_n3A_2666 = arith.select %eq3A_2640, %broadcast_in_dim3A_2665, %select_n3A_2637 : vector<80x128xi1>, vector<80x128xf32>
    %eq3A_2667 = arith.constant 41 : i32
    %eq3A_2668 = vector.broadcast %eq3A_2667 : i32 to vector<80x128xi32>
    %eq3A_2669 = arith.cmpi eq, %get3A_7, %eq3A_2668 : vector<80x128xi32>
    %jit3A_2670 = arith.constant 0.000000e+00 : f32
    %broadcast_in_dim3A_2671 = vector.broadcast %jit3A_2670 : f32 to vector<80x128xf32>
    %select_n3A_2672 = arith.select %eq3A_2669, %exp3A, %broadcast_in_dim3A_2671 : vector<80x128xi1>, vector<80x128xf32>
    %reduce_sum3A_2673 = vector.shape_cast %select_n3A_2672 : vector<80x128xf32> to vector<1x80x128xf32>
    %reduce_sum3A_2674 = arith.constant dense<0.000000e+00> : vector<1xf32>
    %reduce_sum3A_2675 = vector.multi_reduction <add>, %reduce_sum3A_2673, %reduce_sum3A_2674 [1, 2] : vector<1x80x128xf32> to vector<1xf32>
    %reduce_sum3A_2676 = vector.shape_cast %reduce_sum3A_2675 : vector<1xf32> to vector<1x1x1xf32>
    %reduce_sum3A_2677 = vector.extract %reduce_sum3A_2676[0, 0, 0] : f32 from vector<1x1x1xf32>
    %jit3A_2678 = arith.constant 0.000000e+00 : f32
    %broadcast_in_dim3A_2679 = vector.broadcast %jit3A_2678 : f32 to vector<80x128xf32>
    %select_n3A_2680 = arith.select %eq3A_2669, %exp3A_1478, %broadcast_in_dim3A_2679 : vector<80x128xi1>, vector<80x128xf32>
    %reduce_sum3A_2681 = vector.shape_cast %select_n3A_2680 : vector<80x128xf32> to vector<1x80x128xf32>
    %reduce_sum3A_2682 = arith.constant dense<0.000000e+00> : vector<1xf32>
    %reduce_sum3A_2683 = vector.multi_reduction <add>, %reduce_sum3A_2681, %reduce_sum3A_2682 [1, 2] : vector<1x80x128xf32> to vector<1xf32>
    %reduce_sum3A_2684 = vector.shape_cast %reduce_sum3A_2683 : vector<1xf32> to vector<1x1x1xf32>
    %reduce_sum3A_2685 = vector.extract %reduce_sum3A_2684[0, 0, 0] : f32 from vector<1x1x1xf32>
    %broadcast_in_dim3A_2686 = vector.broadcast %reduce_sum3A_2677 : f32 to vector<80x128xf32>
    %select_n3A_2687 = arith.select %eq3A_2669, %broadcast_in_dim3A_2686, %select_n3A_2658 : vector<80x128xi1>, vector<80x128xf32>
    %broadcast_in_dim3A_2688 = vector.broadcast %reduce_sum3A_2685 : f32 to vector<80x128xf32>
    %select_n3A_2689 = arith.select %eq3A_2669, %broadcast_in_dim3A_2688, %select_n3A_2660 : vector<80x128xi1>, vector<80x128xf32>
    %get3A_2690 = arith.constant 0 : index
    %get3A_2691 = arith.constant 41 : index
    %get3A_2692 = vector.load %arg3[%get3A_2690, %get3A_2691] : memref<1x128xf32, #tpu.memory_space<vmem>>, vector<1x1xf32>
    %get3A_2693 = vector.extract %get3A_2692[0, 0] : f32 from vector<1x1xf32>
    %broadcast_in_dim3A_2694 = vector.broadcast %get3A_2693 : f32 to vector<80x128xf32>
    %select_n3A_2695 = arith.select %eq3A_2669, %broadcast_in_dim3A_2694, %select_n3A_2666 : vector<80x128xi1>, vector<80x128xf32>
    %eq3A_2696 = arith.constant 42 : i32
    %eq3A_2697 = vector.broadcast %eq3A_2696 : i32 to vector<80x128xi32>
    %eq3A_2698 = arith.cmpi eq, %get3A_7, %eq3A_2697 : vector<80x128xi32>
    %jit3A_2699 = arith.constant 0.000000e+00 : f32
    %broadcast_in_dim3A_2700 = vector.broadcast %jit3A_2699 : f32 to vector<80x128xf32>
    %select_n3A_2701 = arith.select %eq3A_2698, %exp3A, %broadcast_in_dim3A_2700 : vector<80x128xi1>, vector<80x128xf32>
    %reduce_sum3A_2702 = vector.shape_cast %select_n3A_2701 : vector<80x128xf32> to vector<1x80x128xf32>
    %reduce_sum3A_2703 = arith.constant dense<0.000000e+00> : vector<1xf32>
    %reduce_sum3A_2704 = vector.multi_reduction <add>, %reduce_sum3A_2702, %reduce_sum3A_2703 [1, 2] : vector<1x80x128xf32> to vector<1xf32>
    %reduce_sum3A_2705 = vector.shape_cast %reduce_sum3A_2704 : vector<1xf32> to vector<1x1x1xf32>
    %reduce_sum3A_2706 = vector.extract %reduce_sum3A_2705[0, 0, 0] : f32 from vector<1x1x1xf32>
    %jit3A_2707 = arith.constant 0.000000e+00 : f32
    %broadcast_in_dim3A_2708 = vector.broadcast %jit3A_2707 : f32 to vector<80x128xf32>
    %select_n3A_2709 = arith.select %eq3A_2698, %exp3A_1478, %broadcast_in_dim3A_2708 : vector<80x128xi1>, vector<80x128xf32>
    %reduce_sum3A_2710 = vector.shape_cast %select_n3A_2709 : vector<80x128xf32> to vector<1x80x128xf32>
    %reduce_sum3A_2711 = arith.constant dense<0.000000e+00> : vector<1xf32>
    %reduce_sum3A_2712 = vector.multi_reduction <add>, %reduce_sum3A_2710, %reduce_sum3A_2711 [1, 2] : vector<1x80x128xf32> to vector<1xf32>
    %reduce_sum3A_2713 = vector.shape_cast %reduce_sum3A_2712 : vector<1xf32> to vector<1x1x1xf32>
    %reduce_sum3A_2714 = vector.extract %reduce_sum3A_2713[0, 0, 0] : f32 from vector<1x1x1xf32>
    %broadcast_in_dim3A_2715 = vector.broadcast %reduce_sum3A_2706 : f32 to vector<80x128xf32>
    %select_n3A_2716 = arith.select %eq3A_2698, %broadcast_in_dim3A_2715, %select_n3A_2687 : vector<80x128xi1>, vector<80x128xf32>
    %broadcast_in_dim3A_2717 = vector.broadcast %reduce_sum3A_2714 : f32 to vector<80x128xf32>
    %select_n3A_2718 = arith.select %eq3A_2698, %broadcast_in_dim3A_2717, %select_n3A_2689 : vector<80x128xi1>, vector<80x128xf32>
    %get3A_2719 = arith.constant 0 : index
    %get3A_2720 = arith.constant 42 : index
    %get3A_2721 = vector.load %arg3[%get3A_2719, %get3A_2720] : memref<1x128xf32, #tpu.memory_space<vmem>>, vector<1x1xf32>
    %get3A_2722 = vector.extract %get3A_2721[0, 0] : f32 from vector<1x1xf32>
    %broadcast_in_dim3A_2723 = vector.broadcast %get3A_2722 : f32 to vector<80x128xf32>
    %select_n3A_2724 = arith.select %eq3A_2698, %broadcast_in_dim3A_2723, %select_n3A_2695 : vector<80x128xi1>, vector<80x128xf32>
    %eq3A_2725 = arith.constant 43 : i32
    %eq3A_2726 = vector.broadcast %eq3A_2725 : i32 to vector<80x128xi32>
    %eq3A_2727 = arith.cmpi eq, %get3A_7, %eq3A_2726 : vector<80x128xi32>
    %jit3A_2728 = arith.constant 0.000000e+00 : f32
    %broadcast_in_dim3A_2729 = vector.broadcast %jit3A_2728 : f32 to vector<80x128xf32>
    %select_n3A_2730 = arith.select %eq3A_2727, %exp3A, %broadcast_in_dim3A_2729 : vector<80x128xi1>, vector<80x128xf32>
    %reduce_sum3A_2731 = vector.shape_cast %select_n3A_2730 : vector<80x128xf32> to vector<1x80x128xf32>
    %reduce_sum3A_2732 = arith.constant dense<0.000000e+00> : vector<1xf32>
    %reduce_sum3A_2733 = vector.multi_reduction <add>, %reduce_sum3A_2731, %reduce_sum3A_2732 [1, 2] : vector<1x80x128xf32> to vector<1xf32>
    %reduce_sum3A_2734 = vector.shape_cast %reduce_sum3A_2733 : vector<1xf32> to vector<1x1x1xf32>
    %reduce_sum3A_2735 = vector.extract %reduce_sum3A_2734[0, 0, 0] : f32 from vector<1x1x1xf32>
    %jit3A_2736 = arith.constant 0.000000e+00 : f32
    %broadcast_in_dim3A_2737 = vector.broadcast %jit3A_2736 : f32 to vector<80x128xf32>
    %select_n3A_2738 = arith.select %eq3A_2727, %exp3A_1478, %broadcast_in_dim3A_2737 : vector<80x128xi1>, vector<80x128xf32>
    %reduce_sum3A_2739 = vector.shape_cast %select_n3A_2738 : vector<80x128xf32> to vector<1x80x128xf32>
    %reduce_sum3A_2740 = arith.constant dense<0.000000e+00> : vector<1xf32>
    %reduce_sum3A_2741 = vector.multi_reduction <add>, %reduce_sum3A_2739, %reduce_sum3A_2740 [1, 2] : vector<1x80x128xf32> to vector<1xf32>
    %reduce_sum3A_2742 = vector.shape_cast %reduce_sum3A_2741 : vector<1xf32> to vector<1x1x1xf32>
    %reduce_sum3A_2743 = vector.extract %reduce_sum3A_2742[0, 0, 0] : f32 from vector<1x1x1xf32>
    %broadcast_in_dim3A_2744 = vector.broadcast %reduce_sum3A_2735 : f32 to vector<80x128xf32>
    %select_n3A_2745 = arith.select %eq3A_2727, %broadcast_in_dim3A_2744, %select_n3A_2716 : vector<80x128xi1>, vector<80x128xf32>
    %broadcast_in_dim3A_2746 = vector.broadcast %reduce_sum3A_2743 : f32 to vector<80x128xf32>
    %select_n3A_2747 = arith.select %eq3A_2727, %broadcast_in_dim3A_2746, %select_n3A_2718 : vector<80x128xi1>, vector<80x128xf32>
    %get3A_2748 = arith.constant 0 : index
    %get3A_2749 = arith.constant 43 : index
    %get3A_2750 = vector.load %arg3[%get3A_2748, %get3A_2749] : memref<1x128xf32, #tpu.memory_space<vmem>>, vector<1x1xf32>
    %get3A_2751 = vector.extract %get3A_2750[0, 0] : f32 from vector<1x1xf32>
    %broadcast_in_dim3A_2752 = vector.broadcast %get3A_2751 : f32 to vector<80x128xf32>
    %select_n3A_2753 = arith.select %eq3A_2727, %broadcast_in_dim3A_2752, %select_n3A_2724 : vector<80x128xi1>, vector<80x128xf32>
    %eq3A_2754 = arith.constant 44 : i32
    %eq3A_2755 = vector.broadcast %eq3A_2754 : i32 to vector<80x128xi32>
    %eq3A_2756 = arith.cmpi eq, %get3A_7, %eq3A_2755 : vector<80x128xi32>
    %jit3A_2757 = arith.constant 0.000000e+00 : f32
    %broadcast_in_dim3A_2758 = vector.broadcast %jit3A_2757 : f32 to vector<80x128xf32>
    %select_n3A_2759 = arith.select %eq3A_2756, %exp3A, %broadcast_in_dim3A_2758 : vector<80x128xi1>, vector<80x128xf32>
    %reduce_sum3A_2760 = vector.shape_cast %select_n3A_2759 : vector<80x128xf32> to vector<1x80x128xf32>
    %reduce_sum3A_2761 = arith.constant dense<0.000000e+00> : vector<1xf32>
    %reduce_sum3A_2762 = vector.multi_reduction <add>, %reduce_sum3A_2760, %reduce_sum3A_2761 [1, 2] : vector<1x80x128xf32> to vector<1xf32>
    %reduce_sum3A_2763 = vector.shape_cast %reduce_sum3A_2762 : vector<1xf32> to vector<1x1x1xf32>
    %reduce_sum3A_2764 = vector.extract %reduce_sum3A_2763[0, 0, 0] : f32 from vector<1x1x1xf32>
    %jit3A_2765 = arith.constant 0.000000e+00 : f32
    %broadcast_in_dim3A_2766 = vector.broadcast %jit3A_2765 : f32 to vector<80x128xf32>
    %select_n3A_2767 = arith.select %eq3A_2756, %exp3A_1478, %broadcast_in_dim3A_2766 : vector<80x128xi1>, vector<80x128xf32>
    %reduce_sum3A_2768 = vector.shape_cast %select_n3A_2767 : vector<80x128xf32> to vector<1x80x128xf32>
    %reduce_sum3A_2769 = arith.constant dense<0.000000e+00> : vector<1xf32>
    %reduce_sum3A_2770 = vector.multi_reduction <add>, %reduce_sum3A_2768, %reduce_sum3A_2769 [1, 2] : vector<1x80x128xf32> to vector<1xf32>
    %reduce_sum3A_2771 = vector.shape_cast %reduce_sum3A_2770 : vector<1xf32> to vector<1x1x1xf32>
    %reduce_sum3A_2772 = vector.extract %reduce_sum3A_2771[0, 0, 0] : f32 from vector<1x1x1xf32>
    %broadcast_in_dim3A_2773 = vector.broadcast %reduce_sum3A_2764 : f32 to vector<80x128xf32>
    %select_n3A_2774 = arith.select %eq3A_2756, %broadcast_in_dim3A_2773, %select_n3A_2745 : vector<80x128xi1>, vector<80x128xf32>
    %broadcast_in_dim3A_2775 = vector.broadcast %reduce_sum3A_2772 : f32 to vector<80x128xf32>
    %select_n3A_2776 = arith.select %eq3A_2756, %broadcast_in_dim3A_2775, %select_n3A_2747 : vector<80x128xi1>, vector<80x128xf32>
    %get3A_2777 = arith.constant 0 : index
    %get3A_2778 = arith.constant 44 : index
    %get3A_2779 = vector.load %arg3[%get3A_2777, %get3A_2778] : memref<1x128xf32, #tpu.memory_space<vmem>>, vector<1x1xf32>
    %get3A_2780 = vector.extract %get3A_2779[0, 0] : f32 from vector<1x1xf32>
    %broadcast_in_dim3A_2781 = vector.broadcast %get3A_2780 : f32 to vector<80x128xf32>
    %select_n3A_2782 = arith.select %eq3A_2756, %broadcast_in_dim3A_2781, %select_n3A_2753 : vector<80x128xi1>, vector<80x128xf32>
    %eq3A_2783 = arith.constant 45 : i32
    %eq3A_2784 = vector.broadcast %eq3A_2783 : i32 to vector<80x128xi32>
    %eq3A_2785 = arith.cmpi eq, %get3A_7, %eq3A_2784 : vector<80x128xi32>
    %jit3A_2786 = arith.constant 0.000000e+00 : f32
    %broadcast_in_dim3A_2787 = vector.broadcast %jit3A_2786 : f32 to vector<80x128xf32>
    %select_n3A_2788 = arith.select %eq3A_2785, %exp3A, %broadcast_in_dim3A_2787 : vector<80x128xi1>, vector<80x128xf32>
    %reduce_sum3A_2789 = vector.shape_cast %select_n3A_2788 : vector<80x128xf32> to vector<1x80x128xf32>
    %reduce_sum3A_2790 = arith.constant dense<0.000000e+00> : vector<1xf32>
    %reduce_sum3A_2791 = vector.multi_reduction <add>, %reduce_sum3A_2789, %reduce_sum3A_2790 [1, 2] : vector<1x80x128xf32> to vector<1xf32>
    %reduce_sum3A_2792 = vector.shape_cast %reduce_sum3A_2791 : vector<1xf32> to vector<1x1x1xf32>
    %reduce_sum3A_2793 = vector.extract %reduce_sum3A_2792[0, 0, 0] : f32 from vector<1x1x1xf32>
    %jit3A_2794 = arith.constant 0.000000e+00 : f32
    %broadcast_in_dim3A_2795 = vector.broadcast %jit3A_2794 : f32 to vector<80x128xf32>
    %select_n3A_2796 = arith.select %eq3A_2785, %exp3A_1478, %broadcast_in_dim3A_2795 : vector<80x128xi1>, vector<80x128xf32>
    %reduce_sum3A_2797 = vector.shape_cast %select_n3A_2796 : vector<80x128xf32> to vector<1x80x128xf32>
    %reduce_sum3A_2798 = arith.constant dense<0.000000e+00> : vector<1xf32>
    %reduce_sum3A_2799 = vector.multi_reduction <add>, %reduce_sum3A_2797, %reduce_sum3A_2798 [1, 2] : vector<1x80x128xf32> to vector<1xf32>
    %reduce_sum3A_2800 = vector.shape_cast %reduce_sum3A_2799 : vector<1xf32> to vector<1x1x1xf32>
    %reduce_sum3A_2801 = vector.extract %reduce_sum3A_2800[0, 0, 0] : f32 from vector<1x1x1xf32>
    %broadcast_in_dim3A_2802 = vector.broadcast %reduce_sum3A_2793 : f32 to vector<80x128xf32>
    %select_n3A_2803 = arith.select %eq3A_2785, %broadcast_in_dim3A_2802, %select_n3A_2774 : vector<80x128xi1>, vector<80x128xf32>
    %broadcast_in_dim3A_2804 = vector.broadcast %reduce_sum3A_2801 : f32 to vector<80x128xf32>
    %select_n3A_2805 = arith.select %eq3A_2785, %broadcast_in_dim3A_2804, %select_n3A_2776 : vector<80x128xi1>, vector<80x128xf32>
    %get3A_2806 = arith.constant 0 : index
    %get3A_2807 = arith.constant 45 : index
    %get3A_2808 = vector.load %arg3[%get3A_2806, %get3A_2807] : memref<1x128xf32, #tpu.memory_space<vmem>>, vector<1x1xf32>
    %get3A_2809 = vector.extract %get3A_2808[0, 0] : f32 from vector<1x1xf32>
    %broadcast_in_dim3A_2810 = vector.broadcast %get3A_2809 : f32 to vector<80x128xf32>
    %select_n3A_2811 = arith.select %eq3A_2785, %broadcast_in_dim3A_2810, %select_n3A_2782 : vector<80x128xi1>, vector<80x128xf32>
    %eq3A_2812 = arith.constant 46 : i32
    %eq3A_2813 = vector.broadcast %eq3A_2812 : i32 to vector<80x128xi32>
    %eq3A_2814 = arith.cmpi eq, %get3A_7, %eq3A_2813 : vector<80x128xi32>
    %jit3A_2815 = arith.constant 0.000000e+00 : f32
    %broadcast_in_dim3A_2816 = vector.broadcast %jit3A_2815 : f32 to vector<80x128xf32>
    %select_n3A_2817 = arith.select %eq3A_2814, %exp3A, %broadcast_in_dim3A_2816 : vector<80x128xi1>, vector<80x128xf32>
    %reduce_sum3A_2818 = vector.shape_cast %select_n3A_2817 : vector<80x128xf32> to vector<1x80x128xf32>
    %reduce_sum3A_2819 = arith.constant dense<0.000000e+00> : vector<1xf32>
    %reduce_sum3A_2820 = vector.multi_reduction <add>, %reduce_sum3A_2818, %reduce_sum3A_2819 [1, 2] : vector<1x80x128xf32> to vector<1xf32>
    %reduce_sum3A_2821 = vector.shape_cast %reduce_sum3A_2820 : vector<1xf32> to vector<1x1x1xf32>
    %reduce_sum3A_2822 = vector.extract %reduce_sum3A_2821[0, 0, 0] : f32 from vector<1x1x1xf32>
    %jit3A_2823 = arith.constant 0.000000e+00 : f32
    %broadcast_in_dim3A_2824 = vector.broadcast %jit3A_2823 : f32 to vector<80x128xf32>
    %select_n3A_2825 = arith.select %eq3A_2814, %exp3A_1478, %broadcast_in_dim3A_2824 : vector<80x128xi1>, vector<80x128xf32>
    %reduce_sum3A_2826 = vector.shape_cast %select_n3A_2825 : vector<80x128xf32> to vector<1x80x128xf32>
    %reduce_sum3A_2827 = arith.constant dense<0.000000e+00> : vector<1xf32>
    %reduce_sum3A_2828 = vector.multi_reduction <add>, %reduce_sum3A_2826, %reduce_sum3A_2827 [1, 2] : vector<1x80x128xf32> to vector<1xf32>
    %reduce_sum3A_2829 = vector.shape_cast %reduce_sum3A_2828 : vector<1xf32> to vector<1x1x1xf32>
    %reduce_sum3A_2830 = vector.extract %reduce_sum3A_2829[0, 0, 0] : f32 from vector<1x1x1xf32>
    %broadcast_in_dim3A_2831 = vector.broadcast %reduce_sum3A_2822 : f32 to vector<80x128xf32>
    %select_n3A_2832 = arith.select %eq3A_2814, %broadcast_in_dim3A_2831, %select_n3A_2803 : vector<80x128xi1>, vector<80x128xf32>
    %broadcast_in_dim3A_2833 = vector.broadcast %reduce_sum3A_2830 : f32 to vector<80x128xf32>
    %select_n3A_2834 = arith.select %eq3A_2814, %broadcast_in_dim3A_2833, %select_n3A_2805 : vector<80x128xi1>, vector<80x128xf32>
    %get3A_2835 = arith.constant 0 : index
    %get3A_2836 = arith.constant 46 : index
    %get3A_2837 = vector.load %arg3[%get3A_2835, %get3A_2836] : memref<1x128xf32, #tpu.memory_space<vmem>>, vector<1x1xf32>
    %get3A_2838 = vector.extract %get3A_2837[0, 0] : f32 from vector<1x1xf32>
    %broadcast_in_dim3A_2839 = vector.broadcast %get3A_2838 : f32 to vector<80x128xf32>
    %select_n3A_2840 = arith.select %eq3A_2814, %broadcast_in_dim3A_2839, %select_n3A_2811 : vector<80x128xi1>, vector<80x128xf32>
    %eq3A_2841 = arith.constant 47 : i32
    %eq3A_2842 = vector.broadcast %eq3A_2841 : i32 to vector<80x128xi32>
    %eq3A_2843 = arith.cmpi eq, %get3A_7, %eq3A_2842 : vector<80x128xi32>
    %jit3A_2844 = arith.constant 0.000000e+00 : f32
    %broadcast_in_dim3A_2845 = vector.broadcast %jit3A_2844 : f32 to vector<80x128xf32>
    %select_n3A_2846 = arith.select %eq3A_2843, %exp3A, %broadcast_in_dim3A_2845 : vector<80x128xi1>, vector<80x128xf32>
    %reduce_sum3A_2847 = vector.shape_cast %select_n3A_2846 : vector<80x128xf32> to vector<1x80x128xf32>
    %reduce_sum3A_2848 = arith.constant dense<0.000000e+00> : vector<1xf32>
    %reduce_sum3A_2849 = vector.multi_reduction <add>, %reduce_sum3A_2847, %reduce_sum3A_2848 [1, 2] : vector<1x80x128xf32> to vector<1xf32>
    %reduce_sum3A_2850 = vector.shape_cast %reduce_sum3A_2849 : vector<1xf32> to vector<1x1x1xf32>
    %reduce_sum3A_2851 = vector.extract %reduce_sum3A_2850[0, 0, 0] : f32 from vector<1x1x1xf32>
    %jit3A_2852 = arith.constant 0.000000e+00 : f32
    %broadcast_in_dim3A_2853 = vector.broadcast %jit3A_2852 : f32 to vector<80x128xf32>
    %select_n3A_2854 = arith.select %eq3A_2843, %exp3A_1478, %broadcast_in_dim3A_2853 : vector<80x128xi1>, vector<80x128xf32>
    %reduce_sum3A_2855 = vector.shape_cast %select_n3A_2854 : vector<80x128xf32> to vector<1x80x128xf32>
    %reduce_sum3A_2856 = arith.constant dense<0.000000e+00> : vector<1xf32>
    %reduce_sum3A_2857 = vector.multi_reduction <add>, %reduce_sum3A_2855, %reduce_sum3A_2856 [1, 2] : vector<1x80x128xf32> to vector<1xf32>
    %reduce_sum3A_2858 = vector.shape_cast %reduce_sum3A_2857 : vector<1xf32> to vector<1x1x1xf32>
    %reduce_sum3A_2859 = vector.extract %reduce_sum3A_2858[0, 0, 0] : f32 from vector<1x1x1xf32>
    %broadcast_in_dim3A_2860 = vector.broadcast %reduce_sum3A_2851 : f32 to vector<80x128xf32>
    %select_n3A_2861 = arith.select %eq3A_2843, %broadcast_in_dim3A_2860, %select_n3A_2832 : vector<80x128xi1>, vector<80x128xf32>
    %broadcast_in_dim3A_2862 = vector.broadcast %reduce_sum3A_2859 : f32 to vector<80x128xf32>
    %select_n3A_2863 = arith.select %eq3A_2843, %broadcast_in_dim3A_2862, %select_n3A_2834 : vector<80x128xi1>, vector<80x128xf32>
    %get3A_2864 = arith.constant 0 : index
    %get3A_2865 = arith.constant 47 : index
    %get3A_2866 = vector.load %arg3[%get3A_2864, %get3A_2865] : memref<1x128xf32, #tpu.memory_space<vmem>>, vector<1x1xf32>
    %get3A_2867 = vector.extract %get3A_2866[0, 0] : f32 from vector<1x1xf32>
    %broadcast_in_dim3A_2868 = vector.broadcast %get3A_2867 : f32 to vector<80x128xf32>
    %select_n3A_2869 = arith.select %eq3A_2843, %broadcast_in_dim3A_2868, %select_n3A_2840 : vector<80x128xi1>, vector<80x128xf32>
    %eq3A_2870 = arith.constant 48 : i32
    %eq3A_2871 = vector.broadcast %eq3A_2870 : i32 to vector<80x128xi32>
    %eq3A_2872 = arith.cmpi eq, %get3A_7, %eq3A_2871 : vector<80x128xi32>
    %jit3A_2873 = arith.constant 0.000000e+00 : f32
    %broadcast_in_dim3A_2874 = vector.broadcast %jit3A_2873 : f32 to vector<80x128xf32>
    %select_n3A_2875 = arith.select %eq3A_2872, %exp3A, %broadcast_in_dim3A_2874 : vector<80x128xi1>, vector<80x128xf32>
    %reduce_sum3A_2876 = vector.shape_cast %select_n3A_2875 : vector<80x128xf32> to vector<1x80x128xf32>
    %reduce_sum3A_2877 = arith.constant dense<0.000000e+00> : vector<1xf32>
    %reduce_sum3A_2878 = vector.multi_reduction <add>, %reduce_sum3A_2876, %reduce_sum3A_2877 [1, 2] : vector<1x80x128xf32> to vector<1xf32>
    %reduce_sum3A_2879 = vector.shape_cast %reduce_sum3A_2878 : vector<1xf32> to vector<1x1x1xf32>
    %reduce_sum3A_2880 = vector.extract %reduce_sum3A_2879[0, 0, 0] : f32 from vector<1x1x1xf32>
    %jit3A_2881 = arith.constant 0.000000e+00 : f32
    %broadcast_in_dim3A_2882 = vector.broadcast %jit3A_2881 : f32 to vector<80x128xf32>
    %select_n3A_2883 = arith.select %eq3A_2872, %exp3A_1478, %broadcast_in_dim3A_2882 : vector<80x128xi1>, vector<80x128xf32>
    %reduce_sum3A_2884 = vector.shape_cast %select_n3A_2883 : vector<80x128xf32> to vector<1x80x128xf32>
    %reduce_sum3A_2885 = arith.constant dense<0.000000e+00> : vector<1xf32>
    %reduce_sum3A_2886 = vector.multi_reduction <add>, %reduce_sum3A_2884, %reduce_sum3A_2885 [1, 2] : vector<1x80x128xf32> to vector<1xf32>
    %reduce_sum3A_2887 = vector.shape_cast %reduce_sum3A_2886 : vector<1xf32> to vector<1x1x1xf32>
    %reduce_sum3A_2888 = vector.extract %reduce_sum3A_2887[0, 0, 0] : f32 from vector<1x1x1xf32>
    %broadcast_in_dim3A_2889 = vector.broadcast %reduce_sum3A_2880 : f32 to vector<80x128xf32>
    %select_n3A_2890 = arith.select %eq3A_2872, %broadcast_in_dim3A_2889, %select_n3A_2861 : vector<80x128xi1>, vector<80x128xf32>
    %broadcast_in_dim3A_2891 = vector.broadcast %reduce_sum3A_2888 : f32 to vector<80x128xf32>
    %select_n3A_2892 = arith.select %eq3A_2872, %broadcast_in_dim3A_2891, %select_n3A_2863 : vector<80x128xi1>, vector<80x128xf32>
    %get3A_2893 = arith.constant 0 : index
    %get3A_2894 = arith.constant 48 : index
    %get3A_2895 = vector.load %arg3[%get3A_2893, %get3A_2894] : memref<1x128xf32, #tpu.memory_space<vmem>>, vector<1x1xf32>
    %get3A_2896 = vector.extract %get3A_2895[0, 0] : f32 from vector<1x1xf32>
    %broadcast_in_dim3A_2897 = vector.broadcast %get3A_2896 : f32 to vector<80x128xf32>
    %select_n3A_2898 = arith.select %eq3A_2872, %broadcast_in_dim3A_2897, %select_n3A_2869 : vector<80x128xi1>, vector<80x128xf32>
    %eq3A_2899 = arith.constant 49 : i32
    %eq3A_2900 = vector.broadcast %eq3A_2899 : i32 to vector<80x128xi32>
    %eq3A_2901 = arith.cmpi eq, %get3A_7, %eq3A_2900 : vector<80x128xi32>
    %jit3A_2902 = arith.constant 0.000000e+00 : f32
    %broadcast_in_dim3A_2903 = vector.broadcast %jit3A_2902 : f32 to vector<80x128xf32>
    %select_n3A_2904 = arith.select %eq3A_2901, %exp3A, %broadcast_in_dim3A_2903 : vector<80x128xi1>, vector<80x128xf32>
    %reduce_sum3A_2905 = vector.shape_cast %select_n3A_2904 : vector<80x128xf32> to vector<1x80x128xf32>
    %reduce_sum3A_2906 = arith.constant dense<0.000000e+00> : vector<1xf32>
    %reduce_sum3A_2907 = vector.multi_reduction <add>, %reduce_sum3A_2905, %reduce_sum3A_2906 [1, 2] : vector<1x80x128xf32> to vector<1xf32>
    %reduce_sum3A_2908 = vector.shape_cast %reduce_sum3A_2907 : vector<1xf32> to vector<1x1x1xf32>
    %reduce_sum3A_2909 = vector.extract %reduce_sum3A_2908[0, 0, 0] : f32 from vector<1x1x1xf32>
    %jit3A_2910 = arith.constant 0.000000e+00 : f32
    %broadcast_in_dim3A_2911 = vector.broadcast %jit3A_2910 : f32 to vector<80x128xf32>
    %select_n3A_2912 = arith.select %eq3A_2901, %exp3A_1478, %broadcast_in_dim3A_2911 : vector<80x128xi1>, vector<80x128xf32>
    %reduce_sum3A_2913 = vector.shape_cast %select_n3A_2912 : vector<80x128xf32> to vector<1x80x128xf32>
    %reduce_sum3A_2914 = arith.constant dense<0.000000e+00> : vector<1xf32>
    %reduce_sum3A_2915 = vector.multi_reduction <add>, %reduce_sum3A_2913, %reduce_sum3A_2914 [1, 2] : vector<1x80x128xf32> to vector<1xf32>
    %reduce_sum3A_2916 = vector.shape_cast %reduce_sum3A_2915 : vector<1xf32> to vector<1x1x1xf32>
    %reduce_sum3A_2917 = vector.extract %reduce_sum3A_2916[0, 0, 0] : f32 from vector<1x1x1xf32>
    %broadcast_in_dim3A_2918 = vector.broadcast %reduce_sum3A_2909 : f32 to vector<80x128xf32>
    %select_n3A_2919 = arith.select %eq3A_2901, %broadcast_in_dim3A_2918, %select_n3A_2890 : vector<80x128xi1>, vector<80x128xf32>
    %broadcast_in_dim3A_2920 = vector.broadcast %reduce_sum3A_2917 : f32 to vector<80x128xf32>
    %select_n3A_2921 = arith.select %eq3A_2901, %broadcast_in_dim3A_2920, %select_n3A_2892 : vector<80x128xi1>, vector<80x128xf32>
    %get3A_2922 = arith.constant 0 : index
    %get3A_2923 = arith.constant 49 : index
    %get3A_2924 = vector.load %arg3[%get3A_2922, %get3A_2923] : memref<1x128xf32, #tpu.memory_space<vmem>>, vector<1x1xf32>
    %get3A_2925 = vector.extract %get3A_2924[0, 0] : f32 from vector<1x1xf32>
    %broadcast_in_dim3A_2926 = vector.broadcast %get3A_2925 : f32 to vector<80x128xf32>
    %select_n3A_2927 = arith.select %eq3A_2901, %broadcast_in_dim3A_2926, %select_n3A_2898 : vector<80x128xi1>, vector<80x128xf32>
    %eq3A_2928 = arith.constant 50 : i32
    %eq3A_2929 = vector.broadcast %eq3A_2928 : i32 to vector<80x128xi32>
    %eq3A_2930 = arith.cmpi eq, %get3A_7, %eq3A_2929 : vector<80x128xi32>
    %jit3A_2931 = arith.constant 0.000000e+00 : f32
    %broadcast_in_dim3A_2932 = vector.broadcast %jit3A_2931 : f32 to vector<80x128xf32>
    %select_n3A_2933 = arith.select %eq3A_2930, %exp3A, %broadcast_in_dim3A_2932 : vector<80x128xi1>, vector<80x128xf32>
    %reduce_sum3A_2934 = vector.shape_cast %select_n3A_2933 : vector<80x128xf32> to vector<1x80x128xf32>
    %reduce_sum3A_2935 = arith.constant dense<0.000000e+00> : vector<1xf32>
    %reduce_sum3A_2936 = vector.multi_reduction <add>, %reduce_sum3A_2934, %reduce_sum3A_2935 [1, 2] : vector<1x80x128xf32> to vector<1xf32>
    %reduce_sum3A_2937 = vector.shape_cast %reduce_sum3A_2936 : vector<1xf32> to vector<1x1x1xf32>
    %reduce_sum3A_2938 = vector.extract %reduce_sum3A_2937[0, 0, 0] : f32 from vector<1x1x1xf32>
    %jit3A_2939 = arith.constant 0.000000e+00 : f32
    %broadcast_in_dim3A_2940 = vector.broadcast %jit3A_2939 : f32 to vector<80x128xf32>
    %select_n3A_2941 = arith.select %eq3A_2930, %exp3A_1478, %broadcast_in_dim3A_2940 : vector<80x128xi1>, vector<80x128xf32>
    %reduce_sum3A_2942 = vector.shape_cast %select_n3A_2941 : vector<80x128xf32> to vector<1x80x128xf32>
    %reduce_sum3A_2943 = arith.constant dense<0.000000e+00> : vector<1xf32>
    %reduce_sum3A_2944 = vector.multi_reduction <add>, %reduce_sum3A_2942, %reduce_sum3A_2943 [1, 2] : vector<1x80x128xf32> to vector<1xf32>
    %reduce_sum3A_2945 = vector.shape_cast %reduce_sum3A_2944 : vector<1xf32> to vector<1x1x1xf32>
    %reduce_sum3A_2946 = vector.extract %reduce_sum3A_2945[0, 0, 0] : f32 from vector<1x1x1xf32>
    %broadcast_in_dim3A_2947 = vector.broadcast %reduce_sum3A_2938 : f32 to vector<80x128xf32>
    %select_n3A_2948 = arith.select %eq3A_2930, %broadcast_in_dim3A_2947, %select_n3A_2919 : vector<80x128xi1>, vector<80x128xf32>
    %broadcast_in_dim3A_2949 = vector.broadcast %reduce_sum3A_2946 : f32 to vector<80x128xf32>
    %select_n3A_2950 = arith.select %eq3A_2930, %broadcast_in_dim3A_2949, %select_n3A_2921 : vector<80x128xi1>, vector<80x128xf32>
    %get3A_2951 = arith.constant 0 : index
    %get3A_2952 = arith.constant 50 : index
    %get3A_2953 = vector.load %arg3[%get3A_2951, %get3A_2952] : memref<1x128xf32, #tpu.memory_space<vmem>>, vector<1x1xf32>
    %get3A_2954 = vector.extract %get3A_2953[0, 0] : f32 from vector<1x1xf32>
    %broadcast_in_dim3A_2955 = vector.broadcast %get3A_2954 : f32 to vector<80x128xf32>
    %select_n3A_2956 = arith.select %eq3A_2930, %broadcast_in_dim3A_2955, %select_n3A_2927 : vector<80x128xi1>, vector<80x128xf32>
    %eq3A_2957 = arith.constant 51 : i32
    %eq3A_2958 = vector.broadcast %eq3A_2957 : i32 to vector<80x128xi32>
    %eq3A_2959 = arith.cmpi eq, %get3A_7, %eq3A_2958 : vector<80x128xi32>
    %jit3A_2960 = arith.constant 0.000000e+00 : f32
    %broadcast_in_dim3A_2961 = vector.broadcast %jit3A_2960 : f32 to vector<80x128xf32>
    %select_n3A_2962 = arith.select %eq3A_2959, %exp3A, %broadcast_in_dim3A_2961 : vector<80x128xi1>, vector<80x128xf32>
    %reduce_sum3A_2963 = vector.shape_cast %select_n3A_2962 : vector<80x128xf32> to vector<1x80x128xf32>
    %reduce_sum3A_2964 = arith.constant dense<0.000000e+00> : vector<1xf32>
    %reduce_sum3A_2965 = vector.multi_reduction <add>, %reduce_sum3A_2963, %reduce_sum3A_2964 [1, 2] : vector<1x80x128xf32> to vector<1xf32>
    %reduce_sum3A_2966 = vector.shape_cast %reduce_sum3A_2965 : vector<1xf32> to vector<1x1x1xf32>
    %reduce_sum3A_2967 = vector.extract %reduce_sum3A_2966[0, 0, 0] : f32 from vector<1x1x1xf32>
    %jit3A_2968 = arith.constant 0.000000e+00 : f32
    %broadcast_in_dim3A_2969 = vector.broadcast %jit3A_2968 : f32 to vector<80x128xf32>
    %select_n3A_2970 = arith.select %eq3A_2959, %exp3A_1478, %broadcast_in_dim3A_2969 : vector<80x128xi1>, vector<80x128xf32>
    %reduce_sum3A_2971 = vector.shape_cast %select_n3A_2970 : vector<80x128xf32> to vector<1x80x128xf32>
    %reduce_sum3A_2972 = arith.constant dense<0.000000e+00> : vector<1xf32>
    %reduce_sum3A_2973 = vector.multi_reduction <add>, %reduce_sum3A_2971, %reduce_sum3A_2972 [1, 2] : vector<1x80x128xf32> to vector<1xf32>
    %reduce_sum3A_2974 = vector.shape_cast %reduce_sum3A_2973 : vector<1xf32> to vector<1x1x1xf32>
    %reduce_sum3A_2975 = vector.extract %reduce_sum3A_2974[0, 0, 0] : f32 from vector<1x1x1xf32>
    %broadcast_in_dim3A_2976 = vector.broadcast %reduce_sum3A_2967 : f32 to vector<80x128xf32>
    %select_n3A_2977 = arith.select %eq3A_2959, %broadcast_in_dim3A_2976, %select_n3A_2948 : vector<80x128xi1>, vector<80x128xf32>
    %broadcast_in_dim3A_2978 = vector.broadcast %reduce_sum3A_2975 : f32 to vector<80x128xf32>
    %select_n3A_2979 = arith.select %eq3A_2959, %broadcast_in_dim3A_2978, %select_n3A_2950 : vector<80x128xi1>, vector<80x128xf32>
    %get3A_2980 = arith.constant 0 : index
    %get3A_2981 = arith.constant 51 : index
    %get3A_2982 = vector.load %arg3[%get3A_2980, %get3A_2981] : memref<1x128xf32, #tpu.memory_space<vmem>>, vector<1x1xf32>
    %get3A_2983 = vector.extract %get3A_2982[0, 0] : f32 from vector<1x1xf32>
    %broadcast_in_dim3A_2984 = vector.broadcast %get3A_2983 : f32 to vector<80x128xf32>
    %select_n3A_2985 = arith.select %eq3A_2959, %broadcast_in_dim3A_2984, %select_n3A_2956 : vector<80x128xi1>, vector<80x128xf32>
    %eq3A_2986 = arith.constant 52 : i32
    %eq3A_2987 = vector.broadcast %eq3A_2986 : i32 to vector<80x128xi32>
    %eq3A_2988 = arith.cmpi eq, %get3A_7, %eq3A_2987 : vector<80x128xi32>
    %jit3A_2989 = arith.constant 0.000000e+00 : f32
    %broadcast_in_dim3A_2990 = vector.broadcast %jit3A_2989 : f32 to vector<80x128xf32>
    %select_n3A_2991 = arith.select %eq3A_2988, %exp3A, %broadcast_in_dim3A_2990 : vector<80x128xi1>, vector<80x128xf32>
    %reduce_sum3A_2992 = vector.shape_cast %select_n3A_2991 : vector<80x128xf32> to vector<1x80x128xf32>
    %reduce_sum3A_2993 = arith.constant dense<0.000000e+00> : vector<1xf32>
    %reduce_sum3A_2994 = vector.multi_reduction <add>, %reduce_sum3A_2992, %reduce_sum3A_2993 [1, 2] : vector<1x80x128xf32> to vector<1xf32>
    %reduce_sum3A_2995 = vector.shape_cast %reduce_sum3A_2994 : vector<1xf32> to vector<1x1x1xf32>
    %reduce_sum3A_2996 = vector.extract %reduce_sum3A_2995[0, 0, 0] : f32 from vector<1x1x1xf32>
    %jit3A_2997 = arith.constant 0.000000e+00 : f32
    %broadcast_in_dim3A_2998 = vector.broadcast %jit3A_2997 : f32 to vector<80x128xf32>
    %select_n3A_2999 = arith.select %eq3A_2988, %exp3A_1478, %broadcast_in_dim3A_2998 : vector<80x128xi1>, vector<80x128xf32>
    %reduce_sum3A_3000 = vector.shape_cast %select_n3A_2999 : vector<80x128xf32> to vector<1x80x128xf32>
    %reduce_sum3A_3001 = arith.constant dense<0.000000e+00> : vector<1xf32>
    %reduce_sum3A_3002 = vector.multi_reduction <add>, %reduce_sum3A_3000, %reduce_sum3A_3001 [1, 2] : vector<1x80x128xf32> to vector<1xf32>
    %reduce_sum3A_3003 = vector.shape_cast %reduce_sum3A_3002 : vector<1xf32> to vector<1x1x1xf32>
    %reduce_sum3A_3004 = vector.extract %reduce_sum3A_3003[0, 0, 0] : f32 from vector<1x1x1xf32>
    %broadcast_in_dim3A_3005 = vector.broadcast %reduce_sum3A_2996 : f32 to vector<80x128xf32>
    %select_n3A_3006 = arith.select %eq3A_2988, %broadcast_in_dim3A_3005, %select_n3A_2977 : vector<80x128xi1>, vector<80x128xf32>
    %broadcast_in_dim3A_3007 = vector.broadcast %reduce_sum3A_3004 : f32 to vector<80x128xf32>
    %select_n3A_3008 = arith.select %eq3A_2988, %broadcast_in_dim3A_3007, %select_n3A_2979 : vector<80x128xi1>, vector<80x128xf32>
    %get3A_3009 = arith.constant 0 : index
    %get3A_3010 = arith.constant 52 : index
    %get3A_3011 = vector.load %arg3[%get3A_3009, %get3A_3010] : memref<1x128xf32, #tpu.memory_space<vmem>>, vector<1x1xf32>
    %get3A_3012 = vector.extract %get3A_3011[0, 0] : f32 from vector<1x1xf32>
    %broadcast_in_dim3A_3013 = vector.broadcast %get3A_3012 : f32 to vector<80x128xf32>
    %select_n3A_3014 = arith.select %eq3A_2988, %broadcast_in_dim3A_3013, %select_n3A_2985 : vector<80x128xi1>, vector<80x128xf32>
    %eq3A_3015 = arith.constant 53 : i32
    %eq3A_3016 = vector.broadcast %eq3A_3015 : i32 to vector<80x128xi32>
    %eq3A_3017 = arith.cmpi eq, %get3A_7, %eq3A_3016 : vector<80x128xi32>
    %jit3A_3018 = arith.constant 0.000000e+00 : f32
    %broadcast_in_dim3A_3019 = vector.broadcast %jit3A_3018 : f32 to vector<80x128xf32>
    %select_n3A_3020 = arith.select %eq3A_3017, %exp3A, %broadcast_in_dim3A_3019 : vector<80x128xi1>, vector<80x128xf32>
    %reduce_sum3A_3021 = vector.shape_cast %select_n3A_3020 : vector<80x128xf32> to vector<1x80x128xf32>
    %reduce_sum3A_3022 = arith.constant dense<0.000000e+00> : vector<1xf32>
    %reduce_sum3A_3023 = vector.multi_reduction <add>, %reduce_sum3A_3021, %reduce_sum3A_3022 [1, 2] : vector<1x80x128xf32> to vector<1xf32>
    %reduce_sum3A_3024 = vector.shape_cast %reduce_sum3A_3023 : vector<1xf32> to vector<1x1x1xf32>
    %reduce_sum3A_3025 = vector.extract %reduce_sum3A_3024[0, 0, 0] : f32 from vector<1x1x1xf32>
    %jit3A_3026 = arith.constant 0.000000e+00 : f32
    %broadcast_in_dim3A_3027 = vector.broadcast %jit3A_3026 : f32 to vector<80x128xf32>
    %select_n3A_3028 = arith.select %eq3A_3017, %exp3A_1478, %broadcast_in_dim3A_3027 : vector<80x128xi1>, vector<80x128xf32>
    %reduce_sum3A_3029 = vector.shape_cast %select_n3A_3028 : vector<80x128xf32> to vector<1x80x128xf32>
    %reduce_sum3A_3030 = arith.constant dense<0.000000e+00> : vector<1xf32>
    %reduce_sum3A_3031 = vector.multi_reduction <add>, %reduce_sum3A_3029, %reduce_sum3A_3030 [1, 2] : vector<1x80x128xf32> to vector<1xf32>
    %reduce_sum3A_3032 = vector.shape_cast %reduce_sum3A_3031 : vector<1xf32> to vector<1x1x1xf32>
    %reduce_sum3A_3033 = vector.extract %reduce_sum3A_3032[0, 0, 0] : f32 from vector<1x1x1xf32>
    %broadcast_in_dim3A_3034 = vector.broadcast %reduce_sum3A_3025 : f32 to vector<80x128xf32>
    %select_n3A_3035 = arith.select %eq3A_3017, %broadcast_in_dim3A_3034, %select_n3A_3006 : vector<80x128xi1>, vector<80x128xf32>
    %broadcast_in_dim3A_3036 = vector.broadcast %reduce_sum3A_3033 : f32 to vector<80x128xf32>
    %select_n3A_3037 = arith.select %eq3A_3017, %broadcast_in_dim3A_3036, %select_n3A_3008 : vector<80x128xi1>, vector<80x128xf32>
    %get3A_3038 = arith.constant 0 : index
    %get3A_3039 = arith.constant 53 : index
    %get3A_3040 = vector.load %arg3[%get3A_3038, %get3A_3039] : memref<1x128xf32, #tpu.memory_space<vmem>>, vector<1x1xf32>
    %get3A_3041 = vector.extract %get3A_3040[0, 0] : f32 from vector<1x1xf32>
    %broadcast_in_dim3A_3042 = vector.broadcast %get3A_3041 : f32 to vector<80x128xf32>
    %select_n3A_3043 = arith.select %eq3A_3017, %broadcast_in_dim3A_3042, %select_n3A_3014 : vector<80x128xi1>, vector<80x128xf32>
    %eq3A_3044 = arith.constant 54 : i32
    %eq3A_3045 = vector.broadcast %eq3A_3044 : i32 to vector<80x128xi32>
    %eq3A_3046 = arith.cmpi eq, %get3A_7, %eq3A_3045 : vector<80x128xi32>
    %jit3A_3047 = arith.constant 0.000000e+00 : f32
    %broadcast_in_dim3A_3048 = vector.broadcast %jit3A_3047 : f32 to vector<80x128xf32>
    %select_n3A_3049 = arith.select %eq3A_3046, %exp3A, %broadcast_in_dim3A_3048 : vector<80x128xi1>, vector<80x128xf32>
    %reduce_sum3A_3050 = vector.shape_cast %select_n3A_3049 : vector<80x128xf32> to vector<1x80x128xf32>
    %reduce_sum3A_3051 = arith.constant dense<0.000000e+00> : vector<1xf32>
    %reduce_sum3A_3052 = vector.multi_reduction <add>, %reduce_sum3A_3050, %reduce_sum3A_3051 [1, 2] : vector<1x80x128xf32> to vector<1xf32>
    %reduce_sum3A_3053 = vector.shape_cast %reduce_sum3A_3052 : vector<1xf32> to vector<1x1x1xf32>
    %reduce_sum3A_3054 = vector.extract %reduce_sum3A_3053[0, 0, 0] : f32 from vector<1x1x1xf32>
    %jit3A_3055 = arith.constant 0.000000e+00 : f32
    %broadcast_in_dim3A_3056 = vector.broadcast %jit3A_3055 : f32 to vector<80x128xf32>
    %select_n3A_3057 = arith.select %eq3A_3046, %exp3A_1478, %broadcast_in_dim3A_3056 : vector<80x128xi1>, vector<80x128xf32>
    %reduce_sum3A_3058 = vector.shape_cast %select_n3A_3057 : vector<80x128xf32> to vector<1x80x128xf32>
    %reduce_sum3A_3059 = arith.constant dense<0.000000e+00> : vector<1xf32>
    %reduce_sum3A_3060 = vector.multi_reduction <add>, %reduce_sum3A_3058, %reduce_sum3A_3059 [1, 2] : vector<1x80x128xf32> to vector<1xf32>
    %reduce_sum3A_3061 = vector.shape_cast %reduce_sum3A_3060 : vector<1xf32> to vector<1x1x1xf32>
    %reduce_sum3A_3062 = vector.extract %reduce_sum3A_3061[0, 0, 0] : f32 from vector<1x1x1xf32>
    %broadcast_in_dim3A_3063 = vector.broadcast %reduce_sum3A_3054 : f32 to vector<80x128xf32>
    %select_n3A_3064 = arith.select %eq3A_3046, %broadcast_in_dim3A_3063, %select_n3A_3035 : vector<80x128xi1>, vector<80x128xf32>
    %broadcast_in_dim3A_3065 = vector.broadcast %reduce_sum3A_3062 : f32 to vector<80x128xf32>
    %select_n3A_3066 = arith.select %eq3A_3046, %broadcast_in_dim3A_3065, %select_n3A_3037 : vector<80x128xi1>, vector<80x128xf32>
    %get3A_3067 = arith.constant 0 : index
    %get3A_3068 = arith.constant 54 : index
    %get3A_3069 = vector.load %arg3[%get3A_3067, %get3A_3068] : memref<1x128xf32, #tpu.memory_space<vmem>>, vector<1x1xf32>
    %get3A_3070 = vector.extract %get3A_3069[0, 0] : f32 from vector<1x1xf32>
    %broadcast_in_dim3A_3071 = vector.broadcast %get3A_3070 : f32 to vector<80x128xf32>
    %select_n3A_3072 = arith.select %eq3A_3046, %broadcast_in_dim3A_3071, %select_n3A_3043 : vector<80x128xi1>, vector<80x128xf32>
    %eq3A_3073 = arith.constant 55 : i32
    %eq3A_3074 = vector.broadcast %eq3A_3073 : i32 to vector<80x128xi32>
    %eq3A_3075 = arith.cmpi eq, %get3A_7, %eq3A_3074 : vector<80x128xi32>
    %jit3A_3076 = arith.constant 0.000000e+00 : f32
    %broadcast_in_dim3A_3077 = vector.broadcast %jit3A_3076 : f32 to vector<80x128xf32>
    %select_n3A_3078 = arith.select %eq3A_3075, %exp3A, %broadcast_in_dim3A_3077 : vector<80x128xi1>, vector<80x128xf32>
    %reduce_sum3A_3079 = vector.shape_cast %select_n3A_3078 : vector<80x128xf32> to vector<1x80x128xf32>
    %reduce_sum3A_3080 = arith.constant dense<0.000000e+00> : vector<1xf32>
    %reduce_sum3A_3081 = vector.multi_reduction <add>, %reduce_sum3A_3079, %reduce_sum3A_3080 [1, 2] : vector<1x80x128xf32> to vector<1xf32>
    %reduce_sum3A_3082 = vector.shape_cast %reduce_sum3A_3081 : vector<1xf32> to vector<1x1x1xf32>
    %reduce_sum3A_3083 = vector.extract %reduce_sum3A_3082[0, 0, 0] : f32 from vector<1x1x1xf32>
    %jit3A_3084 = arith.constant 0.000000e+00 : f32
    %broadcast_in_dim3A_3085 = vector.broadcast %jit3A_3084 : f32 to vector<80x128xf32>
    %select_n3A_3086 = arith.select %eq3A_3075, %exp3A_1478, %broadcast_in_dim3A_3085 : vector<80x128xi1>, vector<80x128xf32>
    %reduce_sum3A_3087 = vector.shape_cast %select_n3A_3086 : vector<80x128xf32> to vector<1x80x128xf32>
    %reduce_sum3A_3088 = arith.constant dense<0.000000e+00> : vector<1xf32>
    %reduce_sum3A_3089 = vector.multi_reduction <add>, %reduce_sum3A_3087, %reduce_sum3A_3088 [1, 2] : vector<1x80x128xf32> to vector<1xf32>
    %reduce_sum3A_3090 = vector.shape_cast %reduce_sum3A_3089 : vector<1xf32> to vector<1x1x1xf32>
    %reduce_sum3A_3091 = vector.extract %reduce_sum3A_3090[0, 0, 0] : f32 from vector<1x1x1xf32>
    %broadcast_in_dim3A_3092 = vector.broadcast %reduce_sum3A_3083 : f32 to vector<80x128xf32>
    %select_n3A_3093 = arith.select %eq3A_3075, %broadcast_in_dim3A_3092, %select_n3A_3064 : vector<80x128xi1>, vector<80x128xf32>
    %broadcast_in_dim3A_3094 = vector.broadcast %reduce_sum3A_3091 : f32 to vector<80x128xf32>
    %select_n3A_3095 = arith.select %eq3A_3075, %broadcast_in_dim3A_3094, %select_n3A_3066 : vector<80x128xi1>, vector<80x128xf32>
    %get3A_3096 = arith.constant 0 : index
    %get3A_3097 = arith.constant 55 : index
    %get3A_3098 = vector.load %arg3[%get3A_3096, %get3A_3097] : memref<1x128xf32, #tpu.memory_space<vmem>>, vector<1x1xf32>
    %get3A_3099 = vector.extract %get3A_3098[0, 0] : f32 from vector<1x1xf32>
    %broadcast_in_dim3A_3100 = vector.broadcast %get3A_3099 : f32 to vector<80x128xf32>
    %select_n3A_3101 = arith.select %eq3A_3075, %broadcast_in_dim3A_3100, %select_n3A_3072 : vector<80x128xi1>, vector<80x128xf32>
    %eq3A_3102 = arith.constant 56 : i32
    %eq3A_3103 = vector.broadcast %eq3A_3102 : i32 to vector<80x128xi32>
    %eq3A_3104 = arith.cmpi eq, %get3A_7, %eq3A_3103 : vector<80x128xi32>
    %jit3A_3105 = arith.constant 0.000000e+00 : f32
    %broadcast_in_dim3A_3106 = vector.broadcast %jit3A_3105 : f32 to vector<80x128xf32>
    %select_n3A_3107 = arith.select %eq3A_3104, %exp3A, %broadcast_in_dim3A_3106 : vector<80x128xi1>, vector<80x128xf32>
    %reduce_sum3A_3108 = vector.shape_cast %select_n3A_3107 : vector<80x128xf32> to vector<1x80x128xf32>
    %reduce_sum3A_3109 = arith.constant dense<0.000000e+00> : vector<1xf32>
    %reduce_sum3A_3110 = vector.multi_reduction <add>, %reduce_sum3A_3108, %reduce_sum3A_3109 [1, 2] : vector<1x80x128xf32> to vector<1xf32>
    %reduce_sum3A_3111 = vector.shape_cast %reduce_sum3A_3110 : vector<1xf32> to vector<1x1x1xf32>
    %reduce_sum3A_3112 = vector.extract %reduce_sum3A_3111[0, 0, 0] : f32 from vector<1x1x1xf32>
    %jit3A_3113 = arith.constant 0.000000e+00 : f32
    %broadcast_in_dim3A_3114 = vector.broadcast %jit3A_3113 : f32 to vector<80x128xf32>
    %select_n3A_3115 = arith.select %eq3A_3104, %exp3A_1478, %broadcast_in_dim3A_3114 : vector<80x128xi1>, vector<80x128xf32>
    %reduce_sum3A_3116 = vector.shape_cast %select_n3A_3115 : vector<80x128xf32> to vector<1x80x128xf32>
    %reduce_sum3A_3117 = arith.constant dense<0.000000e+00> : vector<1xf32>
    %reduce_sum3A_3118 = vector.multi_reduction <add>, %reduce_sum3A_3116, %reduce_sum3A_3117 [1, 2] : vector<1x80x128xf32> to vector<1xf32>
    %reduce_sum3A_3119 = vector.shape_cast %reduce_sum3A_3118 : vector<1xf32> to vector<1x1x1xf32>
    %reduce_sum3A_3120 = vector.extract %reduce_sum3A_3119[0, 0, 0] : f32 from vector<1x1x1xf32>
    %broadcast_in_dim3A_3121 = vector.broadcast %reduce_sum3A_3112 : f32 to vector<80x128xf32>
    %select_n3A_3122 = arith.select %eq3A_3104, %broadcast_in_dim3A_3121, %select_n3A_3093 : vector<80x128xi1>, vector<80x128xf32>
    %broadcast_in_dim3A_3123 = vector.broadcast %reduce_sum3A_3120 : f32 to vector<80x128xf32>
    %select_n3A_3124 = arith.select %eq3A_3104, %broadcast_in_dim3A_3123, %select_n3A_3095 : vector<80x128xi1>, vector<80x128xf32>
    %get3A_3125 = arith.constant 0 : index
    %get3A_3126 = arith.constant 56 : index
    %get3A_3127 = vector.load %arg3[%get3A_3125, %get3A_3126] : memref<1x128xf32, #tpu.memory_space<vmem>>, vector<1x1xf32>
    %get3A_3128 = vector.extract %get3A_3127[0, 0] : f32 from vector<1x1xf32>
    %broadcast_in_dim3A_3129 = vector.broadcast %get3A_3128 : f32 to vector<80x128xf32>
    %select_n3A_3130 = arith.select %eq3A_3104, %broadcast_in_dim3A_3129, %select_n3A_3101 : vector<80x128xi1>, vector<80x128xf32>
    %eq3A_3131 = arith.constant 57 : i32
    %eq3A_3132 = vector.broadcast %eq3A_3131 : i32 to vector<80x128xi32>
    %eq3A_3133 = arith.cmpi eq, %get3A_7, %eq3A_3132 : vector<80x128xi32>
    %jit3A_3134 = arith.constant 0.000000e+00 : f32
    %broadcast_in_dim3A_3135 = vector.broadcast %jit3A_3134 : f32 to vector<80x128xf32>
    %select_n3A_3136 = arith.select %eq3A_3133, %exp3A, %broadcast_in_dim3A_3135 : vector<80x128xi1>, vector<80x128xf32>
    %reduce_sum3A_3137 = vector.shape_cast %select_n3A_3136 : vector<80x128xf32> to vector<1x80x128xf32>
    %reduce_sum3A_3138 = arith.constant dense<0.000000e+00> : vector<1xf32>
    %reduce_sum3A_3139 = vector.multi_reduction <add>, %reduce_sum3A_3137, %reduce_sum3A_3138 [1, 2] : vector<1x80x128xf32> to vector<1xf32>
    %reduce_sum3A_3140 = vector.shape_cast %reduce_sum3A_3139 : vector<1xf32> to vector<1x1x1xf32>
    %reduce_sum3A_3141 = vector.extract %reduce_sum3A_3140[0, 0, 0] : f32 from vector<1x1x1xf32>
    %jit3A_3142 = arith.constant 0.000000e+00 : f32
    %broadcast_in_dim3A_3143 = vector.broadcast %jit3A_3142 : f32 to vector<80x128xf32>
    %select_n3A_3144 = arith.select %eq3A_3133, %exp3A_1478, %broadcast_in_dim3A_3143 : vector<80x128xi1>, vector<80x128xf32>
    %reduce_sum3A_3145 = vector.shape_cast %select_n3A_3144 : vector<80x128xf32> to vector<1x80x128xf32>
    %reduce_sum3A_3146 = arith.constant dense<0.000000e+00> : vector<1xf32>
    %reduce_sum3A_3147 = vector.multi_reduction <add>, %reduce_sum3A_3145, %reduce_sum3A_3146 [1, 2] : vector<1x80x128xf32> to vector<1xf32>
    %reduce_sum3A_3148 = vector.shape_cast %reduce_sum3A_3147 : vector<1xf32> to vector<1x1x1xf32>
    %reduce_sum3A_3149 = vector.extract %reduce_sum3A_3148[0, 0, 0] : f32 from vector<1x1x1xf32>
    %broadcast_in_dim3A_3150 = vector.broadcast %reduce_sum3A_3141 : f32 to vector<80x128xf32>
    %select_n3A_3151 = arith.select %eq3A_3133, %broadcast_in_dim3A_3150, %select_n3A_3122 : vector<80x128xi1>, vector<80x128xf32>
    %broadcast_in_dim3A_3152 = vector.broadcast %reduce_sum3A_3149 : f32 to vector<80x128xf32>
    %select_n3A_3153 = arith.select %eq3A_3133, %broadcast_in_dim3A_3152, %select_n3A_3124 : vector<80x128xi1>, vector<80x128xf32>
    %get3A_3154 = arith.constant 0 : index
    %get3A_3155 = arith.constant 57 : index
    %get3A_3156 = vector.load %arg3[%get3A_3154, %get3A_3155] : memref<1x128xf32, #tpu.memory_space<vmem>>, vector<1x1xf32>
    %get3A_3157 = vector.extract %get3A_3156[0, 0] : f32 from vector<1x1xf32>
    %broadcast_in_dim3A_3158 = vector.broadcast %get3A_3157 : f32 to vector<80x128xf32>
    %select_n3A_3159 = arith.select %eq3A_3133, %broadcast_in_dim3A_3158, %select_n3A_3130 : vector<80x128xi1>, vector<80x128xf32>
    %eq3A_3160 = arith.constant 58 : i32
    %eq3A_3161 = vector.broadcast %eq3A_3160 : i32 to vector<80x128xi32>
    %eq3A_3162 = arith.cmpi eq, %get3A_7, %eq3A_3161 : vector<80x128xi32>
    %jit3A_3163 = arith.constant 0.000000e+00 : f32
    %broadcast_in_dim3A_3164 = vector.broadcast %jit3A_3163 : f32 to vector<80x128xf32>
    %select_n3A_3165 = arith.select %eq3A_3162, %exp3A, %broadcast_in_dim3A_3164 : vector<80x128xi1>, vector<80x128xf32>
    %reduce_sum3A_3166 = vector.shape_cast %select_n3A_3165 : vector<80x128xf32> to vector<1x80x128xf32>
    %reduce_sum3A_3167 = arith.constant dense<0.000000e+00> : vector<1xf32>
    %reduce_sum3A_3168 = vector.multi_reduction <add>, %reduce_sum3A_3166, %reduce_sum3A_3167 [1, 2] : vector<1x80x128xf32> to vector<1xf32>
    %reduce_sum3A_3169 = vector.shape_cast %reduce_sum3A_3168 : vector<1xf32> to vector<1x1x1xf32>
    %reduce_sum3A_3170 = vector.extract %reduce_sum3A_3169[0, 0, 0] : f32 from vector<1x1x1xf32>
    %jit3A_3171 = arith.constant 0.000000e+00 : f32
    %broadcast_in_dim3A_3172 = vector.broadcast %jit3A_3171 : f32 to vector<80x128xf32>
    %select_n3A_3173 = arith.select %eq3A_3162, %exp3A_1478, %broadcast_in_dim3A_3172 : vector<80x128xi1>, vector<80x128xf32>
    %reduce_sum3A_3174 = vector.shape_cast %select_n3A_3173 : vector<80x128xf32> to vector<1x80x128xf32>
    %reduce_sum3A_3175 = arith.constant dense<0.000000e+00> : vector<1xf32>
    %reduce_sum3A_3176 = vector.multi_reduction <add>, %reduce_sum3A_3174, %reduce_sum3A_3175 [1, 2] : vector<1x80x128xf32> to vector<1xf32>
    %reduce_sum3A_3177 = vector.shape_cast %reduce_sum3A_3176 : vector<1xf32> to vector<1x1x1xf32>
    %reduce_sum3A_3178 = vector.extract %reduce_sum3A_3177[0, 0, 0] : f32 from vector<1x1x1xf32>
    %broadcast_in_dim3A_3179 = vector.broadcast %reduce_sum3A_3170 : f32 to vector<80x128xf32>
    %select_n3A_3180 = arith.select %eq3A_3162, %broadcast_in_dim3A_3179, %select_n3A_3151 : vector<80x128xi1>, vector<80x128xf32>
    %broadcast_in_dim3A_3181 = vector.broadcast %reduce_sum3A_3178 : f32 to vector<80x128xf32>
    %select_n3A_3182 = arith.select %eq3A_3162, %broadcast_in_dim3A_3181, %select_n3A_3153 : vector<80x128xi1>, vector<80x128xf32>
    %get3A_3183 = arith.constant 0 : index
    %get3A_3184 = arith.constant 58 : index
    %get3A_3185 = vector.load %arg3[%get3A_3183, %get3A_3184] : memref<1x128xf32, #tpu.memory_space<vmem>>, vector<1x1xf32>
    %get3A_3186 = vector.extract %get3A_3185[0, 0] : f32 from vector<1x1xf32>
    %broadcast_in_dim3A_3187 = vector.broadcast %get3A_3186 : f32 to vector<80x128xf32>
    %select_n3A_3188 = arith.select %eq3A_3162, %broadcast_in_dim3A_3187, %select_n3A_3159 : vector<80x128xi1>, vector<80x128xf32>
    %eq3A_3189 = arith.constant 59 : i32
    %eq3A_3190 = vector.broadcast %eq3A_3189 : i32 to vector<80x128xi32>
    %eq3A_3191 = arith.cmpi eq, %get3A_7, %eq3A_3190 : vector<80x128xi32>
    %jit3A_3192 = arith.constant 0.000000e+00 : f32
    %broadcast_in_dim3A_3193 = vector.broadcast %jit3A_3192 : f32 to vector<80x128xf32>
    %select_n3A_3194 = arith.select %eq3A_3191, %exp3A, %broadcast_in_dim3A_3193 : vector<80x128xi1>, vector<80x128xf32>
    %reduce_sum3A_3195 = vector.shape_cast %select_n3A_3194 : vector<80x128xf32> to vector<1x80x128xf32>
    %reduce_sum3A_3196 = arith.constant dense<0.000000e+00> : vector<1xf32>
    %reduce_sum3A_3197 = vector.multi_reduction <add>, %reduce_sum3A_3195, %reduce_sum3A_3196 [1, 2] : vector<1x80x128xf32> to vector<1xf32>
    %reduce_sum3A_3198 = vector.shape_cast %reduce_sum3A_3197 : vector<1xf32> to vector<1x1x1xf32>
    %reduce_sum3A_3199 = vector.extract %reduce_sum3A_3198[0, 0, 0] : f32 from vector<1x1x1xf32>
    %jit3A_3200 = arith.constant 0.000000e+00 : f32
    %broadcast_in_dim3A_3201 = vector.broadcast %jit3A_3200 : f32 to vector<80x128xf32>
    %select_n3A_3202 = arith.select %eq3A_3191, %exp3A_1478, %broadcast_in_dim3A_3201 : vector<80x128xi1>, vector<80x128xf32>
    %reduce_sum3A_3203 = vector.shape_cast %select_n3A_3202 : vector<80x128xf32> to vector<1x80x128xf32>
    %reduce_sum3A_3204 = arith.constant dense<0.000000e+00> : vector<1xf32>
    %reduce_sum3A_3205 = vector.multi_reduction <add>, %reduce_sum3A_3203, %reduce_sum3A_3204 [1, 2] : vector<1x80x128xf32> to vector<1xf32>
    %reduce_sum3A_3206 = vector.shape_cast %reduce_sum3A_3205 : vector<1xf32> to vector<1x1x1xf32>
    %reduce_sum3A_3207 = vector.extract %reduce_sum3A_3206[0, 0, 0] : f32 from vector<1x1x1xf32>
    %broadcast_in_dim3A_3208 = vector.broadcast %reduce_sum3A_3199 : f32 to vector<80x128xf32>
    %select_n3A_3209 = arith.select %eq3A_3191, %broadcast_in_dim3A_3208, %select_n3A_3180 : vector<80x128xi1>, vector<80x128xf32>
    %broadcast_in_dim3A_3210 = vector.broadcast %reduce_sum3A_3207 : f32 to vector<80x128xf32>
    %select_n3A_3211 = arith.select %eq3A_3191, %broadcast_in_dim3A_3210, %select_n3A_3182 : vector<80x128xi1>, vector<80x128xf32>
    %get3A_3212 = arith.constant 0 : index
    %get3A_3213 = arith.constant 59 : index
    %get3A_3214 = vector.load %arg3[%get3A_3212, %get3A_3213] : memref<1x128xf32, #tpu.memory_space<vmem>>, vector<1x1xf32>
    %get3A_3215 = vector.extract %get3A_3214[0, 0] : f32 from vector<1x1xf32>
    %broadcast_in_dim3A_3216 = vector.broadcast %get3A_3215 : f32 to vector<80x128xf32>
    %select_n3A_3217 = arith.select %eq3A_3191, %broadcast_in_dim3A_3216, %select_n3A_3188 : vector<80x128xi1>, vector<80x128xf32>
    %eq3A_3218 = arith.constant 60 : i32
    %eq3A_3219 = vector.broadcast %eq3A_3218 : i32 to vector<80x128xi32>
    %eq3A_3220 = arith.cmpi eq, %get3A_7, %eq3A_3219 : vector<80x128xi32>
    %jit3A_3221 = arith.constant 0.000000e+00 : f32
    %broadcast_in_dim3A_3222 = vector.broadcast %jit3A_3221 : f32 to vector<80x128xf32>
    %select_n3A_3223 = arith.select %eq3A_3220, %exp3A, %broadcast_in_dim3A_3222 : vector<80x128xi1>, vector<80x128xf32>
    %reduce_sum3A_3224 = vector.shape_cast %select_n3A_3223 : vector<80x128xf32> to vector<1x80x128xf32>
    %reduce_sum3A_3225 = arith.constant dense<0.000000e+00> : vector<1xf32>
    %reduce_sum3A_3226 = vector.multi_reduction <add>, %reduce_sum3A_3224, %reduce_sum3A_3225 [1, 2] : vector<1x80x128xf32> to vector<1xf32>
    %reduce_sum3A_3227 = vector.shape_cast %reduce_sum3A_3226 : vector<1xf32> to vector<1x1x1xf32>
    %reduce_sum3A_3228 = vector.extract %reduce_sum3A_3227[0, 0, 0] : f32 from vector<1x1x1xf32>
    %jit3A_3229 = arith.constant 0.000000e+00 : f32
    %broadcast_in_dim3A_3230 = vector.broadcast %jit3A_3229 : f32 to vector<80x128xf32>
    %select_n3A_3231 = arith.select %eq3A_3220, %exp3A_1478, %broadcast_in_dim3A_3230 : vector<80x128xi1>, vector<80x128xf32>
    %reduce_sum3A_3232 = vector.shape_cast %select_n3A_3231 : vector<80x128xf32> to vector<1x80x128xf32>
    %reduce_sum3A_3233 = arith.constant dense<0.000000e+00> : vector<1xf32>
    %reduce_sum3A_3234 = vector.multi_reduction <add>, %reduce_sum3A_3232, %reduce_sum3A_3233 [1, 2] : vector<1x80x128xf32> to vector<1xf32>
    %reduce_sum3A_3235 = vector.shape_cast %reduce_sum3A_3234 : vector<1xf32> to vector<1x1x1xf32>
    %reduce_sum3A_3236 = vector.extract %reduce_sum3A_3235[0, 0, 0] : f32 from vector<1x1x1xf32>
    %broadcast_in_dim3A_3237 = vector.broadcast %reduce_sum3A_3228 : f32 to vector<80x128xf32>
    %select_n3A_3238 = arith.select %eq3A_3220, %broadcast_in_dim3A_3237, %select_n3A_3209 : vector<80x128xi1>, vector<80x128xf32>
    %broadcast_in_dim3A_3239 = vector.broadcast %reduce_sum3A_3236 : f32 to vector<80x128xf32>
    %select_n3A_3240 = arith.select %eq3A_3220, %broadcast_in_dim3A_3239, %select_n3A_3211 : vector<80x128xi1>, vector<80x128xf32>
    %get3A_3241 = arith.constant 0 : index
    %get3A_3242 = arith.constant 60 : index
    %get3A_3243 = vector.load %arg3[%get3A_3241, %get3A_3242] : memref<1x128xf32, #tpu.memory_space<vmem>>, vector<1x1xf32>
    %get3A_3244 = vector.extract %get3A_3243[0, 0] : f32 from vector<1x1xf32>
    %broadcast_in_dim3A_3245 = vector.broadcast %get3A_3244 : f32 to vector<80x128xf32>
    %select_n3A_3246 = arith.select %eq3A_3220, %broadcast_in_dim3A_3245, %select_n3A_3217 : vector<80x128xi1>, vector<80x128xf32>
    %eq3A_3247 = arith.constant 61 : i32
    %eq3A_3248 = vector.broadcast %eq3A_3247 : i32 to vector<80x128xi32>
    %eq3A_3249 = arith.cmpi eq, %get3A_7, %eq3A_3248 : vector<80x128xi32>
    %jit3A_3250 = arith.constant 0.000000e+00 : f32
    %broadcast_in_dim3A_3251 = vector.broadcast %jit3A_3250 : f32 to vector<80x128xf32>
    %select_n3A_3252 = arith.select %eq3A_3249, %exp3A, %broadcast_in_dim3A_3251 : vector<80x128xi1>, vector<80x128xf32>
    %reduce_sum3A_3253 = vector.shape_cast %select_n3A_3252 : vector<80x128xf32> to vector<1x80x128xf32>
    %reduce_sum3A_3254 = arith.constant dense<0.000000e+00> : vector<1xf32>
    %reduce_sum3A_3255 = vector.multi_reduction <add>, %reduce_sum3A_3253, %reduce_sum3A_3254 [1, 2] : vector<1x80x128xf32> to vector<1xf32>
    %reduce_sum3A_3256 = vector.shape_cast %reduce_sum3A_3255 : vector<1xf32> to vector<1x1x1xf32>
    %reduce_sum3A_3257 = vector.extract %reduce_sum3A_3256[0, 0, 0] : f32 from vector<1x1x1xf32>
    %jit3A_3258 = arith.constant 0.000000e+00 : f32
    %broadcast_in_dim3A_3259 = vector.broadcast %jit3A_3258 : f32 to vector<80x128xf32>
    %select_n3A_3260 = arith.select %eq3A_3249, %exp3A_1478, %broadcast_in_dim3A_3259 : vector<80x128xi1>, vector<80x128xf32>
    %reduce_sum3A_3261 = vector.shape_cast %select_n3A_3260 : vector<80x128xf32> to vector<1x80x128xf32>
    %reduce_sum3A_3262 = arith.constant dense<0.000000e+00> : vector<1xf32>
    %reduce_sum3A_3263 = vector.multi_reduction <add>, %reduce_sum3A_3261, %reduce_sum3A_3262 [1, 2] : vector<1x80x128xf32> to vector<1xf32>
    %reduce_sum3A_3264 = vector.shape_cast %reduce_sum3A_3263 : vector<1xf32> to vector<1x1x1xf32>
    %reduce_sum3A_3265 = vector.extract %reduce_sum3A_3264[0, 0, 0] : f32 from vector<1x1x1xf32>
    %broadcast_in_dim3A_3266 = vector.broadcast %reduce_sum3A_3257 : f32 to vector<80x128xf32>
    %select_n3A_3267 = arith.select %eq3A_3249, %broadcast_in_dim3A_3266, %select_n3A_3238 : vector<80x128xi1>, vector<80x128xf32>
    %broadcast_in_dim3A_3268 = vector.broadcast %reduce_sum3A_3265 : f32 to vector<80x128xf32>
    %select_n3A_3269 = arith.select %eq3A_3249, %broadcast_in_dim3A_3268, %select_n3A_3240 : vector<80x128xi1>, vector<80x128xf32>
    %get3A_3270 = arith.constant 0 : index
    %get3A_3271 = arith.constant 61 : index
    %get3A_3272 = vector.load %arg3[%get3A_3270, %get3A_3271] : memref<1x128xf32, #tpu.memory_space<vmem>>, vector<1x1xf32>
    %get3A_3273 = vector.extract %get3A_3272[0, 0] : f32 from vector<1x1xf32>
    %broadcast_in_dim3A_3274 = vector.broadcast %get3A_3273 : f32 to vector<80x128xf32>
    %select_n3A_3275 = arith.select %eq3A_3249, %broadcast_in_dim3A_3274, %select_n3A_3246 : vector<80x128xi1>, vector<80x128xf32>
    %eq3A_3276 = arith.constant 62 : i32
    %eq3A_3277 = vector.broadcast %eq3A_3276 : i32 to vector<80x128xi32>
    %eq3A_3278 = arith.cmpi eq, %get3A_7, %eq3A_3277 : vector<80x128xi32>
    %jit3A_3279 = arith.constant 0.000000e+00 : f32
    %broadcast_in_dim3A_3280 = vector.broadcast %jit3A_3279 : f32 to vector<80x128xf32>
    %select_n3A_3281 = arith.select %eq3A_3278, %exp3A, %broadcast_in_dim3A_3280 : vector<80x128xi1>, vector<80x128xf32>
    %reduce_sum3A_3282 = vector.shape_cast %select_n3A_3281 : vector<80x128xf32> to vector<1x80x128xf32>
    %reduce_sum3A_3283 = arith.constant dense<0.000000e+00> : vector<1xf32>
    %reduce_sum3A_3284 = vector.multi_reduction <add>, %reduce_sum3A_3282, %reduce_sum3A_3283 [1, 2] : vector<1x80x128xf32> to vector<1xf32>
    %reduce_sum3A_3285 = vector.shape_cast %reduce_sum3A_3284 : vector<1xf32> to vector<1x1x1xf32>
    %reduce_sum3A_3286 = vector.extract %reduce_sum3A_3285[0, 0, 0] : f32 from vector<1x1x1xf32>
    %jit3A_3287 = arith.constant 0.000000e+00 : f32
    %broadcast_in_dim3A_3288 = vector.broadcast %jit3A_3287 : f32 to vector<80x128xf32>
    %select_n3A_3289 = arith.select %eq3A_3278, %exp3A_1478, %broadcast_in_dim3A_3288 : vector<80x128xi1>, vector<80x128xf32>
    %reduce_sum3A_3290 = vector.shape_cast %select_n3A_3289 : vector<80x128xf32> to vector<1x80x128xf32>
    %reduce_sum3A_3291 = arith.constant dense<0.000000e+00> : vector<1xf32>
    %reduce_sum3A_3292 = vector.multi_reduction <add>, %reduce_sum3A_3290, %reduce_sum3A_3291 [1, 2] : vector<1x80x128xf32> to vector<1xf32>
    %reduce_sum3A_3293 = vector.shape_cast %reduce_sum3A_3292 : vector<1xf32> to vector<1x1x1xf32>
    %reduce_sum3A_3294 = vector.extract %reduce_sum3A_3293[0, 0, 0] : f32 from vector<1x1x1xf32>
    %broadcast_in_dim3A_3295 = vector.broadcast %reduce_sum3A_3286 : f32 to vector<80x128xf32>
    %select_n3A_3296 = arith.select %eq3A_3278, %broadcast_in_dim3A_3295, %select_n3A_3267 : vector<80x128xi1>, vector<80x128xf32>
    %broadcast_in_dim3A_3297 = vector.broadcast %reduce_sum3A_3294 : f32 to vector<80x128xf32>
    %select_n3A_3298 = arith.select %eq3A_3278, %broadcast_in_dim3A_3297, %select_n3A_3269 : vector<80x128xi1>, vector<80x128xf32>
    %get3A_3299 = arith.constant 0 : index
    %get3A_3300 = arith.constant 62 : index
    %get3A_3301 = vector.load %arg3[%get3A_3299, %get3A_3300] : memref<1x128xf32, #tpu.memory_space<vmem>>, vector<1x1xf32>
    %get3A_3302 = vector.extract %get3A_3301[0, 0] : f32 from vector<1x1xf32>
    %broadcast_in_dim3A_3303 = vector.broadcast %get3A_3302 : f32 to vector<80x128xf32>
    %select_n3A_3304 = arith.select %eq3A_3278, %broadcast_in_dim3A_3303, %select_n3A_3275 : vector<80x128xi1>, vector<80x128xf32>
    %eq3A_3305 = arith.constant 63 : i32
    %eq3A_3306 = vector.broadcast %eq3A_3305 : i32 to vector<80x128xi32>
    %eq3A_3307 = arith.cmpi eq, %get3A_7, %eq3A_3306 : vector<80x128xi32>
    %jit3A_3308 = arith.constant 0.000000e+00 : f32
    %broadcast_in_dim3A_3309 = vector.broadcast %jit3A_3308 : f32 to vector<80x128xf32>
    %select_n3A_3310 = arith.select %eq3A_3307, %exp3A, %broadcast_in_dim3A_3309 : vector<80x128xi1>, vector<80x128xf32>
    %reduce_sum3A_3311 = vector.shape_cast %select_n3A_3310 : vector<80x128xf32> to vector<1x80x128xf32>
    %reduce_sum3A_3312 = arith.constant dense<0.000000e+00> : vector<1xf32>
    %reduce_sum3A_3313 = vector.multi_reduction <add>, %reduce_sum3A_3311, %reduce_sum3A_3312 [1, 2] : vector<1x80x128xf32> to vector<1xf32>
    %reduce_sum3A_3314 = vector.shape_cast %reduce_sum3A_3313 : vector<1xf32> to vector<1x1x1xf32>
    %reduce_sum3A_3315 = vector.extract %reduce_sum3A_3314[0, 0, 0] : f32 from vector<1x1x1xf32>
    %jit3A_3316 = arith.constant 0.000000e+00 : f32
    %broadcast_in_dim3A_3317 = vector.broadcast %jit3A_3316 : f32 to vector<80x128xf32>
    %select_n3A_3318 = arith.select %eq3A_3307, %exp3A_1478, %broadcast_in_dim3A_3317 : vector<80x128xi1>, vector<80x128xf32>
    %reduce_sum3A_3319 = vector.shape_cast %select_n3A_3318 : vector<80x128xf32> to vector<1x80x128xf32>
    %reduce_sum3A_3320 = arith.constant dense<0.000000e+00> : vector<1xf32>
    %reduce_sum3A_3321 = vector.multi_reduction <add>, %reduce_sum3A_3319, %reduce_sum3A_3320 [1, 2] : vector<1x80x128xf32> to vector<1xf32>
    %reduce_sum3A_3322 = vector.shape_cast %reduce_sum3A_3321 : vector<1xf32> to vector<1x1x1xf32>
    %reduce_sum3A_3323 = vector.extract %reduce_sum3A_3322[0, 0, 0] : f32 from vector<1x1x1xf32>
    %broadcast_in_dim3A_3324 = vector.broadcast %reduce_sum3A_3315 : f32 to vector<80x128xf32>
    %select_n3A_3325 = arith.select %eq3A_3307, %broadcast_in_dim3A_3324, %select_n3A_3296 : vector<80x128xi1>, vector<80x128xf32>
    %broadcast_in_dim3A_3326 = vector.broadcast %reduce_sum3A_3323 : f32 to vector<80x128xf32>
    %select_n3A_3327 = arith.select %eq3A_3307, %broadcast_in_dim3A_3326, %select_n3A_3298 : vector<80x128xi1>, vector<80x128xf32>
    %get3A_3328 = arith.constant 0 : index
    %get3A_3329 = arith.constant 63 : index
    %get3A_3330 = vector.load %arg3[%get3A_3328, %get3A_3329] : memref<1x128xf32, #tpu.memory_space<vmem>>, vector<1x1xf32>
    %get3A_3331 = vector.extract %get3A_3330[0, 0] : f32 from vector<1x1xf32>
    %broadcast_in_dim3A_3332 = vector.broadcast %get3A_3331 : f32 to vector<80x128xf32>
    %select_n3A_3333 = arith.select %eq3A_3307, %broadcast_in_dim3A_3332, %select_n3A_3304 : vector<80x128xi1>, vector<80x128xf32>
    %div3A = arith.divf %exp3A, %select_n3A_3325 : vector<80x128xf32>
    %div3A_3334 = arith.divf %exp3A_1478, %select_n3A_3327 : vector<80x128xf32>
    %mul3A = arith.mulf %select_n3A_3333, %div3A_3334 : vector<80x128xf32>
    %sub3A_3335 = arith.constant 1.000000e+00 : f32
    %sub3A_3336 = vector.broadcast %sub3A_3335 : f32 to vector<80x128xf32>
    %sub3A_3337 = arith.subf %sub3A_3336, %select_n3A_3333 : vector<80x128xf32>
    %mul3A_3338 = arith.mulf %sub3A_3337, %div3A : vector<80x128xf32>
    %add3A = arith.addf %mul3A, %mul3A_3338 : vector<80x128xf32>
    %swap3A = arith.constant 0 : index
    %swap3A_3339 = arith.constant 0 : index
    %swap3A_3340 = vector.load %arg4[%swap3A, %swap3A_3339] : memref<80x128xf32, #tpu.memory_space<vmem>>, vector<80x128xf32>
    tpu.vector_store %arg4[%swap3A, %swap3A_3339], %add3A {strides = array<i32>} : memref<80x128xf32, #tpu.memory_space<vmem>>, vector<80x128xf32>,
    return
  }
}

</mosaic_0001>

<sc_bundles>
// kernel: kernel.11.cloned.1.call-start
scs
__scs_entry_jumppad:
0x0: {  	(pc) =	sbr.rel $0x88, $3  }
0x1: {  	(tag) =	ssettag $0x0;
	lr =	simm.s32 $0x1  }
0x2: {  	[smem:$0x3F94] =	sst lr;
	_ =	strace $0xD0000000  }
0x3: {  	_ = 	snop  }
0x4: {  	_ = 	snop  }
0x5: {  	_ = 	snop  }
0x6: {  	_ = 	snop  }
0x7: {  	_ = 	snop  }
__scs_overlays_trampoline_lowered:
0x8: {  	[smem:$0x3FA3] =	sst s0  }
0x9: {  	[smem:$0x3FA4] =	sst s1  }
0xa: {  	[smem:$0x3FA5] =	sst s2  }
0xb: {  	[smem:$0x3FA6] =	sst s3  }
0xc: {  	[smem:$0x3FA7] =	sst s4  }
0xd: {  	[smem:$0x3FA8] =	sst s5  }
0xe: {  	[smem:$0x3FA9] =	sst s6  }
0xf: {  	[smem:$0x3FAA] =	sst s7  }
0x10: {  	[smem:$0x3FAB] =	sst s8  }
0x11: {  	[smem:$0x3FAC] =	sst s9;
	s0 =	simm.s32 @!p0 $0x0  }
0x12: {  	s1 =	sld [smem:$0x3F92];
	s0 =	simm.s32 @p0 $0x1  }
0x13: {  	[smem:$0x3FAD] =	sst s0;
	s0 =	simm.s32 @!p1 $0x0  }
0x14: {  	s2 =	sld [smem:$0x3F91];
	s0 =	simm.s32 @p1 $0x1  }
0x15: {  	[smem:$0x3FAE] =	sst s0;
	s0 =	simm.s32 @!p2 $0x0  }
0x16: {  	s3 =	sld [smem:$0x3FDB];
	s0 =	simm.s32 @p2 $0x1  }
0x17: {  	s4 =	simm.s32 $0x1BF5;
	[smem:$0x3FB0] =	sst s0  }
0x18: {  	s0 =	sld [smem:$0x3F93];
	_ =	swait.ge [sflag:s4], $0x0  }
0x19: {  	s7 =	sld [smem:$0x3F94]  }
0x1a: {  	s8 =	sadd.s32 $0xFFFFE003, lr  }
0x1b: {  	s9 =	sadd.s32 $0xFFFFFEF7, lr;
	s5 =	simm.s32 $0xFFFFFFFF;
	p2 =	slt.u32 s8, $0xFFFFF086  }
0x1c: {  	p1 =	slt.u32 s9, $0xF7A;
	s5 =	simm.s32 @!p2 $0x0  }
0x1d: {  	s5 =	simm.s32 @p1 $0x1;
	p0 =	seq.s32 s7, s2  }
0x1e: {  	s7 =	smul.u32 @!p0 $0xF7A, s2;
	p2 =	seq.s32 @!p0 s5, $0x0  }
0x1f: {  	s9 =	smul.u32 $0xF7A, s1;
	s8 =	simm.s32 @!p0 $0x1BF5;
	p2 =	por !p2, p0  }
0x20: {  	[sflag:s8] =	ssyncset.s32 @!p0 $0xFFFFF086;
	s6 =	sadd.s32 @!p0 s3, s7;
	s7 =	simm.s32 @!p0 $0x108  }
0x21: {  	s3 =	sadd.s32 s3, s9;
	s6 =	sadd.s32 @!p0 $0x88, s6;
	s7 =	simm.s32 @p2 $0x1082  }
0x22: {  	[simem:s7], [sflag:s8] =	dma.local @!p0 [hbm:s6], $0xF7A  }
0x23: {  	s9 =	sor.u32 $0xD0000000, s2;
	s6 =	simm.s32 $0x108;
	_ =	swait.ge @!p0 [sflag:s8], $0x0  }
0x24: {  	s3 =	sadd.s32 $0x88, s3;
	s6 =	simm.s32 @!p1 $0x1082;
	[sflag:s4] =	ssyncset.s32 $0xFFFFF086  }
0x25: {  	[simem:s6], [sflag:s4] =	dma.local [hbm:s3], $0xF7A  }
0x26: {  	[smem:$0x3F94] =	sst s1;
	(tag) =	ssettag s2;
	_ =	strace s9  }
0x27: {  	s1 =	sld [smem:$0x3FA4]  }
0x28: {  	s2 =	sld [smem:$0x3FA5]  }
0x29: {  	s4 =	sld [smem:$0x3FA7]  }
0x2a: {  	p0 =	seq.s32 s5, $0x0;
	s5 =	sld [smem:$0x3FA8]  }
0x2b: {  	s6 =	sld [smem:$0x3FA9]  }
0x2c: {  	s7 =	sld [smem:$0x3FAA]  }
0x2d: {  	s3 =	simm.s32 $0x108;
	s8 =	sld [smem:$0x3FAB]  }
0x2e: {  	s3 =	simm.s32 @!p0 $0x1082;
	s9 =	sld [smem:$0x3FAC]  }
0x2f: {  	lr =	sadd.s32 s0, s3;
	s0 =	sld [smem:$0x3FA3]  }
0x30: {  	s3 =	sld [smem:$0x3FA6]  }
0x31: {  	[smem:$0x3FAF] =	sst s10  }
0x32: {  	s10 =	sld [smem:$0x3FAD];
	_ =	sdelay $0x3  }
0x33: {  	p0 =	seq.s32 s10, $0x1;
	s10 =	sld [smem:$0x3FAF];
	_ =	sdelay $0x3  }
0x34: {  	[smem:$0x3FAF] =	sst s10  }
0x35: {  	s10 =	sld [smem:$0x3FAE];
	_ =	sdelay $0x3  }
0x36: {  	p1 =	seq.s32 s10, $0x1;
	s10 =	sld [smem:$0x3FAF];
	_ =	sdelay $0x3  }
0x37: {  	[smem:$0x3FAF] =	sst s10  }
0x38: {  	s10 =	sld [smem:$0x3FB0]  }
0x39: {  	_ = 	snop;
	(pc) =	sbr.ind lr, $3  }
0x3a: {  	_ = 	snop  }
0x3b: {  	_ = 	snop  }
0x3c: {  	p2 =	seq.s32 s10, $0x1;
	s10 =	sld [smem:$0x3FAF]  }
0x3d: {  	_ =	shalt  }
0x3e: {  	_ =	shalt  }
0x3f: {  	_ =	shalt  }
0x40: {  	_ =	shalt  }
0x41: {  	_ =	shalt  }
0x42: {  	_ =	shalt  }
0x43: {  	_ =	shalt  }
0x44: {  	_ =	shalt  }
0x45: {  	_ =	shalt  }
0x46: {  	_ =	shalt  }
0x47: {  	_ =	shalt  }
0x48: {  	_ =	shalt  }
0x49: {  	_ =	shalt  }
0x4a: {  	_ =	shalt  }
0x4b: {  	_ =	shalt  }
0x4c: {  	_ =	shalt  }
0x4d: {  	_ =	shalt  }
0x4e: {  	_ =	shalt  }
0x4f: {  	_ =	shalt  }
0x50: {  	_ =	shalt  }
0x51: {  	_ =	shalt  }
0x52: {  	_ =	shalt  }
0x53: {  	_ =	shalt  }
0x54: {  	_ =	shalt  }
0x55: {  	_ =	shalt  }
0x56: {  	_ =	shalt  }
0x57: {  	_ =	shalt  }
0x58: {  	_ =	shalt  }
0x59: {  	_ =	shalt  }
0x5a: {  	_ =	shalt  }
0x5b: {  	_ =	shalt  }
0x5c: {  	_ =	shalt  }
0x5d: {  	_ =	shalt  }
0x5e: {  	_ =	shalt  }
0x5f: {  	_ =	shalt  }
0x60: {  	_ =	shalt  }
0x61: {  	_ =	shalt  }
0x62: {  	_ =	shalt  }
0x63: {  	_ =	shalt  }
0x64: {  	_ =	shalt  }
0x65: {  	_ =	shalt  }
0x66: {  	_ =	shalt  }
0x67: {  	_ =	shalt  }
0x68: {  	_ =	shalt  }
0x69: {  	_ =	shalt  }
0x6a: {  	_ =	shalt  }
0x6b: {  	_ =	shalt  }
0x6c: {  	_ =	shalt  }
0x6d: {  	_ =	shalt  }
0x6e: {  	_ =	shalt  }
0x6f: {  	_ =	shalt  }
0x70: {  	_ =	shalt  }
0x71: {  	_ =	shalt  }
0x72: {  	_ =	shalt  }
0x73: {  	_ =	shalt  }
0x74: {  	_ =	shalt  }
0x75: {  	_ =	shalt  }
0x76: {  	_ =	shalt  }
0x77: {  	_ =	shalt  }
0x78: {  	_ =	shalt  }
0x79: {  	_ =	shalt  }
0x7a: {  	_ =	shalt  }
0x7b: {  	_ =	shalt  }
0x7c: {  	_ =	shalt  }
0x7d: {  	_ =	shalt  }
0x7e: {  	_ =	shalt  }
0x7f: {  	_ =	shalt  }
0x80: {  	_ =	shalt  }
0x81: {  	_ =	shalt  }
0x82: {  	_ =	shalt  }
0x83: {  	_ =	shalt  }
0x84: {  	_ =	shalt  }
0x85: {  	_ =	shalt  }
0x86: {  	_ =	shalt  }
0x87: {  	_ =	shalt  }
.Lfunc_end0:
.L_simem_size_0:
called_computation.2_lowered:
.L_overlay_start_0:
0x88: {  	s2 =	sld [smem:$0x3FD9]  }
0x89: {  	s3 =	sld [smem:$0x3FFE];
	_ =	sdelay $0x1  }
0x8a: {  	s1 =	srdreg.scid  }
0x8b: {  	s0 =	sand.u32 $0x1, s1  }
0x8c: {  	s17 =	sshll.u32 s0, $0xA;
	s2 =	sadd.s32 s3, s2  }
0x8d: {  	s2 =	sadd.s32 s2, s17  }
0x8e: {  	[smem:$0x3FBB] =	sst s2  }
0x8f: {  	_ = 	snop  }
0x90: {  	(tm) =	ssettm $0x1  }
0x91: {  	s18 =	sld [smem:$0x3FFB];
	_ =	sdelay $0x3  }
0x92: {  	_ =	strace s18  }
0x93: {  	s2 =	sld [smem:$0x3FFC];
	_ =	sdelay $0x3  }
0x94: {  	_ =	strace s2  }
0x95: {  	s2 =	sld [smem:$0x3FFD];
	_ =	sdelay $0x3  }
0x96: {  	_ =	strace s2  }
0x97: {  	_ =	strace $0x8FFFFFFF  }
0x98: {  	s19 =	sld [smem:$0x3FDB];
	_ =	sdelay $0x1  }
0x99: {  	s20 =	simm.s32 $_scs_section_size  }
0x9a: {  	s4 =	simm.s32 $_size__tile_overlayer_lowered;
	s5 =	simm.s32 $_tile_overlayer_lowered  }
0x9b: {  	s6 =	simm.s32 $0x1BFF;
	s21 =	sshll.u32 s5, $0x1;
	s3 =	sadd.s32 s20, s19  }
0x9c: {  	s22 =	simm.s32 $0x0;
	s4 =	sshll.u32 s4, $0x1;
	s5 =	sadd.s32 s21, s3  }
0x9d: {  	[timem:s22], [sflag:s6] =	dma.local [hbm:s5], s4  }
0x9e: {  	_ =	swait.ge [sflag:s6], s4  }
0x9f: {  	s4 =	ssub.s32 $0x0, s4;
	[sflag:s6] =	ssyncset.done $0x0  }
0xa0: {  	[sflag:s6] =	ssyncadd.s32 s4;
	_ =	sdelay $0x1  }
0xa1: {  	s23 =	simm.s32 $0x1B8B  }
0xa2: {  	_ =	swait.ge [sflag:s23], $0x1  }
0xa3: {  	[sflag:s23] =	ssyncset.done $0x0  }
0xa4: {  	[sflag:s23] =	ssyncadd.s32 $0xFFFFFFFF  }
0xa5: {  	s4 =	sld [smem:$0x0]  }
0xa6: {  	s5 =	sand.u32 $0xFFFFFFFE, s1  }
0xa7: {  	p0 =	sne.s32 s1, s5  }
0xa8: {  	s5 =	sshll.u32 @p0 s5, $0xE  }
0xa9: {  	s5 =	sadd.s32 @p0 $0x11B8D, s5;
	s6 =	sshll.u32 @p0 s4, $0x11  }
0xaa: {  	s5 =	sor.u32 @p0 s6, s5  }
0xab: {  	[sflag:s5] =	ssyncadd.remote.s32 @p0 $0x1;
	_ =	sdelay $0x1  }
0xac: {  	s5 =	simm.s32 @p0 $0x1B8D  }
0xad: {  	_ =	swait.eq @p0 [sflag:s5], $0x1  }
0xae: {  	[sflag:s5] =	ssyncadd.s32 @p0 $0xFFFFFFFF  }
0xaf: {  	s6 =	sshll.u32 @!p0 s1, $0xE  }
0xb0: {  	s6 =	sor.u32 @!p0 $0x4000, s6;
	s5 =	simm.s32 @!p0 $0x1B8D  }
0xb1: {  	s4 =	sshll.u32 @!p0 s4, $0x11;
	s6 =	sadd.s32 @!p0 $0x11B8D, s6;
	_ =	swait.eq @!p0 [sflag:s5], $0x1  }
0xb2: {  	s4 =	sor.u32 @!p0 s4, s6;
	[sflag:s5] =	ssyncadd.s32 @!p0 $0xFFFFFFFF  }
0xb3: {  	s25 =	simm.s32 $0x1B8E;
	s24 =	sld [smem:$0x3FFE];
	[sflag:s4] =	ssyncadd.remote.s32 @!p0 $0x1  }
0xb4: {  	s26 =	simm.s32 $execute0_lowered;
	[smem:$0x3FD2] =	sst s25  }
0xb5: {  	s5 =	sshll.u32 s26, $0x1;
	_ =	strace $0x8000004C;
	[dreg:$0x1] =	wrdreg $0xFFFFFFFF  }
0xb6: {  	s28 =	simm.s32 $_size_execute0_lowered;
	s3 =	sadd.s32 s3, s5;
	[dreg:$0x0] =	wrdreg $0x0  }
0xb7: {  	s5 =	sshll.u32 s28, $0x1;
	[dreg:$0x2] =	wrdreg s3  }
0xb8: {  	[dreg:$0x3] =	wrdreg s5  }
0xb9: {  	[dreg:$0x4] =	wrdreg $0xC0  }
0xba: {  	_ =	task [dreg:s22], $0x5FFFF  }
0xbb: {  	[dreg:$0x1] =	wrdreg $0xFFFFFFFF  }
0xbc: {  	[dreg:$0x0] =	wrdreg $0x60  }
0xbd: {  	[dreg:$0x2] =	wrdreg s24  }
0xbe: {  	[dreg:$0x3] =	wrdreg $0xA8000  }
0xbf: {  	[dreg:$0x4] =	wrdreg $0xA  }
0xc0: {  	_ =	task.clear_ibuf [dreg:s22], $0x5FFFF;
	_ =	strace $0x9000004C  }
0xc1: {  	s29 =	simm.s32 $0xA;
	_ =	strace $0x8000004E  }
0xc2: {  	_ =	swait.ge [sflag:s29], $0x1  }
0xc3: {  	[sflag:s29] =	ssyncadd.s32 $0xFFFFFFFF  }
0xc4: {  	_ =	strace $0x9000004E  }
0xc5: {  	_ =	sfence  }
0xc6: {  	s30 =	sld [smem:$0x0];
	_ =	sdelay $0x2  }
0xc7: {  	s31 =	sshll.u32 s1, $0xD;
	s1 =	sshrl.u32 s1, $0x2  }
0xc8: {  	s4 =	sand.u32 $0x4000, s31;
	s1 =	sadd.s32 s1, s30  }
0xc9: {  	s0 =	sor.u32 s4, s0;
	s1 =	sshll.u32 s1, $0x11  }
0xca: {  	s0 =	sor.u32 s1, s0  }
0xcb: {  	s0 =	sadd.s32 $0x8F2B, s0  }
0xcc: {  	[sflag:s0] =	ssyncadd.remote.s32 $0x1  }
0xcd: {  	_ =	sfence.sel $0xFFFF  }
0xce: {  	[dreg:$0x0] =	wrdreg $0xFFFFFFFF;
	(pc) =	sbr.abs _section_cstart, $3  }
0xcf: {  	[dreg:$0x1] =	wrdreg $0xFFFFFFFF  }
0xd0: {  	_ =	task.clear_ibuf [dreg:s22], $0x2FFFF;
	_ =	strace $0x9FFFFFFF  }
0xd1: {  	(tm) =	ssettm $0x7FFFFFFF  }
tec
execute0_lowered:
.L_overlay_start_1:
0x0: {  	(tag) =	ssettag $0x1  }
0x1: {  	s4 =	rddreg [dreg:$0x0]  }
0x2: {  	s2 =	rddreg [dreg:$0x1]  }
0x3: {  	s0 =	rddreg [dreg:$0x2]  }
0x4: {  	s3 =	simm.s32 $0x0;
	s1 =	stileid.u32;
	s5 =	srdreg.scid  }
0x5: {  	s20 =	simm.s32 $0x50;
	s21 =	simm.s32 $0x0;
	s6 =	smul.u32 $0x4E200, s1  }
0x6: {  	[smem:$0x7FF] =	sst s3;
	s12 =	sand.u32 $0x1, s5;
	s28 =	smul.u32 $0x50000, s1  }
0x7: {  	s26 =	sshll.u32 s1, $0xC;
	s10 =	smul.u32 $0x14000, s1;
	s14 =	sadd.s32 $0x64BC00, s4  }
0x8: {  	_ =	strace $0x8000004D;
	s7 =	sshll.u32 s12, $0xB;
	s17 =	smul.u32 $0x140000, s12  }
0x9: {  	s29 =	ssub.s32 $0x2, s12;
	s31 =	smul.u32 $0x27100, s12;
	s16 =	sadd.s32 s6, s4  }
0xa: {  	s5 =	sor.u32 s7, s26;
	s30 =	sshrl.u32 s29, $0x1;
	s6 =	sshrl.u32 s28, $0x2  }
0xb: {  	s11 =	sadd.s32 $0x4000, s10;
	s13 =	sadd.s32 $0x8000, s10;
	s18 =	sadd.s32 $0xC000, s10  }
0xc: {  	s19 =	sadd.s32 $0x10000, s10;
	s9 =	sadd.s32 s5, s4;
	s15 =	ssub.s32 s29, s30  }
0xd: {  	s4 =	sadd.s32 s6, s2;
	s5 =	sadd.s32 s11, s2;
	s6 =	sadd.s32 s13, s2  }
0xe: {  	s7 =	sadd.s32 s18, s2;
	s8 =	sadd.s32 s19, s2;
	s10 =	sadd.s32 s10, s17  }
0xf: {  	s11 =	sadd.s32 s17, s11;
	s13 =	sadd.s32 s17, s13;
	s18 =	sadd.s32 s17, s18  }
0x10: {  	s17 =	sadd.s32 s17, s19;
	s16 =	sadd.s32 s31, s16;
	s19 =	simm.s32 $0x4000  }
0x11: {  	s9 =	sadd.s32 $0x159C00, s9;
	s10 =	sshrl.u32 s10, $0x3;
	s11 =	sshrl.u32 s11, $0x3  }
0x12: {  	s13 =	sshrl.u32 s13, $0x3;
	s18 =	sshrl.u32 s18, $0x3;
	s17 =	sshrl.u32 s17, $0x3  }
0x13: {  	s15 =	smax.u32 s15, $0x1;
	s16 =	sadd.s32 $0x169C00, s16;
	s10 =	sadd.s32 s14, s10  }
0x14: {  	s11 =	sadd.s32 s14, s11;
	s12 =	sadd.s32 s14, s13;
	s13 =	sadd.s32 s14, s18  }
0x15: {  	v0 =	vimm.f32 $0.0e+00;
	s14 =	sadd.s32 s14, s17;
	s17 =	simm.s32 $0x6800;
	s18 =	simm.s32 $0x1  }
.LBB2_1:
0x16: {  	s22 =	sand.u32 $0xFE00, s3  }
0x17: {  	s23 =	sand.u32 $0x70, s3;
	s24 =	sshrl.u32 s22, $0x2  }
0x18: {  	s22 =	simm.s32 $0x40;
	s24 =	sor.u32 s23, s24;
	s23 =	simm.s32 $0x0  }
.LBB2_2:
0x19: {  	p0 =	sne.s32 s22, $0xFFC0  }
0x1a: {  	[tilespmem:s24+$0x6800] =	vst v0;
	s23 =	sadd.s32 $0x10, s23;
	s24 =	smov.u32 s22;
	s22 =	sadd.s32 $0x40, s22  }
.Ltmp0:
0x1b: {  	(pc) =	sbr.rel @p0 .LBB2_2-.Ltmp0, $4  }
0x1c: {  	_ = 	snop  }
0x1d: {  	s24 =	sand.u32 $0xFE00, s24  }
0x1e: {  	s25 =	sand.u32 $0x70, s23;
	s24 =	sshrl.u32 s24, $0x2  }
0x1f: {  	s24 =	sor.u32 s25, s24  }
0x20: {  	[tilespmem:s24+$0x6800] =	vst v0  }
0x21: {  	[spmem:s4] =	stream.linear.scatter [tilespmem:s17], [sflag:$0x1], $0x4000, $0x38;
	[tilespmem:$0x1E800] =	vst v63  }
0x22: {  	_ =	swait.ge [sflag:s18], $0x4000  }
0x23: {  	[sflag:s18] =	ssyncset.done $0x0  }
0x24: {  	[sflag:s18] =	ssyncadd.s32 $0xFFFFC000  }
0x25: {  	[spmem:s5] =	stream.linear.scatter [tilespmem:s17], [sflag:$0x1], $0x4000, $0x38;
	[tilespmem:$0x1E800] =	vst v63  }
0x26: {  	_ =	swait.ge [sflag:s18], $0x4000  }
0x27: {  	[sflag:s18] =	ssyncset.done $0x0  }
0x28: {  	[sflag:s18] =	ssyncadd.s32 $0xFFFFC000  }
0x29: {  	[spmem:s6] =	stream.linear.scatter [tilespmem:s17], [sflag:$0x1], $0x4000, $0x38;
	[tilespmem:$0x1E800] =	vst v63  }
0x2a: {  	_ =	swait.ge [sflag:s18], $0x4000  }
0x2b: {  	[sflag:s18] =	ssyncset.done $0x0  }
0x2c: {  	[sflag:s18] =	ssyncadd.s32 $0xFFFFC000  }
0x2d: {  	[spmem:s7] =	stream.linear.scatter [tilespmem:s17], [sflag:$0x1], $0x4000, $0x38;
	[tilespmem:$0x1E800] =	vst v63  }
0x2e: {  	_ =	swait.ge [sflag:s18], $0x4000  }
0x2f: {  	[sflag:s18] =	ssyncset.done $0x0  }
0x30: {  	[sflag:s18] =	ssyncadd.s32 $0xFFFFC000  }
0x31: {  	[spmem:s8] =	stream.linear.scatter [tilespmem:s17], [sflag:$0x1], $0x4000, $0x38;
	[tilespmem:$0x1E800] =	vst v63  }
0x32: {  	_ =	swait.ge [sflag:s18], $0x4000  }
0x33: {  	[sflag:s18] =	ssyncset.done $0x0  }
0x34: {  	s22 =	simm.s32 $0x0;
	[sflag:s18] =	ssyncadd.s32 $0xFFFFC000  }
0x35: {  	[tilespmem:s22], [sflag:$0x1] =	stream.linear.gather [hbm4b:s9+s22], $0x3E80, $0x38;
	[tilespmem:$0x1E800] =	vst v63  }
0x36: {  	_ =	swait.ge [sflag:s18], $0x3E80  }
0x37: {  	[sflag:s18] =	ssyncset.done $0x0  }
0x38: {  	[sflag:s18] =	ssyncadd.s32 $0xFFFFC180  }
0x39: {  	[bflag:$0x0] =	sbarrier.arrive $0xFFFF  }
0x3a: {  	[tilespmem:s19], [sflag:$0x1] =	stream.linear.gather [hbm4b:s16+s3], $0x2800, $0x38;
	[tilespmem:$0x1E800] =	vst v63  }
0x3b: {  	_ =	swait.ge [sflag:s18], $0x2800  }
0x3c: {  	[sflag:s18] =	ssyncset.done $0x0  }
0x3d: {  	s31 =	simm.s32 $0x0;
	[sflag:s18] =	ssyncadd.s32 $0xFFFFD800  }
0x3e: {  	[spmem:s2] =	stream.indirect.scatter.add.f32 [tilespmem:s19], [sflag:$0x1], $0x80, s31, s20, $0xb8;
	[tilespmem:$0x1E800] =	vst v63  }
0x3f: {  	_ =	swait.ge [sflag:s18], $0x2800  }
0x40: {  	s23 =	smov.u32 s16;
	s22 =	simm.s32 $0x200;
	[sflag:s18] =	ssyncset.done $0x0  }
.LBB2_4:
0x41: {  	p0 =	sne.s32 s22, $0xF800;
	[sflag:s18] =	ssyncadd.s32 $0xFFFFD800;
	s23 =	sadd.s32 $0x500, s23  }
0x42: {  	[tilespmem:s19], [sflag:$0x1] =	stream.linear.gather [hbm4b:s23+s3], $0x2800, $0x38;
	[tilespmem:$0x1E800] =	vst v63  }
0x43: {  	s24 =	smov.u32 s22;
	s22 =	sadd.s32 $0x200, s22;
	_ =	swait.ge [sflag:s18], $0x2800  }
.Ltmp1:
0x44: {  	[sflag:s18] =	ssyncset.done $0x0;
	(pc) =	sbr.rel @p0 .LBB2_4-.Ltmp1, $4  }
0x45: {  	s24 =	sshra.s32 s24, $0x2;
	[sflag:s18] =	ssyncadd.s32 $0xFFFFD800  }
0x46: {  	[spmem:s2] =	stream.indirect.scatter.add.f32 [tilespmem:s19], [sflag:$0x1], $0x80, s24, s20, $0xb8;
	[tilespmem:$0x1E800] =	vst v63  }
0x47: {  	_ =	swait.ge [sflag:s18], $0x2800  }
0x48: {  	[sflag:s18] =	ssyncset.done $0x0  }
0x49: {  	[sflag:s18] =	ssyncadd.s32 $0xFFFFD800  }
0x4a: {  	[bflag:$0x0] =	sbarrier.arrive $0xFFFF  }
0x4b: {  	[tilespmem:s17], [sflag:$0x1] =	stream.linear.gather [spmem:s4], $0x4000, $0x38;
	[tilespmem:$0x1E800] =	vst v63  }
0x4c: {  	_ =	swait.ge [sflag:s18], $0x4000  }
0x4d: {  	[sflag:s18] =	ssyncset.done $0x0  }
0x4e: {  	[sflag:s18] =	ssyncadd.s32 $0xFFFFC000  }
0x4f: {  	[hbm4b:s10+s3] =	stream.linear.scatter [tilespmem:s17], [sflag:$0x1], $0x4000, $0x38;
	[tilespmem:$0x1E800] =	vst v63  }
0x50: {  	_ =	swait.ge [sflag:s18], $0x4000  }
0x51: {  	[sflag:s18] =	ssyncset.done $0x0  }
0x52: {  	[sflag:s18] =	ssyncadd.s32 $0xFFFFC000  }
0x53: {  	[tilespmem:s17], [sflag:$0x1] =	stream.linear.gather [spmem:s5], $0x4000, $0x38;
	[tilespmem:$0x1E800] =	vst v63  }
0x54: {  	_ =	swait.ge [sflag:s18], $0x4000  }
0x55: {  	[sflag:s18] =	ssyncset.done $0x0  }
0x56: {  	[sflag:s18] =	ssyncadd.s32 $0xFFFFC000  }
0x57: {  	[hbm4b:s11+s3] =	stream.linear.scatter [tilespmem:s17], [sflag:$0x1], $0x4000, $0x38;
	[tilespmem:$0x1E800] =	vst v63  }
0x58: {  	_ =	swait.ge [sflag:s18], $0x4000  }
0x59: {  	[sflag:s18] =	ssyncset.done $0x0  }
0x5a: {  	[sflag:s18] =	ssyncadd.s32 $0xFFFFC000  }
0x5b: {  	[tilespmem:s17], [sflag:$0x1] =	stream.linear.gather [spmem:s6], $0x4000, $0x38;
	[tilespmem:$0x1E800] =	vst v63  }
0x5c: {  	_ =	swait.ge [sflag:s18], $0x4000  }
0x5d: {  	[sflag:s18] =	ssyncset.done $0x0  }
0x5e: {  	[sflag:s18] =	ssyncadd.s32 $0xFFFFC000  }
0x5f: {  	[hbm4b:s12+s3] =	stream.linear.scatter [tilespmem:s17], [sflag:$0x1], $0x4000, $0x38;
	[tilespmem:$0x1E800] =	vst v63  }
0x60: {  	_ =	swait.ge [sflag:s18], $0x4000  }
0x61: {  	[sflag:s18] =	ssyncset.done $0x0  }
0x62: {  	[sflag:s18] =	ssyncadd.s32 $0xFFFFC000  }
0x63: {  	[tilespmem:s17], [sflag:$0x1] =	stream.linear.gather [spmem:s7], $0x4000, $0x38;
	[tilespmem:$0x1E800] =	vst v63  }
0x64: {  	_ =	swait.ge [sflag:s18], $0x4000  }
0x65: {  	[sflag:s18] =	ssyncset.done $0x0  }
0x66: {  	[sflag:s18] =	ssyncadd.s32 $0xFFFFC000  }
0x67: {  	[hbm4b:s13+s3] =	stream.linear.scatter [tilespmem:s17], [sflag:$0x1], $0x4000, $0x38;
	[tilespmem:$0x1E800] =	vst v63  }
0x68: {  	_ =	swait.ge [sflag:s18], $0x4000  }
0x69: {  	[sflag:s18] =	ssyncset.done $0x0  }
0x6a: {  	[sflag:s18] =	ssyncadd.s32 $0xFFFFC000  }
0x6b: {  	[tilespmem:s17], [sflag:$0x1] =	stream.linear.gather [spmem:s8], $0x4000, $0x38;
	[tilespmem:$0x1E800] =	vst v63  }
0x6c: {  	s21 =	sadd.s32 $0x1, s21;
	_ =	swait.ge [sflag:s18], $0x4000  }
0x6d: {  	p0 =	sne.s32 s21, s15;
	[sflag:s18] =	ssyncset.done $0x0  }
.Ltmp2:
0x6e: {  	[sflag:s18] =	ssyncadd.s32 $0xFFFFC000;
	(pc) =	sbr.rel @p0 .LBB2_1-.Ltmp2, $4  }
0x6f: {  	[hbm4b:s14+s3] =	stream.linear.scatter [tilespmem:s17], [sflag:$0x1], $0x4000, $0x38;
	[tilespmem:$0x1E800] =	vst v63  }
0x70: {  	_ =	swait.ge [sflag:s18], $0x4000  }
0x71: {  	[sflag:s18] =	ssyncset.done $0x0  }
0x72: {  	[sflag:s18] =	ssyncadd.s32 $0xFFFFC000  }
0x73: {  	_ =	sfence.sel $0x180000  }
0x74: {  	[bflag:$0x0] =	sbarrier.arrive $0xFFFF  }
0x75: {  	p0 =	sne.s32 s1, $0x0;
	_ =	strace $0x9000004D  }
0x76: {  	s0 =	sadd.s32 @!p0 $0x100000, s0;
	[bflag:$0x2] =	sbarrier.arrive $0xFFFF  }
0x77: {  	[sflag:s0] =	ssyncadd.tile.s32 @!p0 $0x1;
	_ =	shalt  }
.Lfunc_end2:
_tile_overlayer_lowered:
.L_overlay_start_2:
0x78: {  	(tag) =	ssettag $0x2  }
0x79: {  	s0 =	rddreg [dreg:$0x0];
	s2 =	stileid.u32  }
0x7a: {  	s1 =	rddreg [dreg:$0x1];
	p0 =	sne.s32 s2, $0x0  }
0x7b: {  	s3 =	rddreg [dreg:$0x2];
	[bflag:$0x3] =	sbarrier.arrive $0xFFFF;
	s2 =	simm.s32 @!p0 $0x1C01  }
0x7c: {  	[timem:s3], [sflag:s2] =	dma.local @!p0 [hbm:s0], s1  }
0x7d: {  	s0 =	simm.s32 @!p0 $0x1  }
0x7e: {  	_ =	swait.ge @!p0 [sflag:s0], s1  }
0x7f: {  	s1 =	ssub.s32 @!p0 $0x0, s1;
	[sflag:s0] =	ssyncset.done @!p0 $0x0  }
0x80: {  	[sflag:s0] =	ssyncadd.s32 @!p0 s1  }
0x81: {  	[bflag:$0x3] =	sbarrier.arrive $0xFFFF  }
0x82: {  	_ =	shalt  }

// kernel: kernel.8.cloned.1.call-start
scs
__scs_entry_jumppad:
0x0: {  	(pc) =	sbr.rel $0x88, $3  }
0x1: {  	(tag) =	ssettag $0x0;
	lr =	simm.s32 $0x1  }
0x2: {  	[smem:$0x3F94] =	sst lr;
	_ =	strace $0xD0000000  }
0x3: {  	_ = 	snop  }
0x4: {  	_ = 	snop  }
0x5: {  	_ = 	snop  }
0x6: {  	_ = 	snop  }
0x7: {  	_ = 	snop  }
__scs_overlays_trampoline_lowered:
0x8: {  	[smem:$0x3FA3] =	sst s0  }
0x9: {  	[smem:$0x3FA4] =	sst s1  }
0xa: {  	[smem:$0x3FA5] =	sst s2  }
0xb: {  	[smem:$0x3FA6] =	sst s3  }
0xc: {  	[smem:$0x3FA7] =	sst s4  }
0xd: {  	[smem:$0x3FA8] =	sst s5  }
0xe: {  	[smem:$0x3FA9] =	sst s6  }
0xf: {  	[smem:$0x3FAA] =	sst s7  }
0x10: {  	[smem:$0x3FAB] =	sst s8  }
0x11: {  	[smem:$0x3FAC] =	sst s9;
	s0 =	simm.s32 @!p0 $0x0  }
0x12: {  	s1 =	sld [smem:$0x3F92];
	s0 =	simm.s32 @p0 $0x1  }
0x13: {  	[smem:$0x3FAD] =	sst s0;
	s0 =	simm.s32 @!p1 $0x0  }
0x14: {  	s2 =	sld [smem:$0x3F91];
	s0 =	simm.s32 @p1 $0x1  }
0x15: {  	[smem:$0x3FAE] =	sst s0;
	s0 =	simm.s32 @!p2 $0x0  }
0x16: {  	s3 =	sld [smem:$0x3FDB];
	s0 =	simm.s32 @p2 $0x1  }
0x17: {  	s4 =	simm.s32 $0x1BF5;
	[smem:$0x3FB0] =	sst s0  }
0x18: {  	s0 =	sld [smem:$0x3F93];
	_ =	swait.ge [sflag:s4], $0x0  }
0x19: {  	s7 =	sld [smem:$0x3F94]  }
0x1a: {  	s8 =	sadd.s32 $0xFFFFE003, lr  }
0x1b: {  	s9 =	sadd.s32 $0xFFFFFEF7, lr;
	s5 =	simm.s32 $0xFFFFFFFF;
	p2 =	slt.u32 s8, $0xFFFFF086  }
0x1c: {  	p1 =	slt.u32 s9, $0xF7A;
	s5 =	simm.s32 @!p2 $0x0  }
0x1d: {  	s5 =	simm.s32 @p1 $0x1;
	p0 =	seq.s32 s7, s2  }
0x1e: {  	s7 =	smul.u32 @!p0 $0xF7A, s2;
	p2 =	seq.s32 @!p0 s5, $0x0  }
0x1f: {  	s9 =	smul.u32 $0xF7A, s1;
	s8 =	simm.s32 @!p0 $0x1BF5;
	p2 =	por !p2, p0  }
0x20: {  	[sflag:s8] =	ssyncset.s32 @!p0 $0xFFFFF086;
	s6 =	sadd.s32 @!p0 s3, s7;
	s7 =	simm.s32 @!p0 $0x108  }
0x21: {  	s3 =	sadd.s32 s3, s9;
	s6 =	sadd.s32 @!p0 $0x88, s6;
	s7 =	simm.s32 @p2 $0x1082  }
0x22: {  	[simem:s7], [sflag:s8] =	dma.local @!p0 [hbm:s6], $0xF7A  }
0x23: {  	s9 =	sor.u32 $0xD0000000, s2;
	s6 =	simm.s32 $0x108;
	_ =	swait.ge @!p0 [sflag:s8], $0x0  }
0x24: {  	s3 =	sadd.s32 $0x88, s3;
	s6 =	simm.s32 @!p1 $0x1082;
	[sflag:s4] =	ssyncset.s32 $0xFFFFF086  }
0x25: {  	[simem:s6], [sflag:s4] =	dma.local [hbm:s3], $0xF7A  }
0x26: {  	[smem:$0x3F94] =	sst s1;
	(tag) =	ssettag s2;
	_ =	strace s9  }
0x27: {  	s1 =	sld [smem:$0x3FA4]  }
0x28: {  	s2 =	sld [smem:$0x3FA5]  }
0x29: {  	s4 =	sld [smem:$0x3FA7]  }
0x2a: {  	p0 =	seq.s32 s5, $0x0;
	s5 =	sld [smem:$0x3FA8]  }
0x2b: {  	s6 =	sld [smem:$0x3FA9]  }
0x2c: {  	s7 =	sld [smem:$0x3FAA]  }
0x2d: {  	s3 =	simm.s32 $0x108;
	s8 =	sld [smem:$0x3FAB]  }
0x2e: {  	s3 =	simm.s32 @!p0 $0x1082;
	s9 =	sld [smem:$0x3FAC]  }
0x2f: {  	lr =	sadd.s32 s0, s3;
	s0 =	sld [smem:$0x3FA3]  }
0x30: {  	s3 =	sld [smem:$0x3FA6]  }
0x31: {  	[smem:$0x3FAF] =	sst s10  }
0x32: {  	s10 =	sld [smem:$0x3FAD];
	_ =	sdelay $0x3  }
0x33: {  	p0 =	seq.s32 s10, $0x1;
	s10 =	sld [smem:$0x3FAF];
	_ =	sdelay $0x3  }
0x34: {  	[smem:$0x3FAF] =	sst s10  }
0x35: {  	s10 =	sld [smem:$0x3FAE];
	_ =	sdelay $0x3  }
0x36: {  	p1 =	seq.s32 s10, $0x1;
	s10 =	sld [smem:$0x3FAF];
	_ =	sdelay $0x3  }
0x37: {  	[smem:$0x3FAF] =	sst s10  }
0x38: {  	s10 =	sld [smem:$0x3FB0]  }
0x39: {  	_ = 	snop;
	(pc) =	sbr.ind lr, $3  }
0x3a: {  	_ = 	snop  }
0x3b: {  	_ = 	snop  }
0x3c: {  	p2 =	seq.s32 s10, $0x1;
	s10 =	sld [smem:$0x3FAF]  }
0x3d: {  	_ =	shalt  }
0x3e: {  	_ =	shalt  }
0x3f: {  	_ =	shalt  }
0x40: {  	_ =	shalt  }
0x41: {  	_ =	shalt  }
0x42: {  	_ =	shalt  }
0x43: {  	_ =	shalt  }
0x44: {  	_ =	shalt  }
0x45: {  	_ =	shalt  }
0x46: {  	_ =	shalt  }
0x47: {  	_ =	shalt  }
0x48: {  	_ =	shalt  }
0x49: {  	_ =	shalt  }
0x4a: {  	_ =	shalt  }
0x4b: {  	_ =	shalt  }
0x4c: {  	_ =	shalt  }
0x4d: {  	_ =	shalt  }
0x4e: {  	_ =	shalt  }
0x4f: {  	_ =	shalt  }
0x50: {  	_ =	shalt  }
0x51: {  	_ =	shalt  }
0x52: {  	_ =	shalt  }
0x53: {  	_ =	shalt  }
0x54: {  	_ =	shalt  }
0x55: {  	_ =	shalt  }
0x56: {  	_ =	shalt  }
0x57: {  	_ =	shalt  }
0x58: {  	_ =	shalt  }
0x59: {  	_ =	shalt  }
0x5a: {  	_ =	shalt  }
0x5b: {  	_ =	shalt  }
0x5c: {  	_ =	shalt  }
0x5d: {  	_ =	shalt  }
0x5e: {  	_ =	shalt  }
0x5f: {  	_ =	shalt  }
0x60: {  	_ =	shalt  }
0x61: {  	_ =	shalt  }
0x62: {  	_ =	shalt  }
0x63: {  	_ =	shalt  }
0x64: {  	_ =	shalt  }
0x65: {  	_ =	shalt  }
0x66: {  	_ =	shalt  }
0x67: {  	_ =	shalt  }
0x68: {  	_ =	shalt  }
0x69: {  	_ =	shalt  }
0x6a: {  	_ =	shalt  }
0x6b: {  	_ =	shalt  }
0x6c: {  	_ =	shalt  }
0x6d: {  	_ =	shalt  }
0x6e: {  	_ =	shalt  }
0x6f: {  	_ =	shalt  }
0x70: {  	_ =	shalt  }
0x71: {  	_ =	shalt  }
0x72: {  	_ =	shalt  }
0x73: {  	_ =	shalt  }
0x74: {  	_ =	shalt  }
0x75: {  	_ =	shalt  }
0x76: {  	_ =	shalt  }
0x77: {  	_ =	shalt  }
0x78: {  	_ =	shalt  }
0x79: {  	_ =	shalt  }
0x7a: {  	_ =	shalt  }
0x7b: {  	_ =	shalt  }
0x7c: {  	_ =	shalt  }
0x7d: {  	_ =	shalt  }
0x7e: {  	_ =	shalt  }
0x7f: {  	_ =	shalt  }
0x80: {  	_ =	shalt  }
0x81: {  	_ =	shalt  }
0x82: {  	_ =	shalt  }
0x83: {  	_ =	shalt  }
0x84: {  	_ =	shalt  }
0x85: {  	_ =	shalt  }
0x86: {  	_ =	shalt  }
0x87: {  	_ =	shalt  }
.Lfunc_end0:
.L_simem_size_0:
called_computation.1_lowered:
.L_overlay_start_0:
0x88: {  	s2 =	sld [smem:$0x3FD9]  }
0x89: {  	s3 =	sld [smem:$0x3FFE];
	_ =	sdelay $0x1  }
0x8a: {  	s1 =	srdreg.scid  }
0x8b: {  	s0 =	sand.u32 $0x1, s1  }
0x8c: {  	s17 =	sshll.u32 s0, $0xA;
	s2 =	sadd.s32 s3, s2  }
0x8d: {  	s2 =	sadd.s32 s2, s17  }
0x8e: {  	[smem:$0x3FBB] =	sst s2  }
0x8f: {  	_ = 	snop  }
0x90: {  	s2 =	sld [smem:$0x3FC3];
	(tm) =	ssettm $0x1  }
0x91: {  	s18 =	sld [smem:$0x3FFB];
	_ =	sdelay $0x3  }
0x92: {  	_ =	strace s18  }
0x93: {  	s3 =	sld [smem:$0x3FFC];
	_ =	sdelay $0x3  }
0x94: {  	_ =	strace s3  }
0x95: {  	s3 =	sld [smem:$0x3FFD];
	_ =	sdelay $0x3  }
0x96: {  	_ =	strace s3  }
0x97: {  	_ =	strace $0x8FFFFFFF  }
0x98: {  	s19 =	sld [smem:$0x3FDB];
	_ =	sdelay $0x1  }
0x99: {  	s4 =	simm.s32 $_scs_section_size  }
0x9a: {  	s5 =	simm.s32 $_size__tile_overlayer_lowered;
	s6 =	simm.s32 $_tile_overlayer_lowered  }
0x9b: {  	s22 =	simm.s32 $0x1BFF;
	s21 =	sshll.u32 s6, $0x1;
	s3 =	sadd.s32 s4, s19  }
0x9c: {  	s7 =	simm.s32 $0x0;
	s20 =	sshll.u32 s5, $0x1;
	s5 =	sadd.s32 s21, s3  }
0x9d: {  	[timem:s7], [sflag:s22] =	dma.local [hbm:s5], s20  }
0x9e: {  	_ =	swait.ge [sflag:s22], s20  }
0x9f: {  	s4 =	ssub.s32 $0x0, s20;
	[sflag:s22] =	ssyncset.done $0x0  }
0xa0: {  	[sflag:s22] =	ssyncadd.s32 s4;
	_ =	sdelay $0x1  }
0xa1: {  	s23 =	simm.s32 $0x1B8B  }
0xa2: {  	_ =	swait.ge [sflag:s23], $0x1  }
0xa3: {  	[sflag:s23] =	ssyncset.done $0x0  }
0xa4: {  	s25 =	simm.s32 $0x1B8E;
	s24 =	sld [smem:$0x3FFE];
	[sflag:s23] =	ssyncadd.s32 $0xFFFFFFFF  }
0xa5: {  	s26 =	simm.s32 $execute0_lowered;
	[smem:$0x3FD2] =	sst s25  }
0xa6: {  	s5 =	sshll.u32 s26, $0x1;
	_ =	strace $0x80000046;
	[dreg:$0x1] =	wrdreg $0xFFFFFFFF  }
0xa7: {  	s28 =	simm.s32 $_size_execute0_lowered;
	s3 =	sadd.s32 s3, s5;
	[dreg:$0x0] =	wrdreg $0x0  }
0xa8: {  	s5 =	sshll.u32 s28, $0x1;
	[dreg:$0x2] =	wrdreg s3  }
0xa9: {  	[dreg:$0x3] =	wrdreg s5  }
0xaa: {  	[dreg:$0x4] =	wrdreg $0xC0  }
0xab: {  	_ =	task [dreg:s7], $0x5FFFF  }
0xac: {  	[dreg:$0x1] =	wrdreg $0xFFFFFFFF  }
0xad: {  	[dreg:$0x0] =	wrdreg $0x60  }
0xae: {  	[dreg:$0x2] =	wrdreg s24  }
0xaf: {  	[dreg:$0x3] =	wrdreg s2  }
0xb0: {  	[dreg:$0x4] =	wrdreg $0xA  }
0xb1: {  	_ =	task.clear_ibuf [dreg:s7], $0x5FFFF;
	_ =	strace $0x90000046  }
0xb2: {  	s29 =	simm.s32 $0xA;
	_ =	strace $0x80000048  }
0xb3: {  	_ =	swait.ge [sflag:s29], $0x1  }
0xb4: {  	[sflag:s29] =	ssyncadd.s32 $0xFFFFFFFF  }
0xb5: {  	_ =	strace $0x90000048  }
0xb6: {  	_ =	sfence  }
0xb7: {  	s30 =	sld [smem:$0x0];
	_ =	sdelay $0x2  }
0xb8: {  	s31 =	sshll.u32 s1, $0xD;
	s1 =	sshrl.u32 s1, $0x2  }
0xb9: {  	s3 =	sand.u32 $0x4000, s31;
	s1 =	sadd.s32 s1, s30  }
0xba: {  	s0 =	sor.u32 s3, s0;
	s1 =	sshll.u32 s1, $0x11  }
0xbb: {  	s0 =	sor.u32 s1, s0  }
0xbc: {  	s0 =	sadd.s32 $0x8F2B, s0  }
0xbd: {  	[sflag:s0] =	ssyncadd.remote.s32 $0x1  }
0xbe: {  	_ =	sfence.sel $0xFFFF  }
0xbf: {  	[dreg:$0x0] =	wrdreg $0xFFFFFFFF;
	(pc) =	sbr.abs _section_cstart, $3  }
0xc0: {  	[dreg:$0x1] =	wrdreg $0xFFFFFFFF  }
0xc1: {  	_ =	task.clear_ibuf [dreg:s7], $0x2FFFF;
	_ =	strace $0x9FFFFFFF  }
0xc2: {  	(tm) =	ssettm $0x7FFFFFFF  }
0xc3: {  	_ =	shalt  }
tec
execute0_lowered:
.L_overlay_start_1:
0x0: {  	(tag) =	ssettag $0x1  }
0x1: {  	s4 =	rddreg [dreg:$0x0]  }
0x2: {  	s2 =	rddreg [dreg:$0x1];
	s3 =	srdreg.scid  }
0x3: {  	s0 =	rddreg [dreg:$0x2];
	s1 =	stileid.u32;
	s8 =	simm.s32 $0x50  }
0x4: {  	s9 =	simm.s32 $0x1;
	s10 =	simm.s32 $0x4000;
	s11 =	simm.s32 $0x0  }
0x5: {  	s5 =	sand.u32 $0x1, s3;
	s3 =	simm.s32 $0x0;
	s6 =	sshll.u32 s1, $0xC  }
0x6: {  	s7 =	sshll.u32 s5, $0xB;
	[smem:$0x7FF] =	sst s3;
	s5 =	ssub.s32 $0x2, s5  }
0x7: {  	s6 =	sor.u32 s7, s6;
	_ =	strace $0x80000047;
	s30 =	sshrl.u32 s5, $0x1  }
0x8: {  	s7 =	simm.s32 $0x2;
	s6 =	sadd.s32 s6, s4;
	s31 =	ssub.s32 s5, s30  }
0x9: {  	s4 =	sadd.s32 $0x1400, s6;
	s5 =	sadd.s32 $0x11400, s6;
	s6 =	smax.u32 s31, $0x1  }
.LBB2_1:
0xa: {  	[tilespmem:s3], [sflag:$0x2] =	stream.linear.gather [hbm4b:s4+s3], $0x3E80, $0x38;
	[tilespmem:$0x8000] =	vst v63  }
0xb: {  	_ =	swait.ge [sflag:s7], $0x3E80  }
0xc: {  	[sflag:s7] =	ssyncset.done $0x0  }
0xd: {  	s12 =	simm.s32 $0x0;
	s13 =	simm.s32 $0x4000;
	[sflag:s7] =	ssyncadd.s32 $0xFFFFC180  }
0xe: {  	[tilespmem:s13], [sflag:$0x1] =	stream.indirect.gather [hbm4b:s2+s8], $0x1, s12, s8, $0xb8;
	[tilespmem:$0x8000] =	vst v63  }
0xf: {  	s12 =	simm.s32 $0x200;
	_ =	swait.ge [sflag:s9], $0x50  }
.LBB2_2:
0x10: {  	s13 =	sshra.s32 s12, $0x2;
	[sflag:s9] =	ssyncset.done $0x0;
	p0 =	sne.s32 s12, $0xF800  }
.Ltmp0:
0x11: {  	s14 =	sadd.s32 $0x4000, s13;
	[sflag:s9] =	ssyncadd.s32 $0xFFFFFFB0;
	(pc) =	sbr.rel @p0 .LBB2_2-.Ltmp0, $3  }
0x12: {  	[tilespmem:s14], [sflag:$0x1] =	stream.indirect.gather [hbm4b:s2+s8], $0x1, s13, s8, $0xb8;
	[tilespmem:$0x8000] =	vst v63  }
0x13: {  	s12 =	sadd.s32 $0x200, s12;
	_ =	sdelay $0x1  }
0x14: {  	_ =	swait.ge [sflag:s9], $0x50  }
0x15: {  	s11 =	sadd.s32 $0x1, s11  }
0x16: {  	[sflag:s9] =	ssyncset.done $0x0;
	p0 =	sne.s32 s11, s6  }
.Ltmp1:
0x17: {  	[sflag:s9] =	ssyncadd.s32 $0xFFFFFFB0;
	(pc) =	sbr.rel @p0 .LBB2_1-.Ltmp1, $4  }
0x18: {  	[hbm4b:s5+s3] =	stream.linear.scatter [tilespmem:s10], [sflag:$0x2], $0x3E80, $0x38;
	[tilespmem:$0x8000] =	vst v63  }
0x19: {  	_ =	swait.ge [sflag:s7], $0x3E80  }
0x1a: {  	[sflag:s7] =	ssyncset.done $0x0  }
0x1b: {  	[sflag:s7] =	ssyncadd.s32 $0xFFFFC180  }
0x1c: {  	_ =	sfence.sel $0x180000  }
0x1d: {  	[bflag:$0x0] =	sbarrier.arrive $0xFFFF  }
0x1e: {  	p0 =	sne.s32 s1, $0x0;
	_ =	strace $0x90000047  }
0x1f: {  	s0 =	sadd.s32 @!p0 $0x100000, s0;
	[bflag:$0x2] =	sbarrier.arrive $0xFFFF  }
0x20: {  	[sflag:s0] =	ssyncadd.tile.s32 @!p0 $0x1;
	_ =	shalt  }
.Lfunc_end2:
_tile_overlayer_lowered:
.L_overlay_start_2:
0x21: {  	(tag) =	ssettag $0x2  }
0x22: {  	s0 =	rddreg [dreg:$0x0];
	s2 =	stileid.u32  }
0x23: {  	s1 =	rddreg [dreg:$0x1];
	p0 =	sne.s32 s2, $0x0  }
0x24: {  	s3 =	rddreg [dreg:$0x2];
	[bflag:$0x3] =	sbarrier.arrive $0xFFFF;
	s2 =	simm.s32 @!p0 $0x1C02  }
0x25: {  	[timem:s3], [sflag:s2] =	dma.local @!p0 [hbm:s0], s1  }
0x26: {  	s0 =	simm.s32 @!p0 $0x2  }
0x27: {  	_ =	swait.ge @!p0 [sflag:s0], s1  }
0x28: {  	s1 =	ssub.s32 @!p0 $0x0, s1;
	[sflag:s0] =	ssyncset.done @!p0 $0x0  }
0x29: {  	[sflag:s0] =	ssyncadd.s32 @!p0 s1  }
0x2a: {  	[bflag:$0x3] =	sbarrier.arrive $0xFFFF  }
0x2b: {  	_ =	shalt  }

// kernel: sparse-core-data-format-call.cloned.1.call-start
scs
called_computation_lowered:
.L_overlay_start_0:
0x0: {  	s2 =	sld [smem:$0x3FD9]  }
0x1: {  	s3 =	sld [smem:$0x3FFE];
	_ =	sdelay $0x1  }
0x2: {  	s1 =	srdreg.scid  }
0x3: {  	s0 =	sand.u32 $0x1, s1  }
0x4: {  	s18 =	sshll.u32 s0, $0xA;
	s2 =	sadd.s32 s3, s2  }
0x5: {  	s2 =	sadd.s32 s2, s18  }
0x6: {  	[smem:$0x3FBB] =	sst s2  }
0x7: {  	_ = 	snop  }
0x8: {  	s19 =	sld [smem:$0x3FC9];
	(tm) =	ssettm $0x1  }
0x9: {  	s20 =	sld [smem:$0x3FFB];
	_ =	sdelay $0x3  }
0xa: {  	_ =	strace s20  }
0xb: {  	s2 =	sld [smem:$0x3FFC];
	_ =	sdelay $0x3  }
0xc: {  	_ =	strace s2  }
0xd: {  	s2 =	sld [smem:$0x3FFD];
	_ =	sdelay $0x3  }
0xe: {  	_ =	strace s2  }
0xf: {  	_ =	strace $0x8FFFFFFF  }
0x10: {  	s21 =	sld [smem:$0x3FDB];
	_ =	sdelay $0x1  }
0x11: {  	s4 =	simm.s32 $_scs_section_size  }
0x12: {  	s5 =	simm.s32 $_size__tile_overlayer_lowered;
	s6 =	simm.s32 $_tile_overlayer_lowered  }
0x13: {  	s7 =	simm.s32 $0x1BFF;
	s22 =	sshll.u32 s6, $0x1;
	s4 =	sadd.s32 s4, s21  }
0x14: {  	s23 =	simm.s32 $0x0;
	s5 =	sshll.u32 s5, $0x1;
	s6 =	sadd.s32 s22, s4  }
0x15: {  	[timem:s23], [sflag:s7] =	dma.local [hbm:s6], s5  }
0x16: {  	_ =	swait.ge [sflag:s7], s5  }
0x17: {  	s5 =	ssub.s32 $0x0, s5;
	[sflag:s7] =	ssyncset.done $0x0  }
0x18: {  	[sflag:s7] =	ssyncadd.s32 s5;
	_ =	sdelay $0x1  }
0x19: {  	s24 =	simm.s32 $0x1B8B  }
0x1a: {  	_ =	swait.ge [sflag:s24], $0x1  }
0x1b: {  	[sflag:s24] =	ssyncset.done $0x0  }
0x1c: {  	[sflag:s24] =	ssyncadd.s32 $0xFFFFFFFF  }
0x1d: {  	s5 =	sld [smem:$0x0]  }
0x1e: {  	s6 =	sand.u32 $0xFFFFFFFE, s1  }
0x1f: {  	p0 =	sne.s32 s1, s6  }
0x20: {  	s6 =	sshll.u32 @p0 s6, $0xE  }
0x21: {  	s6 =	sadd.s32 @p0 $0x11B8D, s6;
	s7 =	sshll.u32 @p0 s5, $0x11  }
0x22: {  	s6 =	sor.u32 @p0 s7, s6  }
0x23: {  	[sflag:s6] =	ssyncadd.remote.s32 @p0 $0x1;
	_ =	sdelay $0x1  }
0x24: {  	s6 =	simm.s32 @p0 $0x1B8D  }
0x25: {  	_ =	swait.eq @p0 [sflag:s6], $0x1  }
0x26: {  	[sflag:s6] =	ssyncadd.s32 @p0 $0xFFFFFFFF  }
0x27: {  	s7 =	sshll.u32 @!p0 s1, $0xE  }
0x28: {  	s7 =	sor.u32 @!p0 $0x4000, s7;
	s6 =	simm.s32 @!p0 $0x1B8D  }
0x29: {  	s5 =	sshll.u32 @!p0 s5, $0x11;
	s7 =	sadd.s32 @!p0 $0x11B8D, s7;
	_ =	swait.eq @!p0 [sflag:s6], $0x1  }
0x2a: {  	s5 =	sor.u32 @!p0 s5, s7;
	[sflag:s6] =	ssyncadd.s32 @!p0 $0xFFFFFFFF  }
0x2b: {  	s26 =	simm.s32 $0x1B8E;
	s25 =	sld [smem:$0x3FFE];
	[sflag:s5] =	ssyncadd.remote.s32 @!p0 $0x1  }
0x2c: {  	s27 =	simm.s32 $execute0_lowered;
	[smem:$0x3FD2] =	sst s26  }
0x2d: {  	s6 =	sshll.u32 s27, $0x1;
	_ =	strace $0x80000049;
	[dreg:$0x1] =	wrdreg $0xFFFFFFFF  }
0x2e: {  	s28 =	simm.s32 $_size_execute0_lowered;
	s4 =	sadd.s32 s4, s6;
	[dreg:$0x0] =	wrdreg $0x0  }
0x2f: {  	s6 =	sshll.u32 s28, $0x1;
	[dreg:$0x2] =	wrdreg s4  }
0x30: {  	[dreg:$0x3] =	wrdreg s6  }
0x31: {  	[dreg:$0x4] =	wrdreg $0xC0  }
0x32: {  	_ =	task [dreg:s23], $0x5FFFF  }
0x33: {  	[dreg:$0x1] =	wrdreg $0xFFFFFFFF  }
0x34: {  	[dreg:$0x0] =	wrdreg $0x60  }
0x35: {  	[dreg:$0x2] =	wrdreg s19  }
0x36: {  	[dreg:$0x3] =	wrdreg s25  }
0x37: {  	[dreg:$0x4] =	wrdreg $0x9  }
0x38: {  	_ =	task.clear_ibuf [dreg:s23], $0x5FFFF;
	_ =	strace $0x90000049  }
0x39: {  	s29 =	simm.s32 $0x9;
	_ =	strace $0x8000004B  }
0x3a: {  	_ =	swait.ge [sflag:s29], $0x1  }
0x3b: {  	[sflag:s29] =	ssyncadd.s32 $0xFFFFFFFF  }
0x3c: {  	_ =	strace $0x9000004B  }
0x3d: {  	_ =	sfence  }
0x3e: {  	s30 =	sld [smem:$0x0];
	_ =	sdelay $0x2  }
0x3f: {  	s31 =	sshll.u32 s1, $0xD;
	s1 =	sshrl.u32 s1, $0x2  }
0x40: {  	s4 =	sand.u32 $0x4000, s31;
	s1 =	sadd.s32 s1, s30  }
0x41: {  	s0 =	sor.u32 s4, s0;
	s1 =	sshll.u32 s1, $0x11  }
0x42: {  	s0 =	sor.u32 s1, s0  }
0x43: {  	s0 =	sadd.s32 $0x8F2B, s0  }
0x44: {  	[sflag:s0] =	ssyncadd.remote.s32 $0x1  }
0x45: {  	_ =	sfence.sel $0xFFFF  }
0x46: {  	[dreg:$0x0] =	wrdreg $0xFFFFFFFF;
	(pc) =	sbr.abs _section_cstart, $3  }
0x47: {  	[dreg:$0x1] =	wrdreg $0xFFFFFFFF  }
0x48: {  	_ =	task.clear_ibuf [dreg:s23], $0x2FFFF;
	_ =	strace $0x9FFFFFFF  }
0x49: {  	(tm) =	ssettm $0x7FFFFFFF  }
tec
execute0_lowered:
.L_overlay_start_1:
0x0: {  	(tag) =	ssettag $0x1  }
0x1: {  	s0 =	srdreg.scid  }
0x2: {  	s1 =	sshll.u32 s0, $0x4  }
0x3: {  	s2 =	rddreg [dreg:$0x0];
	s0 =	stileid.u32;
	s1 =	sand.u32 $0x10, s1  }
0x4: {  	s4 =	rddreg [dreg:$0x1];
	s7 =	simm.s32 $0x1;
	s1 =	sor.u32 s0, s1  }
0x5: {  	s8 =	simm.s32 $0x2;
	s9 =	simm.s32 $0x0;
	s3 =	sshll.u32 s1, $0x1  }
0x6: {  	s12 =	simm.s32 $0x0;
	s11 =	simm.s32 $0x0;
	s6 =	ssub.s32 $0x4E2, s3  }
.Ltmp0:
0x7: {  	s4 =	sadd.s32 $0x21400, s4;
	s5 =	sand.u32 $0x3E, s6;
	(pc) =	sbr.rel .LBB1_1-.Ltmp0, $4  }
0x8: {  	s1 =	rddreg [dreg:$0x2];
	_ =	strace $0x8000004A;
	p0 =	sne.s32 s5, $0x0  }
0x9: {  	s6 =	sshrl.u32 s6, $0x6;
	s5 =	simm.s32 $0x1;
	s7 =	simm.s32 @!p0 $0x0  }
0xa: {  	s10 =	smov.u32 s3;
	[sflag:s5] =	ssyncpa.u1 $0x0;
	s6 =	sadd.s32 s7, s6  }
0xb: {  	[sflag:s8] =	ssyncpa.u1 $0x0;
	s8 =	simm.s32 $0x0;
	s7 =	sadd.s32 $0x1, s6  }
.LBB1_9:
0xc: {  	s14 =	sadd.s32 $0x40, s10  }
0xd: {  	p1 =	sgt.s32 s14, $0x4E1  }
0xe: {  	s14 =	smov.u32 @p1 s3;
	p1 =	sne.s32 s11, s7  }
.Ltmp1:
0xf: {  	p0 =	slt.u32 s11, $0x2;
	(pc) =	sbr.rel @!p1 .LBB1_10-.Ltmp1, $4  }
0x10: {  	s13 =	simm.s32 @!p0 $0x2  }
0x11: {  	s15 =	sadd.s32 $0x1, s11;
	_ =	swait.ge @!p0 [sflag:s13], $0x4000  }
0x12: {  	s12 =	smov.u32 s10;
	s9 =	sadd.s32 $0x4000, s9;
	[sflag:s13] =	ssyncset.done @!p0 $0x0  }
0x13: {  	s11 =	smov.u32 s15;
	s10 =	smov.u32 s14;
	[sflag:s13] =	ssyncadd.s32 @!p0 $0xFFFFC000  }
.LBB1_1:
0x14: {  	p0 =	sge.u32 s11, s6  }
0x15: {  	s13 =	sxor.u32 @!p0 $0xFFFFFFFF, s11  }
0x16: {  	s31 =	sadd.s32 $0xFFFFFFFF, s11;
	s14 =	sshll.u32 @!p0 s10, $0xA;
	s13 =	sshll.u32 @!p0 s13, $0xE  }
0x17: {  	s15 =	simm.s32 @!p0 $0x0;
	s14 =	sadd.s32 @!p0 s2, s14;
	s13 =	sand.u32 @!p0 $0x4000, s13  }
0x18: {  	[tilespmem:s13], [sflag:$0x1] =	stream.linear.gather @!p0 [hbm4b:s14+s15], $0x4000, $0x38;
	[tilespmem:$0x10000] =	vst v63  }
0x19: {  	p0 =	sge.u32 s31, s6  }
.Ltmp2:
0x1a: {  	_ = 	snop;
	(pc) =	sbr.rel @p0 .LBB1_9-.Ltmp2, $1  }
0x1b: {  	_ =	sdelay $0x3  }
0x1c: {  	s13 =	sshll.u32 s9, $0x2  }
0x1d: {  	_ =	swait.ge [sflag:s5], $0x4000;
	s14 =	sshll.u32 s11, $0xE;
	s16 =	simm.s32 $0x0  }
0x1e: {  	p1 =	por $0x1, $0x1;
	s13 =	sand.u32 $0x10000, s13;
	[sflag:s5] =	ssyncset.done $0x0  }
0x1f: {  	s14 =	sand.u32 $0x4000, s14;
	s15 =	sshrl.u32 s13, $0x2;
	[sflag:s5] =	ssyncadd.s32 $0xFFFFC000  }
0x20: {  	s13 =	sor.u32 $0x8000, s14;
	s14 =	sadd.s32 $0x8040, s15;
	s15 =	sadd.s32 $0x40, s15  }
.LBB1_3:
0x21: {  	s16 =	sshll.u32 s16, $0x2  }
0x22: {  	p0 =	por p1, p1;
	s17 =	sshra.s32 s16, $0x2  }
0x23: {  	s18 =	simm.s32 $0x0;
	s16 =	sadd.s32 s17, s14;
	s17 =	sadd.s32 s17, s15  }
.LBB1_4:
0x24: {  	v0 =	vmov s17;
	_ =	sdelay $0x3  }
0x25: {  	s20 =	simm.s32 $0x0  }
0x26: {  	v6 =	vld.idx.msk [tilespmem:v0+s20+$0x30 ss:$0x1], $0xffff  }
0x27: {  	v7 =	vld.idx.msk [tilespmem:v0+s20+$0xFFFFFFC0 ss:$0x1], $0xffff  }
0x28: {  	v5 =	vld.idx.msk [tilespmem:v0+s20+$0xFFFFFFD0 ss:$0x1], $0xffff  }
0x29: {  	v4 =	vld.idx.msk [tilespmem:v0+s20+$0xFFFFFFE0 ss:$0x1], $0xffff  }
0x2a: {  	v3 =	vld.idx.msk [tilespmem:v0+s20+$0xFFFFFFF0 ss:$0x1], $0xffff  }
0x2b: {  	v1 =	vld.idx.msk [tilespmem:v0+s20+$0x0 ss:$0x1], $0xffff  }
0x2c: {  	v2 =	vld.idx.msk [tilespmem:v0+s20+$0x10 ss:$0x1], $0xffff;
	[tilespmem:s16+$0x30] =	vst v6  }
0x2d: {  	s19 =	simm.s32 $0x80;
	s21 =	simm.s32 $0x400;
	[tilespmem:s16+$0xFFFFFFC0] =	vst v7;
	v6 =	vld.idx.msk [tilespmem:v0+s20+$0x20 ss:$0x1], $0xffff;
	s20 =	smov.u32 s16  }
.LBB1_5:
0x2e: {  	p1 =	sne.s32 s21, $0xE00;
	v7 =	vld.idx.msk [tilespmem:v0+s19+$0x30 ss:$0x1], $0xffff;
	[tilespmem:s20+$0xFFFFFFD0] =	vst v5  }
0x2f: {  	v8 =	vld.idx.msk [tilespmem:v0+s19+$0xFFFFFFC0 ss:$0x1], $0xffff;
	[tilespmem:s20+$0xFFFFFFE0] =	vst v4  }
0x30: {  	v5 =	vld.idx.msk [tilespmem:v0+s19+$0xFFFFFFD0 ss:$0x1], $0xffff;
	[tilespmem:s20+$0xFFFFFFF0] =	vst v3  }
.Ltmp3:
0x31: {  	v4 =	vld.idx.msk [tilespmem:v0+s19+$0xFFFFFFE0 ss:$0x1], $0xffff;
	[tilespmem:s20+$0x0] =	vst v1;
	(pc) =	sbr.rel @p1 .LBB1_5-.Ltmp3, $4  }
0x32: {  	v3 =	vld.idx.msk [tilespmem:v0+s19+$0xFFFFFFF0 ss:$0x1], $0xffff;
	[tilespmem:s20+$0x10] =	vst v2  }
0x33: {  	v1 =	vld.idx.msk [tilespmem:v0+s19+$0x0 ss:$0x1], $0xffff;
	[tilespmem:s20+$0x20] =	vst v6;
	s20 =	sadd.s32 $0x400, s20  }
0x34: {  	v2 =	vld.idx.msk [tilespmem:v0+s19+$0x10 ss:$0x1], $0xffff;
	[tilespmem:s20+$0x30] =	vst v7  }
0x35: {  	[tilespmem:s20+$0xFFFFFFC0] =	vst v8;
	v6 =	vld.idx.msk [tilespmem:v0+s19+$0x20 ss:$0x1], $0xffff;
	s19 =	sshra.s32 s21, $0x2;
	s21 =	sadd.s32 $0x200, s21  }
0x36: {  	_ =	sdelay $0x2  }
0x37: {  	[tilespmem:s20+$0xFFFFFFD0] =	vst v5  }
0x38: {  	v56 =	vld.idx.msk [tilespmem:v0+s19+$0x30 ss:$0x1], $0xffff;
	[tilespmem:s20+$0xFFFFFFE0] =	vst v4  }
0x39: {  	v57 =	vld.idx.msk [tilespmem:v0+s19+$0xFFFFFFC0 ss:$0x1], $0xffff;
	[tilespmem:s20+$0xFFFFFFF0] =	vst v3  }
0x3a: {  	v58 =	vld.idx.msk [tilespmem:v0+s19+$0xFFFFFFD0 ss:$0x1], $0xffff;
	[tilespmem:s20+$0x0] =	vst v1  }
0x3b: {  	v59 =	vld.idx.msk [tilespmem:v0+s19+$0xFFFFFFE0 ss:$0x1], $0xffff;
	[tilespmem:s20+$0x10] =	vst v2  }
0x3c: {  	v60 =	vld.idx.msk [tilespmem:v0+s19+$0xFFFFFFF0 ss:$0x1], $0xffff;
	s31 =	sadd.s32 $0x400, s20;
	[tilespmem:s20+$0x20] =	vst v6  }
0x3d: {  	v61 =	vld.idx.msk [tilespmem:v0+s19+$0x0 ss:$0x1], $0xffff;
	[tilespmem:s31+$0x30] =	vst v56  }
0x3e: {  	v62 =	vld.idx.msk [tilespmem:v0+s19+$0x10 ss:$0x1], $0xffff;
	s18 =	sadd.s32 $0x1, s18;
	[tilespmem:s31+$0xFFFFFFC0] =	vst v57  }
0x3f: {  	v63 =	vld.idx.msk [tilespmem:v0+s19+$0x20 ss:$0x1], $0xffff;
	p1 =	sne.s32 s18, $0x8;
	[tilespmem:s31+$0xFFFFFFD0] =	vst v58  }
.Ltmp4:
0x40: {  	[tilespmem:s31+$0xFFFFFFE0] =	vst v59;
	(pc) =	sbr.rel @p1 .LBB1_4-.Ltmp4, $4  }
0x41: {  	[tilespmem:s31+$0xFFFFFFF0] =	vst v60  }
0x42: {  	[tilespmem:s31+$0x0] =	vst v61  }
0x43: {  	[tilespmem:s31+$0x10] =	vst v62  }
0x44: {  	s16 =	sadd.s32 $0x80, s16;
	s17 =	sadd.s32 $0x400, s17;
	[tilespmem:s31+$0x20] =	vst v63  }
.Ltmp5:
0x45: {  	(pc) =	sbr.rel @p0 .LBB1_3-.Ltmp5, $2  }
0x46: {  	_ =	sdelay $0x2  }
0x47: {  	s16 =	simm.s32 $0x2000;
	p1 =	por $0x0, $0x0  }
.Ltmp6:
0x48: {  	(pc) =	sbr.rel .LBB1_9-.Ltmp6, $4  }
0x49: {  	_ = 	snop  }
0x4a: {  	s12 =	sshll.u32 s12, $0xA  }
0x4b: {  	s12 =	sadd.s32 s4, s12  }
0x4c: {  	[hbm4b:s12+s8] =	stream.linear.scatter [tilespmem:s13], [sflag:$0x2], $0x4000, $0x38;
	[tilespmem:$0x10000] =	vst v63  }
.LBB1_10:
0x4d: {  	_ =	sfence.sel $0x180000  }
0x4e: {  	s2 =	simm.s32 $0x1;
	[bflag:$0x0] =	sbarrier.arrive $0xFFFF  }
0x4f: {  	s31 =	simm.s32 $0x2;
	[sflag:s2] =	ssyncpa.u1 $0x1  }
0x50: {  	[sflag:s31] =	ssyncpa.u1 $0x1  }
0x51: {  	p0 =	sne.s32 s0, $0x0;
	_ =	strace $0x9000004A  }
0x52: {  	s0 =	sadd.s32 @!p0 $0x100000, s1;
	[bflag:$0x2] =	sbarrier.arrive $0xFFFF  }
0x53: {  	[sflag:s0] =	ssyncadd.tile.s32 @!p0 $0x1;
	_ =	shalt  }
.Lfunc_end1:
_tile_overlayer_lowered:
.L_overlay_start_2:
0x54: {  	(tag) =	ssettag $0x2  }
0x55: {  	s0 =	rddreg [dreg:$0x0];
	s2 =	stileid.u32  }
0x56: {  	s1 =	rddreg [dreg:$0x1];
	p0 =	sne.s32 s2, $0x0  }
0x57: {  	s3 =	rddreg [dreg:$0x2];
	[bflag:$0x3] =	sbarrier.arrive $0xFFFF;
	s2 =	simm.s32 @!p0 $0x1C01  }
0x58: {  	[timem:s3], [sflag:s2] =	dma.local @!p0 [hbm:s0], s1  }
0x59: {  	s0 =	simm.s32 @!p0 $0x1  }
0x5a: {  	_ =	swait.ge @!p0 [sflag:s0], s1  }
0x5b: {  	s1 =	ssub.s32 @!p0 $0x0, s1;
	[sflag:s0] =	ssyncset.done @!p0 $0x0  }
0x5c: {  	[sflag:s0] =	ssyncadd.s32 @!p0 s1  }
0x5d: {  	[bflag:$0x3] =	sbarrier.arrive $0xFFFF  }
0x5e: {  	_ =	shalt  }

</sc_bundles>
